<compile_context>
chip_gen: v7x
topology: tpu7x:2x2x1
jax: 0.10.2.dev20260603
libtpu: 0.0.44.dev20260713+nightly
codegen_flags: <defaults>
</compile_context>

<pallas_src>
import jax
import jax.numpy as jnp
from jax import lax
from jax.experimental import pallas as pl
from jax.experimental.pallas import tpu as pltpu
from jax.experimental.pallas import tpu_sc as plsc

N = 10000
E = 320000
D_IN = 128
D_HID = 256
D_OUT = 40
D1 = 144
D2 = 48
NC = 2
NS = 16
NW = NC * NS
K = 128
EPT = 10240
EPAD = NW * EPT
G = EPT // K
ROWCHUNK = N // NS
BR = 400
DA = 80
DB = 64


def _make_seg_sum(D, NB):
  outer_n = G // NB

  def body(table, src3, dst3, zeros, out, acc, sidx, didx, rows, sems):
    c = lax.axis_index("c")
    s = lax.axis_index("s")

    pltpu.sync_copy(zeros.at[pl.ds(s * ROWCHUNK, ROWCHUNK)],
                    acc.at[pl.ds(s * ROWCHUNK, ROWCHUNK)])
    plsc.subcore_barrier()

    b = s + NS * c
    pltpu.sync_copy(src3.at[b], sidx)
    pltpu.sync_copy(dst3.at[b], didx)
    for j in range(NB):
      pltpu.async_copy(table.at[sidx.at[j]], rows.at[j], sems.at[j])

    def outer(i, carry):
      for j in range(NB):
        g = i * NB + j
        pltpu.make_async_copy(table.at[sidx.at[g]], rows.at[j],
                              sems.at[j]).wait()
        pltpu.sync_copy(rows.at[j], acc.at[didx.at[g]], add=True)

        @pl.when(i < outer_n - 1)
        def _():
          pltpu.async_copy(table.at[sidx.at[g + NB]], rows.at[j],
                           sems.at[j])

      return carry

    lax.fori_loop(0, outer_n, outer, 0)
    plsc.subcore_barrier()

    pltpu.sync_copy(acc.at[pl.ds(s * ROWCHUNK, ROWCHUNK)],
                    out.at[pl.ds(c * N + s * ROWCHUNK, ROWCHUNK)])

  mesh = plsc.VectorSubcoreMesh(core_axis_name="c", subcore_axis_name="s")
  return pl.kernel(
      body,
      out_type=jax.ShapeDtypeStruct((NC * N, D), jnp.float32),
      mesh=mesh,
      scratch_types=[
          pltpu.VMEM_SHARED((N, D), jnp.float32),
          pltpu.VMEM((G, K), jnp.int32),
          pltpu.VMEM((G, K), jnp.int32),
          pltpu.VMEM((NB, K, D), jnp.float32),
          pltpu.SemaphoreType.DMA((NB,)),
      ],
      compiler_params=pltpu.CompilerParams(use_tc_tiling_on_sc=False),
  )


def _fold_body(w2l_ref, w2r_ref, wop_ref, ml_ref, mr_ref):
  ml_ref[...] = jnp.dot(w2l_ref[...], wop_ref[...],
                        preferred_element_type=jnp.float32)
  mr_ref[...] = jnp.dot(w2r_ref[...], wop_ref[...],
                        preferred_element_type=jnp.float32)


def _mid_body(parta_ref, partb_ref, x_ref, w1l_ref, w1r_ref, ml_ref, mr_ref,
              p_ref, qi_ref):
  sa = parta_ref[0] + parta_ref[1]
  sb = partb_ref[0] + partb_ref[1]
  agg = jnp.concatenate([sa[:, :64], sb], axis=1)
  cnt = sa[:, 64:65]
  inv = 1.0 / jnp.maximum(cnt, 1.0)
  h = (jnp.dot(agg * inv, w1l_ref[...], preferred_element_type=jnp.float32)
       + jnp.dot(x_ref[...], w1r_ref[...], preferred_element_type=jnp.float32))
  h = jnp.maximum(h, 0.0)
  p_ref[...] = jnp.dot(h, ml_ref[...], preferred_element_type=jnp.float32)
  col = lax.broadcasted_iota(jnp.int32, (BR, D2), 1)
  qi_ref[...] = (jnp.dot(h, mr_ref[...], preferred_element_type=jnp.float32)
                 + jnp.where(col == D_OUT, inv, 0.0))


def _out_body(part2_ref, qi_ref, o_ref):
  s2 = part2_ref[0] + part2_ref[1]
  inv = qi_ref[:, D_OUT:D_OUT + 1]
  logits = s2[:, :D_OUT] * inv + qi_ref[:, :D_OUT]
  m = jnp.max(logits, axis=1, keepdims=True)
  e = jnp.exp(logits - m)
  lse = jnp.log(jnp.sum(e, axis=1, keepdims=True))
  o_ref[...] = logits - m - lse


_seg1a = _make_seg_sum(DA, 5)
_seg1b = _make_seg_sum(DB, 8)
_seg2 = _make_seg_sum(D2, 8)

_fold = pl.pallas_call(
    _fold_body,
    out_shape=(jax.ShapeDtypeStruct((D_HID, D2), jnp.float32),
               jax.ShapeDtypeStruct((D_HID, D2), jnp.float32)),
)

_mid = pl.pallas_call(
    _mid_body,
    grid=(N // BR,),
    in_specs=[
        pl.BlockSpec((NC, BR, DA), lambda i: (0, i, 0)),
        pl.BlockSpec((NC, BR, DB), lambda i: (0, i, 0)),
        pl.BlockSpec((BR, D_IN), lambda i: (i, 0)),
        pl.BlockSpec((D_IN, D_HID), lambda i: (0, 0)),
        pl.BlockSpec((D_IN, D_HID), lambda i: (0, 0)),
        pl.BlockSpec((D_HID, D2), lambda i: (0, 0)),
        pl.BlockSpec((D_HID, D2), lambda i: (0, 0)),
    ],
    out_specs=(pl.BlockSpec((BR, D2), lambda i: (i, 0)),
               pl.BlockSpec((BR, D2), lambda i: (i, 0))),
    out_shape=(jax.ShapeDtypeStruct((N, D2), jnp.float32),
               jax.ShapeDtypeStruct((N, D2), jnp.float32)),
)

_outk = pl.pallas_call(
    _out_body,
    grid=(N // BR,),
    in_specs=[
        pl.BlockSpec((NC, BR, D2), lambda i: (0, i, 0)),
        pl.BlockSpec((BR, D2), lambda i: (i, 0)),
    ],
    out_specs=pl.BlockSpec((BR, D_OUT), lambda i: (i, 0)),
    out_shape=jax.ShapeDtypeStruct((N, D_OUT), jnp.float32),
)


@jax.jit
def kernel(x, edge_index, W1l, W1r, W2l, W2r, Wo):
  npad = EPAD - E
  src3 = jnp.concatenate(
      [edge_index[0].astype(jnp.int32),
       N + jnp.arange(npad, dtype=jnp.int32) % 128]).reshape(NW, G, K)
  dst3 = jnp.concatenate(
      [edge_index[1].astype(jnp.int32),
       jnp.arange(npad, dtype=jnp.int32)]).reshape(NW, G, K)
  ta = jnp.concatenate(
      [x[:, :64], jnp.ones((N, 1), jnp.float32),
       jnp.zeros((N, DA - 65), jnp.float32)], axis=1)
  ta = jnp.concatenate([ta, jnp.zeros((128, DA), jnp.float32)], axis=0)
  tb = jnp.concatenate([x[:, 64:], jnp.zeros((128, DB), jnp.float32)], axis=0)
  wop = jnp.pad(Wo, ((0, 0), (0, D2 - D_OUT)))
  ml, mr = _fold(W2l, W2r, wop)
  parta = _seg1a(ta, src3, dst3, jnp.zeros((N, DA), jnp.float32)).reshape(NC, N, DA)
  partb = _seg1b(tb, src3, dst3, jnp.zeros((N, DB), jnp.float32)).reshape(NC, N, DB)
  p, qi = _mid(parta, partb, x, W1l, W1r, ml, mr)
  tp = jnp.concatenate([p, jnp.zeros((128, D2), jnp.float32)], axis=0)
  part2 = _seg2(tp, src3, dst3, jnp.zeros((N, D2), jnp.float32)).reshape(NC, N, D2)
  return _outk(part2, qi)

# --- scband reference (transcript-rebuilt; emitter-appended) ---
"""Pipeline reference for scband-model-27676769256178 (READ-ONLY COPY).

The authoritative reference and input builder live on the scoring server;
editing this copy changes nothing except your own understanding.
"""

import jax, jax.numpy as jnp
import numpy as np

N_NODES = 10000
N_EDGES = 320000
D_IN = 128
D_HID = 256
D_OUT = 40


def setup_inputs(seed: int = 0) -> dict:
    key = jax.random.key(seed)
    k0, k1, k2, k3, k4, k5, k6 = jax.random.split(key, 7)
    x = jax.random.normal(k0, (N_NODES, D_IN), dtype=jnp.float32)
    edge_index = jax.random.randint(k1, (2, N_EDGES), 0, N_NODES, dtype=jnp.int64)
    # SAGEConv weights (bias=False): lin_l aggregates neighbors, lin_r is root weight
    W1l = jax.random.normal(k2, (D_IN, D_HID), dtype=jnp.float32) / np.sqrt(D_IN)
    W1r = jax.random.normal(k3, (D_IN, D_HID), dtype=jnp.float32) / np.sqrt(D_IN)
    W2l = jax.random.normal(k4, (D_HID, D_HID), dtype=jnp.float32) / np.sqrt(D_HID)
    W2r = jax.random.normal(k5, (D_HID, D_HID), dtype=jnp.float32) / np.sqrt(D_HID)
    Wo = jax.random.normal(k6, (D_HID, D_OUT), dtype=jnp.float32) / np.sqrt(D_HID)
    return {"x": x, "edge_index": edge_index, "W1l": W1l, "W1r": W1r, "W2l": W2l, "W2r": W2r, "Wo": Wo}


def _sage_conv(x, edge_index, Wl, Wr):
    src = edge_index[0]
    dst = edge_index[1]
    msg = jnp.take(x, src, axis=0)                       # gather neighbor features
    agg = jax.ops.segment_sum(msg, dst, num_segments=x.shape[0])
    cnt = jax.ops.segment_sum(jnp.ones((src.shape[0],), dtype=x.dtype), dst, num_segments=x.shape[0])
    agg = agg / jnp.clip(cnt, 1.0, None)[:, None]        # mean aggregation
    return agg @ Wl + x @ Wr                             # lin_l(mean) + lin_r(x)


def reference(x, edge_index, W1l, W1r, W2l, W2r, Wo):
    # GraphSAGE with num_layers-1 = 2 SAGEConv layers, relu between (BasicGNN act)
    h = _sage_conv(x, edge_index, W1l, W1r)
    h = jax.nn.relu(h)
    h = _sage_conv(h, edge_index, W2l, W2r)
    # final Linear (bias=False) + log_softmax
    out = h @ Wo
    return jax.nn.log_softmax(out, axis=1)

if __name__ == "__main__":
    import jax
    _d = setup_inputs()
    print(jax.jit(kernel)(*tuple(_d.values())))

</pallas_src>

<mosaic_0001>
#map = affine_map<(d0, d1) -> (0, 0)>
#map1 = affine_map<(d0, d1) -> (0, 0, 0)>
module attributes {stable_mosaic.version = 14 : i64} {
  func.func @body(%arg0: i32, %arg1: i32, %arg2: memref<10128x48xf32, #tpu.memory_space<hbm>>, %arg3: memref<32x80x128xi32, #tpu.memory_space<hbm>>, %arg4: memref<32x80x128xi32, #tpu.memory_space<hbm>>, %arg5: memref<10000x48xf32, #tpu.memory_space<hbm>>, %arg6: memref<20000x48xf32, #tpu.memory_space<hbm>>, %arg7: memref<10000x48xf32, #tpu.memory_space<vmem_shared>>, %arg8: memref<80x128xi32, #tpu.memory_space<vmem>>, %arg9: memref<80x128xi32, #tpu.memory_space<vmem>>, %arg10: memref<8x128x48xf32, #tpu.memory_space<vmem>>, %arg11: memref<8x!tpu.dma_semaphore, #tpu.memory_space<semaphore_mem>>) attributes {dimension_semantics = [#tpu.dimension_semantics<core_parallel>, #tpu.dimension_semantics<subcore_parallel>], iteration_bounds = array<i64: 2, 16>, scalar_prefetch = 0 : i64, scratch_operands = 5 : i64, tpu.core_type = #tpu.core_type<sc_vector_subcore>, window_params = [{transform_indices = #map}, {transform_indices = #map1}, {transform_indices = #map1}, {transform_indices = #map}, {transform_indices = #map}]} {
    %mul3A = arith.constant 625 : i32
    %mul3A_0 = arith.muli %arg1, %mul3A : i32
    %mul3A_1 = arith.constant 625 : i32
    %mul3A_2 = arith.muli %arg1, %mul3A_1 : i32
    "tpu.region"() ({
      %run_scoped3A = tpu.sem_alloc : memref<!tpu.dma_semaphore, #tpu.memory_space<semaphore_mem>>
      %dma_start3A_137 = arith.constant 0 : i32
      %dma_start3A_138 = tpu.memref_slice %arg7[%mul3A_2, %dma_start3A_137] : memref<10000x48xf32, #tpu.memory_space<vmem_shared>> -> memref<625x48xf32, #tpu.memory_space<vmem_shared>>
      %dma_start3A_139 = arith.constant 0 : i32
      %dma_start3A_140 = tpu.memref_slice %arg5[%mul3A_0, %dma_start3A_139] : memref<10000x48xf32, #tpu.memory_space<hbm>> -> memref<625x48xf32, #tpu.memory_space<hbm>>
      tpu.enqueue_dma source(%dma_start3A_140 : memref<625x48xf32, #tpu.memory_space<hbm>>) target(%dma_start3A_138 : memref<625x48xf32, #tpu.memory_space<vmem_shared>>) target_semaphore(%run_scoped3A : memref<!tpu.dma_semaphore, #tpu.memory_space<semaphore_mem>>)
      %dma_wait3A = arith.constant 0 : i32
      %dma_wait3A_141 = tpu.memref_slice %arg7[%mul3A_2, %dma_wait3A] : memref<10000x48xf32, #tpu.memory_space<vmem_shared>> -> memref<625x48xf32, #tpu.memory_space<vmem_shared>>
      %dma_wait3A_142 = arith.constant 0 : i32
      %dma_wait3A_143 = tpu.memref_slice %arg5[%mul3A_0, %dma_wait3A_142] : memref<10000x48xf32, #tpu.memory_space<hbm>> -> memref<625x48xf32, #tpu.memory_space<hbm>>
      tpu.wait_dma2 semaphore(%run_scoped3A : memref<!tpu.dma_semaphore, #tpu.memory_space<semaphore_mem>>) src(%dma_wait3A_143 : memref<625x48xf32, #tpu.memory_space<hbm>>) dst(%dma_wait3A_141 : memref<625x48xf32, #tpu.memory_space<vmem_shared>>)
      tpu.yield
    }) : () -> ()
    %barrier3A = arith.constant 0 : index
    tpu.barrier barrier_id(%barrier3A)
    %mul3A_3 = arith.constant 16 : i32
    %mul3A_4 = arith.muli %mul3A_3, %arg0 : i32
    %add3A = arith.addi %arg1, %mul3A_4 : i32
    "tpu.region"() ({
      %run_scoped3A = tpu.sem_alloc : memref<!tpu.dma_semaphore, #tpu.memory_space<semaphore_mem>>
      %dma_start3A_137 = arith.constant 0 : i32
      %dma_start3A_138 = arith.constant 0 : i32
      %dma_start3A_139 = tpu.memref_slice %arg3[%add3A, %dma_start3A_137, %dma_start3A_138] : memref<32x80x128xi32, #tpu.memory_space<hbm>> -> memref<1x80x128xi32, #tpu.memory_space<hbm>>
      %dma_start3A_140 = tpu.memref_squeeze %dma_start3A_139 : memref<1x80x128xi32, #tpu.memory_space<hbm>> -> memref<80x128xi32, #tpu.memory_space<hbm>>
      %dma_start3A_141 = arith.constant 0 : i32
      %dma_start3A_142 = arith.constant 0 : i32
      %dma_start3A_143 = tpu.memref_slice %arg3[%add3A, %dma_start3A_141, %dma_start3A_142] : memref<32x80x128xi32, #tpu.memory_space<hbm>> -> memref<1x80x128xi32, #tpu.memory_space<hbm>>
      %dma_start3A_144 = tpu.memref_squeeze %dma_start3A_143 : memref<1x80x128xi32, #tpu.memory_space<hbm>> -> memref<80x128xi32, #tpu.memory_space<hbm>>
      tpu.enqueue_dma source(%dma_start3A_144 : memref<80x128xi32, #tpu.memory_space<hbm>>) target(%arg8 : memref<80x128xi32, #tpu.memory_space<vmem>>) target_semaphore(%run_scoped3A : memref<!tpu.dma_semaphore, #tpu.memory_space<semaphore_mem>>)
      %dma_wait3A = arith.constant 0 : i32
      %dma_wait3A_145 = arith.constant 0 : i32
      %dma_wait3A_146 = tpu.memref_slice %arg3[%add3A, %dma_wait3A, %dma_wait3A_145] : memref<32x80x128xi32, #tpu.memory_space<hbm>> -> memref<1x80x128xi32, #tpu.memory_space<hbm>>
      %dma_wait3A_147 = tpu.memref_squeeze %dma_wait3A_146 : memref<1x80x128xi32, #tpu.memory_space<hbm>> -> memref<80x128xi32, #tpu.memory_space<hbm>>
      %dma_wait3A_148 = arith.constant 0 : i32
      %dma_wait3A_149 = arith.constant 0 : i32
      %dma_wait3A_150 = tpu.memref_slice %arg3[%add3A, %dma_wait3A_148, %dma_wait3A_149] : memref<32x80x128xi32, #tpu.memory_space<hbm>> -> memref<1x80x128xi32, #tpu.memory_space<hbm>>
      %dma_wait3A_151 = tpu.memref_squeeze %dma_wait3A_150 : memref<1x80x128xi32, #tpu.memory_space<hbm>> -> memref<80x128xi32, #tpu.memory_space<hbm>>
      tpu.wait_dma2 semaphore(%run_scoped3A : memref<!tpu.dma_semaphore, #tpu.memory_space<semaphore_mem>>) src(%dma_wait3A_151 : memref<80x128xi32, #tpu.memory_space<hbm>>) dst(%arg8 : memref<80x128xi32, #tpu.memory_space<vmem>>)
      tpu.yield
    }) : () -> ()
    "tpu.region"() ({
      %run_scoped3A = tpu.sem_alloc : memref<!tpu.dma_semaphore, #tpu.memory_space<semaphore_mem>>
      %dma_start3A_137 = arith.constant 0 : i32
      %dma_start3A_138 = arith.constant 0 : i32
      %dma_start3A_139 = tpu.memref_slice %arg4[%add3A, %dma_start3A_137, %dma_start3A_138] : memref<32x80x128xi32, #tpu.memory_space<hbm>> -> memref<1x80x128xi32, #tpu.memory_space<hbm>>
      %dma_start3A_140 = tpu.memref_squeeze %dma_start3A_139 : memref<1x80x128xi32, #tpu.memory_space<hbm>> -> memref<80x128xi32, #tpu.memory_space<hbm>>
      %dma_start3A_141 = arith.constant 0 : i32
      %dma_start3A_142 = arith.constant 0 : i32
      %dma_start3A_143 = tpu.memref_slice %arg4[%add3A, %dma_start3A_141, %dma_start3A_142] : memref<32x80x128xi32, #tpu.memory_space<hbm>> -> memref<1x80x128xi32, #tpu.memory_space<hbm>>
      %dma_start3A_144 = tpu.memref_squeeze %dma_start3A_143 : memref<1x80x128xi32, #tpu.memory_space<hbm>> -> memref<80x128xi32, #tpu.memory_space<hbm>>
      tpu.enqueue_dma source(%dma_start3A_144 : memref<80x128xi32, #tpu.memory_space<hbm>>) target(%arg9 : memref<80x128xi32, #tpu.memory_space<vmem>>) target_semaphore(%run_scoped3A : memref<!tpu.dma_semaphore, #tpu.memory_space<semaphore_mem>>)
      %dma_wait3A = arith.constant 0 : i32
      %dma_wait3A_145 = arith.constant 0 : i32
      %dma_wait3A_146 = tpu.memref_slice %arg4[%add3A, %dma_wait3A, %dma_wait3A_145] : memref<32x80x128xi32, #tpu.memory_space<hbm>> -> memref<1x80x128xi32, #tpu.memory_space<hbm>>
      %dma_wait3A_147 = tpu.memref_squeeze %dma_wait3A_146 : memref<1x80x128xi32, #tpu.memory_space<hbm>> -> memref<80x128xi32, #tpu.memory_space<hbm>>
      %dma_wait3A_148 = arith.constant 0 : i32
      %dma_wait3A_149 = arith.constant 0 : i32
      %dma_wait3A_150 = tpu.memref_slice %arg4[%add3A, %dma_wait3A_148, %dma_wait3A_149] : memref<32x80x128xi32, #tpu.memory_space<hbm>> -> memref<1x80x128xi32, #tpu.memory_space<hbm>>
      %dma_wait3A_151 = tpu.memref_squeeze %dma_wait3A_150 : memref<1x80x128xi32, #tpu.memory_space<hbm>> -> memref<80x128xi32, #tpu.memory_space<hbm>>
      tpu.wait_dma2 semaphore(%run_scoped3A : memref<!tpu.dma_semaphore, #tpu.memory_space<semaphore_mem>>) src(%dma_wait3A_151 : memref<80x128xi32, #tpu.memory_space<hbm>>) dst(%arg9 : memref<80x128xi32, #tpu.memory_space<vmem>>)
      tpu.yield
    }) : () -> ()
    %dma_start3A = arith.constant 0 : i32
    %dma_start3A_5 = arith.constant 0 : i32
    %dma_start3A_6 = arith.constant 0 : i32
    %dma_start3A_7 = arith.constant 0 : i32
    %dma_start3A_8 = arith.constant 0 : i32
    %dma_start3A_9 = tpu.memref_slice %arg10[%dma_start3A_5, %dma_start3A_7, %dma_start3A_8] : memref<8x128x48xf32, #tpu.memory_space<vmem>> -> memref<1x128x48xf32, #tpu.memory_space<vmem>>
    %dma_start3A_10 = tpu.memref_squeeze %dma_start3A_9 : memref<1x128x48xf32, #tpu.memory_space<vmem>> -> memref<128x48xf32, #tpu.memory_space<vmem>>
    %dma_start3A_11 = arith.constant 0 : i32
    %dma_start3A_12 = tpu.memref_slice %arg8[%dma_start3A, %dma_start3A_11] : memref<80x128xi32, #tpu.memory_space<vmem>> -> memref<1x128xi32, #tpu.memory_space<vmem>>
    %dma_start3A_13 = tpu.memref_squeeze %dma_start3A_12 : memref<1x128xi32, #tpu.memory_space<vmem>> -> memref<128xi32, #tpu.memory_space<vmem>>
    %dma_start3A_14 = arith.constant 0 : i32
    %dma_start3A_15 = arith.constant 0 : i32
    %dma_start3A_16 = tpu.memref_slice %arg2[%dma_start3A_14, %dma_start3A_15] : memref<10128x48xf32, #tpu.memory_space<hbm>> -> memref<10128x48xf32, #tpu.memory_space<hbm>>
    %dma_start3A_17 = tpu.memref_slice %arg11[%dma_start3A_6] : memref<8x!tpu.dma_semaphore, #tpu.memory_space<semaphore_mem>> -> memref<1x!tpu.dma_semaphore, #tpu.memory_space<semaphore_mem>>
    %dma_start3A_18 = tpu.memref_squeeze %dma_start3A_17 : memref<1x!tpu.dma_semaphore, #tpu.memory_space<semaphore_mem>> -> memref<!tpu.dma_semaphore, #tpu.memory_space<semaphore_mem>>
    tpu.enqueue_indirect_dma source(%dma_start3A_16 : memref<10128x48xf32, #tpu.memory_space<hbm>>) target(%dma_start3A_10 : memref<128x48xf32, #tpu.memory_space<vmem>>) offsets(%dma_start3A_13 : memref<128xi32, #tpu.memory_space<vmem>>) semaphore(%dma_start3A_18 : memref<!tpu.dma_semaphore, #tpu.memory_space<semaphore_mem>>)
    %dma_start3A_19 = arith.constant 1 : i32
    %dma_start3A_20 = arith.constant 1 : i32
    %dma_start3A_21 = arith.constant 1 : i32
    %dma_start3A_22 = arith.constant 0 : i32
    %dma_start3A_23 = arith.constant 0 : i32
    %dma_start3A_24 = tpu.memref_slice %arg10[%dma_start3A_20, %dma_start3A_22, %dma_start3A_23] : memref<8x128x48xf32, #tpu.memory_space<vmem>> -> memref<1x128x48xf32, #tpu.memory_space<vmem>>
    %dma_start3A_25 = tpu.memref_squeeze %dma_start3A_24 : memref<1x128x48xf32, #tpu.memory_space<vmem>> -> memref<128x48xf32, #tpu.memory_space<vmem>>
    %dma_start3A_26 = arith.constant 0 : i32
    %dma_start3A_27 = tpu.memref_slice %arg8[%dma_start3A_19, %dma_start3A_26] : memref<80x128xi32, #tpu.memory_space<vmem>> -> memref<1x128xi32, #tpu.memory_space<vmem>>
    %dma_start3A_28 = tpu.memref_squeeze %dma_start3A_27 : memref<1x128xi32, #tpu.memory_space<vmem>> -> memref<128xi32, #tpu.memory_space<vmem>>
    %dma_start3A_29 = arith.constant 0 : i32
    %dma_start3A_30 = arith.constant 0 : i32
    %dma_start3A_31 = tpu.memref_slice %arg2[%dma_start3A_29, %dma_start3A_30] : memref<10128x48xf32, #tpu.memory_space<hbm>> -> memref<10128x48xf32, #tpu.memory_space<hbm>>
    %dma_start3A_32 = tpu.memref_slice %arg11[%dma_start3A_21] : memref<8x!tpu.dma_semaphore, #tpu.memory_space<semaphore_mem>> -> memref<1x!tpu.dma_semaphore, #tpu.memory_space<semaphore_mem>>
    %dma_start3A_33 = tpu.memref_squeeze %dma_start3A_32 : memref<1x!tpu.dma_semaphore, #tpu.memory_space<semaphore_mem>> -> memref<!tpu.dma_semaphore, #tpu.memory_space<semaphore_mem>>
    tpu.enqueue_indirect_dma source(%dma_start3A_31 : memref<10128x48xf32, #tpu.memory_space<hbm>>) target(%dma_start3A_25 : memref<128x48xf32, #tpu.memory_space<vmem>>) offsets(%dma_start3A_28 : memref<128xi32, #tpu.memory_space<vmem>>) semaphore(%dma_start3A_33 : memref<!tpu.dma_semaphore, #tpu.memory_space<semaphore_mem>>)
    %dma_start3A_34 = arith.constant 2 : i32
    %dma_start3A_35 = arith.constant 2 : i32
    %dma_start3A_36 = arith.constant 2 : i32
    %dma_start3A_37 = arith.constant 0 : i32
    %dma_start3A_38 = arith.constant 0 : i32
    %dma_start3A_39 = tpu.memref_slice %arg10[%dma_start3A_35, %dma_start3A_37, %dma_start3A_38] : memref<8x128x48xf32, #tpu.memory_space<vmem>> -> memref<1x128x48xf32, #tpu.memory_space<vmem>>
    %dma_start3A_40 = tpu.memref_squeeze %dma_start3A_39 : memref<1x128x48xf32, #tpu.memory_space<vmem>> -> memref<128x48xf32, #tpu.memory_space<vmem>>
    %dma_start3A_41 = arith.constant 0 : i32
    %dma_start3A_42 = tpu.memref_slice %arg8[%dma_start3A_34, %dma_start3A_41] : memref<80x128xi32, #tpu.memory_space<vmem>> -> memref<1x128xi32, #tpu.memory_space<vmem>>
    %dma_start3A_43 = tpu.memref_squeeze %dma_start3A_42 : memref<1x128xi32, #tpu.memory_space<vmem>> -> memref<128xi32, #tpu.memory_space<vmem>>
    %dma_start3A_44 = arith.constant 0 : i32
    %dma_start3A_45 = arith.constant 0 : i32
    %dma_start3A_46 = tpu.memref_slice %arg2[%dma_start3A_44, %dma_start3A_45] : memref<10128x48xf32, #tpu.memory_space<hbm>> -> memref<10128x48xf32, #tpu.memory_space<hbm>>
    %dma_start3A_47 = tpu.memref_slice %arg11[%dma_start3A_36] : memref<8x!tpu.dma_semaphore, #tpu.memory_space<semaphore_mem>> -> memref<1x!tpu.dma_semaphore, #tpu.memory_space<semaphore_mem>>
    %dma_start3A_48 = tpu.memref_squeeze %dma_start3A_47 : memref<1x!tpu.dma_semaphore, #tpu.memory_space<semaphore_mem>> -> memref<!tpu.dma_semaphore, #tpu.memory_space<semaphore_mem>>
    tpu.enqueue_indirect_dma source(%dma_start3A_46 : memref<10128x48xf32, #tpu.memory_space<hbm>>) target(%dma_start3A_40 : memref<128x48xf32, #tpu.memory_space<vmem>>) offsets(%dma_start3A_43 : memref<128xi32, #tpu.memory_space<vmem>>) semaphore(%dma_start3A_48 : memref<!tpu.dma_semaphore, #tpu.memory_space<semaphore_mem>>)
    %dma_start3A_49 = arith.constant 3 : i32
    %dma_start3A_50 = arith.constant 3 : i32
    %dma_start3A_51 = arith.constant 3 : i32
    %dma_start3A_52 = arith.constant 0 : i32
    %dma_start3A_53 = arith.constant 0 : i32
    %dma_start3A_54 = tpu.memref_slice %arg10[%dma_start3A_50, %dma_start3A_52, %dma_start3A_53] : memref<8x128x48xf32, #tpu.memory_space<vmem>> -> memref<1x128x48xf32, #tpu.memory_space<vmem>>
    %dma_start3A_55 = tpu.memref_squeeze %dma_start3A_54 : memref<1x128x48xf32, #tpu.memory_space<vmem>> -> memref<128x48xf32, #tpu.memory_space<vmem>>
    %dma_start3A_56 = arith.constant 0 : i32
    %dma_start3A_57 = tpu.memref_slice %arg8[%dma_start3A_49, %dma_start3A_56] : memref<80x128xi32, #tpu.memory_space<vmem>> -> memref<1x128xi32, #tpu.memory_space<vmem>>
    %dma_start3A_58 = tpu.memref_squeeze %dma_start3A_57 : memref<1x128xi32, #tpu.memory_space<vmem>> -> memref<128xi32, #tpu.memory_space<vmem>>
    %dma_start3A_59 = arith.constant 0 : i32
    %dma_start3A_60 = arith.constant 0 : i32
    %dma_start3A_61 = tpu.memref_slice %arg2[%dma_start3A_59, %dma_start3A_60] : memref<10128x48xf32, #tpu.memory_space<hbm>> -> memref<10128x48xf32, #tpu.memory_space<hbm>>
    %dma_start3A_62 = tpu.memref_slice %arg11[%dma_start3A_51] : memref<8x!tpu.dma_semaphore, #tpu.memory_space<semaphore_mem>> -> memref<1x!tpu.dma_semaphore, #tpu.memory_space<semaphore_mem>>
    %dma_start3A_63 = tpu.memref_squeeze %dma_start3A_62 : memref<1x!tpu.dma_semaphore, #tpu.memory_space<semaphore_mem>> -> memref<!tpu.dma_semaphore, #tpu.memory_space<semaphore_mem>>
    tpu.enqueue_indirect_dma source(%dma_start3A_61 : memref<10128x48xf32, #tpu.memory_space<hbm>>) target(%dma_start3A_55 : memref<128x48xf32, #tpu.memory_space<vmem>>) offsets(%dma_start3A_58 : memref<128xi32, #tpu.memory_space<vmem>>) semaphore(%dma_start3A_63 : memref<!tpu.dma_semaphore, #tpu.memory_space<semaphore_mem>>)
    %dma_start3A_64 = arith.constant 4 : i32
    %dma_start3A_65 = arith.constant 4 : i32
    %dma_start3A_66 = arith.constant 4 : i32
    %dma_start3A_67 = arith.constant 0 : i32
    %dma_start3A_68 = arith.constant 0 : i32
    %dma_start3A_69 = tpu.memref_slice %arg10[%dma_start3A_65, %dma_start3A_67, %dma_start3A_68] : memref<8x128x48xf32, #tpu.memory_space<vmem>> -> memref<1x128x48xf32, #tpu.memory_space<vmem>>
    %dma_start3A_70 = tpu.memref_squeeze %dma_start3A_69 : memref<1x128x48xf32, #tpu.memory_space<vmem>> -> memref<128x48xf32, #tpu.memory_space<vmem>>
    %dma_start3A_71 = arith.constant 0 : i32
    %dma_start3A_72 = tpu.memref_slice %arg8[%dma_start3A_64, %dma_start3A_71] : memref<80x128xi32, #tpu.memory_space<vmem>> -> memref<1x128xi32, #tpu.memory_space<vmem>>
    %dma_start3A_73 = tpu.memref_squeeze %dma_start3A_72 : memref<1x128xi32, #tpu.memory_space<vmem>> -> memref<128xi32, #tpu.memory_space<vmem>>
    %dma_start3A_74 = arith.constant 0 : i32
    %dma_start3A_75 = arith.constant 0 : i32
    %dma_start3A_76 = tpu.memref_slice %arg2[%dma_start3A_74, %dma_start3A_75] : memref<10128x48xf32, #tpu.memory_space<hbm>> -> memref<10128x48xf32, #tpu.memory_space<hbm>>
    %dma_start3A_77 = tpu.memref_slice %arg11[%dma_start3A_66] : memref<8x!tpu.dma_semaphore, #tpu.memory_space<semaphore_mem>> -> memref<1x!tpu.dma_semaphore, #tpu.memory_space<semaphore_mem>>
    %dma_start3A_78 = tpu.memref_squeeze %dma_start3A_77 : memref<1x!tpu.dma_semaphore, #tpu.memory_space<semaphore_mem>> -> memref<!tpu.dma_semaphore, #tpu.memory_space<semaphore_mem>>
    tpu.enqueue_indirect_dma source(%dma_start3A_76 : memref<10128x48xf32, #tpu.memory_space<hbm>>) target(%dma_start3A_70 : memref<128x48xf32, #tpu.memory_space<vmem>>) offsets(%dma_start3A_73 : memref<128xi32, #tpu.memory_space<vmem>>) semaphore(%dma_start3A_78 : memref<!tpu.dma_semaphore, #tpu.memory_space<semaphore_mem>>)
    %dma_start3A_79 = arith.constant 5 : i32
    %dma_start3A_80 = arith.constant 5 : i32
    %dma_start3A_81 = arith.constant 5 : i32
    %dma_start3A_82 = arith.constant 0 : i32
    %dma_start3A_83 = arith.constant 0 : i32
    %dma_start3A_84 = tpu.memref_slice %arg10[%dma_start3A_80, %dma_start3A_82, %dma_start3A_83] : memref<8x128x48xf32, #tpu.memory_space<vmem>> -> memref<1x128x48xf32, #tpu.memory_space<vmem>>
    %dma_start3A_85 = tpu.memref_squeeze %dma_start3A_84 : memref<1x128x48xf32, #tpu.memory_space<vmem>> -> memref<128x48xf32, #tpu.memory_space<vmem>>
    %dma_start3A_86 = arith.constant 0 : i32
    %dma_start3A_87 = tpu.memref_slice %arg8[%dma_start3A_79, %dma_start3A_86] : memref<80x128xi32, #tpu.memory_space<vmem>> -> memref<1x128xi32, #tpu.memory_space<vmem>>
    %dma_start3A_88 = tpu.memref_squeeze %dma_start3A_87 : memref<1x128xi32, #tpu.memory_space<vmem>> -> memref<128xi32, #tpu.memory_space<vmem>>
    %dma_start3A_89 = arith.constant 0 : i32
    %dma_start3A_90 = arith.constant 0 : i32
    %dma_start3A_91 = tpu.memref_slice %arg2[%dma_start3A_89, %dma_start3A_90] : memref<10128x48xf32, #tpu.memory_space<hbm>> -> memref<10128x48xf32, #tpu.memory_space<hbm>>
    %dma_start3A_92 = tpu.memref_slice %arg11[%dma_start3A_81] : memref<8x!tpu.dma_semaphore, #tpu.memory_space<semaphore_mem>> -> memref<1x!tpu.dma_semaphore, #tpu.memory_space<semaphore_mem>>
    %dma_start3A_93 = tpu.memref_squeeze %dma_start3A_92 : memref<1x!tpu.dma_semaphore, #tpu.memory_space<semaphore_mem>> -> memref<!tpu.dma_semaphore, #tpu.memory_space<semaphore_mem>>
    tpu.enqueue_indirect_dma source(%dma_start3A_91 : memref<10128x48xf32, #tpu.memory_space<hbm>>) target(%dma_start3A_85 : memref<128x48xf32, #tpu.memory_space<vmem>>) offsets(%dma_start3A_88 : memref<128xi32, #tpu.memory_space<vmem>>) semaphore(%dma_start3A_93 : memref<!tpu.dma_semaphore, #tpu.memory_space<semaphore_mem>>)
    %dma_start3A_94 = arith.constant 6 : i32
    %dma_start3A_95 = arith.constant 6 : i32
    %dma_start3A_96 = arith.constant 6 : i32
    %dma_start3A_97 = arith.constant 0 : i32
    %dma_start3A_98 = arith.constant 0 : i32
    %dma_start3A_99 = tpu.memref_slice %arg10[%dma_start3A_95, %dma_start3A_97, %dma_start3A_98] : memref<8x128x48xf32, #tpu.memory_space<vmem>> -> memref<1x128x48xf32, #tpu.memory_space<vmem>>
    %dma_start3A_100 = tpu.memref_squeeze %dma_start3A_99 : memref<1x128x48xf32, #tpu.memory_space<vmem>> -> memref<128x48xf32, #tpu.memory_space<vmem>>
    %dma_start3A_101 = arith.constant 0 : i32
    %dma_start3A_102 = tpu.memref_slice %arg8[%dma_start3A_94, %dma_start3A_101] : memref<80x128xi32, #tpu.memory_space<vmem>> -> memref<1x128xi32, #tpu.memory_space<vmem>>
    %dma_start3A_103 = tpu.memref_squeeze %dma_start3A_102 : memref<1x128xi32, #tpu.memory_space<vmem>> -> memref<128xi32, #tpu.memory_space<vmem>>
    %dma_start3A_104 = arith.constant 0 : i32
    %dma_start3A_105 = arith.constant 0 : i32
    %dma_start3A_106 = tpu.memref_slice %arg2[%dma_start3A_104, %dma_start3A_105] : memref<10128x48xf32, #tpu.memory_space<hbm>> -> memref<10128x48xf32, #tpu.memory_space<hbm>>
    %dma_start3A_107 = tpu.memref_slice %arg11[%dma_start3A_96] : memref<8x!tpu.dma_semaphore, #tpu.memory_space<semaphore_mem>> -> memref<1x!tpu.dma_semaphore, #tpu.memory_space<semaphore_mem>>
    %dma_start3A_108 = tpu.memref_squeeze %dma_start3A_107 : memref<1x!tpu.dma_semaphore, #tpu.memory_space<semaphore_mem>> -> memref<!tpu.dma_semaphore, #tpu.memory_space<semaphore_mem>>
    tpu.enqueue_indirect_dma source(%dma_start3A_106 : memref<10128x48xf32, #tpu.memory_space<hbm>>) target(%dma_start3A_100 : memref<128x48xf32, #tpu.memory_space<vmem>>) offsets(%dma_start3A_103 : memref<128xi32, #tpu.memory_space<vmem>>) semaphore(%dma_start3A_108 : memref<!tpu.dma_semaphore, #tpu.memory_space<semaphore_mem>>)
    %dma_start3A_109 = arith.constant 7 : i32
    %dma_start3A_110 = arith.constant 7 : i32
    %dma_start3A_111 = arith.constant 7 : i32
    %dma_start3A_112 = arith.constant 0 : i32
    %dma_start3A_113 = arith.constant 0 : i32
    %dma_start3A_114 = tpu.memref_slice %arg10[%dma_start3A_110, %dma_start3A_112, %dma_start3A_113] : memref<8x128x48xf32, #tpu.memory_space<vmem>> -> memref<1x128x48xf32, #tpu.memory_space<vmem>>
    %dma_start3A_115 = tpu.memref_squeeze %dma_start3A_114 : memref<1x128x48xf32, #tpu.memory_space<vmem>> -> memref<128x48xf32, #tpu.memory_space<vmem>>
    %dma_start3A_116 = arith.constant 0 : i32
    %dma_start3A_117 = tpu.memref_slice %arg8[%dma_start3A_109, %dma_start3A_116] : memref<80x128xi32, #tpu.memory_space<vmem>> -> memref<1x128xi32, #tpu.memory_space<vmem>>
    %dma_start3A_118 = tpu.memref_squeeze %dma_start3A_117 : memref<1x128xi32, #tpu.memory_space<vmem>> -> memref<128xi32, #tpu.memory_space<vmem>>
    %dma_start3A_119 = arith.constant 0 : i32
    %dma_start3A_120 = arith.constant 0 : i32
    %dma_start3A_121 = tpu.memref_slice %arg2[%dma_start3A_119, %dma_start3A_120] : memref<10128x48xf32, #tpu.memory_space<hbm>> -> memref<10128x48xf32, #tpu.memory_space<hbm>>
    %dma_start3A_122 = tpu.memref_slice %arg11[%dma_start3A_111] : memref<8x!tpu.dma_semaphore, #tpu.memory_space<semaphore_mem>> -> memref<1x!tpu.dma_semaphore, #tpu.memory_space<semaphore_mem>>
    %dma_start3A_123 = tpu.memref_squeeze %dma_start3A_122 : memref<1x!tpu.dma_semaphore, #tpu.memory_space<semaphore_mem>> -> memref<!tpu.dma_semaphore, #tpu.memory_space<semaphore_mem>>
    tpu.enqueue_indirect_dma source(%dma_start3A_121 : memref<10128x48xf32, #tpu.memory_space<hbm>>) target(%dma_start3A_115 : memref<128x48xf32, #tpu.memory_space<vmem>>) offsets(%dma_start3A_118 : memref<128xi32, #tpu.memory_space<vmem>>) semaphore(%dma_start3A_123 : memref<!tpu.dma_semaphore, #tpu.memory_space<semaphore_mem>>)
    %scan3A = arith.constant 0 : i32
    %scan3A_124 = arith.constant 0 : i32
    %scan3A_125 = arith.constant 10 : i32
    %scan3A_126 = arith.addi %scan3A_124, %scan3A_125 : i32
    %scan3A_127 = arith.constant 1 : i32
    scf.for %scan3A_137 = %scan3A_124 to %scan3A_126 step %scan3A_127  : i32 {
      %mul3A_138 = arith.constant 8 : i32
      %mul3A_139 = arith.muli %scan3A_137, %mul3A_138 : i32
      %add3A_140 = arith.constant 0 : i32
      %add3A_141 = arith.addi %mul3A_139, %add3A_140 : i32
      %dma_wait3A = arith.constant 0 : i32
      %dma_wait3A_142 = arith.constant 0 : i32
      %dma_wait3A_143 = arith.constant 0 : i32
      %dma_wait3A_144 = arith.constant 0 : i32
      %dma_wait3A_145 = tpu.memref_slice %arg10[%dma_wait3A, %dma_wait3A_143, %dma_wait3A_144] : memref<8x128x48xf32, #tpu.memory_space<vmem>> -> memref<1x128x48xf32, #tpu.memory_space<vmem>>
      %dma_wait3A_146 = tpu.memref_squeeze %dma_wait3A_145 : memref<1x128x48xf32, #tpu.memory_space<vmem>> -> memref<128x48xf32, #tpu.memory_space<vmem>>
      %dma_wait3A_147 = arith.constant 0 : i32
      %dma_wait3A_148 = tpu.memref_slice %arg8[%add3A_141, %dma_wait3A_147] : memref<80x128xi32, #tpu.memory_space<vmem>> -> memref<1x128xi32, #tpu.memory_space<vmem>>
      %dma_wait3A_149 = tpu.memref_squeeze %dma_wait3A_148 : memref<1x128xi32, #tpu.memory_space<vmem>> -> memref<128xi32, #tpu.memory_space<vmem>>
      %dma_wait3A_150 = arith.constant 0 : i32
      %dma_wait3A_151 = arith.constant 0 : i32
      %dma_wait3A_152 = tpu.memref_slice %arg2[%dma_wait3A_150, %dma_wait3A_151] : memref<10128x48xf32, #tpu.memory_space<hbm>> -> memref<10128x48xf32, #tpu.memory_space<hbm>>
      %dma_wait3A_153 = tpu.memref_slice %arg11[%dma_wait3A_142] : memref<8x!tpu.dma_semaphore, #tpu.memory_space<semaphore_mem>> -> memref<1x!tpu.dma_semaphore, #tpu.memory_space<semaphore_mem>>
      %dma_wait3A_154 = tpu.memref_squeeze %dma_wait3A_153 : memref<1x!tpu.dma_semaphore, #tpu.memory_space<semaphore_mem>> -> memref<!tpu.dma_semaphore, #tpu.memory_space<semaphore_mem>>
      tpu.wait_indirect_dma semaphore(%dma_wait3A_154 : memref<!tpu.dma_semaphore, #tpu.memory_space<semaphore_mem>>) src(%dma_wait3A_152 : memref<10128x48xf32, #tpu.memory_space<hbm>>) dst(%dma_wait3A_146 : memref<128x48xf32, #tpu.memory_space<vmem>>)
      %run_scoped3A = arith.constant 0 : i32
      "tpu.region"() ({
        %run_scoped3A_325 = tpu.sem_alloc : memref<!tpu.dma_semaphore, #tpu.memory_space<semaphore_mem>>
        %dma_start3A_326 = arith.constant 0 : i32
        %dma_start3A_327 = arith.constant 0 : i32
        %dma_start3A_328 = tpu.memref_slice %arg10[%run_scoped3A, %dma_start3A_326, %dma_start3A_327] : memref<8x128x48xf32, #tpu.memory_space<vmem>> -> memref<1x128x48xf32, #tpu.memory_space<vmem>>
        %dma_start3A_329 = tpu.memref_squeeze %dma_start3A_328 : memref<1x128x48xf32, #tpu.memory_space<vmem>> -> memref<128x48xf32, #tpu.memory_space<vmem>>
        %dma_start3A_330 = arith.constant 0 : i32
        %dma_start3A_331 = tpu.memref_slice %arg9[%add3A_141, %dma_start3A_330] : memref<80x128xi32, #tpu.memory_space<vmem>> -> memref<1x128xi32, #tpu.memory_space<vmem>>
        %dma_start3A_332 = tpu.memref_squeeze %dma_start3A_331 : memref<1x128xi32, #tpu.memory_space<vmem>> -> memref<128xi32, #tpu.memory_space<vmem>>
        %dma_start3A_333 = arith.constant 0 : i32
        %dma_start3A_334 = arith.constant 0 : i32
        %dma_start3A_335 = tpu.memref_slice %arg7[%dma_start3A_333, %dma_start3A_334] : memref<10000x48xf32, #tpu.memory_space<vmem_shared>> -> memref<10000x48xf32, #tpu.memory_space<vmem_shared>>
        tpu.enqueue_indirect_dma source(%dma_start3A_329 : memref<128x48xf32, #tpu.memory_space<vmem>>) target(%dma_start3A_335 : memref<10000x48xf32, #tpu.memory_space<vmem_shared>>) offsets(%dma_start3A_332 : memref<128xi32, #tpu.memory_space<vmem>>) semaphore(%run_scoped3A_325 : memref<!tpu.dma_semaphore, #tpu.memory_space<semaphore_mem>>) {add = true}
        %dma_wait3A_336 = arith.constant 0 : i32
        %dma_wait3A_337 = arith.constant 0 : i32
        %dma_wait3A_338 = tpu.memref_slice %arg10[%run_scoped3A, %dma_wait3A_336, %dma_wait3A_337] : memref<8x128x48xf32, #tpu.memory_space<vmem>> -> memref<1x128x48xf32, #tpu.memory_space<vmem>>
        %dma_wait3A_339 = tpu.memref_squeeze %dma_wait3A_338 : memref<1x128x48xf32, #tpu.memory_space<vmem>> -> memref<128x48xf32, #tpu.memory_space<vmem>>
        %dma_wait3A_340 = arith.constant 0 : i32
        %dma_wait3A_341 = tpu.memref_slice %arg9[%add3A_141, %dma_wait3A_340] : memref<80x128xi32, #tpu.memory_space<vmem>> -> memref<1x128xi32, #tpu.memory_space<vmem>>
        %dma_wait3A_342 = tpu.memref_squeeze %dma_wait3A_341 : memref<1x128xi32, #tpu.memory_space<vmem>> -> memref<128xi32, #tpu.memory_space<vmem>>
        %dma_wait3A_343 = arith.constant 0 : i32
        %dma_wait3A_344 = arith.constant 0 : i32
        %dma_wait3A_345 = tpu.memref_slice %arg7[%dma_wait3A_343, %dma_wait3A_344] : memref<10000x48xf32, #tpu.memory_space<vmem_shared>> -> memref<10000x48xf32, #tpu.memory_space<vmem_shared>>
        tpu.wait_indirect_dma semaphore(%run_scoped3A_325 : memref<!tpu.dma_semaphore, #tpu.memory_space<semaphore_mem>>) src(%dma_wait3A_339 : memref<128x48xf32, #tpu.memory_space<vmem>>) dst(%dma_wait3A_345 : memref<10000x48xf32, #tpu.memory_space<vmem_shared>>)
        tpu.yield
      }) : () -> ()
      %lt3A = arith.constant 9 : i32
      %lt3A_155 = arith.cmpi slt, %scan3A_137, %lt3A : i32
      %convert_element_type3A = arith.extui %lt3A_155 : i1 to i32
      %cond3A = arith.constant 0 : i32
      %cond3A_156 = arith.cmpi ne, %convert_element_type3A, %cond3A : i32
      scf.if %cond3A_156 {
        %add3A_325 = arith.constant 8 : i32
        %add3A_326 = arith.addi %add3A_141, %add3A_325 : i32
        %dma_start3A_327 = arith.constant 0 : i32
        %dma_start3A_328 = arith.constant 0 : i32
        %dma_start3A_329 = arith.constant 0 : i32
        %dma_start3A_330 = arith.constant 0 : i32
        %dma_start3A_331 = tpu.memref_slice %arg10[%dma_start3A_327, %dma_start3A_329, %dma_start3A_330] : memref<8x128x48xf32, #tpu.memory_space<vmem>> -> memref<1x128x48xf32, #tpu.memory_space<vmem>>
        %dma_start3A_332 = tpu.memref_squeeze %dma_start3A_331 : memref<1x128x48xf32, #tpu.memory_space<vmem>> -> memref<128x48xf32, #tpu.memory_space<vmem>>
        %dma_start3A_333 = arith.constant 0 : i32
        %dma_start3A_334 = tpu.memref_slice %arg8[%add3A_326, %dma_start3A_333] : memref<80x128xi32, #tpu.memory_space<vmem>> -> memref<1x128xi32, #tpu.memory_space<vmem>>
        %dma_start3A_335 = tpu.memref_squeeze %dma_start3A_334 : memref<1x128xi32, #tpu.memory_space<vmem>> -> memref<128xi32, #tpu.memory_space<vmem>>
        %dma_start3A_336 = arith.constant 0 : i32
        %dma_start3A_337 = arith.constant 0 : i32
        %dma_start3A_338 = tpu.memref_slice %arg2[%dma_start3A_336, %dma_start3A_337] : memref<10128x48xf32, #tpu.memory_space<hbm>> -> memref<10128x48xf32, #tpu.memory_space<hbm>>
        %dma_start3A_339 = tpu.memref_slice %arg11[%dma_start3A_328] : memref<8x!tpu.dma_semaphore, #tpu.memory_space<semaphore_mem>> -> memref<1x!tpu.dma_semaphore, #tpu.memory_space<semaphore_mem>>
        %dma_start3A_340 = tpu.memref_squeeze %dma_start3A_339 : memref<1x!tpu.dma_semaphore, #tpu.memory_space<semaphore_mem>> -> memref<!tpu.dma_semaphore, #tpu.memory_space<semaphore_mem>>
        tpu.enqueue_indirect_dma source(%dma_start3A_338 : memref<10128x48xf32, #tpu.memory_space<hbm>>) target(%dma_start3A_332 : memref<128x48xf32, #tpu.memory_space<vmem>>) offsets(%dma_start3A_335 : memref<128xi32, #tpu.memory_space<vmem>>) semaphore(%dma_start3A_340 : memref<!tpu.dma_semaphore, #tpu.memory_space<semaphore_mem>>)
      } else {
      }
      %mul3A_157 = arith.constant 8 : i32
      %mul3A_158 = arith.muli %scan3A_137, %mul3A_157 : i32
      %add3A_159 = arith.constant 1 : i32
      %add3A_160 = arith.addi %mul3A_158, %add3A_159 : i32
      %dma_wait3A_161 = arith.constant 1 : i32
      %dma_wait3A_162 = arith.constant 1 : i32
      %dma_wait3A_163 = arith.constant 0 : i32
      %dma_wait3A_164 = arith.constant 0 : i32
      %dma_wait3A_165 = tpu.memref_slice %arg10[%dma_wait3A_161, %dma_wait3A_163, %dma_wait3A_164] : memref<8x128x48xf32, #tpu.memory_space<vmem>> -> memref<1x128x48xf32, #tpu.memory_space<vmem>>
      %dma_wait3A_166 = tpu.memref_squeeze %dma_wait3A_165 : memref<1x128x48xf32, #tpu.memory_space<vmem>> -> memref<128x48xf32, #tpu.memory_space<vmem>>
      %dma_wait3A_167 = arith.constant 0 : i32
      %dma_wait3A_168 = tpu.memref_slice %arg8[%add3A_160, %dma_wait3A_167] : memref<80x128xi32, #tpu.memory_space<vmem>> -> memref<1x128xi32, #tpu.memory_space<vmem>>
      %dma_wait3A_169 = tpu.memref_squeeze %dma_wait3A_168 : memref<1x128xi32, #tpu.memory_space<vmem>> -> memref<128xi32, #tpu.memory_space<vmem>>
      %dma_wait3A_170 = arith.constant 0 : i32
      %dma_wait3A_171 = arith.constant 0 : i32
      %dma_wait3A_172 = tpu.memref_slice %arg2[%dma_wait3A_170, %dma_wait3A_171] : memref<10128x48xf32, #tpu.memory_space<hbm>> -> memref<10128x48xf32, #tpu.memory_space<hbm>>
      %dma_wait3A_173 = tpu.memref_slice %arg11[%dma_wait3A_162] : memref<8x!tpu.dma_semaphore, #tpu.memory_space<semaphore_mem>> -> memref<1x!tpu.dma_semaphore, #tpu.memory_space<semaphore_mem>>
      %dma_wait3A_174 = tpu.memref_squeeze %dma_wait3A_173 : memref<1x!tpu.dma_semaphore, #tpu.memory_space<semaphore_mem>> -> memref<!tpu.dma_semaphore, #tpu.memory_space<semaphore_mem>>
      tpu.wait_indirect_dma semaphore(%dma_wait3A_174 : memref<!tpu.dma_semaphore, #tpu.memory_space<semaphore_mem>>) src(%dma_wait3A_172 : memref<10128x48xf32, #tpu.memory_space<hbm>>) dst(%dma_wait3A_166 : memref<128x48xf32, #tpu.memory_space<vmem>>)
      %run_scoped3A_175 = arith.constant 1 : i32
      "tpu.region"() ({
        %run_scoped3A_325 = tpu.sem_alloc : memref<!tpu.dma_semaphore, #tpu.memory_space<semaphore_mem>>
        %dma_start3A_326 = arith.constant 0 : i32
        %dma_start3A_327 = arith.constant 0 : i32
        %dma_start3A_328 = tpu.memref_slice %arg10[%run_scoped3A_175, %dma_start3A_326, %dma_start3A_327] : memref<8x128x48xf32, #tpu.memory_space<vmem>> -> memref<1x128x48xf32, #tpu.memory_space<vmem>>
        %dma_start3A_329 = tpu.memref_squeeze %dma_start3A_328 : memref<1x128x48xf32, #tpu.memory_space<vmem>> -> memref<128x48xf32, #tpu.memory_space<vmem>>
        %dma_start3A_330 = arith.constant 0 : i32
        %dma_start3A_331 = tpu.memref_slice %arg9[%add3A_160, %dma_start3A_330] : memref<80x128xi32, #tpu.memory_space<vmem>> -> memref<1x128xi32, #tpu.memory_space<vmem>>
        %dma_start3A_332 = tpu.memref_squeeze %dma_start3A_331 : memref<1x128xi32, #tpu.memory_space<vmem>> -> memref<128xi32, #tpu.memory_space<vmem>>
        %dma_start3A_333 = arith.constant 0 : i32
        %dma_start3A_334 = arith.constant 0 : i32
        %dma_start3A_335 = tpu.memref_slice %arg7[%dma_start3A_333, %dma_start3A_334] : memref<10000x48xf32, #tpu.memory_space<vmem_shared>> -> memref<10000x48xf32, #tpu.memory_space<vmem_shared>>
        tpu.enqueue_indirect_dma source(%dma_start3A_329 : memref<128x48xf32, #tpu.memory_space<vmem>>) target(%dma_start3A_335 : memref<10000x48xf32, #tpu.memory_space<vmem_shared>>) offsets(%dma_start3A_332 : memref<128xi32, #tpu.memory_space<vmem>>) semaphore(%run_scoped3A_325 : memref<!tpu.dma_semaphore, #tpu.memory_space<semaphore_mem>>) {add = true}
        %dma_wait3A_336 = arith.constant 0 : i32
        %dma_wait3A_337 = arith.constant 0 : i32
        %dma_wait3A_338 = tpu.memref_slice %arg10[%run_scoped3A_175, %dma_wait3A_336, %dma_wait3A_337] : memref<8x128x48xf32, #tpu.memory_space<vmem>> -> memref<1x128x48xf32, #tpu.memory_space<vmem>>
        %dma_wait3A_339 = tpu.memref_squeeze %dma_wait3A_338 : memref<1x128x48xf32, #tpu.memory_space<vmem>> -> memref<128x48xf32, #tpu.memory_space<vmem>>
        %dma_wait3A_340 = arith.constant 0 : i32
        %dma_wait3A_341 = tpu.memref_slice %arg9[%add3A_160, %dma_wait3A_340] : memref<80x128xi32, #tpu.memory_space<vmem>> -> memref<1x128xi32, #tpu.memory_space<vmem>>
        %dma_wait3A_342 = tpu.memref_squeeze %dma_wait3A_341 : memref<1x128xi32, #tpu.memory_space<vmem>> -> memref<128xi32, #tpu.memory_space<vmem>>
        %dma_wait3A_343 = arith.constant 0 : i32
        %dma_wait3A_344 = arith.constant 0 : i32
        %dma_wait3A_345 = tpu.memref_slice %arg7[%dma_wait3A_343, %dma_wait3A_344] : memref<10000x48xf32, #tpu.memory_space<vmem_shared>> -> memref<10000x48xf32, #tpu.memory_space<vmem_shared>>
        tpu.wait_indirect_dma semaphore(%run_scoped3A_325 : memref<!tpu.dma_semaphore, #tpu.memory_space<semaphore_mem>>) src(%dma_wait3A_339 : memref<128x48xf32, #tpu.memory_space<vmem>>) dst(%dma_wait3A_345 : memref<10000x48xf32, #tpu.memory_space<vmem_shared>>)
        tpu.yield
      }) : () -> ()
      %lt3A_176 = arith.constant 9 : i32
      %lt3A_177 = arith.cmpi slt, %scan3A_137, %lt3A_176 : i32
      %convert_element_type3A_178 = arith.extui %lt3A_177 : i1 to i32
      %cond3A_179 = arith.constant 0 : i32
      %cond3A_180 = arith.cmpi ne, %convert_element_type3A_178, %cond3A_179 : i32
      scf.if %cond3A_180 {
        %add3A_325 = arith.constant 8 : i32
        %add3A_326 = arith.addi %add3A_160, %add3A_325 : i32
        %dma_start3A_327 = arith.constant 1 : i32
        %dma_start3A_328 = arith.constant 1 : i32
        %dma_start3A_329 = arith.constant 0 : i32
        %dma_start3A_330 = arith.constant 0 : i32
        %dma_start3A_331 = tpu.memref_slice %arg10[%dma_start3A_327, %dma_start3A_329, %dma_start3A_330] : memref<8x128x48xf32, #tpu.memory_space<vmem>> -> memref<1x128x48xf32, #tpu.memory_space<vmem>>
        %dma_start3A_332 = tpu.memref_squeeze %dma_start3A_331 : memref<1x128x48xf32, #tpu.memory_space<vmem>> -> memref<128x48xf32, #tpu.memory_space<vmem>>
        %dma_start3A_333 = arith.constant 0 : i32
        %dma_start3A_334 = tpu.memref_slice %arg8[%add3A_326, %dma_start3A_333] : memref<80x128xi32, #tpu.memory_space<vmem>> -> memref<1x128xi32, #tpu.memory_space<vmem>>
        %dma_start3A_335 = tpu.memref_squeeze %dma_start3A_334 : memref<1x128xi32, #tpu.memory_space<vmem>> -> memref<128xi32, #tpu.memory_space<vmem>>
        %dma_start3A_336 = arith.constant 0 : i32
        %dma_start3A_337 = arith.constant 0 : i32
        %dma_start3A_338 = tpu.memref_slice %arg2[%dma_start3A_336, %dma_start3A_337] : memref<10128x48xf32, #tpu.memory_space<hbm>> -> memref<10128x48xf32, #tpu.memory_space<hbm>>
        %dma_start3A_339 = tpu.memref_slice %arg11[%dma_start3A_328] : memref<8x!tpu.dma_semaphore, #tpu.memory_space<semaphore_mem>> -> memref<1x!tpu.dma_semaphore, #tpu.memory_space<semaphore_mem>>
        %dma_start3A_340 = tpu.memref_squeeze %dma_start3A_339 : memref<1x!tpu.dma_semaphore, #tpu.memory_space<semaphore_mem>> -> memref<!tpu.dma_semaphore, #tpu.memory_space<semaphore_mem>>
        tpu.enqueue_indirect_dma source(%dma_start3A_338 : memref<10128x48xf32, #tpu.memory_space<hbm>>) target(%dma_start3A_332 : memref<128x48xf32, #tpu.memory_space<vmem>>) offsets(%dma_start3A_335 : memref<128xi32, #tpu.memory_space<vmem>>) semaphore(%dma_start3A_340 : memref<!tpu.dma_semaphore, #tpu.memory_space<semaphore_mem>>)
      } else {
      }
      %mul3A_181 = arith.constant 8 : i32
      %mul3A_182 = arith.muli %scan3A_137, %mul3A_181 : i32
      %add3A_183 = arith.constant 2 : i32
      %add3A_184 = arith.addi %mul3A_182, %add3A_183 : i32
      %dma_wait3A_185 = arith.constant 2 : i32
      %dma_wait3A_186 = arith.constant 2 : i32
      %dma_wait3A_187 = arith.constant 0 : i32
      %dma_wait3A_188 = arith.constant 0 : i32
      %dma_wait3A_189 = tpu.memref_slice %arg10[%dma_wait3A_185, %dma_wait3A_187, %dma_wait3A_188] : memref<8x128x48xf32, #tpu.memory_space<vmem>> -> memref<1x128x48xf32, #tpu.memory_space<vmem>>
      %dma_wait3A_190 = tpu.memref_squeeze %dma_wait3A_189 : memref<1x128x48xf32, #tpu.memory_space<vmem>> -> memref<128x48xf32, #tpu.memory_space<vmem>>
      %dma_wait3A_191 = arith.constant 0 : i32
      %dma_wait3A_192 = tpu.memref_slice %arg8[%add3A_184, %dma_wait3A_191] : memref<80x128xi32, #tpu.memory_space<vmem>> -> memref<1x128xi32, #tpu.memory_space<vmem>>
      %dma_wait3A_193 = tpu.memref_squeeze %dma_wait3A_192 : memref<1x128xi32, #tpu.memory_space<vmem>> -> memref<128xi32, #tpu.memory_space<vmem>>
      %dma_wait3A_194 = arith.constant 0 : i32
      %dma_wait3A_195 = arith.constant 0 : i32
      %dma_wait3A_196 = tpu.memref_slice %arg2[%dma_wait3A_194, %dma_wait3A_195] : memref<10128x48xf32, #tpu.memory_space<hbm>> -> memref<10128x48xf32, #tpu.memory_space<hbm>>
      %dma_wait3A_197 = tpu.memref_slice %arg11[%dma_wait3A_186] : memref<8x!tpu.dma_semaphore, #tpu.memory_space<semaphore_mem>> -> memref<1x!tpu.dma_semaphore, #tpu.memory_space<semaphore_mem>>
      %dma_wait3A_198 = tpu.memref_squeeze %dma_wait3A_197 : memref<1x!tpu.dma_semaphore, #tpu.memory_space<semaphore_mem>> -> memref<!tpu.dma_semaphore, #tpu.memory_space<semaphore_mem>>
      tpu.wait_indirect_dma semaphore(%dma_wait3A_198 : memref<!tpu.dma_semaphore, #tpu.memory_space<semaphore_mem>>) src(%dma_wait3A_196 : memref<10128x48xf32, #tpu.memory_space<hbm>>) dst(%dma_wait3A_190 : memref<128x48xf32, #tpu.memory_space<vmem>>)
      %run_scoped3A_199 = arith.constant 2 : i32
      "tpu.region"() ({
        %run_scoped3A_325 = tpu.sem_alloc : memref<!tpu.dma_semaphore, #tpu.memory_space<semaphore_mem>>
        %dma_start3A_326 = arith.constant 0 : i32
        %dma_start3A_327 = arith.constant 0 : i32
        %dma_start3A_328 = tpu.memref_slice %arg10[%run_scoped3A_199, %dma_start3A_326, %dma_start3A_327] : memref<8x128x48xf32, #tpu.memory_space<vmem>> -> memref<1x128x48xf32, #tpu.memory_space<vmem>>
        %dma_start3A_329 = tpu.memref_squeeze %dma_start3A_328 : memref<1x128x48xf32, #tpu.memory_space<vmem>> -> memref<128x48xf32, #tpu.memory_space<vmem>>
        %dma_start3A_330 = arith.constant 0 : i32
        %dma_start3A_331 = tpu.memref_slice %arg9[%add3A_184, %dma_start3A_330] : memref<80x128xi32, #tpu.memory_space<vmem>> -> memref<1x128xi32, #tpu.memory_space<vmem>>
        %dma_start3A_332 = tpu.memref_squeeze %dma_start3A_331 : memref<1x128xi32, #tpu.memory_space<vmem>> -> memref<128xi32, #tpu.memory_space<vmem>>
        %dma_start3A_333 = arith.constant 0 : i32
        %dma_start3A_334 = arith.constant 0 : i32
        %dma_start3A_335 = tpu.memref_slice %arg7[%dma_start3A_333, %dma_start3A_334] : memref<10000x48xf32, #tpu.memory_space<vmem_shared>> -> memref<10000x48xf32, #tpu.memory_space<vmem_shared>>
        tpu.enqueue_indirect_dma source(%dma_start3A_329 : memref<128x48xf32, #tpu.memory_space<vmem>>) target(%dma_start3A_335 : memref<10000x48xf32, #tpu.memory_space<vmem_shared>>) offsets(%dma_start3A_332 : memref<128xi32, #tpu.memory_space<vmem>>) semaphore(%run_scoped3A_325 : memref<!tpu.dma_semaphore, #tpu.memory_space<semaphore_mem>>) {add = true}
        %dma_wait3A_336 = arith.constant 0 : i32
        %dma_wait3A_337 = arith.constant 0 : i32
        %dma_wait3A_338 = tpu.memref_slice %arg10[%run_scoped3A_199, %dma_wait3A_336, %dma_wait3A_337] : memref<8x128x48xf32, #tpu.memory_space<vmem>> -> memref<1x128x48xf32, #tpu.memory_space<vmem>>
        %dma_wait3A_339 = tpu.memref_squeeze %dma_wait3A_338 : memref<1x128x48xf32, #tpu.memory_space<vmem>> -> memref<128x48xf32, #tpu.memory_space<vmem>>
        %dma_wait3A_340 = arith.constant 0 : i32
        %dma_wait3A_341 = tpu.memref_slice %arg9[%add3A_184, %dma_wait3A_340] : memref<80x128xi32, #tpu.memory_space<vmem>> -> memref<1x128xi32, #tpu.memory_space<vmem>>
        %dma_wait3A_342 = tpu.memref_squeeze %dma_wait3A_341 : memref<1x128xi32, #tpu.memory_space<vmem>> -> memref<128xi32, #tpu.memory_space<vmem>>
        %dma_wait3A_343 = arith.constant 0 : i32
        %dma_wait3A_344 = arith.constant 0 : i32
        %dma_wait3A_345 = tpu.memref_slice %arg7[%dma_wait3A_343, %dma_wait3A_344] : memref<10000x48xf32, #tpu.memory_space<vmem_shared>> -> memref<10000x48xf32, #tpu.memory_space<vmem_shared>>
        tpu.wait_indirect_dma semaphore(%run_scoped3A_325 : memref<!tpu.dma_semaphore, #tpu.memory_space<semaphore_mem>>) src(%dma_wait3A_339 : memref<128x48xf32, #tpu.memory_space<vmem>>) dst(%dma_wait3A_345 : memref<10000x48xf32, #tpu.memory_space<vmem_shared>>)
        tpu.yield
      }) : () -> ()
      %lt3A_200 = arith.constant 9 : i32
      %lt3A_201 = arith.cmpi slt, %scan3A_137, %lt3A_200 : i32
      %convert_element_type3A_202 = arith.extui %lt3A_201 : i1 to i32
      %cond3A_203 = arith.constant 0 : i32
      %cond3A_204 = arith.cmpi ne, %convert_element_type3A_202, %cond3A_203 : i32
      scf.if %cond3A_204 {
        %add3A_325 = arith.constant 8 : i32
        %add3A_326 = arith.addi %add3A_184, %add3A_325 : i32
        %dma_start3A_327 = arith.constant 2 : i32
        %dma_start3A_328 = arith.constant 2 : i32
        %dma_start3A_329 = arith.constant 0 : i32
        %dma_start3A_330 = arith.constant 0 : i32
        %dma_start3A_331 = tpu.memref_slice %arg10[%dma_start3A_327, %dma_start3A_329, %dma_start3A_330] : memref<8x128x48xf32, #tpu.memory_space<vmem>> -> memref<1x128x48xf32, #tpu.memory_space<vmem>>
        %dma_start3A_332 = tpu.memref_squeeze %dma_start3A_331 : memref<1x128x48xf32, #tpu.memory_space<vmem>> -> memref<128x48xf32, #tpu.memory_space<vmem>>
        %dma_start3A_333 = arith.constant 0 : i32
        %dma_start3A_334 = tpu.memref_slice %arg8[%add3A_326, %dma_start3A_333] : memref<80x128xi32, #tpu.memory_space<vmem>> -> memref<1x128xi32, #tpu.memory_space<vmem>>
        %dma_start3A_335 = tpu.memref_squeeze %dma_start3A_334 : memref<1x128xi32, #tpu.memory_space<vmem>> -> memref<128xi32, #tpu.memory_space<vmem>>
        %dma_start3A_336 = arith.constant 0 : i32
        %dma_start3A_337 = arith.constant 0 : i32
        %dma_start3A_338 = tpu.memref_slice %arg2[%dma_start3A_336, %dma_start3A_337] : memref<10128x48xf32, #tpu.memory_space<hbm>> -> memref<10128x48xf32, #tpu.memory_space<hbm>>
        %dma_start3A_339 = tpu.memref_slice %arg11[%dma_start3A_328] : memref<8x!tpu.dma_semaphore, #tpu.memory_space<semaphore_mem>> -> memref<1x!tpu.dma_semaphore, #tpu.memory_space<semaphore_mem>>
        %dma_start3A_340 = tpu.memref_squeeze %dma_start3A_339 : memref<1x!tpu.dma_semaphore, #tpu.memory_space<semaphore_mem>> -> memref<!tpu.dma_semaphore, #tpu.memory_space<semaphore_mem>>
        tpu.enqueue_indirect_dma source(%dma_start3A_338 : memref<10128x48xf32, #tpu.memory_space<hbm>>) target(%dma_start3A_332 : memref<128x48xf32, #tpu.memory_space<vmem>>) offsets(%dma_start3A_335 : memref<128xi32, #tpu.memory_space<vmem>>) semaphore(%dma_start3A_340 : memref<!tpu.dma_semaphore, #tpu.memory_space<semaphore_mem>>)
      } else {
      }
      %mul3A_205 = arith.constant 8 : i32
      %mul3A_206 = arith.muli %scan3A_137, %mul3A_205 : i32
      %add3A_207 = arith.constant 3 : i32
      %add3A_208 = arith.addi %mul3A_206, %add3A_207 : i32
      %dma_wait3A_209 = arith.constant 3 : i32
      %dma_wait3A_210 = arith.constant 3 : i32
      %dma_wait3A_211 = arith.constant 0 : i32
      %dma_wait3A_212 = arith.constant 0 : i32
      %dma_wait3A_213 = tpu.memref_slice %arg10[%dma_wait3A_209, %dma_wait3A_211, %dma_wait3A_212] : memref<8x128x48xf32, #tpu.memory_space<vmem>> -> memref<1x128x48xf32, #tpu.memory_space<vmem>>
      %dma_wait3A_214 = tpu.memref_squeeze %dma_wait3A_213 : memref<1x128x48xf32, #tpu.memory_space<vmem>> -> memref<128x48xf32, #tpu.memory_space<vmem>>
      %dma_wait3A_215 = arith.constant 0 : i32
      %dma_wait3A_216 = tpu.memref_slice %arg8[%add3A_208, %dma_wait3A_215] : memref<80x128xi32, #tpu.memory_space<vmem>> -> memref<1x128xi32, #tpu.memory_space<vmem>>
      %dma_wait3A_217 = tpu.memref_squeeze %dma_wait3A_216 : memref<1x128xi32, #tpu.memory_space<vmem>> -> memref<128xi32, #tpu.memory_space<vmem>>
      %dma_wait3A_218 = arith.constant 0 : i32
      %dma_wait3A_219 = arith.constant 0 : i32
      %dma_wait3A_220 = tpu.memref_slice %arg2[%dma_wait3A_218, %dma_wait3A_219] : memref<10128x48xf32, #tpu.memory_space<hbm>> -> memref<10128x48xf32, #tpu.memory_space<hbm>>
      %dma_wait3A_221 = tpu.memref_slice %arg11[%dma_wait3A_210] : memref<8x!tpu.dma_semaphore, #tpu.memory_space<semaphore_mem>> -> memref<1x!tpu.dma_semaphore, #tpu.memory_space<semaphore_mem>>
      %dma_wait3A_222 = tpu.memref_squeeze %dma_wait3A_221 : memref<1x!tpu.dma_semaphore, #tpu.memory_space<semaphore_mem>> -> memref<!tpu.dma_semaphore, #tpu.memory_space<semaphore_mem>>
      tpu.wait_indirect_dma semaphore(%dma_wait3A_222 : memref<!tpu.dma_semaphore, #tpu.memory_space<semaphore_mem>>) src(%dma_wait3A_220 : memref<10128x48xf32, #tpu.memory_space<hbm>>) dst(%dma_wait3A_214 : memref<128x48xf32, #tpu.memory_space<vmem>>)
      %run_scoped3A_223 = arith.constant 3 : i32
      "tpu.region"() ({
        %run_scoped3A_325 = tpu.sem_alloc : memref<!tpu.dma_semaphore, #tpu.memory_space<semaphore_mem>>
        %dma_start3A_326 = arith.constant 0 : i32
        %dma_start3A_327 = arith.constant 0 : i32
        %dma_start3A_328 = tpu.memref_slice %arg10[%run_scoped3A_223, %dma_start3A_326, %dma_start3A_327] : memref<8x128x48xf32, #tpu.memory_space<vmem>> -> memref<1x128x48xf32, #tpu.memory_space<vmem>>
        %dma_start3A_329 = tpu.memref_squeeze %dma_start3A_328 : memref<1x128x48xf32, #tpu.memory_space<vmem>> -> memref<128x48xf32, #tpu.memory_space<vmem>>
        %dma_start3A_330 = arith.constant 0 : i32
        %dma_start3A_331 = tpu.memref_slice %arg9[%add3A_208, %dma_start3A_330] : memref<80x128xi32, #tpu.memory_space<vmem>> -> memref<1x128xi32, #tpu.memory_space<vmem>>
        %dma_start3A_332 = tpu.memref_squeeze %dma_start3A_331 : memref<1x128xi32, #tpu.memory_space<vmem>> -> memref<128xi32, #tpu.memory_space<vmem>>
        %dma_start3A_333 = arith.constant 0 : i32
        %dma_start3A_334 = arith.constant 0 : i32
        %dma_start3A_335 = tpu.memref_slice %arg7[%dma_start3A_333, %dma_start3A_334] : memref<10000x48xf32, #tpu.memory_space<vmem_shared>> -> memref<10000x48xf32, #tpu.memory_space<vmem_shared>>
        tpu.enqueue_indirect_dma source(%dma_start3A_329 : memref<128x48xf32, #tpu.memory_space<vmem>>) target(%dma_start3A_335 : memref<10000x48xf32, #tpu.memory_space<vmem_shared>>) offsets(%dma_start3A_332 : memref<128xi32, #tpu.memory_space<vmem>>) semaphore(%run_scoped3A_325 : memref<!tpu.dma_semaphore, #tpu.memory_space<semaphore_mem>>) {add = true}
        %dma_wait3A_336 = arith.constant 0 : i32
        %dma_wait3A_337 = arith.constant 0 : i32
        %dma_wait3A_338 = tpu.memref_slice %arg10[%run_scoped3A_223, %dma_wait3A_336, %dma_wait3A_337] : memref<8x128x48xf32, #tpu.memory_space<vmem>> -> memref<1x128x48xf32, #tpu.memory_space<vmem>>
        %dma_wait3A_339 = tpu.memref_squeeze %dma_wait3A_338 : memref<1x128x48xf32, #tpu.memory_space<vmem>> -> memref<128x48xf32, #tpu.memory_space<vmem>>
        %dma_wait3A_340 = arith.constant 0 : i32
        %dma_wait3A_341 = tpu.memref_slice %arg9[%add3A_208, %dma_wait3A_340] : memref<80x128xi32, #tpu.memory_space<vmem>> -> memref<1x128xi32, #tpu.memory_space<vmem>>
        %dma_wait3A_342 = tpu.memref_squeeze %dma_wait3A_341 : memref<1x128xi32, #tpu.memory_space<vmem>> -> memref<128xi32, #tpu.memory_space<vmem>>
        %dma_wait3A_343 = arith.constant 0 : i32
        %dma_wait3A_344 = arith.constant 0 : i32
        %dma_wait3A_345 = tpu.memref_slice %arg7[%dma_wait3A_343, %dma_wait3A_344] : memref<10000x48xf32, #tpu.memory_space<vmem_shared>> -> memref<10000x48xf32, #tpu.memory_space<vmem_shared>>
        tpu.wait_indirect_dma semaphore(%run_scoped3A_325 : memref<!tpu.dma_semaphore, #tpu.memory_space<semaphore_mem>>) src(%dma_wait3A_339 : memref<128x48xf32, #tpu.memory_space<vmem>>) dst(%dma_wait3A_345 : memref<10000x48xf32, #tpu.memory_space<vmem_shared>>)
        tpu.yield
      }) : () -> ()
      %lt3A_224 = arith.constant 9 : i32
      %lt3A_225 = arith.cmpi slt, %scan3A_137, %lt3A_224 : i32
      %convert_element_type3A_226 = arith.extui %lt3A_225 : i1 to i32
      %cond3A_227 = arith.constant 0 : i32
      %cond3A_228 = arith.cmpi ne, %convert_element_type3A_226, %cond3A_227 : i32
      scf.if %cond3A_228 {
        %add3A_325 = arith.constant 8 : i32
        %add3A_326 = arith.addi %add3A_208, %add3A_325 : i32
        %dma_start3A_327 = arith.constant 3 : i32
        %dma_start3A_328 = arith.constant 3 : i32
        %dma_start3A_329 = arith.constant 0 : i32
        %dma_start3A_330 = arith.constant 0 : i32
        %dma_start3A_331 = tpu.memref_slice %arg10[%dma_start3A_327, %dma_start3A_329, %dma_start3A_330] : memref<8x128x48xf32, #tpu.memory_space<vmem>> -> memref<1x128x48xf32, #tpu.memory_space<vmem>>
        %dma_start3A_332 = tpu.memref_squeeze %dma_start3A_331 : memref<1x128x48xf32, #tpu.memory_space<vmem>> -> memref<128x48xf32, #tpu.memory_space<vmem>>
        %dma_start3A_333 = arith.constant 0 : i32
        %dma_start3A_334 = tpu.memref_slice %arg8[%add3A_326, %dma_start3A_333] : memref<80x128xi32, #tpu.memory_space<vmem>> -> memref<1x128xi32, #tpu.memory_space<vmem>>
        %dma_start3A_335 = tpu.memref_squeeze %dma_start3A_334 : memref<1x128xi32, #tpu.memory_space<vmem>> -> memref<128xi32, #tpu.memory_space<vmem>>
        %dma_start3A_336 = arith.constant 0 : i32
        %dma_start3A_337 = arith.constant 0 : i32
        %dma_start3A_338 = tpu.memref_slice %arg2[%dma_start3A_336, %dma_start3A_337] : memref<10128x48xf32, #tpu.memory_space<hbm>> -> memref<10128x48xf32, #tpu.memory_space<hbm>>
        %dma_start3A_339 = tpu.memref_slice %arg11[%dma_start3A_328] : memref<8x!tpu.dma_semaphore, #tpu.memory_space<semaphore_mem>> -> memref<1x!tpu.dma_semaphore, #tpu.memory_space<semaphore_mem>>
        %dma_start3A_340 = tpu.memref_squeeze %dma_start3A_339 : memref<1x!tpu.dma_semaphore, #tpu.memory_space<semaphore_mem>> -> memref<!tpu.dma_semaphore, #tpu.memory_space<semaphore_mem>>
        tpu.enqueue_indirect_dma source(%dma_start3A_338 : memref<10128x48xf32, #tpu.memory_space<hbm>>) target(%dma_start3A_332 : memref<128x48xf32, #tpu.memory_space<vmem>>) offsets(%dma_start3A_335 : memref<128xi32, #tpu.memory_space<vmem>>) semaphore(%dma_start3A_340 : memref<!tpu.dma_semaphore, #tpu.memory_space<semaphore_mem>>)
      } else {
      }
      %mul3A_229 = arith.constant 8 : i32
      %mul3A_230 = arith.muli %scan3A_137, %mul3A_229 : i32
      %add3A_231 = arith.constant 4 : i32
      %add3A_232 = arith.addi %mul3A_230, %add3A_231 : i32
      %dma_wait3A_233 = arith.constant 4 : i32
      %dma_wait3A_234 = arith.constant 4 : i32
      %dma_wait3A_235 = arith.constant 0 : i32
      %dma_wait3A_236 = arith.constant 0 : i32
      %dma_wait3A_237 = tpu.memref_slice %arg10[%dma_wait3A_233, %dma_wait3A_235, %dma_wait3A_236] : memref<8x128x48xf32, #tpu.memory_space<vmem>> -> memref<1x128x48xf32, #tpu.memory_space<vmem>>
      %dma_wait3A_238 = tpu.memref_squeeze %dma_wait3A_237 : memref<1x128x48xf32, #tpu.memory_space<vmem>> -> memref<128x48xf32, #tpu.memory_space<vmem>>
      %dma_wait3A_239 = arith.constant 0 : i32
      %dma_wait3A_240 = tpu.memref_slice %arg8[%add3A_232, %dma_wait3A_239] : memref<80x128xi32, #tpu.memory_space<vmem>> -> memref<1x128xi32, #tpu.memory_space<vmem>>
      %dma_wait3A_241 = tpu.memref_squeeze %dma_wait3A_240 : memref<1x128xi32, #tpu.memory_space<vmem>> -> memref<128xi32, #tpu.memory_space<vmem>>
      %dma_wait3A_242 = arith.constant 0 : i32
      %dma_wait3A_243 = arith.constant 0 : i32
      %dma_wait3A_244 = tpu.memref_slice %arg2[%dma_wait3A_242, %dma_wait3A_243] : memref<10128x48xf32, #tpu.memory_space<hbm>> -> memref<10128x48xf32, #tpu.memory_space<hbm>>
      %dma_wait3A_245 = tpu.memref_slice %arg11[%dma_wait3A_234] : memref<8x!tpu.dma_semaphore, #tpu.memory_space<semaphore_mem>> -> memref<1x!tpu.dma_semaphore, #tpu.memory_space<semaphore_mem>>
      %dma_wait3A_246 = tpu.memref_squeeze %dma_wait3A_245 : memref<1x!tpu.dma_semaphore, #tpu.memory_space<semaphore_mem>> -> memref<!tpu.dma_semaphore, #tpu.memory_space<semaphore_mem>>
      tpu.wait_indirect_dma semaphore(%dma_wait3A_246 : memref<!tpu.dma_semaphore, #tpu.memory_space<semaphore_mem>>) src(%dma_wait3A_244 : memref<10128x48xf32, #tpu.memory_space<hbm>>) dst(%dma_wait3A_238 : memref<128x48xf32, #tpu.memory_space<vmem>>)
      %run_scoped3A_247 = arith.constant 4 : i32
      "tpu.region"() ({
        %run_scoped3A_325 = tpu.sem_alloc : memref<!tpu.dma_semaphore, #tpu.memory_space<semaphore_mem>>
        %dma_start3A_326 = arith.constant 0 : i32
        %dma_start3A_327 = arith.constant 0 : i32
        %dma_start3A_328 = tpu.memref_slice %arg10[%run_scoped3A_247, %dma_start3A_326, %dma_start3A_327] : memref<8x128x48xf32, #tpu.memory_space<vmem>> -> memref<1x128x48xf32, #tpu.memory_space<vmem>>
        %dma_start3A_329 = tpu.memref_squeeze %dma_start3A_328 : memref<1x128x48xf32, #tpu.memory_space<vmem>> -> memref<128x48xf32, #tpu.memory_space<vmem>>
        %dma_start3A_330 = arith.constant 0 : i32
        %dma_start3A_331 = tpu.memref_slice %arg9[%add3A_232, %dma_start3A_330] : memref<80x128xi32, #tpu.memory_space<vmem>> -> memref<1x128xi32, #tpu.memory_space<vmem>>
        %dma_start3A_332 = tpu.memref_squeeze %dma_start3A_331 : memref<1x128xi32, #tpu.memory_space<vmem>> -> memref<128xi32, #tpu.memory_space<vmem>>
        %dma_start3A_333 = arith.constant 0 : i32
        %dma_start3A_334 = arith.constant 0 : i32
        %dma_start3A_335 = tpu.memref_slice %arg7[%dma_start3A_333, %dma_start3A_334] : memref<10000x48xf32, #tpu.memory_space<vmem_shared>> -> memref<10000x48xf32, #tpu.memory_space<vmem_shared>>
        tpu.enqueue_indirect_dma source(%dma_start3A_329 : memref<128x48xf32, #tpu.memory_space<vmem>>) target(%dma_start3A_335 : memref<10000x48xf32, #tpu.memory_space<vmem_shared>>) offsets(%dma_start3A_332 : memref<128xi32, #tpu.memory_space<vmem>>) semaphore(%run_scoped3A_325 : memref<!tpu.dma_semaphore, #tpu.memory_space<semaphore_mem>>) {add = true}
        %dma_wait3A_336 = arith.constant 0 : i32
        %dma_wait3A_337 = arith.constant 0 : i32
        %dma_wait3A_338 = tpu.memref_slice %arg10[%run_scoped3A_247, %dma_wait3A_336, %dma_wait3A_337] : memref<8x128x48xf32, #tpu.memory_space<vmem>> -> memref<1x128x48xf32, #tpu.memory_space<vmem>>
        %dma_wait3A_339 = tpu.memref_squeeze %dma_wait3A_338 : memref<1x128x48xf32, #tpu.memory_space<vmem>> -> memref<128x48xf32, #tpu.memory_space<vmem>>
        %dma_wait3A_340 = arith.constant 0 : i32
        %dma_wait3A_341 = tpu.memref_slice %arg9[%add3A_232, %dma_wait3A_340] : memref<80x128xi32, #tpu.memory_space<vmem>> -> memref<1x128xi32, #tpu.memory_space<vmem>>
        %dma_wait3A_342 = tpu.memref_squeeze %dma_wait3A_341 : memref<1x128xi32, #tpu.memory_space<vmem>> -> memref<128xi32, #tpu.memory_space<vmem>>
        %dma_wait3A_343 = arith.constant 0 : i32
        %dma_wait3A_344 = arith.constant 0 : i32
        %dma_wait3A_345 = tpu.memref_slice %arg7[%dma_wait3A_343, %dma_wait3A_344] : memref<10000x48xf32, #tpu.memory_space<vmem_shared>> -> memref<10000x48xf32, #tpu.memory_space<vmem_shared>>
        tpu.wait_indirect_dma semaphore(%run_scoped3A_325 : memref<!tpu.dma_semaphore, #tpu.memory_space<semaphore_mem>>) src(%dma_wait3A_339 : memref<128x48xf32, #tpu.memory_space<vmem>>) dst(%dma_wait3A_345 : memref<10000x48xf32, #tpu.memory_space<vmem_shared>>)
        tpu.yield
      }) : () -> ()
      %lt3A_248 = arith.constant 9 : i32
      %lt3A_249 = arith.cmpi slt, %scan3A_137, %lt3A_248 : i32
      %convert_element_type3A_250 = arith.extui %lt3A_249 : i1 to i32
      %cond3A_251 = arith.constant 0 : i32
      %cond3A_252 = arith.cmpi ne, %convert_element_type3A_250, %cond3A_251 : i32
      scf.if %cond3A_252 {
        %add3A_325 = arith.constant 8 : i32
        %add3A_326 = arith.addi %add3A_232, %add3A_325 : i32
        %dma_start3A_327 = arith.constant 4 : i32
        %dma_start3A_328 = arith.constant 4 : i32
        %dma_start3A_329 = arith.constant 0 : i32
        %dma_start3A_330 = arith.constant 0 : i32
        %dma_start3A_331 = tpu.memref_slice %arg10[%dma_start3A_327, %dma_start3A_329, %dma_start3A_330] : memref<8x128x48xf32, #tpu.memory_space<vmem>> -> memref<1x128x48xf32, #tpu.memory_space<vmem>>
        %dma_start3A_332 = tpu.memref_squeeze %dma_start3A_331 : memref<1x128x48xf32, #tpu.memory_space<vmem>> -> memref<128x48xf32, #tpu.memory_space<vmem>>
        %dma_start3A_333 = arith.constant 0 : i32
        %dma_start3A_334 = tpu.memref_slice %arg8[%add3A_326, %dma_start3A_333] : memref<80x128xi32, #tpu.memory_space<vmem>> -> memref<1x128xi32, #tpu.memory_space<vmem>>
        %dma_start3A_335 = tpu.memref_squeeze %dma_start3A_334 : memref<1x128xi32, #tpu.memory_space<vmem>> -> memref<128xi32, #tpu.memory_space<vmem>>
        %dma_start3A_336 = arith.constant 0 : i32
        %dma_start3A_337 = arith.constant 0 : i32
        %dma_start3A_338 = tpu.memref_slice %arg2[%dma_start3A_336, %dma_start3A_337] : memref<10128x48xf32, #tpu.memory_space<hbm>> -> memref<10128x48xf32, #tpu.memory_space<hbm>>
        %dma_start3A_339 = tpu.memref_slice %arg11[%dma_start3A_328] : memref<8x!tpu.dma_semaphore, #tpu.memory_space<semaphore_mem>> -> memref<1x!tpu.dma_semaphore, #tpu.memory_space<semaphore_mem>>
        %dma_start3A_340 = tpu.memref_squeeze %dma_start3A_339 : memref<1x!tpu.dma_semaphore, #tpu.memory_space<semaphore_mem>> -> memref<!tpu.dma_semaphore, #tpu.memory_space<semaphore_mem>>
        tpu.enqueue_indirect_dma source(%dma_start3A_338 : memref<10128x48xf32, #tpu.memory_space<hbm>>) target(%dma_start3A_332 : memref<128x48xf32, #tpu.memory_space<vmem>>) offsets(%dma_start3A_335 : memref<128xi32, #tpu.memory_space<vmem>>) semaphore(%dma_start3A_340 : memref<!tpu.dma_semaphore, #tpu.memory_space<semaphore_mem>>)
      } else {
      }
      %mul3A_253 = arith.constant 8 : i32
      %mul3A_254 = arith.muli %scan3A_137, %mul3A_253 : i32
      %add3A_255 = arith.constant 5 : i32
      %add3A_256 = arith.addi %mul3A_254, %add3A_255 : i32
      %dma_wait3A_257 = arith.constant 5 : i32
      %dma_wait3A_258 = arith.constant 5 : i32
      %dma_wait3A_259 = arith.constant 0 : i32
      %dma_wait3A_260 = arith.constant 0 : i32
      %dma_wait3A_261 = tpu.memref_slice %arg10[%dma_wait3A_257, %dma_wait3A_259, %dma_wait3A_260] : memref<8x128x48xf32, #tpu.memory_space<vmem>> -> memref<1x128x48xf32, #tpu.memory_space<vmem>>
      %dma_wait3A_262 = tpu.memref_squeeze %dma_wait3A_261 : memref<1x128x48xf32, #tpu.memory_space<vmem>> -> memref<128x48xf32, #tpu.memory_space<vmem>>
      %dma_wait3A_263 = arith.constant 0 : i32
      %dma_wait3A_264 = tpu.memref_slice %arg8[%add3A_256, %dma_wait3A_263] : memref<80x128xi32, #tpu.memory_space<vmem>> -> memref<1x128xi32, #tpu.memory_space<vmem>>
      %dma_wait3A_265 = tpu.memref_squeeze %dma_wait3A_264 : memref<1x128xi32, #tpu.memory_space<vmem>> -> memref<128xi32, #tpu.memory_space<vmem>>
      %dma_wait3A_266 = arith.constant 0 : i32
      %dma_wait3A_267 = arith.constant 0 : i32
      %dma_wait3A_268 = tpu.memref_slice %arg2[%dma_wait3A_266, %dma_wait3A_267] : memref<10128x48xf32, #tpu.memory_space<hbm>> -> memref<10128x48xf32, #tpu.memory_space<hbm>>
      %dma_wait3A_269 = tpu.memref_slice %arg11[%dma_wait3A_258] : memref<8x!tpu.dma_semaphore, #tpu.memory_space<semaphore_mem>> -> memref<1x!tpu.dma_semaphore, #tpu.memory_space<semaphore_mem>>
      %dma_wait3A_270 = tpu.memref_squeeze %dma_wait3A_269 : memref<1x!tpu.dma_semaphore, #tpu.memory_space<semaphore_mem>> -> memref<!tpu.dma_semaphore, #tpu.memory_space<semaphore_mem>>
      tpu.wait_indirect_dma semaphore(%dma_wait3A_270 : memref<!tpu.dma_semaphore, #tpu.memory_space<semaphore_mem>>) src(%dma_wait3A_268 : memref<10128x48xf32, #tpu.memory_space<hbm>>) dst(%dma_wait3A_262 : memref<128x48xf32, #tpu.memory_space<vmem>>)
      %run_scoped3A_271 = arith.constant 5 : i32
      "tpu.region"() ({
        %run_scoped3A_325 = tpu.sem_alloc : memref<!tpu.dma_semaphore, #tpu.memory_space<semaphore_mem>>
        %dma_start3A_326 = arith.constant 0 : i32
        %dma_start3A_327 = arith.constant 0 : i32
        %dma_start3A_328 = tpu.memref_slice %arg10[%run_scoped3A_271, %dma_start3A_326, %dma_start3A_327] : memref<8x128x48xf32, #tpu.memory_space<vmem>> -> memref<1x128x48xf32, #tpu.memory_space<vmem>>
        %dma_start3A_329 = tpu.memref_squeeze %dma_start3A_328 : memref<1x128x48xf32, #tpu.memory_space<vmem>> -> memref<128x48xf32, #tpu.memory_space<vmem>>
        %dma_start3A_330 = arith.constant 0 : i32
        %dma_start3A_331 = tpu.memref_slice %arg9[%add3A_256, %dma_start3A_330] : memref<80x128xi32, #tpu.memory_space<vmem>> -> memref<1x128xi32, #tpu.memory_space<vmem>>
        %dma_start3A_332 = tpu.memref_squeeze %dma_start3A_331 : memref<1x128xi32, #tpu.memory_space<vmem>> -> memref<128xi32, #tpu.memory_space<vmem>>
        %dma_start3A_333 = arith.constant 0 : i32
        %dma_start3A_334 = arith.constant 0 : i32
        %dma_start3A_335 = tpu.memref_slice %arg7[%dma_start3A_333, %dma_start3A_334] : memref<10000x48xf32, #tpu.memory_space<vmem_shared>> -> memref<10000x48xf32, #tpu.memory_space<vmem_shared>>
        tpu.enqueue_indirect_dma source(%dma_start3A_329 : memref<128x48xf32, #tpu.memory_space<vmem>>) target(%dma_start3A_335 : memref<10000x48xf32, #tpu.memory_space<vmem_shared>>) offsets(%dma_start3A_332 : memref<128xi32, #tpu.memory_space<vmem>>) semaphore(%run_scoped3A_325 : memref<!tpu.dma_semaphore, #tpu.memory_space<semaphore_mem>>) {add = true}
        %dma_wait3A_336 = arith.constant 0 : i32
        %dma_wait3A_337 = arith.constant 0 : i32
        %dma_wait3A_338 = tpu.memref_slice %arg10[%run_scoped3A_271, %dma_wait3A_336, %dma_wait3A_337] : memref<8x128x48xf32, #tpu.memory_space<vmem>> -> memref<1x128x48xf32, #tpu.memory_space<vmem>>
        %dma_wait3A_339 = tpu.memref_squeeze %dma_wait3A_338 : memref<1x128x48xf32, #tpu.memory_space<vmem>> -> memref<128x48xf32, #tpu.memory_space<vmem>>
        %dma_wait3A_340 = arith.constant 0 : i32
        %dma_wait3A_341 = tpu.memref_slice %arg9[%add3A_256, %dma_wait3A_340] : memref<80x128xi32, #tpu.memory_space<vmem>> -> memref<1x128xi32, #tpu.memory_space<vmem>>
        %dma_wait3A_342 = tpu.memref_squeeze %dma_wait3A_341 : memref<1x128xi32, #tpu.memory_space<vmem>> -> memref<128xi32, #tpu.memory_space<vmem>>
        %dma_wait3A_343 = arith.constant 0 : i32
        %dma_wait3A_344 = arith.constant 0 : i32
        %dma_wait3A_345 = tpu.memref_slice %arg7[%dma_wait3A_343, %dma_wait3A_344] : memref<10000x48xf32, #tpu.memory_space<vmem_shared>> -> memref<10000x48xf32, #tpu.memory_space<vmem_shared>>
        tpu.wait_indirect_dma semaphore(%run_scoped3A_325 : memref<!tpu.dma_semaphore, #tpu.memory_space<semaphore_mem>>) src(%dma_wait3A_339 : memref<128x48xf32, #tpu.memory_space<vmem>>) dst(%dma_wait3A_345 : memref<10000x48xf32, #tpu.memory_space<vmem_shared>>)
        tpu.yield
      }) : () -> ()
      %lt3A_272 = arith.constant 9 : i32
      %lt3A_273 = arith.cmpi slt, %scan3A_137, %lt3A_272 : i32
      %convert_element_type3A_274 = arith.extui %lt3A_273 : i1 to i32
      %cond3A_275 = arith.constant 0 : i32
      %cond3A_276 = arith.cmpi ne, %convert_element_type3A_274, %cond3A_275 : i32
      scf.if %cond3A_276 {
        %add3A_325 = arith.constant 8 : i32
        %add3A_326 = arith.addi %add3A_256, %add3A_325 : i32
        %dma_start3A_327 = arith.constant 5 : i32
        %dma_start3A_328 = arith.constant 5 : i32
        %dma_start3A_329 = arith.constant 0 : i32
        %dma_start3A_330 = arith.constant 0 : i32
        %dma_start3A_331 = tpu.memref_slice %arg10[%dma_start3A_327, %dma_start3A_329, %dma_start3A_330] : memref<8x128x48xf32, #tpu.memory_space<vmem>> -> memref<1x128x48xf32, #tpu.memory_space<vmem>>
        %dma_start3A_332 = tpu.memref_squeeze %dma_start3A_331 : memref<1x128x48xf32, #tpu.memory_space<vmem>> -> memref<128x48xf32, #tpu.memory_space<vmem>>
        %dma_start3A_333 = arith.constant 0 : i32
        %dma_start3A_334 = tpu.memref_slice %arg8[%add3A_326, %dma_start3A_333] : memref<80x128xi32, #tpu.memory_space<vmem>> -> memref<1x128xi32, #tpu.memory_space<vmem>>
        %dma_start3A_335 = tpu.memref_squeeze %dma_start3A_334 : memref<1x128xi32, #tpu.memory_space<vmem>> -> memref<128xi32, #tpu.memory_space<vmem>>
        %dma_start3A_336 = arith.constant 0 : i32
        %dma_start3A_337 = arith.constant 0 : i32
        %dma_start3A_338 = tpu.memref_slice %arg2[%dma_start3A_336, %dma_start3A_337] : memref<10128x48xf32, #tpu.memory_space<hbm>> -> memref<10128x48xf32, #tpu.memory_space<hbm>>
        %dma_start3A_339 = tpu.memref_slice %arg11[%dma_start3A_328] : memref<8x!tpu.dma_semaphore, #tpu.memory_space<semaphore_mem>> -> memref<1x!tpu.dma_semaphore, #tpu.memory_space<semaphore_mem>>
        %dma_start3A_340 = tpu.memref_squeeze %dma_start3A_339 : memref<1x!tpu.dma_semaphore, #tpu.memory_space<semaphore_mem>> -> memref<!tpu.dma_semaphore, #tpu.memory_space<semaphore_mem>>
        tpu.enqueue_indirect_dma source(%dma_start3A_338 : memref<10128x48xf32, #tpu.memory_space<hbm>>) target(%dma_start3A_332 : memref<128x48xf32, #tpu.memory_space<vmem>>) offsets(%dma_start3A_335 : memref<128xi32, #tpu.memory_space<vmem>>) semaphore(%dma_start3A_340 : memref<!tpu.dma_semaphore, #tpu.memory_space<semaphore_mem>>)
      } else {
      }
      %mul3A_277 = arith.constant 8 : i32
      %mul3A_278 = arith.muli %scan3A_137, %mul3A_277 : i32
      %add3A_279 = arith.constant 6 : i32
      %add3A_280 = arith.addi %mul3A_278, %add3A_279 : i32
      %dma_wait3A_281 = arith.constant 6 : i32
      %dma_wait3A_282 = arith.constant 6 : i32
      %dma_wait3A_283 = arith.constant 0 : i32
      %dma_wait3A_284 = arith.constant 0 : i32
      %dma_wait3A_285 = tpu.memref_slice %arg10[%dma_wait3A_281, %dma_wait3A_283, %dma_wait3A_284] : memref<8x128x48xf32, #tpu.memory_space<vmem>> -> memref<1x128x48xf32, #tpu.memory_space<vmem>>
      %dma_wait3A_286 = tpu.memref_squeeze %dma_wait3A_285 : memref<1x128x48xf32, #tpu.memory_space<vmem>> -> memref<128x48xf32, #tpu.memory_space<vmem>>
      %dma_wait3A_287 = arith.constant 0 : i32
      %dma_wait3A_288 = tpu.memref_slice %arg8[%add3A_280, %dma_wait3A_287] : memref<80x128xi32, #tpu.memory_space<vmem>> -> memref<1x128xi32, #tpu.memory_space<vmem>>
      %dma_wait3A_289 = tpu.memref_squeeze %dma_wait3A_288 : memref<1x128xi32, #tpu.memory_space<vmem>> -> memref<128xi32, #tpu.memory_space<vmem>>
      %dma_wait3A_290 = arith.constant 0 : i32
      %dma_wait3A_291 = arith.constant 0 : i32
      %dma_wait3A_292 = tpu.memref_slice %arg2[%dma_wait3A_290, %dma_wait3A_291] : memref<10128x48xf32, #tpu.memory_space<hbm>> -> memref<10128x48xf32, #tpu.memory_space<hbm>>
      %dma_wait3A_293 = tpu.memref_slice %arg11[%dma_wait3A_282] : memref<8x!tpu.dma_semaphore, #tpu.memory_space<semaphore_mem>> -> memref<1x!tpu.dma_semaphore, #tpu.memory_space<semaphore_mem>>
      %dma_wait3A_294 = tpu.memref_squeeze %dma_wait3A_293 : memref<1x!tpu.dma_semaphore, #tpu.memory_space<semaphore_mem>> -> memref<!tpu.dma_semaphore, #tpu.memory_space<semaphore_mem>>
      tpu.wait_indirect_dma semaphore(%dma_wait3A_294 : memref<!tpu.dma_semaphore, #tpu.memory_space<semaphore_mem>>) src(%dma_wait3A_292 : memref<10128x48xf32, #tpu.memory_space<hbm>>) dst(%dma_wait3A_286 : memref<128x48xf32, #tpu.memory_space<vmem>>)
      %run_scoped3A_295 = arith.constant 6 : i32
      "tpu.region"() ({
        %run_scoped3A_325 = tpu.sem_alloc : memref<!tpu.dma_semaphore, #tpu.memory_space<semaphore_mem>>
        %dma_start3A_326 = arith.constant 0 : i32
        %dma_start3A_327 = arith.constant 0 : i32
        %dma_start3A_328 = tpu.memref_slice %arg10[%run_scoped3A_295, %dma_start3A_326, %dma_start3A_327] : memref<8x128x48xf32, #tpu.memory_space<vmem>> -> memref<1x128x48xf32, #tpu.memory_space<vmem>>
        %dma_start3A_329 = tpu.memref_squeeze %dma_start3A_328 : memref<1x128x48xf32, #tpu.memory_space<vmem>> -> memref<128x48xf32, #tpu.memory_space<vmem>>
        %dma_start3A_330 = arith.constant 0 : i32
        %dma_start3A_331 = tpu.memref_slice %arg9[%add3A_280, %dma_start3A_330] : memref<80x128xi32, #tpu.memory_space<vmem>> -> memref<1x128xi32, #tpu.memory_space<vmem>>
        %dma_start3A_332 = tpu.memref_squeeze %dma_start3A_331 : memref<1x128xi32, #tpu.memory_space<vmem>> -> memref<128xi32, #tpu.memory_space<vmem>>
        %dma_start3A_333 = arith.constant 0 : i32
        %dma_start3A_334 = arith.constant 0 : i32
        %dma_start3A_335 = tpu.memref_slice %arg7[%dma_start3A_333, %dma_start3A_334] : memref<10000x48xf32, #tpu.memory_space<vmem_shared>> -> memref<10000x48xf32, #tpu.memory_space<vmem_shared>>
        tpu.enqueue_indirect_dma source(%dma_start3A_329 : memref<128x48xf32, #tpu.memory_space<vmem>>) target(%dma_start3A_335 : memref<10000x48xf32, #tpu.memory_space<vmem_shared>>) offsets(%dma_start3A_332 : memref<128xi32, #tpu.memory_space<vmem>>) semaphore(%run_scoped3A_325 : memref<!tpu.dma_semaphore, #tpu.memory_space<semaphore_mem>>) {add = true}
        %dma_wait3A_336 = arith.constant 0 : i32
        %dma_wait3A_337 = arith.constant 0 : i32
        %dma_wait3A_338 = tpu.memref_slice %arg10[%run_scoped3A_295, %dma_wait3A_336, %dma_wait3A_337] : memref<8x128x48xf32, #tpu.memory_space<vmem>> -> memref<1x128x48xf32, #tpu.memory_space<vmem>>
        %dma_wait3A_339 = tpu.memref_squeeze %dma_wait3A_338 : memref<1x128x48xf32, #tpu.memory_space<vmem>> -> memref<128x48xf32, #tpu.memory_space<vmem>>
        %dma_wait3A_340 = arith.constant 0 : i32
        %dma_wait3A_341 = tpu.memref_slice %arg9[%add3A_280, %dma_wait3A_340] : memref<80x128xi32, #tpu.memory_space<vmem>> -> memref<1x128xi32, #tpu.memory_space<vmem>>
        %dma_wait3A_342 = tpu.memref_squeeze %dma_wait3A_341 : memref<1x128xi32, #tpu.memory_space<vmem>> -> memref<128xi32, #tpu.memory_space<vmem>>
        %dma_wait3A_343 = arith.constant 0 : i32
        %dma_wait3A_344 = arith.constant 0 : i32
        %dma_wait3A_345 = tpu.memref_slice %arg7[%dma_wait3A_343, %dma_wait3A_344] : memref<10000x48xf32, #tpu.memory_space<vmem_shared>> -> memref<10000x48xf32, #tpu.memory_space<vmem_shared>>
        tpu.wait_indirect_dma semaphore(%run_scoped3A_325 : memref<!tpu.dma_semaphore, #tpu.memory_space<semaphore_mem>>) src(%dma_wait3A_339 : memref<128x48xf32, #tpu.memory_space<vmem>>) dst(%dma_wait3A_345 : memref<10000x48xf32, #tpu.memory_space<vmem_shared>>)
        tpu.yield
      }) : () -> ()
      %lt3A_296 = arith.constant 9 : i32
      %lt3A_297 = arith.cmpi slt, %scan3A_137, %lt3A_296 : i32
      %convert_element_type3A_298 = arith.extui %lt3A_297 : i1 to i32
      %cond3A_299 = arith.constant 0 : i32
      %cond3A_300 = arith.cmpi ne, %convert_element_type3A_298, %cond3A_299 : i32
      scf.if %cond3A_300 {
        %add3A_325 = arith.constant 8 : i32
        %add3A_326 = arith.addi %add3A_280, %add3A_325 : i32
        %dma_start3A_327 = arith.constant 6 : i32
        %dma_start3A_328 = arith.constant 6 : i32
        %dma_start3A_329 = arith.constant 0 : i32
        %dma_start3A_330 = arith.constant 0 : i32
        %dma_start3A_331 = tpu.memref_slice %arg10[%dma_start3A_327, %dma_start3A_329, %dma_start3A_330] : memref<8x128x48xf32, #tpu.memory_space<vmem>> -> memref<1x128x48xf32, #tpu.memory_space<vmem>>
        %dma_start3A_332 = tpu.memref_squeeze %dma_start3A_331 : memref<1x128x48xf32, #tpu.memory_space<vmem>> -> memref<128x48xf32, #tpu.memory_space<vmem>>
        %dma_start3A_333 = arith.constant 0 : i32
        %dma_start3A_334 = tpu.memref_slice %arg8[%add3A_326, %dma_start3A_333] : memref<80x128xi32, #tpu.memory_space<vmem>> -> memref<1x128xi32, #tpu.memory_space<vmem>>
        %dma_start3A_335 = tpu.memref_squeeze %dma_start3A_334 : memref<1x128xi32, #tpu.memory_space<vmem>> -> memref<128xi32, #tpu.memory_space<vmem>>
        %dma_start3A_336 = arith.constant 0 : i32
        %dma_start3A_337 = arith.constant 0 : i32
        %dma_start3A_338 = tpu.memref_slice %arg2[%dma_start3A_336, %dma_start3A_337] : memref<10128x48xf32, #tpu.memory_space<hbm>> -> memref<10128x48xf32, #tpu.memory_space<hbm>>
        %dma_start3A_339 = tpu.memref_slice %arg11[%dma_start3A_328] : memref<8x!tpu.dma_semaphore, #tpu.memory_space<semaphore_mem>> -> memref<1x!tpu.dma_semaphore, #tpu.memory_space<semaphore_mem>>
        %dma_start3A_340 = tpu.memref_squeeze %dma_start3A_339 : memref<1x!tpu.dma_semaphore, #tpu.memory_space<semaphore_mem>> -> memref<!tpu.dma_semaphore, #tpu.memory_space<semaphore_mem>>
        tpu.enqueue_indirect_dma source(%dma_start3A_338 : memref<10128x48xf32, #tpu.memory_space<hbm>>) target(%dma_start3A_332 : memref<128x48xf32, #tpu.memory_space<vmem>>) offsets(%dma_start3A_335 : memref<128xi32, #tpu.memory_space<vmem>>) semaphore(%dma_start3A_340 : memref<!tpu.dma_semaphore, #tpu.memory_space<semaphore_mem>>)
      } else {
      }
      %mul3A_301 = arith.constant 8 : i32
      %mul3A_302 = arith.muli %scan3A_137, %mul3A_301 : i32
      %add3A_303 = arith.constant 7 : i32
      %add3A_304 = arith.addi %mul3A_302, %add3A_303 : i32
      %dma_wait3A_305 = arith.constant 7 : i32
      %dma_wait3A_306 = arith.constant 7 : i32
      %dma_wait3A_307 = arith.constant 0 : i32
      %dma_wait3A_308 = arith.constant 0 : i32
      %dma_wait3A_309 = tpu.memref_slice %arg10[%dma_wait3A_305, %dma_wait3A_307, %dma_wait3A_308] : memref<8x128x48xf32, #tpu.memory_space<vmem>> -> memref<1x128x48xf32, #tpu.memory_space<vmem>>
      %dma_wait3A_310 = tpu.memref_squeeze %dma_wait3A_309 : memref<1x128x48xf32, #tpu.memory_space<vmem>> -> memref<128x48xf32, #tpu.memory_space<vmem>>
      %dma_wait3A_311 = arith.constant 0 : i32
      %dma_wait3A_312 = tpu.memref_slice %arg8[%add3A_304, %dma_wait3A_311] : memref<80x128xi32, #tpu.memory_space<vmem>> -> memref<1x128xi32, #tpu.memory_space<vmem>>
      %dma_wait3A_313 = tpu.memref_squeeze %dma_wait3A_312 : memref<1x128xi32, #tpu.memory_space<vmem>> -> memref<128xi32, #tpu.memory_space<vmem>>
      %dma_wait3A_314 = arith.constant 0 : i32
      %dma_wait3A_315 = arith.constant 0 : i32
      %dma_wait3A_316 = tpu.memref_slice %arg2[%dma_wait3A_314, %dma_wait3A_315] : memref<10128x48xf32, #tpu.memory_space<hbm>> -> memref<10128x48xf32, #tpu.memory_space<hbm>>
      %dma_wait3A_317 = tpu.memref_slice %arg11[%dma_wait3A_306] : memref<8x!tpu.dma_semaphore, #tpu.memory_space<semaphore_mem>> -> memref<1x!tpu.dma_semaphore, #tpu.memory_space<semaphore_mem>>
      %dma_wait3A_318 = tpu.memref_squeeze %dma_wait3A_317 : memref<1x!tpu.dma_semaphore, #tpu.memory_space<semaphore_mem>> -> memref<!tpu.dma_semaphore, #tpu.memory_space<semaphore_mem>>
      tpu.wait_indirect_dma semaphore(%dma_wait3A_318 : memref<!tpu.dma_semaphore, #tpu.memory_space<semaphore_mem>>) src(%dma_wait3A_316 : memref<10128x48xf32, #tpu.memory_space<hbm>>) dst(%dma_wait3A_310 : memref<128x48xf32, #tpu.memory_space<vmem>>)
      %run_scoped3A_319 = arith.constant 7 : i32
      "tpu.region"() ({
        %run_scoped3A_325 = tpu.sem_alloc : memref<!tpu.dma_semaphore, #tpu.memory_space<semaphore_mem>>
        %dma_start3A_326 = arith.constant 0 : i32
        %dma_start3A_327 = arith.constant 0 : i32
        %dma_start3A_328 = tpu.memref_slice %arg10[%run_scoped3A_319, %dma_start3A_326, %dma_start3A_327] : memref<8x128x48xf32, #tpu.memory_space<vmem>> -> memref<1x128x48xf32, #tpu.memory_space<vmem>>
        %dma_start3A_329 = tpu.memref_squeeze %dma_start3A_328 : memref<1x128x48xf32, #tpu.memory_space<vmem>> -> memref<128x48xf32, #tpu.memory_space<vmem>>
        %dma_start3A_330 = arith.constant 0 : i32
        %dma_start3A_331 = tpu.memref_slice %arg9[%add3A_304, %dma_start3A_330] : memref<80x128xi32, #tpu.memory_space<vmem>> -> memref<1x128xi32, #tpu.memory_space<vmem>>
        %dma_start3A_332 = tpu.memref_squeeze %dma_start3A_331 : memref<1x128xi32, #tpu.memory_space<vmem>> -> memref<128xi32, #tpu.memory_space<vmem>>
        %dma_start3A_333 = arith.constant 0 : i32
        %dma_start3A_334 = arith.constant 0 : i32
        %dma_start3A_335 = tpu.memref_slice %arg7[%dma_start3A_333, %dma_start3A_334] : memref<10000x48xf32, #tpu.memory_space<vmem_shared>> -> memref<10000x48xf32, #tpu.memory_space<vmem_shared>>
        tpu.enqueue_indirect_dma source(%dma_start3A_329 : memref<128x48xf32, #tpu.memory_space<vmem>>) target(%dma_start3A_335 : memref<10000x48xf32, #tpu.memory_space<vmem_shared>>) offsets(%dma_start3A_332 : memref<128xi32, #tpu.memory_space<vmem>>) semaphore(%run_scoped3A_325 : memref<!tpu.dma_semaphore, #tpu.memory_space<semaphore_mem>>) {add = true}
        %dma_wait3A_336 = arith.constant 0 : i32
        %dma_wait3A_337 = arith.constant 0 : i32
        %dma_wait3A_338 = tpu.memref_slice %arg10[%run_scoped3A_319, %dma_wait3A_336, %dma_wait3A_337] : memref<8x128x48xf32, #tpu.memory_space<vmem>> -> memref<1x128x48xf32, #tpu.memory_space<vmem>>
        %dma_wait3A_339 = tpu.memref_squeeze %dma_wait3A_338 : memref<1x128x48xf32, #tpu.memory_space<vmem>> -> memref<128x48xf32, #tpu.memory_space<vmem>>
        %dma_wait3A_340 = arith.constant 0 : i32
        %dma_wait3A_341 = tpu.memref_slice %arg9[%add3A_304, %dma_wait3A_340] : memref<80x128xi32, #tpu.memory_space<vmem>> -> memref<1x128xi32, #tpu.memory_space<vmem>>
        %dma_wait3A_342 = tpu.memref_squeeze %dma_wait3A_341 : memref<1x128xi32, #tpu.memory_space<vmem>> -> memref<128xi32, #tpu.memory_space<vmem>>
        %dma_wait3A_343 = arith.constant 0 : i32
        %dma_wait3A_344 = arith.constant 0 : i32
        %dma_wait3A_345 = tpu.memref_slice %arg7[%dma_wait3A_343, %dma_wait3A_344] : memref<10000x48xf32, #tpu.memory_space<vmem_shared>> -> memref<10000x48xf32, #tpu.memory_space<vmem_shared>>
        tpu.wait_indirect_dma semaphore(%run_scoped3A_325 : memref<!tpu.dma_semaphore, #tpu.memory_space<semaphore_mem>>) src(%dma_wait3A_339 : memref<128x48xf32, #tpu.memory_space<vmem>>) dst(%dma_wait3A_345 : memref<10000x48xf32, #tpu.memory_space<vmem_shared>>)
        tpu.yield
      }) : () -> ()
      %lt3A_320 = arith.constant 9 : i32
      %lt3A_321 = arith.cmpi slt, %scan3A_137, %lt3A_320 : i32
      %convert_element_type3A_322 = arith.extui %lt3A_321 : i1 to i32
      %cond3A_323 = arith.constant 0 : i32
      %cond3A_324 = arith.cmpi ne, %convert_element_type3A_322, %cond3A_323 : i32
      scf.if %cond3A_324 {
        %add3A_325 = arith.constant 8 : i32
        %add3A_326 = arith.addi %add3A_304, %add3A_325 : i32
        %dma_start3A_327 = arith.constant 7 : i32
        %dma_start3A_328 = arith.constant 7 : i32
        %dma_start3A_329 = arith.constant 0 : i32
        %dma_start3A_330 = arith.constant 0 : i32
        %dma_start3A_331 = tpu.memref_slice %arg10[%dma_start3A_327, %dma_start3A_329, %dma_start3A_330] : memref<8x128x48xf32, #tpu.memory_space<vmem>> -> memref<1x128x48xf32, #tpu.memory_space<vmem>>
        %dma_start3A_332 = tpu.memref_squeeze %dma_start3A_331 : memref<1x128x48xf32, #tpu.memory_space<vmem>> -> memref<128x48xf32, #tpu.memory_space<vmem>>
        %dma_start3A_333 = arith.constant 0 : i32
        %dma_start3A_334 = tpu.memref_slice %arg8[%add3A_326, %dma_start3A_333] : memref<80x128xi32, #tpu.memory_space<vmem>> -> memref<1x128xi32, #tpu.memory_space<vmem>>
        %dma_start3A_335 = tpu.memref_squeeze %dma_start3A_334 : memref<1x128xi32, #tpu.memory_space<vmem>> -> memref<128xi32, #tpu.memory_space<vmem>>
        %dma_start3A_336 = arith.constant 0 : i32
        %dma_start3A_337 = arith.constant 0 : i32
        %dma_start3A_338 = tpu.memref_slice %arg2[%dma_start3A_336, %dma_start3A_337] : memref<10128x48xf32, #tpu.memory_space<hbm>> -> memref<10128x48xf32, #tpu.memory_space<hbm>>
        %dma_start3A_339 = tpu.memref_slice %arg11[%dma_start3A_328] : memref<8x!tpu.dma_semaphore, #tpu.memory_space<semaphore_mem>> -> memref<1x!tpu.dma_semaphore, #tpu.memory_space<semaphore_mem>>
        %dma_start3A_340 = tpu.memref_squeeze %dma_start3A_339 : memref<1x!tpu.dma_semaphore, #tpu.memory_space<semaphore_mem>> -> memref<!tpu.dma_semaphore, #tpu.memory_space<semaphore_mem>>
        tpu.enqueue_indirect_dma source(%dma_start3A_338 : memref<10128x48xf32, #tpu.memory_space<hbm>>) target(%dma_start3A_332 : memref<128x48xf32, #tpu.memory_space<vmem>>) offsets(%dma_start3A_335 : memref<128xi32, #tpu.memory_space<vmem>>) semaphore(%dma_start3A_340 : memref<!tpu.dma_semaphore, #tpu.memory_space<semaphore_mem>>)
      } else {
      }
    }
    %scan3A_128 = arith.constant 10 : i32
    %barrier3A_129 = arith.constant 0 : index
    tpu.barrier barrier_id(%barrier3A_129)
    %mul3A_130 = arith.constant 625 : i32
    %mul3A_131 = arith.muli %arg1, %mul3A_130 : i32
    %mul3A_132 = arith.constant 10000 : i32
    %mul3A_133 = arith.muli %arg0, %mul3A_132 : i32
    %mul3A_134 = arith.constant 625 : i32
    %mul3A_135 = arith.muli %arg1, %mul3A_134 : i32
    %add3A_136 = arith.addi %mul3A_133, %mul3A_135 : i32
    "tpu.region"() ({
      %run_scoped3A = tpu.sem_alloc : memref<!tpu.dma_semaphore, #tpu.memory_space<semaphore_mem>>
      %dma_start3A_137 = arith.constant 0 : i32
      %dma_start3A_138 = tpu.memref_slice %arg6[%add3A_136, %dma_start3A_137] : memref<20000x48xf32, #tpu.memory_space<hbm>> -> memref<625x48xf32, #tpu.memory_space<hbm>>
      %dma_start3A_139 = arith.constant 0 : i32
      %dma_start3A_140 = tpu.memref_slice %arg7[%mul3A_131, %dma_start3A_139] : memref<10000x48xf32, #tpu.memory_space<vmem_shared>> -> memref<625x48xf32, #tpu.memory_space<vmem_shared>>
      tpu.enqueue_dma source(%dma_start3A_140 : memref<625x48xf32, #tpu.memory_space<vmem_shared>>) target(%dma_start3A_138 : memref<625x48xf32, #tpu.memory_space<hbm>>) target_semaphore(%run_scoped3A : memref<!tpu.dma_semaphore, #tpu.memory_space<semaphore_mem>>)
      %dma_wait3A = arith.constant 0 : i32
      %dma_wait3A_141 = tpu.memref_slice %arg6[%add3A_136, %dma_wait3A] : memref<20000x48xf32, #tpu.memory_space<hbm>> -> memref<625x48xf32, #tpu.memory_space<hbm>>
      %dma_wait3A_142 = arith.constant 0 : i32
      %dma_wait3A_143 = tpu.memref_slice %arg7[%mul3A_131, %dma_wait3A_142] : memref<10000x48xf32, #tpu.memory_space<vmem_shared>> -> memref<625x48xf32, #tpu.memory_space<vmem_shared>>
      tpu.wait_dma2 semaphore(%run_scoped3A : memref<!tpu.dma_semaphore, #tpu.memory_space<semaphore_mem>>) src(%dma_wait3A_143 : memref<625x48xf32, #tpu.memory_space<vmem_shared>>) dst(%dma_wait3A_141 : memref<625x48xf32, #tpu.memory_space<hbm>>)
      tpu.yield
    }) : () -> ()
    return
  }
}

#map = affine_map<(d0, d1) -> (0, 0)>
#map1 = affine_map<(d0, d1) -> (0, 0, 0)>
module attributes {stable_mosaic.version = 14 : i64} {
  func.func @body(%arg0: i32, %arg1: i32, %arg2: memref<10128x64xf32, #tpu.memory_space<hbm>>, %arg3: memref<32x80x128xi32, #tpu.memory_space<hbm>>, %arg4: memref<32x80x128xi32, #tpu.memory_space<hbm>>, %arg5: memref<10000x64xf32, #tpu.memory_space<hbm>>, %arg6: memref<20000x64xf32, #tpu.memory_space<hbm>>, %arg7: memref<10000x64xf32, #tpu.memory_space<vmem_shared>>, %arg8: memref<80x128xi32, #tpu.memory_space<vmem>>, %arg9: memref<80x128xi32, #tpu.memory_space<vmem>>, %arg10: memref<8x128x64xf32, #tpu.memory_space<vmem>>, %arg11: memref<8x!tpu.dma_semaphore, #tpu.memory_space<semaphore_mem>>) attributes {dimension_semantics = [#tpu.dimension_semantics<core_parallel>, #tpu.dimension_semantics<subcore_parallel>], iteration_bounds = array<i64: 2, 16>, scalar_prefetch = 0 : i64, scratch_operands = 5 : i64, tpu.core_type = #tpu.core_type<sc_vector_subcore>, window_params = [{transform_indices = #map}, {transform_indices = #map1}, {transform_indices = #map1}, {transform_indices = #map}, {transform_indices = #map}]} {
    %mul3A = arith.constant 625 : i32
    %mul3A_0 = arith.muli %arg1, %mul3A : i32
    %mul3A_1 = arith.constant 625 : i32
    %mul3A_2 = arith.muli %arg1, %mul3A_1 : i32
    "tpu.region"() ({
      %run_scoped3A = tpu.sem_alloc : memref<!tpu.dma_semaphore, #tpu.memory_space<semaphore_mem>>
      %dma_start3A_137 = arith.constant 0 : i32
      %dma_start3A_138 = tpu.memref_slice %arg7[%mul3A_2, %dma_start3A_137] : memref<10000x64xf32, #tpu.memory_space<vmem_shared>> -> memref<625x64xf32, #tpu.memory_space<vmem_shared>>
      %dma_start3A_139 = arith.constant 0 : i32
      %dma_start3A_140 = tpu.memref_slice %arg5[%mul3A_0, %dma_start3A_139] : memref<10000x64xf32, #tpu.memory_space<hbm>> -> memref<625x64xf32, #tpu.memory_space<hbm>>
      tpu.enqueue_dma source(%dma_start3A_140 : memref<625x64xf32, #tpu.memory_space<hbm>>) target(%dma_start3A_138 : memref<625x64xf32, #tpu.memory_space<vmem_shared>>) target_semaphore(%run_scoped3A : memref<!tpu.dma_semaphore, #tpu.memory_space<semaphore_mem>>)
      %dma_wait3A = arith.constant 0 : i32
      %dma_wait3A_141 = tpu.memref_slice %arg7[%mul3A_2, %dma_wait3A] : memref<10000x64xf32, #tpu.memory_space<vmem_shared>> -> memref<625x64xf32, #tpu.memory_space<vmem_shared>>
      %dma_wait3A_142 = arith.constant 0 : i32
      %dma_wait3A_143 = tpu.memref_slice %arg5[%mul3A_0, %dma_wait3A_142] : memref<10000x64xf32, #tpu.memory_space<hbm>> -> memref<625x64xf32, #tpu.memory_space<hbm>>
      tpu.wait_dma2 semaphore(%run_scoped3A : memref<!tpu.dma_semaphore, #tpu.memory_space<semaphore_mem>>) src(%dma_wait3A_143 : memref<625x64xf32, #tpu.memory_space<hbm>>) dst(%dma_wait3A_141 : memref<625x64xf32, #tpu.memory_space<vmem_shared>>)
      tpu.yield
    }) : () -> ()
    %barrier3A = arith.constant 0 : index
    tpu.barrier barrier_id(%barrier3A)
    %mul3A_3 = arith.constant 16 : i32
    %mul3A_4 = arith.muli %mul3A_3, %arg0 : i32
    %add3A = arith.addi %arg1, %mul3A_4 : i32
    "tpu.region"() ({
      %run_scoped3A = tpu.sem_alloc : memref<!tpu.dma_semaphore, #tpu.memory_space<semaphore_mem>>
      %dma_start3A_137 = arith.constant 0 : i32
      %dma_start3A_138 = arith.constant 0 : i32
      %dma_start3A_139 = tpu.memref_slice %arg3[%add3A, %dma_start3A_137, %dma_start3A_138] : memref<32x80x128xi32, #tpu.memory_space<hbm>> -> memref<1x80x128xi32, #tpu.memory_space<hbm>>
      %dma_start3A_140 = tpu.memref_squeeze %dma_start3A_139 : memref<1x80x128xi32, #tpu.memory_space<hbm>> -> memref<80x128xi32, #tpu.memory_space<hbm>>
      %dma_start3A_141 = arith.constant 0 : i32
      %dma_start3A_142 = arith.constant 0 : i32
      %dma_start3A_143 = tpu.memref_slice %arg3[%add3A, %dma_start3A_141, %dma_start3A_142] : memref<32x80x128xi32, #tpu.memory_space<hbm>> -> memref<1x80x128xi32, #tpu.memory_space<hbm>>
      %dma_start3A_144 = tpu.memref_squeeze %dma_start3A_143 : memref<1x80x128xi32, #tpu.memory_space<hbm>> -> memref<80x128xi32, #tpu.memory_space<hbm>>
      tpu.enqueue_dma source(%dma_start3A_144 : memref<80x128xi32, #tpu.memory_space<hbm>>) target(%arg8 : memref<80x128xi32, #tpu.memory_space<vmem>>) target_semaphore(%run_scoped3A : memref<!tpu.dma_semaphore, #tpu.memory_space<semaphore_mem>>)
      %dma_wait3A = arith.constant 0 : i32
      %dma_wait3A_145 = arith.constant 0 : i32
      %dma_wait3A_146 = tpu.memref_slice %arg3[%add3A, %dma_wait3A, %dma_wait3A_145] : memref<32x80x128xi32, #tpu.memory_space<hbm>> -> memref<1x80x128xi32, #tpu.memory_space<hbm>>
      %dma_wait3A_147 = tpu.memref_squeeze %dma_wait3A_146 : memref<1x80x128xi32, #tpu.memory_space<hbm>> -> memref<80x128xi32, #tpu.memory_space<hbm>>
      %dma_wait3A_148 = arith.constant 0 : i32
      %dma_wait3A_149 = arith.constant 0 : i32
      %dma_wait3A_150 = tpu.memref_slice %arg3[%add3A, %dma_wait3A_148, %dma_wait3A_149] : memref<32x80x128xi32, #tpu.memory_space<hbm>> -> memref<1x80x128xi32, #tpu.memory_space<hbm>>
      %dma_wait3A_151 = tpu.memref_squeeze %dma_wait3A_150 : memref<1x80x128xi32, #tpu.memory_space<hbm>> -> memref<80x128xi32, #tpu.memory_space<hbm>>
      tpu.wait_dma2 semaphore(%run_scoped3A : memref<!tpu.dma_semaphore, #tpu.memory_space<semaphore_mem>>) src(%dma_wait3A_151 : memref<80x128xi32, #tpu.memory_space<hbm>>) dst(%arg8 : memref<80x128xi32, #tpu.memory_space<vmem>>)
      tpu.yield
    }) : () -> ()
    "tpu.region"() ({
      %run_scoped3A = tpu.sem_alloc : memref<!tpu.dma_semaphore, #tpu.memory_space<semaphore_mem>>
      %dma_start3A_137 = arith.constant 0 : i32
      %dma_start3A_138 = arith.constant 0 : i32
      %dma_start3A_139 = tpu.memref_slice %arg4[%add3A, %dma_start3A_137, %dma_start3A_138] : memref<32x80x128xi32, #tpu.memory_space<hbm>> -> memref<1x80x128xi32, #tpu.memory_space<hbm>>
      %dma_start3A_140 = tpu.memref_squeeze %dma_start3A_139 : memref<1x80x128xi32, #tpu.memory_space<hbm>> -> memref<80x128xi32, #tpu.memory_space<hbm>>
      %dma_start3A_141 = arith.constant 0 : i32
      %dma_start3A_142 = arith.constant 0 : i32
      %dma_start3A_143 = tpu.memref_slice %arg4[%add3A, %dma_start3A_141, %dma_start3A_142] : memref<32x80x128xi32, #tpu.memory_space<hbm>> -> memref<1x80x128xi32, #tpu.memory_space<hbm>>
      %dma_start3A_144 = tpu.memref_squeeze %dma_start3A_143 : memref<1x80x128xi32, #tpu.memory_space<hbm>> -> memref<80x128xi32, #tpu.memory_space<hbm>>
      tpu.enqueue_dma source(%dma_start3A_144 : memref<80x128xi32, #tpu.memory_space<hbm>>) target(%arg9 : memref<80x128xi32, #tpu.memory_space<vmem>>) target_semaphore(%run_scoped3A : memref<!tpu.dma_semaphore, #tpu.memory_space<semaphore_mem>>)
      %dma_wait3A = arith.constant 0 : i32
      %dma_wait3A_145 = arith.constant 0 : i32
      %dma_wait3A_146 = tpu.memref_slice %arg4[%add3A, %dma_wait3A, %dma_wait3A_145] : memref<32x80x128xi32, #tpu.memory_space<hbm>> -> memref<1x80x128xi32, #tpu.memory_space<hbm>>
      %dma_wait3A_147 = tpu.memref_squeeze %dma_wait3A_146 : memref<1x80x128xi32, #tpu.memory_space<hbm>> -> memref<80x128xi32, #tpu.memory_space<hbm>>
      %dma_wait3A_148 = arith.constant 0 : i32
      %dma_wait3A_149 = arith.constant 0 : i32
      %dma_wait3A_150 = tpu.memref_slice %arg4[%add3A, %dma_wait3A_148, %dma_wait3A_149] : memref<32x80x128xi32, #tpu.memory_space<hbm>> -> memref<1x80x128xi32, #tpu.memory_space<hbm>>
      %dma_wait3A_151 = tpu.memref_squeeze %dma_wait3A_150 : memref<1x80x128xi32, #tpu.memory_space<hbm>> -> memref<80x128xi32, #tpu.memory_space<hbm>>
      tpu.wait_dma2 semaphore(%run_scoped3A : memref<!tpu.dma_semaphore, #tpu.memory_space<semaphore_mem>>) src(%dma_wait3A_151 : memref<80x128xi32, #tpu.memory_space<hbm>>) dst(%arg9 : memref<80x128xi32, #tpu.memory_space<vmem>>)
      tpu.yield
    }) : () -> ()
    %dma_start3A = arith.constant 0 : i32
    %dma_start3A_5 = arith.constant 0 : i32
    %dma_start3A_6 = arith.constant 0 : i32
    %dma_start3A_7 = arith.constant 0 : i32
    %dma_start3A_8 = arith.constant 0 : i32
    %dma_start3A_9 = tpu.memref_slice %arg10[%dma_start3A_5, %dma_start3A_7, %dma_start3A_8] : memref<8x128x64xf32, #tpu.memory_space<vmem>> -> memref<1x128x64xf32, #tpu.memory_space<vmem>>
    %dma_start3A_10 = tpu.memref_squeeze %dma_start3A_9 : memref<1x128x64xf32, #tpu.memory_space<vmem>> -> memref<128x64xf32, #tpu.memory_space<vmem>>
    %dma_start3A_11 = arith.constant 0 : i32
    %dma_start3A_12 = tpu.memref_slice %arg8[%dma_start3A, %dma_start3A_11] : memref<80x128xi32, #tpu.memory_space<vmem>> -> memref<1x128xi32, #tpu.memory_space<vmem>>
    %dma_start3A_13 = tpu.memref_squeeze %dma_start3A_12 : memref<1x128xi32, #tpu.memory_space<vmem>> -> memref<128xi32, #tpu.memory_space<vmem>>
    %dma_start3A_14 = arith.constant 0 : i32
    %dma_start3A_15 = arith.constant 0 : i32
    %dma_start3A_16 = tpu.memref_slice %arg2[%dma_start3A_14, %dma_start3A_15] : memref<10128x64xf32, #tpu.memory_space<hbm>> -> memref<10128x64xf32, #tpu.memory_space<hbm>>
    %dma_start3A_17 = tpu.memref_slice %arg11[%dma_start3A_6] : memref<8x!tpu.dma_semaphore, #tpu.memory_space<semaphore_mem>> -> memref<1x!tpu.dma_semaphore, #tpu.memory_space<semaphore_mem>>
    %dma_start3A_18 = tpu.memref_squeeze %dma_start3A_17 : memref<1x!tpu.dma_semaphore, #tpu.memory_space<semaphore_mem>> -> memref<!tpu.dma_semaphore, #tpu.memory_space<semaphore_mem>>
    tpu.enqueue_indirect_dma source(%dma_start3A_16 : memref<10128x64xf32, #tpu.memory_space<hbm>>) target(%dma_start3A_10 : memref<128x64xf32, #tpu.memory_space<vmem>>) offsets(%dma_start3A_13 : memref<128xi32, #tpu.memory_space<vmem>>) semaphore(%dma_start3A_18 : memref<!tpu.dma_semaphore, #tpu.memory_space<semaphore_mem>>)
    %dma_start3A_19 = arith.constant 1 : i32
    %dma_start3A_20 = arith.constant 1 : i32
    %dma_start3A_21 = arith.constant 1 : i32
    %dma_start3A_22 = arith.constant 0 : i32
    %dma_start3A_23 = arith.constant 0 : i32
    %dma_start3A_24 = tpu.memref_slice %arg10[%dma_start3A_20, %dma_start3A_22, %dma_start3A_23] : memref<8x128x64xf32, #tpu.memory_space<vmem>> -> memref<1x128x64xf32, #tpu.memory_space<vmem>>
    %dma_start3A_25 = tpu.memref_squeeze %dma_start3A_24 : memref<1x128x64xf32, #tpu.memory_space<vmem>> -> memref<128x64xf32, #tpu.memory_space<vmem>>
    %dma_start3A_26 = arith.constant 0 : i32
    %dma_start3A_27 = tpu.memref_slice %arg8[%dma_start3A_19, %dma_start3A_26] : memref<80x128xi32, #tpu.memory_space<vmem>> -> memref<1x128xi32, #tpu.memory_space<vmem>>
    %dma_start3A_28 = tpu.memref_squeeze %dma_start3A_27 : memref<1x128xi32, #tpu.memory_space<vmem>> -> memref<128xi32, #tpu.memory_space<vmem>>
    %dma_start3A_29 = arith.constant 0 : i32
    %dma_start3A_30 = arith.constant 0 : i32
    %dma_start3A_31 = tpu.memref_slice %arg2[%dma_start3A_29, %dma_start3A_30] : memref<10128x64xf32, #tpu.memory_space<hbm>> -> memref<10128x64xf32, #tpu.memory_space<hbm>>
    %dma_start3A_32 = tpu.memref_slice %arg11[%dma_start3A_21] : memref<8x!tpu.dma_semaphore, #tpu.memory_space<semaphore_mem>> -> memref<1x!tpu.dma_semaphore, #tpu.memory_space<semaphore_mem>>
    %dma_start3A_33 = tpu.memref_squeeze %dma_start3A_32 : memref<1x!tpu.dma_semaphore, #tpu.memory_space<semaphore_mem>> -> memref<!tpu.dma_semaphore, #tpu.memory_space<semaphore_mem>>
    tpu.enqueue_indirect_dma source(%dma_start3A_31 : memref<10128x64xf32, #tpu.memory_space<hbm>>) target(%dma_start3A_25 : memref<128x64xf32, #tpu.memory_space<vmem>>) offsets(%dma_start3A_28 : memref<128xi32, #tpu.memory_space<vmem>>) semaphore(%dma_start3A_33 : memref<!tpu.dma_semaphore, #tpu.memory_space<semaphore_mem>>)
    %dma_start3A_34 = arith.constant 2 : i32
    %dma_start3A_35 = arith.constant 2 : i32
    %dma_start3A_36 = arith.constant 2 : i32
    %dma_start3A_37 = arith.constant 0 : i32
    %dma_start3A_38 = arith.constant 0 : i32
    %dma_start3A_39 = tpu.memref_slice %arg10[%dma_start3A_35, %dma_start3A_37, %dma_start3A_38] : memref<8x128x64xf32, #tpu.memory_space<vmem>> -> memref<1x128x64xf32, #tpu.memory_space<vmem>>
    %dma_start3A_40 = tpu.memref_squeeze %dma_start3A_39 : memref<1x128x64xf32, #tpu.memory_space<vmem>> -> memref<128x64xf32, #tpu.memory_space<vmem>>
    %dma_start3A_41 = arith.constant 0 : i32
    %dma_start3A_42 = tpu.memref_slice %arg8[%dma_start3A_34, %dma_start3A_41] : memref<80x128xi32, #tpu.memory_space<vmem>> -> memref<1x128xi32, #tpu.memory_space<vmem>>
    %dma_start3A_43 = tpu.memref_squeeze %dma_start3A_42 : memref<1x128xi32, #tpu.memory_space<vmem>> -> memref<128xi32, #tpu.memory_space<vmem>>
    %dma_start3A_44 = arith.constant 0 : i32
    %dma_start3A_45 = arith.constant 0 : i32
    %dma_start3A_46 = tpu.memref_slice %arg2[%dma_start3A_44, %dma_start3A_45] : memref<10128x64xf32, #tpu.memory_space<hbm>> -> memref<10128x64xf32, #tpu.memory_space<hbm>>
    %dma_start3A_47 = tpu.memref_slice %arg11[%dma_start3A_36] : memref<8x!tpu.dma_semaphore, #tpu.memory_space<semaphore_mem>> -> memref<1x!tpu.dma_semaphore, #tpu.memory_space<semaphore_mem>>
    %dma_start3A_48 = tpu.memref_squeeze %dma_start3A_47 : memref<1x!tpu.dma_semaphore, #tpu.memory_space<semaphore_mem>> -> memref<!tpu.dma_semaphore, #tpu.memory_space<semaphore_mem>>
    tpu.enqueue_indirect_dma source(%dma_start3A_46 : memref<10128x64xf32, #tpu.memory_space<hbm>>) target(%dma_start3A_40 : memref<128x64xf32, #tpu.memory_space<vmem>>) offsets(%dma_start3A_43 : memref<128xi32, #tpu.memory_space<vmem>>) semaphore(%dma_start3A_48 : memref<!tpu.dma_semaphore, #tpu.memory_space<semaphore_mem>>)
    %dma_start3A_49 = arith.constant 3 : i32
    %dma_start3A_50 = arith.constant 3 : i32
    %dma_start3A_51 = arith.constant 3 : i32
    %dma_start3A_52 = arith.constant 0 : i32
    %dma_start3A_53 = arith.constant 0 : i32
    %dma_start3A_54 = tpu.memref_slice %arg10[%dma_start3A_50, %dma_start3A_52, %dma_start3A_53] : memref<8x128x64xf32, #tpu.memory_space<vmem>> -> memref<1x128x64xf32, #tpu.memory_space<vmem>>
    %dma_start3A_55 = tpu.memref_squeeze %dma_start3A_54 : memref<1x128x64xf32, #tpu.memory_space<vmem>> -> memref<128x64xf32, #tpu.memory_space<vmem>>
    %dma_start3A_56 = arith.constant 0 : i32
    %dma_start3A_57 = tpu.memref_slice %arg8[%dma_start3A_49, %dma_start3A_56] : memref<80x128xi32, #tpu.memory_space<vmem>> -> memref<1x128xi32, #tpu.memory_space<vmem>>
    %dma_start3A_58 = tpu.memref_squeeze %dma_start3A_57 : memref<1x128xi32, #tpu.memory_space<vmem>> -> memref<128xi32, #tpu.memory_space<vmem>>
    %dma_start3A_59 = arith.constant 0 : i32
    %dma_start3A_60 = arith.constant 0 : i32
    %dma_start3A_61 = tpu.memref_slice %arg2[%dma_start3A_59, %dma_start3A_60] : memref<10128x64xf32, #tpu.memory_space<hbm>> -> memref<10128x64xf32, #tpu.memory_space<hbm>>
    %dma_start3A_62 = tpu.memref_slice %arg11[%dma_start3A_51] : memref<8x!tpu.dma_semaphore, #tpu.memory_space<semaphore_mem>> -> memref<1x!tpu.dma_semaphore, #tpu.memory_space<semaphore_mem>>
    %dma_start3A_63 = tpu.memref_squeeze %dma_start3A_62 : memref<1x!tpu.dma_semaphore, #tpu.memory_space<semaphore_mem>> -> memref<!tpu.dma_semaphore, #tpu.memory_space<semaphore_mem>>
    tpu.enqueue_indirect_dma source(%dma_start3A_61 : memref<10128x64xf32, #tpu.memory_space<hbm>>) target(%dma_start3A_55 : memref<128x64xf32, #tpu.memory_space<vmem>>) offsets(%dma_start3A_58 : memref<128xi32, #tpu.memory_space<vmem>>) semaphore(%dma_start3A_63 : memref<!tpu.dma_semaphore, #tpu.memory_space<semaphore_mem>>)
    %dma_start3A_64 = arith.constant 4 : i32
    %dma_start3A_65 = arith.constant 4 : i32
    %dma_start3A_66 = arith.constant 4 : i32
    %dma_start3A_67 = arith.constant 0 : i32
    %dma_start3A_68 = arith.constant 0 : i32
    %dma_start3A_69 = tpu.memref_slice %arg10[%dma_start3A_65, %dma_start3A_67, %dma_start3A_68] : memref<8x128x64xf32, #tpu.memory_space<vmem>> -> memref<1x128x64xf32, #tpu.memory_space<vmem>>
    %dma_start3A_70 = tpu.memref_squeeze %dma_start3A_69 : memref<1x128x64xf32, #tpu.memory_space<vmem>> -> memref<128x64xf32, #tpu.memory_space<vmem>>
    %dma_start3A_71 = arith.constant 0 : i32
    %dma_start3A_72 = tpu.memref_slice %arg8[%dma_start3A_64, %dma_start3A_71] : memref<80x128xi32, #tpu.memory_space<vmem>> -> memref<1x128xi32, #tpu.memory_space<vmem>>
    %dma_start3A_73 = tpu.memref_squeeze %dma_start3A_72 : memref<1x128xi32, #tpu.memory_space<vmem>> -> memref<128xi32, #tpu.memory_space<vmem>>
    %dma_start3A_74 = arith.constant 0 : i32
    %dma_start3A_75 = arith.constant 0 : i32
    %dma_start3A_76 = tpu.memref_slice %arg2[%dma_start3A_74, %dma_start3A_75] : memref<10128x64xf32, #tpu.memory_space<hbm>> -> memref<10128x64xf32, #tpu.memory_space<hbm>>
    %dma_start3A_77 = tpu.memref_slice %arg11[%dma_start3A_66] : memref<8x!tpu.dma_semaphore, #tpu.memory_space<semaphore_mem>> -> memref<1x!tpu.dma_semaphore, #tpu.memory_space<semaphore_mem>>
    %dma_start3A_78 = tpu.memref_squeeze %dma_start3A_77 : memref<1x!tpu.dma_semaphore, #tpu.memory_space<semaphore_mem>> -> memref<!tpu.dma_semaphore, #tpu.memory_space<semaphore_mem>>
    tpu.enqueue_indirect_dma source(%dma_start3A_76 : memref<10128x64xf32, #tpu.memory_space<hbm>>) target(%dma_start3A_70 : memref<128x64xf32, #tpu.memory_space<vmem>>) offsets(%dma_start3A_73 : memref<128xi32, #tpu.memory_space<vmem>>) semaphore(%dma_start3A_78 : memref<!tpu.dma_semaphore, #tpu.memory_space<semaphore_mem>>)
    %dma_start3A_79 = arith.constant 5 : i32
    %dma_start3A_80 = arith.constant 5 : i32
    %dma_start3A_81 = arith.constant 5 : i32
    %dma_start3A_82 = arith.constant 0 : i32
    %dma_start3A_83 = arith.constant 0 : i32
    %dma_start3A_84 = tpu.memref_slice %arg10[%dma_start3A_80, %dma_start3A_82, %dma_start3A_83] : memref<8x128x64xf32, #tpu.memory_space<vmem>> -> memref<1x128x64xf32, #tpu.memory_space<vmem>>
    %dma_start3A_85 = tpu.memref_squeeze %dma_start3A_84 : memref<1x128x64xf32, #tpu.memory_space<vmem>> -> memref<128x64xf32, #tpu.memory_space<vmem>>
    %dma_start3A_86 = arith.constant 0 : i32
    %dma_start3A_87 = tpu.memref_slice %arg8[%dma_start3A_79, %dma_start3A_86] : memref<80x128xi32, #tpu.memory_space<vmem>> -> memref<1x128xi32, #tpu.memory_space<vmem>>
    %dma_start3A_88 = tpu.memref_squeeze %dma_start3A_87 : memref<1x128xi32, #tpu.memory_space<vmem>> -> memref<128xi32, #tpu.memory_space<vmem>>
    %dma_start3A_89 = arith.constant 0 : i32
    %dma_start3A_90 = arith.constant 0 : i32
    %dma_start3A_91 = tpu.memref_slice %arg2[%dma_start3A_89, %dma_start3A_90] : memref<10128x64xf32, #tpu.memory_space<hbm>> -> memref<10128x64xf32, #tpu.memory_space<hbm>>
    %dma_start3A_92 = tpu.memref_slice %arg11[%dma_start3A_81] : memref<8x!tpu.dma_semaphore, #tpu.memory_space<semaphore_mem>> -> memref<1x!tpu.dma_semaphore, #tpu.memory_space<semaphore_mem>>
    %dma_start3A_93 = tpu.memref_squeeze %dma_start3A_92 : memref<1x!tpu.dma_semaphore, #tpu.memory_space<semaphore_mem>> -> memref<!tpu.dma_semaphore, #tpu.memory_space<semaphore_mem>>
    tpu.enqueue_indirect_dma source(%dma_start3A_91 : memref<10128x64xf32, #tpu.memory_space<hbm>>) target(%dma_start3A_85 : memref<128x64xf32, #tpu.memory_space<vmem>>) offsets(%dma_start3A_88 : memref<128xi32, #tpu.memory_space<vmem>>) semaphore(%dma_start3A_93 : memref<!tpu.dma_semaphore, #tpu.memory_space<semaphore_mem>>)
    %dma_start3A_94 = arith.constant 6 : i32
    %dma_start3A_95 = arith.constant 6 : i32
    %dma_start3A_96 = arith.constant 6 : i32
    %dma_start3A_97 = arith.constant 0 : i32
    %dma_start3A_98 = arith.constant 0 : i32
    %dma_start3A_99 = tpu.memref_slice %arg10[%dma_start3A_95, %dma_start3A_97, %dma_start3A_98] : memref<8x128x64xf32, #tpu.memory_space<vmem>> -> memref<1x128x64xf32, #tpu.memory_space<vmem>>
    %dma_start3A_100 = tpu.memref_squeeze %dma_start3A_99 : memref<1x128x64xf32, #tpu.memory_space<vmem>> -> memref<128x64xf32, #tpu.memory_space<vmem>>
    %dma_start3A_101 = arith.constant 0 : i32
    %dma_start3A_102 = tpu.memref_slice %arg8[%dma_start3A_94, %dma_start3A_101] : memref<80x128xi32, #tpu.memory_space<vmem>> -> memref<1x128xi32, #tpu.memory_space<vmem>>
    %dma_start3A_103 = tpu.memref_squeeze %dma_start3A_102 : memref<1x128xi32, #tpu.memory_space<vmem>> -> memref<128xi32, #tpu.memory_space<vmem>>
    %dma_start3A_104 = arith.constant 0 : i32
    %dma_start3A_105 = arith.constant 0 : i32
    %dma_start3A_106 = tpu.memref_slice %arg2[%dma_start3A_104, %dma_start3A_105] : memref<10128x64xf32, #tpu.memory_space<hbm>> -> memref<10128x64xf32, #tpu.memory_space<hbm>>
    %dma_start3A_107 = tpu.memref_slice %arg11[%dma_start3A_96] : memref<8x!tpu.dma_semaphore, #tpu.memory_space<semaphore_mem>> -> memref<1x!tpu.dma_semaphore, #tpu.memory_space<semaphore_mem>>
    %dma_start3A_108 = tpu.memref_squeeze %dma_start3A_107 : memref<1x!tpu.dma_semaphore, #tpu.memory_space<semaphore_mem>> -> memref<!tpu.dma_semaphore, #tpu.memory_space<semaphore_mem>>
    tpu.enqueue_indirect_dma source(%dma_start3A_106 : memref<10128x64xf32, #tpu.memory_space<hbm>>) target(%dma_start3A_100 : memref<128x64xf32, #tpu.memory_space<vmem>>) offsets(%dma_start3A_103 : memref<128xi32, #tpu.memory_space<vmem>>) semaphore(%dma_start3A_108 : memref<!tpu.dma_semaphore, #tpu.memory_space<semaphore_mem>>)
    %dma_start3A_109 = arith.constant 7 : i32
    %dma_start3A_110 = arith.constant 7 : i32
    %dma_start3A_111 = arith.constant 7 : i32
    %dma_start3A_112 = arith.constant 0 : i32
    %dma_start3A_113 = arith.constant 0 : i32
    %dma_start3A_114 = tpu.memref_slice %arg10[%dma_start3A_110, %dma_start3A_112, %dma_start3A_113] : memref<8x128x64xf32, #tpu.memory_space<vmem>> -> memref<1x128x64xf32, #tpu.memory_space<vmem>>
    %dma_start3A_115 = tpu.memref_squeeze %dma_start3A_114 : memref<1x128x64xf32, #tpu.memory_space<vmem>> -> memref<128x64xf32, #tpu.memory_space<vmem>>
    %dma_start3A_116 = arith.constant 0 : i32
    %dma_start3A_117 = tpu.memref_slice %arg8[%dma_start3A_109, %dma_start3A_116] : memref<80x128xi32, #tpu.memory_space<vmem>> -> memref<1x128xi32, #tpu.memory_space<vmem>>
    %dma_start3A_118 = tpu.memref_squeeze %dma_start3A_117 : memref<1x128xi32, #tpu.memory_space<vmem>> -> memref<128xi32, #tpu.memory_space<vmem>>
    %dma_start3A_119 = arith.constant 0 : i32
    %dma_start3A_120 = arith.constant 0 : i32
    %dma_start3A_121 = tpu.memref_slice %arg2[%dma_start3A_119, %dma_start3A_120] : memref<10128x64xf32, #tpu.memory_space<hbm>> -> memref<10128x64xf32, #tpu.memory_space<hbm>>
    %dma_start3A_122 = tpu.memref_slice %arg11[%dma_start3A_111] : memref<8x!tpu.dma_semaphore, #tpu.memory_space<semaphore_mem>> -> memref<1x!tpu.dma_semaphore, #tpu.memory_space<semaphore_mem>>
    %dma_start3A_123 = tpu.memref_squeeze %dma_start3A_122 : memref<1x!tpu.dma_semaphore, #tpu.memory_space<semaphore_mem>> -> memref<!tpu.dma_semaphore, #tpu.memory_space<semaphore_mem>>
    tpu.enqueue_indirect_dma source(%dma_start3A_121 : memref<10128x64xf32, #tpu.memory_space<hbm>>) target(%dma_start3A_115 : memref<128x64xf32, #tpu.memory_space<vmem>>) offsets(%dma_start3A_118 : memref<128xi32, #tpu.memory_space<vmem>>) semaphore(%dma_start3A_123 : memref<!tpu.dma_semaphore, #tpu.memory_space<semaphore_mem>>)
    %scan3A = arith.constant 0 : i32
    %scan3A_124 = arith.constant 0 : i32
    %scan3A_125 = arith.constant 10 : i32
    %scan3A_126 = arith.addi %scan3A_124, %scan3A_125 : i32
    %scan3A_127 = arith.constant 1 : i32
    scf.for %scan3A_137 = %scan3A_124 to %scan3A_126 step %scan3A_127  : i32 {
      %mul3A_138 = arith.constant 8 : i32
      %mul3A_139 = arith.muli %scan3A_137, %mul3A_138 : i32
      %add3A_140 = arith.constant 0 : i32
      %add3A_141 = arith.addi %mul3A_139, %add3A_140 : i32
      %dma_wait3A = arith.constant 0 : i32
      %dma_wait3A_142 = arith.constant 0 : i32
      %dma_wait3A_143 = arith.constant 0 : i32
      %dma_wait3A_144 = arith.constant 0 : i32
      %dma_wait3A_145 = tpu.memref_slice %arg10[%dma_wait3A, %dma_wait3A_143, %dma_wait3A_144] : memref<8x128x64xf32, #tpu.memory_space<vmem>> -> memref<1x128x64xf32, #tpu.memory_space<vmem>>
      %dma_wait3A_146 = tpu.memref_squeeze %dma_wait3A_145 : memref<1x128x64xf32, #tpu.memory_space<vmem>> -> memref<128x64xf32, #tpu.memory_space<vmem>>
      %dma_wait3A_147 = arith.constant 0 : i32
      %dma_wait3A_148 = tpu.memref_slice %arg8[%add3A_141, %dma_wait3A_147] : memref<80x128xi32, #tpu.memory_space<vmem>> -> memref<1x128xi32, #tpu.memory_space<vmem>>
      %dma_wait3A_149 = tpu.memref_squeeze %dma_wait3A_148 : memref<1x128xi32, #tpu.memory_space<vmem>> -> memref<128xi32, #tpu.memory_space<vmem>>
      %dma_wait3A_150 = arith.constant 0 : i32
      %dma_wait3A_151 = arith.constant 0 : i32
      %dma_wait3A_152 = tpu.memref_slice %arg2[%dma_wait3A_150, %dma_wait3A_151] : memref<10128x64xf32, #tpu.memory_space<hbm>> -> memref<10128x64xf32, #tpu.memory_space<hbm>>
      %dma_wait3A_153 = tpu.memref_slice %arg11[%dma_wait3A_142] : memref<8x!tpu.dma_semaphore, #tpu.memory_space<semaphore_mem>> -> memref<1x!tpu.dma_semaphore, #tpu.memory_space<semaphore_mem>>
      %dma_wait3A_154 = tpu.memref_squeeze %dma_wait3A_153 : memref<1x!tpu.dma_semaphore, #tpu.memory_space<semaphore_mem>> -> memref<!tpu.dma_semaphore, #tpu.memory_space<semaphore_mem>>
      tpu.wait_indirect_dma semaphore(%dma_wait3A_154 : memref<!tpu.dma_semaphore, #tpu.memory_space<semaphore_mem>>) src(%dma_wait3A_152 : memref<10128x64xf32, #tpu.memory_space<hbm>>) dst(%dma_wait3A_146 : memref<128x64xf32, #tpu.memory_space<vmem>>)
      %run_scoped3A = arith.constant 0 : i32
      "tpu.region"() ({
        %run_scoped3A_325 = tpu.sem_alloc : memref<!tpu.dma_semaphore, #tpu.memory_space<semaphore_mem>>
        %dma_start3A_326 = arith.constant 0 : i32
        %dma_start3A_327 = arith.constant 0 : i32
        %dma_start3A_328 = tpu.memref_slice %arg10[%run_scoped3A, %dma_start3A_326, %dma_start3A_327] : memref<8x128x64xf32, #tpu.memory_space<vmem>> -> memref<1x128x64xf32, #tpu.memory_space<vmem>>
        %dma_start3A_329 = tpu.memref_squeeze %dma_start3A_328 : memref<1x128x64xf32, #tpu.memory_space<vmem>> -> memref<128x64xf32, #tpu.memory_space<vmem>>
        %dma_start3A_330 = arith.constant 0 : i32
        %dma_start3A_331 = tpu.memref_slice %arg9[%add3A_141, %dma_start3A_330] : memref<80x128xi32, #tpu.memory_space<vmem>> -> memref<1x128xi32, #tpu.memory_space<vmem>>
        %dma_start3A_332 = tpu.memref_squeeze %dma_start3A_331 : memref<1x128xi32, #tpu.memory_space<vmem>> -> memref<128xi32, #tpu.memory_space<vmem>>
        %dma_start3A_333 = arith.constant 0 : i32
        %dma_start3A_334 = arith.constant 0 : i32
        %dma_start3A_335 = tpu.memref_slice %arg7[%dma_start3A_333, %dma_start3A_334] : memref<10000x64xf32, #tpu.memory_space<vmem_shared>> -> memref<10000x64xf32, #tpu.memory_space<vmem_shared>>
        tpu.enqueue_indirect_dma source(%dma_start3A_329 : memref<128x64xf32, #tpu.memory_space<vmem>>) target(%dma_start3A_335 : memref<10000x64xf32, #tpu.memory_space<vmem_shared>>) offsets(%dma_start3A_332 : memref<128xi32, #tpu.memory_space<vmem>>) semaphore(%run_scoped3A_325 : memref<!tpu.dma_semaphore, #tpu.memory_space<semaphore_mem>>) {add = true}
        %dma_wait3A_336 = arith.constant 0 : i32
        %dma_wait3A_337 = arith.constant 0 : i32
        %dma_wait3A_338 = tpu.memref_slice %arg10[%run_scoped3A, %dma_wait3A_336, %dma_wait3A_337] : memref<8x128x64xf32, #tpu.memory_space<vmem>> -> memref<1x128x64xf32, #tpu.memory_space<vmem>>
        %dma_wait3A_339 = tpu.memref_squeeze %dma_wait3A_338 : memref<1x128x64xf32, #tpu.memory_space<vmem>> -> memref<128x64xf32, #tpu.memory_space<vmem>>
        %dma_wait3A_340 = arith.constant 0 : i32
        %dma_wait3A_341 = tpu.memref_slice %arg9[%add3A_141, %dma_wait3A_340] : memref<80x128xi32, #tpu.memory_space<vmem>> -> memref<1x128xi32, #tpu.memory_space<vmem>>
        %dma_wait3A_342 = tpu.memref_squeeze %dma_wait3A_341 : memref<1x128xi32, #tpu.memory_space<vmem>> -> memref<128xi32, #tpu.memory_space<vmem>>
        %dma_wait3A_343 = arith.constant 0 : i32
        %dma_wait3A_344 = arith.constant 0 : i32
        %dma_wait3A_345 = tpu.memref_slice %arg7[%dma_wait3A_343, %dma_wait3A_344] : memref<10000x64xf32, #tpu.memory_space<vmem_shared>> -> memref<10000x64xf32, #tpu.memory_space<vmem_shared>>
        tpu.wait_indirect_dma semaphore(%run_scoped3A_325 : memref<!tpu.dma_semaphore, #tpu.memory_space<semaphore_mem>>) src(%dma_wait3A_339 : memref<128x64xf32, #tpu.memory_space<vmem>>) dst(%dma_wait3A_345 : memref<10000x64xf32, #tpu.memory_space<vmem_shared>>)
        tpu.yield
      }) : () -> ()
      %lt3A = arith.constant 9 : i32
      %lt3A_155 = arith.cmpi slt, %scan3A_137, %lt3A : i32
      %convert_element_type3A = arith.extui %lt3A_155 : i1 to i32
      %cond3A = arith.constant 0 : i32
      %cond3A_156 = arith.cmpi ne, %convert_element_type3A, %cond3A : i32
      scf.if %cond3A_156 {
        %add3A_325 = arith.constant 8 : i32
        %add3A_326 = arith.addi %add3A_141, %add3A_325 : i32
        %dma_start3A_327 = arith.constant 0 : i32
        %dma_start3A_328 = arith.constant 0 : i32
        %dma_start3A_329 = arith.constant 0 : i32
        %dma_start3A_330 = arith.constant 0 : i32
        %dma_start3A_331 = tpu.memref_slice %arg10[%dma_start3A_327, %dma_start3A_329, %dma_start3A_330] : memref<8x128x64xf32, #tpu.memory_space<vmem>> -> memref<1x128x64xf32, #tpu.memory_space<vmem>>
        %dma_start3A_332 = tpu.memref_squeeze %dma_start3A_331 : memref<1x128x64xf32, #tpu.memory_space<vmem>> -> memref<128x64xf32, #tpu.memory_space<vmem>>
        %dma_start3A_333 = arith.constant 0 : i32
        %dma_start3A_334 = tpu.memref_slice %arg8[%add3A_326, %dma_start3A_333] : memref<80x128xi32, #tpu.memory_space<vmem>> -> memref<1x128xi32, #tpu.memory_space<vmem>>
        %dma_start3A_335 = tpu.memref_squeeze %dma_start3A_334 : memref<1x128xi32, #tpu.memory_space<vmem>> -> memref<128xi32, #tpu.memory_space<vmem>>
        %dma_start3A_336 = arith.constant 0 : i32
        %dma_start3A_337 = arith.constant 0 : i32
        %dma_start3A_338 = tpu.memref_slice %arg2[%dma_start3A_336, %dma_start3A_337] : memref<10128x64xf32, #tpu.memory_space<hbm>> -> memref<10128x64xf32, #tpu.memory_space<hbm>>
        %dma_start3A_339 = tpu.memref_slice %arg11[%dma_start3A_328] : memref<8x!tpu.dma_semaphore, #tpu.memory_space<semaphore_mem>> -> memref<1x!tpu.dma_semaphore, #tpu.memory_space<semaphore_mem>>
        %dma_start3A_340 = tpu.memref_squeeze %dma_start3A_339 : memref<1x!tpu.dma_semaphore, #tpu.memory_space<semaphore_mem>> -> memref<!tpu.dma_semaphore, #tpu.memory_space<semaphore_mem>>
        tpu.enqueue_indirect_dma source(%dma_start3A_338 : memref<10128x64xf32, #tpu.memory_space<hbm>>) target(%dma_start3A_332 : memref<128x64xf32, #tpu.memory_space<vmem>>) offsets(%dma_start3A_335 : memref<128xi32, #tpu.memory_space<vmem>>) semaphore(%dma_start3A_340 : memref<!tpu.dma_semaphore, #tpu.memory_space<semaphore_mem>>)
      } else {
      }
      %mul3A_157 = arith.constant 8 : i32
      %mul3A_158 = arith.muli %scan3A_137, %mul3A_157 : i32
      %add3A_159 = arith.constant 1 : i32
      %add3A_160 = arith.addi %mul3A_158, %add3A_159 : i32
      %dma_wait3A_161 = arith.constant 1 : i32
      %dma_wait3A_162 = arith.constant 1 : i32
      %dma_wait3A_163 = arith.constant 0 : i32
      %dma_wait3A_164 = arith.constant 0 : i32
      %dma_wait3A_165 = tpu.memref_slice %arg10[%dma_wait3A_161, %dma_wait3A_163, %dma_wait3A_164] : memref<8x128x64xf32, #tpu.memory_space<vmem>> -> memref<1x128x64xf32, #tpu.memory_space<vmem>>
      %dma_wait3A_166 = tpu.memref_squeeze %dma_wait3A_165 : memref<1x128x64xf32, #tpu.memory_space<vmem>> -> memref<128x64xf32, #tpu.memory_space<vmem>>
      %dma_wait3A_167 = arith.constant 0 : i32
      %dma_wait3A_168 = tpu.memref_slice %arg8[%add3A_160, %dma_wait3A_167] : memref<80x128xi32, #tpu.memory_space<vmem>> -> memref<1x128xi32, #tpu.memory_space<vmem>>
      %dma_wait3A_169 = tpu.memref_squeeze %dma_wait3A_168 : memref<1x128xi32, #tpu.memory_space<vmem>> -> memref<128xi32, #tpu.memory_space<vmem>>
      %dma_wait3A_170 = arith.constant 0 : i32
      %dma_wait3A_171 = arith.constant 0 : i32
      %dma_wait3A_172 = tpu.memref_slice %arg2[%dma_wait3A_170, %dma_wait3A_171] : memref<10128x64xf32, #tpu.memory_space<hbm>> -> memref<10128x64xf32, #tpu.memory_space<hbm>>
      %dma_wait3A_173 = tpu.memref_slice %arg11[%dma_wait3A_162] : memref<8x!tpu.dma_semaphore, #tpu.memory_space<semaphore_mem>> -> memref<1x!tpu.dma_semaphore, #tpu.memory_space<semaphore_mem>>
      %dma_wait3A_174 = tpu.memref_squeeze %dma_wait3A_173 : memref<1x!tpu.dma_semaphore, #tpu.memory_space<semaphore_mem>> -> memref<!tpu.dma_semaphore, #tpu.memory_space<semaphore_mem>>
      tpu.wait_indirect_dma semaphore(%dma_wait3A_174 : memref<!tpu.dma_semaphore, #tpu.memory_space<semaphore_mem>>) src(%dma_wait3A_172 : memref<10128x64xf32, #tpu.memory_space<hbm>>) dst(%dma_wait3A_166 : memref<128x64xf32, #tpu.memory_space<vmem>>)
      %run_scoped3A_175 = arith.constant 1 : i32
      "tpu.region"() ({
        %run_scoped3A_325 = tpu.sem_alloc : memref<!tpu.dma_semaphore, #tpu.memory_space<semaphore_mem>>
        %dma_start3A_326 = arith.constant 0 : i32
        %dma_start3A_327 = arith.constant 0 : i32
        %dma_start3A_328 = tpu.memref_slice %arg10[%run_scoped3A_175, %dma_start3A_326, %dma_start3A_327] : memref<8x128x64xf32, #tpu.memory_space<vmem>> -> memref<1x128x64xf32, #tpu.memory_space<vmem>>
        %dma_start3A_329 = tpu.memref_squeeze %dma_start3A_328 : memref<1x128x64xf32, #tpu.memory_space<vmem>> -> memref<128x64xf32, #tpu.memory_space<vmem>>
        %dma_start3A_330 = arith.constant 0 : i32
        %dma_start3A_331 = tpu.memref_slice %arg9[%add3A_160, %dma_start3A_330] : memref<80x128xi32, #tpu.memory_space<vmem>> -> memref<1x128xi32, #tpu.memory_space<vmem>>
        %dma_start3A_332 = tpu.memref_squeeze %dma_start3A_331 : memref<1x128xi32, #tpu.memory_space<vmem>> -> memref<128xi32, #tpu.memory_space<vmem>>
        %dma_start3A_333 = arith.constant 0 : i32
        %dma_start3A_334 = arith.constant 0 : i32
        %dma_start3A_335 = tpu.memref_slice %arg7[%dma_start3A_333, %dma_start3A_334] : memref<10000x64xf32, #tpu.memory_space<vmem_shared>> -> memref<10000x64xf32, #tpu.memory_space<vmem_shared>>
        tpu.enqueue_indirect_dma source(%dma_start3A_329 : memref<128x64xf32, #tpu.memory_space<vmem>>) target(%dma_start3A_335 : memref<10000x64xf32, #tpu.memory_space<vmem_shared>>) offsets(%dma_start3A_332 : memref<128xi32, #tpu.memory_space<vmem>>) semaphore(%run_scoped3A_325 : memref<!tpu.dma_semaphore, #tpu.memory_space<semaphore_mem>>) {add = true}
        %dma_wait3A_336 = arith.constant 0 : i32
        %dma_wait3A_337 = arith.constant 0 : i32
        %dma_wait3A_338 = tpu.memref_slice %arg10[%run_scoped3A_175, %dma_wait3A_336, %dma_wait3A_337] : memref<8x128x64xf32, #tpu.memory_space<vmem>> -> memref<1x128x64xf32, #tpu.memory_space<vmem>>
        %dma_wait3A_339 = tpu.memref_squeeze %dma_wait3A_338 : memref<1x128x64xf32, #tpu.memory_space<vmem>> -> memref<128x64xf32, #tpu.memory_space<vmem>>
        %dma_wait3A_340 = arith.constant 0 : i32
        %dma_wait3A_341 = tpu.memref_slice %arg9[%add3A_160, %dma_wait3A_340] : memref<80x128xi32, #tpu.memory_space<vmem>> -> memref<1x128xi32, #tpu.memory_space<vmem>>
        %dma_wait3A_342 = tpu.memref_squeeze %dma_wait3A_341 : memref<1x128xi32, #tpu.memory_space<vmem>> -> memref<128xi32, #tpu.memory_space<vmem>>
        %dma_wait3A_343 = arith.constant 0 : i32
        %dma_wait3A_344 = arith.constant 0 : i32
        %dma_wait3A_345 = tpu.memref_slice %arg7[%dma_wait3A_343, %dma_wait3A_344] : memref<10000x64xf32, #tpu.memory_space<vmem_shared>> -> memref<10000x64xf32, #tpu.memory_space<vmem_shared>>
        tpu.wait_indirect_dma semaphore(%run_scoped3A_325 : memref<!tpu.dma_semaphore, #tpu.memory_space<semaphore_mem>>) src(%dma_wait3A_339 : memref<128x64xf32, #tpu.memory_space<vmem>>) dst(%dma_wait3A_345 : memref<10000x64xf32, #tpu.memory_space<vmem_shared>>)
        tpu.yield
      }) : () -> ()
      %lt3A_176 = arith.constant 9 : i32
      %lt3A_177 = arith.cmpi slt, %scan3A_137, %lt3A_176 : i32
      %convert_element_type3A_178 = arith.extui %lt3A_177 : i1 to i32
      %cond3A_179 = arith.constant 0 : i32
      %cond3A_180 = arith.cmpi ne, %convert_element_type3A_178, %cond3A_179 : i32
      scf.if %cond3A_180 {
        %add3A_325 = arith.constant 8 : i32
        %add3A_326 = arith.addi %add3A_160, %add3A_325 : i32
        %dma_start3A_327 = arith.constant 1 : i32
        %dma_start3A_328 = arith.constant 1 : i32
        %dma_start3A_329 = arith.constant 0 : i32
        %dma_start3A_330 = arith.constant 0 : i32
        %dma_start3A_331 = tpu.memref_slice %arg10[%dma_start3A_327, %dma_start3A_329, %dma_start3A_330] : memref<8x128x64xf32, #tpu.memory_space<vmem>> -> memref<1x128x64xf32, #tpu.memory_space<vmem>>
        %dma_start3A_332 = tpu.memref_squeeze %dma_start3A_331 : memref<1x128x64xf32, #tpu.memory_space<vmem>> -> memref<128x64xf32, #tpu.memory_space<vmem>>
        %dma_start3A_333 = arith.constant 0 : i32
        %dma_start3A_334 = tpu.memref_slice %arg8[%add3A_326, %dma_start3A_333] : memref<80x128xi32, #tpu.memory_space<vmem>> -> memref<1x128xi32, #tpu.memory_space<vmem>>
        %dma_start3A_335 = tpu.memref_squeeze %dma_start3A_334 : memref<1x128xi32, #tpu.memory_space<vmem>> -> memref<128xi32, #tpu.memory_space<vmem>>
        %dma_start3A_336 = arith.constant 0 : i32
        %dma_start3A_337 = arith.constant 0 : i32
        %dma_start3A_338 = tpu.memref_slice %arg2[%dma_start3A_336, %dma_start3A_337] : memref<10128x64xf32, #tpu.memory_space<hbm>> -> memref<10128x64xf32, #tpu.memory_space<hbm>>
        %dma_start3A_339 = tpu.memref_slice %arg11[%dma_start3A_328] : memref<8x!tpu.dma_semaphore, #tpu.memory_space<semaphore_mem>> -> memref<1x!tpu.dma_semaphore, #tpu.memory_space<semaphore_mem>>
        %dma_start3A_340 = tpu.memref_squeeze %dma_start3A_339 : memref<1x!tpu.dma_semaphore, #tpu.memory_space<semaphore_mem>> -> memref<!tpu.dma_semaphore, #tpu.memory_space<semaphore_mem>>
        tpu.enqueue_indirect_dma source(%dma_start3A_338 : memref<10128x64xf32, #tpu.memory_space<hbm>>) target(%dma_start3A_332 : memref<128x64xf32, #tpu.memory_space<vmem>>) offsets(%dma_start3A_335 : memref<128xi32, #tpu.memory_space<vmem>>) semaphore(%dma_start3A_340 : memref<!tpu.dma_semaphore, #tpu.memory_space<semaphore_mem>>)
      } else {
      }
      %mul3A_181 = arith.constant 8 : i32
      %mul3A_182 = arith.muli %scan3A_137, %mul3A_181 : i32
      %add3A_183 = arith.constant 2 : i32
      %add3A_184 = arith.addi %mul3A_182, %add3A_183 : i32
      %dma_wait3A_185 = arith.constant 2 : i32
      %dma_wait3A_186 = arith.constant 2 : i32
      %dma_wait3A_187 = arith.constant 0 : i32
      %dma_wait3A_188 = arith.constant 0 : i32
      %dma_wait3A_189 = tpu.memref_slice %arg10[%dma_wait3A_185, %dma_wait3A_187, %dma_wait3A_188] : memref<8x128x64xf32, #tpu.memory_space<vmem>> -> memref<1x128x64xf32, #tpu.memory_space<vmem>>
      %dma_wait3A_190 = tpu.memref_squeeze %dma_wait3A_189 : memref<1x128x64xf32, #tpu.memory_space<vmem>> -> memref<128x64xf32, #tpu.memory_space<vmem>>
      %dma_wait3A_191 = arith.constant 0 : i32
      %dma_wait3A_192 = tpu.memref_slice %arg8[%add3A_184, %dma_wait3A_191] : memref<80x128xi32, #tpu.memory_space<vmem>> -> memref<1x128xi32, #tpu.memory_space<vmem>>
      %dma_wait3A_193 = tpu.memref_squeeze %dma_wait3A_192 : memref<1x128xi32, #tpu.memory_space<vmem>> -> memref<128xi32, #tpu.memory_space<vmem>>
      %dma_wait3A_194 = arith.constant 0 : i32
      %dma_wait3A_195 = arith.constant 0 : i32
      %dma_wait3A_196 = tpu.memref_slice %arg2[%dma_wait3A_194, %dma_wait3A_195] : memref<10128x64xf32, #tpu.memory_space<hbm>> -> memref<10128x64xf32, #tpu.memory_space<hbm>>
      %dma_wait3A_197 = tpu.memref_slice %arg11[%dma_wait3A_186] : memref<8x!tpu.dma_semaphore, #tpu.memory_space<semaphore_mem>> -> memref<1x!tpu.dma_semaphore, #tpu.memory_space<semaphore_mem>>
      %dma_wait3A_198 = tpu.memref_squeeze %dma_wait3A_197 : memref<1x!tpu.dma_semaphore, #tpu.memory_space<semaphore_mem>> -> memref<!tpu.dma_semaphore, #tpu.memory_space<semaphore_mem>>
      tpu.wait_indirect_dma semaphore(%dma_wait3A_198 : memref<!tpu.dma_semaphore, #tpu.memory_space<semaphore_mem>>) src(%dma_wait3A_196 : memref<10128x64xf32, #tpu.memory_space<hbm>>) dst(%dma_wait3A_190 : memref<128x64xf32, #tpu.memory_space<vmem>>)
      %run_scoped3A_199 = arith.constant 2 : i32
      "tpu.region"() ({
        %run_scoped3A_325 = tpu.sem_alloc : memref<!tpu.dma_semaphore, #tpu.memory_space<semaphore_mem>>
        %dma_start3A_326 = arith.constant 0 : i32
        %dma_start3A_327 = arith.constant 0 : i32
        %dma_start3A_328 = tpu.memref_slice %arg10[%run_scoped3A_199, %dma_start3A_326, %dma_start3A_327] : memref<8x128x64xf32, #tpu.memory_space<vmem>> -> memref<1x128x64xf32, #tpu.memory_space<vmem>>
        %dma_start3A_329 = tpu.memref_squeeze %dma_start3A_328 : memref<1x128x64xf32, #tpu.memory_space<vmem>> -> memref<128x64xf32, #tpu.memory_space<vmem>>
        %dma_start3A_330 = arith.constant 0 : i32
        %dma_start3A_331 = tpu.memref_slice %arg9[%add3A_184, %dma_start3A_330] : memref<80x128xi32, #tpu.memory_space<vmem>> -> memref<1x128xi32, #tpu.memory_space<vmem>>
        %dma_start3A_332 = tpu.memref_squeeze %dma_start3A_331 : memref<1x128xi32, #tpu.memory_space<vmem>> -> memref<128xi32, #tpu.memory_space<vmem>>
        %dma_start3A_333 = arith.constant 0 : i32
        %dma_start3A_334 = arith.constant 0 : i32
        %dma_start3A_335 = tpu.memref_slice %arg7[%dma_start3A_333, %dma_start3A_334] : memref<10000x64xf32, #tpu.memory_space<vmem_shared>> -> memref<10000x64xf32, #tpu.memory_space<vmem_shared>>
        tpu.enqueue_indirect_dma source(%dma_start3A_329 : memref<128x64xf32, #tpu.memory_space<vmem>>) target(%dma_start3A_335 : memref<10000x64xf32, #tpu.memory_space<vmem_shared>>) offsets(%dma_start3A_332 : memref<128xi32, #tpu.memory_space<vmem>>) semaphore(%run_scoped3A_325 : memref<!tpu.dma_semaphore, #tpu.memory_space<semaphore_mem>>) {add = true}
        %dma_wait3A_336 = arith.constant 0 : i32
        %dma_wait3A_337 = arith.constant 0 : i32
        %dma_wait3A_338 = tpu.memref_slice %arg10[%run_scoped3A_199, %dma_wait3A_336, %dma_wait3A_337] : memref<8x128x64xf32, #tpu.memory_space<vmem>> -> memref<1x128x64xf32, #tpu.memory_space<vmem>>
        %dma_wait3A_339 = tpu.memref_squeeze %dma_wait3A_338 : memref<1x128x64xf32, #tpu.memory_space<vmem>> -> memref<128x64xf32, #tpu.memory_space<vmem>>
        %dma_wait3A_340 = arith.constant 0 : i32
        %dma_wait3A_341 = tpu.memref_slice %arg9[%add3A_184, %dma_wait3A_340] : memref<80x128xi32, #tpu.memory_space<vmem>> -> memref<1x128xi32, #tpu.memory_space<vmem>>
        %dma_wait3A_342 = tpu.memref_squeeze %dma_wait3A_341 : memref<1x128xi32, #tpu.memory_space<vmem>> -> memref<128xi32, #tpu.memory_space<vmem>>
        %dma_wait3A_343 = arith.constant 0 : i32
        %dma_wait3A_344 = arith.constant 0 : i32
        %dma_wait3A_345 = tpu.memref_slice %arg7[%dma_wait3A_343, %dma_wait3A_344] : memref<10000x64xf32, #tpu.memory_space<vmem_shared>> -> memref<10000x64xf32, #tpu.memory_space<vmem_shared>>
        tpu.wait_indirect_dma semaphore(%run_scoped3A_325 : memref<!tpu.dma_semaphore, #tpu.memory_space<semaphore_mem>>) src(%dma_wait3A_339 : memref<128x64xf32, #tpu.memory_space<vmem>>) dst(%dma_wait3A_345 : memref<10000x64xf32, #tpu.memory_space<vmem_shared>>)
        tpu.yield
      }) : () -> ()
      %lt3A_200 = arith.constant 9 : i32
      %lt3A_201 = arith.cmpi slt, %scan3A_137, %lt3A_200 : i32
      %convert_element_type3A_202 = arith.extui %lt3A_201 : i1 to i32
      %cond3A_203 = arith.constant 0 : i32
      %cond3A_204 = arith.cmpi ne, %convert_element_type3A_202, %cond3A_203 : i32
      scf.if %cond3A_204 {
        %add3A_325 = arith.constant 8 : i32
        %add3A_326 = arith.addi %add3A_184, %add3A_325 : i32
        %dma_start3A_327 = arith.constant 2 : i32
        %dma_start3A_328 = arith.constant 2 : i32
        %dma_start3A_329 = arith.constant 0 : i32
        %dma_start3A_330 = arith.constant 0 : i32
        %dma_start3A_331 = tpu.memref_slice %arg10[%dma_start3A_327, %dma_start3A_329, %dma_start3A_330] : memref<8x128x64xf32, #tpu.memory_space<vmem>> -> memref<1x128x64xf32, #tpu.memory_space<vmem>>
        %dma_start3A_332 = tpu.memref_squeeze %dma_start3A_331 : memref<1x128x64xf32, #tpu.memory_space<vmem>> -> memref<128x64xf32, #tpu.memory_space<vmem>>
        %dma_start3A_333 = arith.constant 0 : i32
        %dma_start3A_334 = tpu.memref_slice %arg8[%add3A_326, %dma_start3A_333] : memref<80x128xi32, #tpu.memory_space<vmem>> -> memref<1x128xi32, #tpu.memory_space<vmem>>
        %dma_start3A_335 = tpu.memref_squeeze %dma_start3A_334 : memref<1x128xi32, #tpu.memory_space<vmem>> -> memref<128xi32, #tpu.memory_space<vmem>>
        %dma_start3A_336 = arith.constant 0 : i32
        %dma_start3A_337 = arith.constant 0 : i32
        %dma_start3A_338 = tpu.memref_slice %arg2[%dma_start3A_336, %dma_start3A_337] : memref<10128x64xf32, #tpu.memory_space<hbm>> -> memref<10128x64xf32, #tpu.memory_space<hbm>>
        %dma_start3A_339 = tpu.memref_slice %arg11[%dma_start3A_328] : memref<8x!tpu.dma_semaphore, #tpu.memory_space<semaphore_mem>> -> memref<1x!tpu.dma_semaphore, #tpu.memory_space<semaphore_mem>>
        %dma_start3A_340 = tpu.memref_squeeze %dma_start3A_339 : memref<1x!tpu.dma_semaphore, #tpu.memory_space<semaphore_mem>> -> memref<!tpu.dma_semaphore, #tpu.memory_space<semaphore_mem>>
        tpu.enqueue_indirect_dma source(%dma_start3A_338 : memref<10128x64xf32, #tpu.memory_space<hbm>>) target(%dma_start3A_332 : memref<128x64xf32, #tpu.memory_space<vmem>>) offsets(%dma_start3A_335 : memref<128xi32, #tpu.memory_space<vmem>>) semaphore(%dma_start3A_340 : memref<!tpu.dma_semaphore, #tpu.memory_space<semaphore_mem>>)
      } else {
      }
      %mul3A_205 = arith.constant 8 : i32
      %mul3A_206 = arith.muli %scan3A_137, %mul3A_205 : i32
      %add3A_207 = arith.constant 3 : i32
      %add3A_208 = arith.addi %mul3A_206, %add3A_207 : i32
      %dma_wait3A_209 = arith.constant 3 : i32
      %dma_wait3A_210 = arith.constant 3 : i32
      %dma_wait3A_211 = arith.constant 0 : i32
      %dma_wait3A_212 = arith.constant 0 : i32
      %dma_wait3A_213 = tpu.memref_slice %arg10[%dma_wait3A_209, %dma_wait3A_211, %dma_wait3A_212] : memref<8x128x64xf32, #tpu.memory_space<vmem>> -> memref<1x128x64xf32, #tpu.memory_space<vmem>>
      %dma_wait3A_214 = tpu.memref_squeeze %dma_wait3A_213 : memref<1x128x64xf32, #tpu.memory_space<vmem>> -> memref<128x64xf32, #tpu.memory_space<vmem>>
      %dma_wait3A_215 = arith.constant 0 : i32
      %dma_wait3A_216 = tpu.memref_slice %arg8[%add3A_208, %dma_wait3A_215] : memref<80x128xi32, #tpu.memory_space<vmem>> -> memref<1x128xi32, #tpu.memory_space<vmem>>
      %dma_wait3A_217 = tpu.memref_squeeze %dma_wait3A_216 : memref<1x128xi32, #tpu.memory_space<vmem>> -> memref<128xi32, #tpu.memory_space<vmem>>
      %dma_wait3A_218 = arith.constant 0 : i32
      %dma_wait3A_219 = arith.constant 0 : i32
      %dma_wait3A_220 = tpu.memref_slice %arg2[%dma_wait3A_218, %dma_wait3A_219] : memref<10128x64xf32, #tpu.memory_space<hbm>> -> memref<10128x64xf32, #tpu.memory_space<hbm>>
      %dma_wait3A_221 = tpu.memref_slice %arg11[%dma_wait3A_210] : memref<8x!tpu.dma_semaphore, #tpu.memory_space<semaphore_mem>> -> memref<1x!tpu.dma_semaphore, #tpu.memory_space<semaphore_mem>>
      %dma_wait3A_222 = tpu.memref_squeeze %dma_wait3A_221 : memref<1x!tpu.dma_semaphore, #tpu.memory_space<semaphore_mem>> -> memref<!tpu.dma_semaphore, #tpu.memory_space<semaphore_mem>>
      tpu.wait_indirect_dma semaphore(%dma_wait3A_222 : memref<!tpu.dma_semaphore, #tpu.memory_space<semaphore_mem>>) src(%dma_wait3A_220 : memref<10128x64xf32, #tpu.memory_space<hbm>>) dst(%dma_wait3A_214 : memref<128x64xf32, #tpu.memory_space<vmem>>)
      %run_scoped3A_223 = arith.constant 3 : i32
      "tpu.region"() ({
        %run_scoped3A_325 = tpu.sem_alloc : memref<!tpu.dma_semaphore, #tpu.memory_space<semaphore_mem>>
        %dma_start3A_326 = arith.constant 0 : i32
        %dma_start3A_327 = arith.constant 0 : i32
        %dma_start3A_328 = tpu.memref_slice %arg10[%run_scoped3A_223, %dma_start3A_326, %dma_start3A_327] : memref<8x128x64xf32, #tpu.memory_space<vmem>> -> memref<1x128x64xf32, #tpu.memory_space<vmem>>
        %dma_start3A_329 = tpu.memref_squeeze %dma_start3A_328 : memref<1x128x64xf32, #tpu.memory_space<vmem>> -> memref<128x64xf32, #tpu.memory_space<vmem>>
        %dma_start3A_330 = arith.constant 0 : i32
        %dma_start3A_331 = tpu.memref_slice %arg9[%add3A_208, %dma_start3A_330] : memref<80x128xi32, #tpu.memory_space<vmem>> -> memref<1x128xi32, #tpu.memory_space<vmem>>
        %dma_start3A_332 = tpu.memref_squeeze %dma_start3A_331 : memref<1x128xi32, #tpu.memory_space<vmem>> -> memref<128xi32, #tpu.memory_space<vmem>>
        %dma_start3A_333 = arith.constant 0 : i32
        %dma_start3A_334 = arith.constant 0 : i32
        %dma_start3A_335 = tpu.memref_slice %arg7[%dma_start3A_333, %dma_start3A_334] : memref<10000x64xf32, #tpu.memory_space<vmem_shared>> -> memref<10000x64xf32, #tpu.memory_space<vmem_shared>>
        tpu.enqueue_indirect_dma source(%dma_start3A_329 : memref<128x64xf32, #tpu.memory_space<vmem>>) target(%dma_start3A_335 : memref<10000x64xf32, #tpu.memory_space<vmem_shared>>) offsets(%dma_start3A_332 : memref<128xi32, #tpu.memory_space<vmem>>) semaphore(%run_scoped3A_325 : memref<!tpu.dma_semaphore, #tpu.memory_space<semaphore_mem>>) {add = true}
        %dma_wait3A_336 = arith.constant 0 : i32
        %dma_wait3A_337 = arith.constant 0 : i32
        %dma_wait3A_338 = tpu.memref_slice %arg10[%run_scoped3A_223, %dma_wait3A_336, %dma_wait3A_337] : memref<8x128x64xf32, #tpu.memory_space<vmem>> -> memref<1x128x64xf32, #tpu.memory_space<vmem>>
        %dma_wait3A_339 = tpu.memref_squeeze %dma_wait3A_338 : memref<1x128x64xf32, #tpu.memory_space<vmem>> -> memref<128x64xf32, #tpu.memory_space<vmem>>
        %dma_wait3A_340 = arith.constant 0 : i32
        %dma_wait3A_341 = tpu.memref_slice %arg9[%add3A_208, %dma_wait3A_340] : memref<80x128xi32, #tpu.memory_space<vmem>> -> memref<1x128xi32, #tpu.memory_space<vmem>>
        %dma_wait3A_342 = tpu.memref_squeeze %dma_wait3A_341 : memref<1x128xi32, #tpu.memory_space<vmem>> -> memref<128xi32, #tpu.memory_space<vmem>>
        %dma_wait3A_343 = arith.constant 0 : i32
        %dma_wait3A_344 = arith.constant 0 : i32
        %dma_wait3A_345 = tpu.memref_slice %arg7[%dma_wait3A_343, %dma_wait3A_344] : memref<10000x64xf32, #tpu.memory_space<vmem_shared>> -> memref<10000x64xf32, #tpu.memory_space<vmem_shared>>
        tpu.wait_indirect_dma semaphore(%run_scoped3A_325 : memref<!tpu.dma_semaphore, #tpu.memory_space<semaphore_mem>>) src(%dma_wait3A_339 : memref<128x64xf32, #tpu.memory_space<vmem>>) dst(%dma_wait3A_345 : memref<10000x64xf32, #tpu.memory_space<vmem_shared>>)
        tpu.yield
      }) : () -> ()
      %lt3A_224 = arith.constant 9 : i32
      %lt3A_225 = arith.cmpi slt, %scan3A_137, %lt3A_224 : i32
      %convert_element_type3A_226 = arith.extui %lt3A_225 : i1 to i32
      %cond3A_227 = arith.constant 0 : i32
      %cond3A_228 = arith.cmpi ne, %convert_element_type3A_226, %cond3A_227 : i32
      scf.if %cond3A_228 {
        %add3A_325 = arith.constant 8 : i32
        %add3A_326 = arith.addi %add3A_208, %add3A_325 : i32
        %dma_start3A_327 = arith.constant 3 : i32
        %dma_start3A_328 = arith.constant 3 : i32
        %dma_start3A_329 = arith.constant 0 : i32
        %dma_start3A_330 = arith.constant 0 : i32
        %dma_start3A_331 = tpu.memref_slice %arg10[%dma_start3A_327, %dma_start3A_329, %dma_start3A_330] : memref<8x128x64xf32, #tpu.memory_space<vmem>> -> memref<1x128x64xf32, #tpu.memory_space<vmem>>
        %dma_start3A_332 = tpu.memref_squeeze %dma_start3A_331 : memref<1x128x64xf32, #tpu.memory_space<vmem>> -> memref<128x64xf32, #tpu.memory_space<vmem>>
        %dma_start3A_333 = arith.constant 0 : i32
        %dma_start3A_334 = tpu.memref_slice %arg8[%add3A_326, %dma_start3A_333] : memref<80x128xi32, #tpu.memory_space<vmem>> -> memref<1x128xi32, #tpu.memory_space<vmem>>
        %dma_start3A_335 = tpu.memref_squeeze %dma_start3A_334 : memref<1x128xi32, #tpu.memory_space<vmem>> -> memref<128xi32, #tpu.memory_space<vmem>>
        %dma_start3A_336 = arith.constant 0 : i32
        %dma_start3A_337 = arith.constant 0 : i32
        %dma_start3A_338 = tpu.memref_slice %arg2[%dma_start3A_336, %dma_start3A_337] : memref<10128x64xf32, #tpu.memory_space<hbm>> -> memref<10128x64xf32, #tpu.memory_space<hbm>>
        %dma_start3A_339 = tpu.memref_slice %arg11[%dma_start3A_328] : memref<8x!tpu.dma_semaphore, #tpu.memory_space<semaphore_mem>> -> memref<1x!tpu.dma_semaphore, #tpu.memory_space<semaphore_mem>>
        %dma_start3A_340 = tpu.memref_squeeze %dma_start3A_339 : memref<1x!tpu.dma_semaphore, #tpu.memory_space<semaphore_mem>> -> memref<!tpu.dma_semaphore, #tpu.memory_space<semaphore_mem>>
        tpu.enqueue_indirect_dma source(%dma_start3A_338 : memref<10128x64xf32, #tpu.memory_space<hbm>>) target(%dma_start3A_332 : memref<128x64xf32, #tpu.memory_space<vmem>>) offsets(%dma_start3A_335 : memref<128xi32, #tpu.memory_space<vmem>>) semaphore(%dma_start3A_340 : memref<!tpu.dma_semaphore, #tpu.memory_space<semaphore_mem>>)
      } else {
      }
      %mul3A_229 = arith.constant 8 : i32
      %mul3A_230 = arith.muli %scan3A_137, %mul3A_229 : i32
      %add3A_231 = arith.constant 4 : i32
      %add3A_232 = arith.addi %mul3A_230, %add3A_231 : i32
      %dma_wait3A_233 = arith.constant 4 : i32
      %dma_wait3A_234 = arith.constant 4 : i32
      %dma_wait3A_235 = arith.constant 0 : i32
      %dma_wait3A_236 = arith.constant 0 : i32
      %dma_wait3A_237 = tpu.memref_slice %arg10[%dma_wait3A_233, %dma_wait3A_235, %dma_wait3A_236] : memref<8x128x64xf32, #tpu.memory_space<vmem>> -> memref<1x128x64xf32, #tpu.memory_space<vmem>>
      %dma_wait3A_238 = tpu.memref_squeeze %dma_wait3A_237 : memref<1x128x64xf32, #tpu.memory_space<vmem>> -> memref<128x64xf32, #tpu.memory_space<vmem>>
      %dma_wait3A_239 = arith.constant 0 : i32
      %dma_wait3A_240 = tpu.memref_slice %arg8[%add3A_232, %dma_wait3A_239] : memref<80x128xi32, #tpu.memory_space<vmem>> -> memref<1x128xi32, #tpu.memory_space<vmem>>
      %dma_wait3A_241 = tpu.memref_squeeze %dma_wait3A_240 : memref<1x128xi32, #tpu.memory_space<vmem>> -> memref<128xi32, #tpu.memory_space<vmem>>
      %dma_wait3A_242 = arith.constant 0 : i32
      %dma_wait3A_243 = arith.constant 0 : i32
      %dma_wait3A_244 = tpu.memref_slice %arg2[%dma_wait3A_242, %dma_wait3A_243] : memref<10128x64xf32, #tpu.memory_space<hbm>> -> memref<10128x64xf32, #tpu.memory_space<hbm>>
      %dma_wait3A_245 = tpu.memref_slice %arg11[%dma_wait3A_234] : memref<8x!tpu.dma_semaphore, #tpu.memory_space<semaphore_mem>> -> memref<1x!tpu.dma_semaphore, #tpu.memory_space<semaphore_mem>>
      %dma_wait3A_246 = tpu.memref_squeeze %dma_wait3A_245 : memref<1x!tpu.dma_semaphore, #tpu.memory_space<semaphore_mem>> -> memref<!tpu.dma_semaphore, #tpu.memory_space<semaphore_mem>>
      tpu.wait_indirect_dma semaphore(%dma_wait3A_246 : memref<!tpu.dma_semaphore, #tpu.memory_space<semaphore_mem>>) src(%dma_wait3A_244 : memref<10128x64xf32, #tpu.memory_space<hbm>>) dst(%dma_wait3A_238 : memref<128x64xf32, #tpu.memory_space<vmem>>)
      %run_scoped3A_247 = arith.constant 4 : i32
      "tpu.region"() ({
        %run_scoped3A_325 = tpu.sem_alloc : memref<!tpu.dma_semaphore, #tpu.memory_space<semaphore_mem>>
        %dma_start3A_326 = arith.constant 0 : i32
        %dma_start3A_327 = arith.constant 0 : i32
        %dma_start3A_328 = tpu.memref_slice %arg10[%run_scoped3A_247, %dma_start3A_326, %dma_start3A_327] : memref<8x128x64xf32, #tpu.memory_space<vmem>> -> memref<1x128x64xf32, #tpu.memory_space<vmem>>
        %dma_start3A_329 = tpu.memref_squeeze %dma_start3A_328 : memref<1x128x64xf32, #tpu.memory_space<vmem>> -> memref<128x64xf32, #tpu.memory_space<vmem>>
        %dma_start3A_330 = arith.constant 0 : i32
        %dma_start3A_331 = tpu.memref_slice %arg9[%add3A_232, %dma_start3A_330] : memref<80x128xi32, #tpu.memory_space<vmem>> -> memref<1x128xi32, #tpu.memory_space<vmem>>
        %dma_start3A_332 = tpu.memref_squeeze %dma_start3A_331 : memref<1x128xi32, #tpu.memory_space<vmem>> -> memref<128xi32, #tpu.memory_space<vmem>>
        %dma_start3A_333 = arith.constant 0 : i32
        %dma_start3A_334 = arith.constant 0 : i32
        %dma_start3A_335 = tpu.memref_slice %arg7[%dma_start3A_333, %dma_start3A_334] : memref<10000x64xf32, #tpu.memory_space<vmem_shared>> -> memref<10000x64xf32, #tpu.memory_space<vmem_shared>>
        tpu.enqueue_indirect_dma source(%dma_start3A_329 : memref<128x64xf32, #tpu.memory_space<vmem>>) target(%dma_start3A_335 : memref<10000x64xf32, #tpu.memory_space<vmem_shared>>) offsets(%dma_start3A_332 : memref<128xi32, #tpu.memory_space<vmem>>) semaphore(%run_scoped3A_325 : memref<!tpu.dma_semaphore, #tpu.memory_space<semaphore_mem>>) {add = true}
        %dma_wait3A_336 = arith.constant 0 : i32
        %dma_wait3A_337 = arith.constant 0 : i32
        %dma_wait3A_338 = tpu.memref_slice %arg10[%run_scoped3A_247, %dma_wait3A_336, %dma_wait3A_337] : memref<8x128x64xf32, #tpu.memory_space<vmem>> -> memref<1x128x64xf32, #tpu.memory_space<vmem>>
        %dma_wait3A_339 = tpu.memref_squeeze %dma_wait3A_338 : memref<1x128x64xf32, #tpu.memory_space<vmem>> -> memref<128x64xf32, #tpu.memory_space<vmem>>
        %dma_wait3A_340 = arith.constant 0 : i32
        %dma_wait3A_341 = tpu.memref_slice %arg9[%add3A_232, %dma_wait3A_340] : memref<80x128xi32, #tpu.memory_space<vmem>> -> memref<1x128xi32, #tpu.memory_space<vmem>>
        %dma_wait3A_342 = tpu.memref_squeeze %dma_wait3A_341 : memref<1x128xi32, #tpu.memory_space<vmem>> -> memref<128xi32, #tpu.memory_space<vmem>>
        %dma_wait3A_343 = arith.constant 0 : i32
        %dma_wait3A_344 = arith.constant 0 : i32
        %dma_wait3A_345 = tpu.memref_slice %arg7[%dma_wait3A_343, %dma_wait3A_344] : memref<10000x64xf32, #tpu.memory_space<vmem_shared>> -> memref<10000x64xf32, #tpu.memory_space<vmem_shared>>
        tpu.wait_indirect_dma semaphore(%run_scoped3A_325 : memref<!tpu.dma_semaphore, #tpu.memory_space<semaphore_mem>>) src(%dma_wait3A_339 : memref<128x64xf32, #tpu.memory_space<vmem>>) dst(%dma_wait3A_345 : memref<10000x64xf32, #tpu.memory_space<vmem_shared>>)
        tpu.yield
      }) : () -> ()
      %lt3A_248 = arith.constant 9 : i32
      %lt3A_249 = arith.cmpi slt, %scan3A_137, %lt3A_248 : i32
      %convert_element_type3A_250 = arith.extui %lt3A_249 : i1 to i32
      %cond3A_251 = arith.constant 0 : i32
      %cond3A_252 = arith.cmpi ne, %convert_element_type3A_250, %cond3A_251 : i32
      scf.if %cond3A_252 {
        %add3A_325 = arith.constant 8 : i32
        %add3A_326 = arith.addi %add3A_232, %add3A_325 : i32
        %dma_start3A_327 = arith.constant 4 : i32
        %dma_start3A_328 = arith.constant 4 : i32
        %dma_start3A_329 = arith.constant 0 : i32
        %dma_start3A_330 = arith.constant 0 : i32
        %dma_start3A_331 = tpu.memref_slice %arg10[%dma_start3A_327, %dma_start3A_329, %dma_start3A_330] : memref<8x128x64xf32, #tpu.memory_space<vmem>> -> memref<1x128x64xf32, #tpu.memory_space<vmem>>
        %dma_start3A_332 = tpu.memref_squeeze %dma_start3A_331 : memref<1x128x64xf32, #tpu.memory_space<vmem>> -> memref<128x64xf32, #tpu.memory_space<vmem>>
        %dma_start3A_333 = arith.constant 0 : i32
        %dma_start3A_334 = tpu.memref_slice %arg8[%add3A_326, %dma_start3A_333] : memref<80x128xi32, #tpu.memory_space<vmem>> -> memref<1x128xi32, #tpu.memory_space<vmem>>
        %dma_start3A_335 = tpu.memref_squeeze %dma_start3A_334 : memref<1x128xi32, #tpu.memory_space<vmem>> -> memref<128xi32, #tpu.memory_space<vmem>>
        %dma_start3A_336 = arith.constant 0 : i32
        %dma_start3A_337 = arith.constant 0 : i32
        %dma_start3A_338 = tpu.memref_slice %arg2[%dma_start3A_336, %dma_start3A_337] : memref<10128x64xf32, #tpu.memory_space<hbm>> -> memref<10128x64xf32, #tpu.memory_space<hbm>>
        %dma_start3A_339 = tpu.memref_slice %arg11[%dma_start3A_328] : memref<8x!tpu.dma_semaphore, #tpu.memory_space<semaphore_mem>> -> memref<1x!tpu.dma_semaphore, #tpu.memory_space<semaphore_mem>>
        %dma_start3A_340 = tpu.memref_squeeze %dma_start3A_339 : memref<1x!tpu.dma_semaphore, #tpu.memory_space<semaphore_mem>> -> memref<!tpu.dma_semaphore, #tpu.memory_space<semaphore_mem>>
        tpu.enqueue_indirect_dma source(%dma_start3A_338 : memref<10128x64xf32, #tpu.memory_space<hbm>>) target(%dma_start3A_332 : memref<128x64xf32, #tpu.memory_space<vmem>>) offsets(%dma_start3A_335 : memref<128xi32, #tpu.memory_space<vmem>>) semaphore(%dma_start3A_340 : memref<!tpu.dma_semaphore, #tpu.memory_space<semaphore_mem>>)
      } else {
      }
      %mul3A_253 = arith.constant 8 : i32
      %mul3A_254 = arith.muli %scan3A_137, %mul3A_253 : i32
      %add3A_255 = arith.constant 5 : i32
      %add3A_256 = arith.addi %mul3A_254, %add3A_255 : i32
      %dma_wait3A_257 = arith.constant 5 : i32
      %dma_wait3A_258 = arith.constant 5 : i32
      %dma_wait3A_259 = arith.constant 0 : i32
      %dma_wait3A_260 = arith.constant 0 : i32
      %dma_wait3A_261 = tpu.memref_slice %arg10[%dma_wait3A_257, %dma_wait3A_259, %dma_wait3A_260] : memref<8x128x64xf32, #tpu.memory_space<vmem>> -> memref<1x128x64xf32, #tpu.memory_space<vmem>>
      %dma_wait3A_262 = tpu.memref_squeeze %dma_wait3A_261 : memref<1x128x64xf32, #tpu.memory_space<vmem>> -> memref<128x64xf32, #tpu.memory_space<vmem>>
      %dma_wait3A_263 = arith.constant 0 : i32
      %dma_wait3A_264 = tpu.memref_slice %arg8[%add3A_256, %dma_wait3A_263] : memref<80x128xi32, #tpu.memory_space<vmem>> -> memref<1x128xi32, #tpu.memory_space<vmem>>
      %dma_wait3A_265 = tpu.memref_squeeze %dma_wait3A_264 : memref<1x128xi32, #tpu.memory_space<vmem>> -> memref<128xi32, #tpu.memory_space<vmem>>
      %dma_wait3A_266 = arith.constant 0 : i32
      %dma_wait3A_267 = arith.constant 0 : i32
      %dma_wait3A_268 = tpu.memref_slice %arg2[%dma_wait3A_266, %dma_wait3A_267] : memref<10128x64xf32, #tpu.memory_space<hbm>> -> memref<10128x64xf32, #tpu.memory_space<hbm>>
      %dma_wait3A_269 = tpu.memref_slice %arg11[%dma_wait3A_258] : memref<8x!tpu.dma_semaphore, #tpu.memory_space<semaphore_mem>> -> memref<1x!tpu.dma_semaphore, #tpu.memory_space<semaphore_mem>>
      %dma_wait3A_270 = tpu.memref_squeeze %dma_wait3A_269 : memref<1x!tpu.dma_semaphore, #tpu.memory_space<semaphore_mem>> -> memref<!tpu.dma_semaphore, #tpu.memory_space<semaphore_mem>>
      tpu.wait_indirect_dma semaphore(%dma_wait3A_270 : memref<!tpu.dma_semaphore, #tpu.memory_space<semaphore_mem>>) src(%dma_wait3A_268 : memref<10128x64xf32, #tpu.memory_space<hbm>>) dst(%dma_wait3A_262 : memref<128x64xf32, #tpu.memory_space<vmem>>)
      %run_scoped3A_271 = arith.constant 5 : i32
      "tpu.region"() ({
        %run_scoped3A_325 = tpu.sem_alloc : memref<!tpu.dma_semaphore, #tpu.memory_space<semaphore_mem>>
        %dma_start3A_326 = arith.constant 0 : i32
        %dma_start3A_327 = arith.constant 0 : i32
        %dma_start3A_328 = tpu.memref_slice %arg10[%run_scoped3A_271, %dma_start3A_326, %dma_start3A_327] : memref<8x128x64xf32, #tpu.memory_space<vmem>> -> memref<1x128x64xf32, #tpu.memory_space<vmem>>
        %dma_start3A_329 = tpu.memref_squeeze %dma_start3A_328 : memref<1x128x64xf32, #tpu.memory_space<vmem>> -> memref<128x64xf32, #tpu.memory_space<vmem>>
        %dma_start3A_330 = arith.constant 0 : i32
        %dma_start3A_331 = tpu.memref_slice %arg9[%add3A_256, %dma_start3A_330] : memref<80x128xi32, #tpu.memory_space<vmem>> -> memref<1x128xi32, #tpu.memory_space<vmem>>
        %dma_start3A_332 = tpu.memref_squeeze %dma_start3A_331 : memref<1x128xi32, #tpu.memory_space<vmem>> -> memref<128xi32, #tpu.memory_space<vmem>>
        %dma_start3A_333 = arith.constant 0 : i32
        %dma_start3A_334 = arith.constant 0 : i32
        %dma_start3A_335 = tpu.memref_slice %arg7[%dma_start3A_333, %dma_start3A_334] : memref<10000x64xf32, #tpu.memory_space<vmem_shared>> -> memref<10000x64xf32, #tpu.memory_space<vmem_shared>>
        tpu.enqueue_indirect_dma source(%dma_start3A_329 : memref<128x64xf32, #tpu.memory_space<vmem>>) target(%dma_start3A_335 : memref<10000x64xf32, #tpu.memory_space<vmem_shared>>) offsets(%dma_start3A_332 : memref<128xi32, #tpu.memory_space<vmem>>) semaphore(%run_scoped3A_325 : memref<!tpu.dma_semaphore, #tpu.memory_space<semaphore_mem>>) {add = true}
        %dma_wait3A_336 = arith.constant 0 : i32
        %dma_wait3A_337 = arith.constant 0 : i32
        %dma_wait3A_338 = tpu.memref_slice %arg10[%run_scoped3A_271, %dma_wait3A_336, %dma_wait3A_337] : memref<8x128x64xf32, #tpu.memory_space<vmem>> -> memref<1x128x64xf32, #tpu.memory_space<vmem>>
        %dma_wait3A_339 = tpu.memref_squeeze %dma_wait3A_338 : memref<1x128x64xf32, #tpu.memory_space<vmem>> -> memref<128x64xf32, #tpu.memory_space<vmem>>
        %dma_wait3A_340 = arith.constant 0 : i32
        %dma_wait3A_341 = tpu.memref_slice %arg9[%add3A_256, %dma_wait3A_340] : memref<80x128xi32, #tpu.memory_space<vmem>> -> memref<1x128xi32, #tpu.memory_space<vmem>>
        %dma_wait3A_342 = tpu.memref_squeeze %dma_wait3A_341 : memref<1x128xi32, #tpu.memory_space<vmem>> -> memref<128xi32, #tpu.memory_space<vmem>>
        %dma_wait3A_343 = arith.constant 0 : i32
        %dma_wait3A_344 = arith.constant 0 : i32
        %dma_wait3A_345 = tpu.memref_slice %arg7[%dma_wait3A_343, %dma_wait3A_344] : memref<10000x64xf32, #tpu.memory_space<vmem_shared>> -> memref<10000x64xf32, #tpu.memory_space<vmem_shared>>
        tpu.wait_indirect_dma semaphore(%run_scoped3A_325 : memref<!tpu.dma_semaphore, #tpu.memory_space<semaphore_mem>>) src(%dma_wait3A_339 : memref<128x64xf32, #tpu.memory_space<vmem>>) dst(%dma_wait3A_345 : memref<10000x64xf32, #tpu.memory_space<vmem_shared>>)
        tpu.yield
      }) : () -> ()
      %lt3A_272 = arith.constant 9 : i32
      %lt3A_273 = arith.cmpi slt, %scan3A_137, %lt3A_272 : i32
      %convert_element_type3A_274 = arith.extui %lt3A_273 : i1 to i32
      %cond3A_275 = arith.constant 0 : i32
      %cond3A_276 = arith.cmpi ne, %convert_element_type3A_274, %cond3A_275 : i32
      scf.if %cond3A_276 {
        %add3A_325 = arith.constant 8 : i32
        %add3A_326 = arith.addi %add3A_256, %add3A_325 : i32
        %dma_start3A_327 = arith.constant 5 : i32
        %dma_start3A_328 = arith.constant 5 : i32
        %dma_start3A_329 = arith.constant 0 : i32
        %dma_start3A_330 = arith.constant 0 : i32
        %dma_start3A_331 = tpu.memref_slice %arg10[%dma_start3A_327, %dma_start3A_329, %dma_start3A_330] : memref<8x128x64xf32, #tpu.memory_space<vmem>> -> memref<1x128x64xf32, #tpu.memory_space<vmem>>
        %dma_start3A_332 = tpu.memref_squeeze %dma_start3A_331 : memref<1x128x64xf32, #tpu.memory_space<vmem>> -> memref<128x64xf32, #tpu.memory_space<vmem>>
        %dma_start3A_333 = arith.constant 0 : i32
        %dma_start3A_334 = tpu.memref_slice %arg8[%add3A_326, %dma_start3A_333] : memref<80x128xi32, #tpu.memory_space<vmem>> -> memref<1x128xi32, #tpu.memory_space<vmem>>
        %dma_start3A_335 = tpu.memref_squeeze %dma_start3A_334 : memref<1x128xi32, #tpu.memory_space<vmem>> -> memref<128xi32, #tpu.memory_space<vmem>>
        %dma_start3A_336 = arith.constant 0 : i32
        %dma_start3A_337 = arith.constant 0 : i32
        %dma_start3A_338 = tpu.memref_slice %arg2[%dma_start3A_336, %dma_start3A_337] : memref<10128x64xf32, #tpu.memory_space<hbm>> -> memref<10128x64xf32, #tpu.memory_space<hbm>>
        %dma_start3A_339 = tpu.memref_slice %arg11[%dma_start3A_328] : memref<8x!tpu.dma_semaphore, #tpu.memory_space<semaphore_mem>> -> memref<1x!tpu.dma_semaphore, #tpu.memory_space<semaphore_mem>>
        %dma_start3A_340 = tpu.memref_squeeze %dma_start3A_339 : memref<1x!tpu.dma_semaphore, #tpu.memory_space<semaphore_mem>> -> memref<!tpu.dma_semaphore, #tpu.memory_space<semaphore_mem>>
        tpu.enqueue_indirect_dma source(%dma_start3A_338 : memref<10128x64xf32, #tpu.memory_space<hbm>>) target(%dma_start3A_332 : memref<128x64xf32, #tpu.memory_space<vmem>>) offsets(%dma_start3A_335 : memref<128xi32, #tpu.memory_space<vmem>>) semaphore(%dma_start3A_340 : memref<!tpu.dma_semaphore, #tpu.memory_space<semaphore_mem>>)
      } else {
      }
      %mul3A_277 = arith.constant 8 : i32
      %mul3A_278 = arith.muli %scan3A_137, %mul3A_277 : i32
      %add3A_279 = arith.constant 6 : i32
      %add3A_280 = arith.addi %mul3A_278, %add3A_279 : i32
      %dma_wait3A_281 = arith.constant 6 : i32
      %dma_wait3A_282 = arith.constant 6 : i32
      %dma_wait3A_283 = arith.constant 0 : i32
      %dma_wait3A_284 = arith.constant 0 : i32
      %dma_wait3A_285 = tpu.memref_slice %arg10[%dma_wait3A_281, %dma_wait3A_283, %dma_wait3A_284] : memref<8x128x64xf32, #tpu.memory_space<vmem>> -> memref<1x128x64xf32, #tpu.memory_space<vmem>>
      %dma_wait3A_286 = tpu.memref_squeeze %dma_wait3A_285 : memref<1x128x64xf32, #tpu.memory_space<vmem>> -> memref<128x64xf32, #tpu.memory_space<vmem>>
      %dma_wait3A_287 = arith.constant 0 : i32
      %dma_wait3A_288 = tpu.memref_slice %arg8[%add3A_280, %dma_wait3A_287] : memref<80x128xi32, #tpu.memory_space<vmem>> -> memref<1x128xi32, #tpu.memory_space<vmem>>
      %dma_wait3A_289 = tpu.memref_squeeze %dma_wait3A_288 : memref<1x128xi32, #tpu.memory_space<vmem>> -> memref<128xi32, #tpu.memory_space<vmem>>
      %dma_wait3A_290 = arith.constant 0 : i32
      %dma_wait3A_291 = arith.constant 0 : i32
      %dma_wait3A_292 = tpu.memref_slice %arg2[%dma_wait3A_290, %dma_wait3A_291] : memref<10128x64xf32, #tpu.memory_space<hbm>> -> memref<10128x64xf32, #tpu.memory_space<hbm>>
      %dma_wait3A_293 = tpu.memref_slice %arg11[%dma_wait3A_282] : memref<8x!tpu.dma_semaphore, #tpu.memory_space<semaphore_mem>> -> memref<1x!tpu.dma_semaphore, #tpu.memory_space<semaphore_mem>>
      %dma_wait3A_294 = tpu.memref_squeeze %dma_wait3A_293 : memref<1x!tpu.dma_semaphore, #tpu.memory_space<semaphore_mem>> -> memref<!tpu.dma_semaphore, #tpu.memory_space<semaphore_mem>>
      tpu.wait_indirect_dma semaphore(%dma_wait3A_294 : memref<!tpu.dma_semaphore, #tpu.memory_space<semaphore_mem>>) src(%dma_wait3A_292 : memref<10128x64xf32, #tpu.memory_space<hbm>>) dst(%dma_wait3A_286 : memref<128x64xf32, #tpu.memory_space<vmem>>)
      %run_scoped3A_295 = arith.constant 6 : i32
      "tpu.region"() ({
        %run_scoped3A_325 = tpu.sem_alloc : memref<!tpu.dma_semaphore, #tpu.memory_space<semaphore_mem>>
        %dma_start3A_326 = arith.constant 0 : i32
        %dma_start3A_327 = arith.constant 0 : i32
        %dma_start3A_328 = tpu.memref_slice %arg10[%run_scoped3A_295, %dma_start3A_326, %dma_start3A_327] : memref<8x128x64xf32, #tpu.memory_space<vmem>> -> memref<1x128x64xf32, #tpu.memory_space<vmem>>
        %dma_start3A_329 = tpu.memref_squeeze %dma_start3A_328 : memref<1x128x64xf32, #tpu.memory_space<vmem>> -> memref<128x64xf32, #tpu.memory_space<vmem>>
        %dma_start3A_330 = arith.constant 0 : i32
        %dma_start3A_331 = tpu.memref_slice %arg9[%add3A_280, %dma_start3A_330] : memref<80x128xi32, #tpu.memory_space<vmem>> -> memref<1x128xi32, #tpu.memory_space<vmem>>
        %dma_start3A_332 = tpu.memref_squeeze %dma_start3A_331 : memref<1x128xi32, #tpu.memory_space<vmem>> -> memref<128xi32, #tpu.memory_space<vmem>>
        %dma_start3A_333 = arith.constant 0 : i32
        %dma_start3A_334 = arith.constant 0 : i32
        %dma_start3A_335 = tpu.memref_slice %arg7[%dma_start3A_333, %dma_start3A_334] : memref<10000x64xf32, #tpu.memory_space<vmem_shared>> -> memref<10000x64xf32, #tpu.memory_space<vmem_shared>>
        tpu.enqueue_indirect_dma source(%dma_start3A_329 : memref<128x64xf32, #tpu.memory_space<vmem>>) target(%dma_start3A_335 : memref<10000x64xf32, #tpu.memory_space<vmem_shared>>) offsets(%dma_start3A_332 : memref<128xi32, #tpu.memory_space<vmem>>) semaphore(%run_scoped3A_325 : memref<!tpu.dma_semaphore, #tpu.memory_space<semaphore_mem>>) {add = true}
        %dma_wait3A_336 = arith.constant 0 : i32
        %dma_wait3A_337 = arith.constant 0 : i32
        %dma_wait3A_338 = tpu.memref_slice %arg10[%run_scoped3A_295, %dma_wait3A_336, %dma_wait3A_337] : memref<8x128x64xf32, #tpu.memory_space<vmem>> -> memref<1x128x64xf32, #tpu.memory_space<vmem>>
        %dma_wait3A_339 = tpu.memref_squeeze %dma_wait3A_338 : memref<1x128x64xf32, #tpu.memory_space<vmem>> -> memref<128x64xf32, #tpu.memory_space<vmem>>
        %dma_wait3A_340 = arith.constant 0 : i32
        %dma_wait3A_341 = tpu.memref_slice %arg9[%add3A_280, %dma_wait3A_340] : memref<80x128xi32, #tpu.memory_space<vmem>> -> memref<1x128xi32, #tpu.memory_space<vmem>>
        %dma_wait3A_342 = tpu.memref_squeeze %dma_wait3A_341 : memref<1x128xi32, #tpu.memory_space<vmem>> -> memref<128xi32, #tpu.memory_space<vmem>>
        %dma_wait3A_343 = arith.constant 0 : i32
        %dma_wait3A_344 = arith.constant 0 : i32
        %dma_wait3A_345 = tpu.memref_slice %arg7[%dma_wait3A_343, %dma_wait3A_344] : memref<10000x64xf32, #tpu.memory_space<vmem_shared>> -> memref<10000x64xf32, #tpu.memory_space<vmem_shared>>
        tpu.wait_indirect_dma semaphore(%run_scoped3A_325 : memref<!tpu.dma_semaphore, #tpu.memory_space<semaphore_mem>>) src(%dma_wait3A_339 : memref<128x64xf32, #tpu.memory_space<vmem>>) dst(%dma_wait3A_345 : memref<10000x64xf32, #tpu.memory_space<vmem_shared>>)
        tpu.yield
      }) : () -> ()
      %lt3A_296 = arith.constant 9 : i32
      %lt3A_297 = arith.cmpi slt, %scan3A_137, %lt3A_296 : i32
      %convert_element_type3A_298 = arith.extui %lt3A_297 : i1 to i32
      %cond3A_299 = arith.constant 0 : i32
      %cond3A_300 = arith.cmpi ne, %convert_element_type3A_298, %cond3A_299 : i32
      scf.if %cond3A_300 {
        %add3A_325 = arith.constant 8 : i32
        %add3A_326 = arith.addi %add3A_280, %add3A_325 : i32
        %dma_start3A_327 = arith.constant 6 : i32
        %dma_start3A_328 = arith.constant 6 : i32
        %dma_start3A_329 = arith.constant 0 : i32
        %dma_start3A_330 = arith.constant 0 : i32
        %dma_start3A_331 = tpu.memref_slice %arg10[%dma_start3A_327, %dma_start3A_329, %dma_start3A_330] : memref<8x128x64xf32, #tpu.memory_space<vmem>> -> memref<1x128x64xf32, #tpu.memory_space<vmem>>
        %dma_start3A_332 = tpu.memref_squeeze %dma_start3A_331 : memref<1x128x64xf32, #tpu.memory_space<vmem>> -> memref<128x64xf32, #tpu.memory_space<vmem>>
        %dma_start3A_333 = arith.constant 0 : i32
        %dma_start3A_334 = tpu.memref_slice %arg8[%add3A_326, %dma_start3A_333] : memref<80x128xi32, #tpu.memory_space<vmem>> -> memref<1x128xi32, #tpu.memory_space<vmem>>
        %dma_start3A_335 = tpu.memref_squeeze %dma_start3A_334 : memref<1x128xi32, #tpu.memory_space<vmem>> -> memref<128xi32, #tpu.memory_space<vmem>>
        %dma_start3A_336 = arith.constant 0 : i32
        %dma_start3A_337 = arith.constant 0 : i32
        %dma_start3A_338 = tpu.memref_slice %arg2[%dma_start3A_336, %dma_start3A_337] : memref<10128x64xf32, #tpu.memory_space<hbm>> -> memref<10128x64xf32, #tpu.memory_space<hbm>>
        %dma_start3A_339 = tpu.memref_slice %arg11[%dma_start3A_328] : memref<8x!tpu.dma_semaphore, #tpu.memory_space<semaphore_mem>> -> memref<1x!tpu.dma_semaphore, #tpu.memory_space<semaphore_mem>>
        %dma_start3A_340 = tpu.memref_squeeze %dma_start3A_339 : memref<1x!tpu.dma_semaphore, #tpu.memory_space<semaphore_mem>> -> memref<!tpu.dma_semaphore, #tpu.memory_space<semaphore_mem>>
        tpu.enqueue_indirect_dma source(%dma_start3A_338 : memref<10128x64xf32, #tpu.memory_space<hbm>>) target(%dma_start3A_332 : memref<128x64xf32, #tpu.memory_space<vmem>>) offsets(%dma_start3A_335 : memref<128xi32, #tpu.memory_space<vmem>>) semaphore(%dma_start3A_340 : memref<!tpu.dma_semaphore, #tpu.memory_space<semaphore_mem>>)
      } else {
      }
      %mul3A_301 = arith.constant 8 : i32
      %mul3A_302 = arith.muli %scan3A_137, %mul3A_301 : i32
      %add3A_303 = arith.constant 7 : i32
      %add3A_304 = arith.addi %mul3A_302, %add3A_303 : i32
      %dma_wait3A_305 = arith.constant 7 : i32
      %dma_wait3A_306 = arith.constant 7 : i32
      %dma_wait3A_307 = arith.constant 0 : i32
      %dma_wait3A_308 = arith.constant 0 : i32
      %dma_wait3A_309 = tpu.memref_slice %arg10[%dma_wait3A_305, %dma_wait3A_307, %dma_wait3A_308] : memref<8x128x64xf32, #tpu.memory_space<vmem>> -> memref<1x128x64xf32, #tpu.memory_space<vmem>>
      %dma_wait3A_310 = tpu.memref_squeeze %dma_wait3A_309 : memref<1x128x64xf32, #tpu.memory_space<vmem>> -> memref<128x64xf32, #tpu.memory_space<vmem>>
      %dma_wait3A_311 = arith.constant 0 : i32
      %dma_wait3A_312 = tpu.memref_slice %arg8[%add3A_304, %dma_wait3A_311] : memref<80x128xi32, #tpu.memory_space<vmem>> -> memref<1x128xi32, #tpu.memory_space<vmem>>
      %dma_wait3A_313 = tpu.memref_squeeze %dma_wait3A_312 : memref<1x128xi32, #tpu.memory_space<vmem>> -> memref<128xi32, #tpu.memory_space<vmem>>
      %dma_wait3A_314 = arith.constant 0 : i32
      %dma_wait3A_315 = arith.constant 0 : i32
      %dma_wait3A_316 = tpu.memref_slice %arg2[%dma_wait3A_314, %dma_wait3A_315] : memref<10128x64xf32, #tpu.memory_space<hbm>> -> memref<10128x64xf32, #tpu.memory_space<hbm>>
      %dma_wait3A_317 = tpu.memref_slice %arg11[%dma_wait3A_306] : memref<8x!tpu.dma_semaphore, #tpu.memory_space<semaphore_mem>> -> memref<1x!tpu.dma_semaphore, #tpu.memory_space<semaphore_mem>>
      %dma_wait3A_318 = tpu.memref_squeeze %dma_wait3A_317 : memref<1x!tpu.dma_semaphore, #tpu.memory_space<semaphore_mem>> -> memref<!tpu.dma_semaphore, #tpu.memory_space<semaphore_mem>>
      tpu.wait_indirect_dma semaphore(%dma_wait3A_318 : memref<!tpu.dma_semaphore, #tpu.memory_space<semaphore_mem>>) src(%dma_wait3A_316 : memref<10128x64xf32, #tpu.memory_space<hbm>>) dst(%dma_wait3A_310 : memref<128x64xf32, #tpu.memory_space<vmem>>)
      %run_scoped3A_319 = arith.constant 7 : i32
      "tpu.region"() ({
        %run_scoped3A_325 = tpu.sem_alloc : memref<!tpu.dma_semaphore, #tpu.memory_space<semaphore_mem>>
        %dma_start3A_326 = arith.constant 0 : i32
        %dma_start3A_327 = arith.constant 0 : i32
        %dma_start3A_328 = tpu.memref_slice %arg10[%run_scoped3A_319, %dma_start3A_326, %dma_start3A_327] : memref<8x128x64xf32, #tpu.memory_space<vmem>> -> memref<1x128x64xf32, #tpu.memory_space<vmem>>
        %dma_start3A_329 = tpu.memref_squeeze %dma_start3A_328 : memref<1x128x64xf32, #tpu.memory_space<vmem>> -> memref<128x64xf32, #tpu.memory_space<vmem>>
        %dma_start3A_330 = arith.constant 0 : i32
        %dma_start3A_331 = tpu.memref_slice %arg9[%add3A_304, %dma_start3A_330] : memref<80x128xi32, #tpu.memory_space<vmem>> -> memref<1x128xi32, #tpu.memory_space<vmem>>
        %dma_start3A_332 = tpu.memref_squeeze %dma_start3A_331 : memref<1x128xi32, #tpu.memory_space<vmem>> -> memref<128xi32, #tpu.memory_space<vmem>>
        %dma_start3A_333 = arith.constant 0 : i32
        %dma_start3A_334 = arith.constant 0 : i32
        %dma_start3A_335 = tpu.memref_slice %arg7[%dma_start3A_333, %dma_start3A_334] : memref<10000x64xf32, #tpu.memory_space<vmem_shared>> -> memref<10000x64xf32, #tpu.memory_space<vmem_shared>>
        tpu.enqueue_indirect_dma source(%dma_start3A_329 : memref<128x64xf32, #tpu.memory_space<vmem>>) target(%dma_start3A_335 : memref<10000x64xf32, #tpu.memory_space<vmem_shared>>) offsets(%dma_start3A_332 : memref<128xi32, #tpu.memory_space<vmem>>) semaphore(%run_scoped3A_325 : memref<!tpu.dma_semaphore, #tpu.memory_space<semaphore_mem>>) {add = true}
        %dma_wait3A_336 = arith.constant 0 : i32
        %dma_wait3A_337 = arith.constant 0 : i32
        %dma_wait3A_338 = tpu.memref_slice %arg10[%run_scoped3A_319, %dma_wait3A_336, %dma_wait3A_337] : memref<8x128x64xf32, #tpu.memory_space<vmem>> -> memref<1x128x64xf32, #tpu.memory_space<vmem>>
        %dma_wait3A_339 = tpu.memref_squeeze %dma_wait3A_338 : memref<1x128x64xf32, #tpu.memory_space<vmem>> -> memref<128x64xf32, #tpu.memory_space<vmem>>
        %dma_wait3A_340 = arith.constant 0 : i32
        %dma_wait3A_341 = tpu.memref_slice %arg9[%add3A_304, %dma_wait3A_340] : memref<80x128xi32, #tpu.memory_space<vmem>> -> memref<1x128xi32, #tpu.memory_space<vmem>>
        %dma_wait3A_342 = tpu.memref_squeeze %dma_wait3A_341 : memref<1x128xi32, #tpu.memory_space<vmem>> -> memref<128xi32, #tpu.memory_space<vmem>>
        %dma_wait3A_343 = arith.constant 0 : i32
        %dma_wait3A_344 = arith.constant 0 : i32
        %dma_wait3A_345 = tpu.memref_slice %arg7[%dma_wait3A_343, %dma_wait3A_344] : memref<10000x64xf32, #tpu.memory_space<vmem_shared>> -> memref<10000x64xf32, #tpu.memory_space<vmem_shared>>
        tpu.wait_indirect_dma semaphore(%run_scoped3A_325 : memref<!tpu.dma_semaphore, #tpu.memory_space<semaphore_mem>>) src(%dma_wait3A_339 : memref<128x64xf32, #tpu.memory_space<vmem>>) dst(%dma_wait3A_345 : memref<10000x64xf32, #tpu.memory_space<vmem_shared>>)
        tpu.yield
      }) : () -> ()
      %lt3A_320 = arith.constant 9 : i32
      %lt3A_321 = arith.cmpi slt, %scan3A_137, %lt3A_320 : i32
      %convert_element_type3A_322 = arith.extui %lt3A_321 : i1 to i32
      %cond3A_323 = arith.constant 0 : i32
      %cond3A_324 = arith.cmpi ne, %convert_element_type3A_322, %cond3A_323 : i32
      scf.if %cond3A_324 {
        %add3A_325 = arith.constant 8 : i32
        %add3A_326 = arith.addi %add3A_304, %add3A_325 : i32
        %dma_start3A_327 = arith.constant 7 : i32
        %dma_start3A_328 = arith.constant 7 : i32
        %dma_start3A_329 = arith.constant 0 : i32
        %dma_start3A_330 = arith.constant 0 : i32
        %dma_start3A_331 = tpu.memref_slice %arg10[%dma_start3A_327, %dma_start3A_329, %dma_start3A_330] : memref<8x128x64xf32, #tpu.memory_space<vmem>> -> memref<1x128x64xf32, #tpu.memory_space<vmem>>
        %dma_start3A_332 = tpu.memref_squeeze %dma_start3A_331 : memref<1x128x64xf32, #tpu.memory_space<vmem>> -> memref<128x64xf32, #tpu.memory_space<vmem>>
        %dma_start3A_333 = arith.constant 0 : i32
        %dma_start3A_334 = tpu.memref_slice %arg8[%add3A_326, %dma_start3A_333] : memref<80x128xi32, #tpu.memory_space<vmem>> -> memref<1x128xi32, #tpu.memory_space<vmem>>
        %dma_start3A_335 = tpu.memref_squeeze %dma_start3A_334 : memref<1x128xi32, #tpu.memory_space<vmem>> -> memref<128xi32, #tpu.memory_space<vmem>>
        %dma_start3A_336 = arith.constant 0 : i32
        %dma_start3A_337 = arith.constant 0 : i32
        %dma_start3A_338 = tpu.memref_slice %arg2[%dma_start3A_336, %dma_start3A_337] : memref<10128x64xf32, #tpu.memory_space<hbm>> -> memref<10128x64xf32, #tpu.memory_space<hbm>>
        %dma_start3A_339 = tpu.memref_slice %arg11[%dma_start3A_328] : memref<8x!tpu.dma_semaphore, #tpu.memory_space<semaphore_mem>> -> memref<1x!tpu.dma_semaphore, #tpu.memory_space<semaphore_mem>>
        %dma_start3A_340 = tpu.memref_squeeze %dma_start3A_339 : memref<1x!tpu.dma_semaphore, #tpu.memory_space<semaphore_mem>> -> memref<!tpu.dma_semaphore, #tpu.memory_space<semaphore_mem>>
        tpu.enqueue_indirect_dma source(%dma_start3A_338 : memref<10128x64xf32, #tpu.memory_space<hbm>>) target(%dma_start3A_332 : memref<128x64xf32, #tpu.memory_space<vmem>>) offsets(%dma_start3A_335 : memref<128xi32, #tpu.memory_space<vmem>>) semaphore(%dma_start3A_340 : memref<!tpu.dma_semaphore, #tpu.memory_space<semaphore_mem>>)
      } else {
      }
    }
    %scan3A_128 = arith.constant 10 : i32
    %barrier3A_129 = arith.constant 0 : index
    tpu.barrier barrier_id(%barrier3A_129)
    %mul3A_130 = arith.constant 625 : i32
    %mul3A_131 = arith.muli %arg1, %mul3A_130 : i32
    %mul3A_132 = arith.constant 10000 : i32
    %mul3A_133 = arith.muli %arg0, %mul3A_132 : i32
    %mul3A_134 = arith.constant 625 : i32
    %mul3A_135 = arith.muli %arg1, %mul3A_134 : i32
    %add3A_136 = arith.addi %mul3A_133, %mul3A_135 : i32
    "tpu.region"() ({
      %run_scoped3A = tpu.sem_alloc : memref<!tpu.dma_semaphore, #tpu.memory_space<semaphore_mem>>
      %dma_start3A_137 = arith.constant 0 : i32
      %dma_start3A_138 = tpu.memref_slice %arg6[%add3A_136, %dma_start3A_137] : memref<20000x64xf32, #tpu.memory_space<hbm>> -> memref<625x64xf32, #tpu.memory_space<hbm>>
      %dma_start3A_139 = arith.constant 0 : i32
      %dma_start3A_140 = tpu.memref_slice %arg7[%mul3A_131, %dma_start3A_139] : memref<10000x64xf32, #tpu.memory_space<vmem_shared>> -> memref<625x64xf32, #tpu.memory_space<vmem_shared>>
      tpu.enqueue_dma source(%dma_start3A_140 : memref<625x64xf32, #tpu.memory_space<vmem_shared>>) target(%dma_start3A_138 : memref<625x64xf32, #tpu.memory_space<hbm>>) target_semaphore(%run_scoped3A : memref<!tpu.dma_semaphore, #tpu.memory_space<semaphore_mem>>)
      %dma_wait3A = arith.constant 0 : i32
      %dma_wait3A_141 = tpu.memref_slice %arg6[%add3A_136, %dma_wait3A] : memref<20000x64xf32, #tpu.memory_space<hbm>> -> memref<625x64xf32, #tpu.memory_space<hbm>>
      %dma_wait3A_142 = arith.constant 0 : i32
      %dma_wait3A_143 = tpu.memref_slice %arg7[%mul3A_131, %dma_wait3A_142] : memref<10000x64xf32, #tpu.memory_space<vmem_shared>> -> memref<625x64xf32, #tpu.memory_space<vmem_shared>>
      tpu.wait_dma2 semaphore(%run_scoped3A : memref<!tpu.dma_semaphore, #tpu.memory_space<semaphore_mem>>) src(%dma_wait3A_143 : memref<625x64xf32, #tpu.memory_space<vmem_shared>>) dst(%dma_wait3A_141 : memref<625x64xf32, #tpu.memory_space<hbm>>)
      tpu.yield
    }) : () -> ()
    return
  }
}

#map = affine_map<(d0, d1) -> (0, 0)>
#map1 = affine_map<(d0, d1) -> (0, 0, 0)>
module attributes {stable_mosaic.version = 14 : i64} {
  func.func @body(%arg0: i32, %arg1: i32, %arg2: memref<10128x80xf32, #tpu.memory_space<hbm>>, %arg3: memref<32x80x128xi32, #tpu.memory_space<hbm>>, %arg4: memref<32x80x128xi32, #tpu.memory_space<hbm>>, %arg5: memref<10000x80xf32, #tpu.memory_space<hbm>>, %arg6: memref<20000x80xf32, #tpu.memory_space<hbm>>, %arg7: memref<10000x80xf32, #tpu.memory_space<vmem_shared>>, %arg8: memref<80x128xi32, #tpu.memory_space<vmem>>, %arg9: memref<80x128xi32, #tpu.memory_space<vmem>>, %arg10: memref<5x128x80xf32, #tpu.memory_space<vmem>>, %arg11: memref<5x!tpu.dma_semaphore, #tpu.memory_space<semaphore_mem>>) attributes {dimension_semantics = [#tpu.dimension_semantics<core_parallel>, #tpu.dimension_semantics<subcore_parallel>], iteration_bounds = array<i64: 2, 16>, scalar_prefetch = 0 : i64, scratch_operands = 5 : i64, tpu.core_type = #tpu.core_type<sc_vector_subcore>, window_params = [{transform_indices = #map}, {transform_indices = #map1}, {transform_indices = #map1}, {transform_indices = #map}, {transform_indices = #map}]} {
    %mul3A = arith.constant 625 : i32
    %mul3A_0 = arith.muli %arg1, %mul3A : i32
    %mul3A_1 = arith.constant 625 : i32
    %mul3A_2 = arith.muli %arg1, %mul3A_1 : i32
    "tpu.region"() ({
      %run_scoped3A = tpu.sem_alloc : memref<!tpu.dma_semaphore, #tpu.memory_space<semaphore_mem>>
      %dma_start3A_92 = arith.constant 0 : i32
      %dma_start3A_93 = tpu.memref_slice %arg7[%mul3A_2, %dma_start3A_92] : memref<10000x80xf32, #tpu.memory_space<vmem_shared>> -> memref<625x80xf32, #tpu.memory_space<vmem_shared>>
      %dma_start3A_94 = arith.constant 0 : i32
      %dma_start3A_95 = tpu.memref_slice %arg5[%mul3A_0, %dma_start3A_94] : memref<10000x80xf32, #tpu.memory_space<hbm>> -> memref<625x80xf32, #tpu.memory_space<hbm>>
      tpu.enqueue_dma source(%dma_start3A_95 : memref<625x80xf32, #tpu.memory_space<hbm>>) target(%dma_start3A_93 : memref<625x80xf32, #tpu.memory_space<vmem_shared>>) target_semaphore(%run_scoped3A : memref<!tpu.dma_semaphore, #tpu.memory_space<semaphore_mem>>)
      %dma_wait3A = arith.constant 0 : i32
      %dma_wait3A_96 = tpu.memref_slice %arg7[%mul3A_2, %dma_wait3A] : memref<10000x80xf32, #tpu.memory_space<vmem_shared>> -> memref<625x80xf32, #tpu.memory_space<vmem_shared>>
      %dma_wait3A_97 = arith.constant 0 : i32
      %dma_wait3A_98 = tpu.memref_slice %arg5[%mul3A_0, %dma_wait3A_97] : memref<10000x80xf32, #tpu.memory_space<hbm>> -> memref<625x80xf32, #tpu.memory_space<hbm>>
      tpu.wait_dma2 semaphore(%run_scoped3A : memref<!tpu.dma_semaphore, #tpu.memory_space<semaphore_mem>>) src(%dma_wait3A_98 : memref<625x80xf32, #tpu.memory_space<hbm>>) dst(%dma_wait3A_96 : memref<625x80xf32, #tpu.memory_space<vmem_shared>>)
      tpu.yield
    }) : () -> ()
    %barrier3A = arith.constant 0 : index
    tpu.barrier barrier_id(%barrier3A)
    %mul3A_3 = arith.constant 16 : i32
    %mul3A_4 = arith.muli %mul3A_3, %arg0 : i32
    %add3A = arith.addi %arg1, %mul3A_4 : i32
    "tpu.region"() ({
      %run_scoped3A = tpu.sem_alloc : memref<!tpu.dma_semaphore, #tpu.memory_space<semaphore_mem>>
      %dma_start3A_92 = arith.constant 0 : i32
      %dma_start3A_93 = arith.constant 0 : i32
      %dma_start3A_94 = tpu.memref_slice %arg3[%add3A, %dma_start3A_92, %dma_start3A_93] : memref<32x80x128xi32, #tpu.memory_space<hbm>> -> memref<1x80x128xi32, #tpu.memory_space<hbm>>
      %dma_start3A_95 = tpu.memref_squeeze %dma_start3A_94 : memref<1x80x128xi32, #tpu.memory_space<hbm>> -> memref<80x128xi32, #tpu.memory_space<hbm>>
      %dma_start3A_96 = arith.constant 0 : i32
      %dma_start3A_97 = arith.constant 0 : i32
      %dma_start3A_98 = tpu.memref_slice %arg3[%add3A, %dma_start3A_96, %dma_start3A_97] : memref<32x80x128xi32, #tpu.memory_space<hbm>> -> memref<1x80x128xi32, #tpu.memory_space<hbm>>
      %dma_start3A_99 = tpu.memref_squeeze %dma_start3A_98 : memref<1x80x128xi32, #tpu.memory_space<hbm>> -> memref<80x128xi32, #tpu.memory_space<hbm>>
      tpu.enqueue_dma source(%dma_start3A_99 : memref<80x128xi32, #tpu.memory_space<hbm>>) target(%arg8 : memref<80x128xi32, #tpu.memory_space<vmem>>) target_semaphore(%run_scoped3A : memref<!tpu.dma_semaphore, #tpu.memory_space<semaphore_mem>>)
      %dma_wait3A = arith.constant 0 : i32
      %dma_wait3A_100 = arith.constant 0 : i32
      %dma_wait3A_101 = tpu.memref_slice %arg3[%add3A, %dma_wait3A, %dma_wait3A_100] : memref<32x80x128xi32, #tpu.memory_space<hbm>> -> memref<1x80x128xi32, #tpu.memory_space<hbm>>
      %dma_wait3A_102 = tpu.memref_squeeze %dma_wait3A_101 : memref<1x80x128xi32, #tpu.memory_space<hbm>> -> memref<80x128xi32, #tpu.memory_space<hbm>>
      %dma_wait3A_103 = arith.constant 0 : i32
      %dma_wait3A_104 = arith.constant 0 : i32
      %dma_wait3A_105 = tpu.memref_slice %arg3[%add3A, %dma_wait3A_103, %dma_wait3A_104] : memref<32x80x128xi32, #tpu.memory_space<hbm>> -> memref<1x80x128xi32, #tpu.memory_space<hbm>>
      %dma_wait3A_106 = tpu.memref_squeeze %dma_wait3A_105 : memref<1x80x128xi32, #tpu.memory_space<hbm>> -> memref<80x128xi32, #tpu.memory_space<hbm>>
      tpu.wait_dma2 semaphore(%run_scoped3A : memref<!tpu.dma_semaphore, #tpu.memory_space<semaphore_mem>>) src(%dma_wait3A_106 : memref<80x128xi32, #tpu.memory_space<hbm>>) dst(%arg8 : memref<80x128xi32, #tpu.memory_space<vmem>>)
      tpu.yield
    }) : () -> ()
    "tpu.region"() ({
      %run_scoped3A = tpu.sem_alloc : memref<!tpu.dma_semaphore, #tpu.memory_space<semaphore_mem>>
      %dma_start3A_92 = arith.constant 0 : i32
      %dma_start3A_93 = arith.constant 0 : i32
      %dma_start3A_94 = tpu.memref_slice %arg4[%add3A, %dma_start3A_92, %dma_start3A_93] : memref<32x80x128xi32, #tpu.memory_space<hbm>> -> memref<1x80x128xi32, #tpu.memory_space<hbm>>
      %dma_start3A_95 = tpu.memref_squeeze %dma_start3A_94 : memref<1x80x128xi32, #tpu.memory_space<hbm>> -> memref<80x128xi32, #tpu.memory_space<hbm>>
      %dma_start3A_96 = arith.constant 0 : i32
      %dma_start3A_97 = arith.constant 0 : i32
      %dma_start3A_98 = tpu.memref_slice %arg4[%add3A, %dma_start3A_96, %dma_start3A_97] : memref<32x80x128xi32, #tpu.memory_space<hbm>> -> memref<1x80x128xi32, #tpu.memory_space<hbm>>
      %dma_start3A_99 = tpu.memref_squeeze %dma_start3A_98 : memref<1x80x128xi32, #tpu.memory_space<hbm>> -> memref<80x128xi32, #tpu.memory_space<hbm>>
      tpu.enqueue_dma source(%dma_start3A_99 : memref<80x128xi32, #tpu.memory_space<hbm>>) target(%arg9 : memref<80x128xi32, #tpu.memory_space<vmem>>) target_semaphore(%run_scoped3A : memref<!tpu.dma_semaphore, #tpu.memory_space<semaphore_mem>>)
      %dma_wait3A = arith.constant 0 : i32
      %dma_wait3A_100 = arith.constant 0 : i32
      %dma_wait3A_101 = tpu.memref_slice %arg4[%add3A, %dma_wait3A, %dma_wait3A_100] : memref<32x80x128xi32, #tpu.memory_space<hbm>> -> memref<1x80x128xi32, #tpu.memory_space<hbm>>
      %dma_wait3A_102 = tpu.memref_squeeze %dma_wait3A_101 : memref<1x80x128xi32, #tpu.memory_space<hbm>> -> memref<80x128xi32, #tpu.memory_space<hbm>>
      %dma_wait3A_103 = arith.constant 0 : i32
      %dma_wait3A_104 = arith.constant 0 : i32
      %dma_wait3A_105 = tpu.memref_slice %arg4[%add3A, %dma_wait3A_103, %dma_wait3A_104] : memref<32x80x128xi32, #tpu.memory_space<hbm>> -> memref<1x80x128xi32, #tpu.memory_space<hbm>>
      %dma_wait3A_106 = tpu.memref_squeeze %dma_wait3A_105 : memref<1x80x128xi32, #tpu.memory_space<hbm>> -> memref<80x128xi32, #tpu.memory_space<hbm>>
      tpu.wait_dma2 semaphore(%run_scoped3A : memref<!tpu.dma_semaphore, #tpu.memory_space<semaphore_mem>>) src(%dma_wait3A_106 : memref<80x128xi32, #tpu.memory_space<hbm>>) dst(%arg9 : memref<80x128xi32, #tpu.memory_space<vmem>>)
      tpu.yield
    }) : () -> ()
    %dma_start3A = arith.constant 0 : i32
    %dma_start3A_5 = arith.constant 0 : i32
    %dma_start3A_6 = arith.constant 0 : i32
    %dma_start3A_7 = arith.constant 0 : i32
    %dma_start3A_8 = arith.constant 0 : i32
    %dma_start3A_9 = tpu.memref_slice %arg10[%dma_start3A_5, %dma_start3A_7, %dma_start3A_8] : memref<5x128x80xf32, #tpu.memory_space<vmem>> -> memref<1x128x80xf32, #tpu.memory_space<vmem>>
    %dma_start3A_10 = tpu.memref_squeeze %dma_start3A_9 : memref<1x128x80xf32, #tpu.memory_space<vmem>> -> memref<128x80xf32, #tpu.memory_space<vmem>>
    %dma_start3A_11 = arith.constant 0 : i32
    %dma_start3A_12 = tpu.memref_slice %arg8[%dma_start3A, %dma_start3A_11] : memref<80x128xi32, #tpu.memory_space<vmem>> -> memref<1x128xi32, #tpu.memory_space<vmem>>
    %dma_start3A_13 = tpu.memref_squeeze %dma_start3A_12 : memref<1x128xi32, #tpu.memory_space<vmem>> -> memref<128xi32, #tpu.memory_space<vmem>>
    %dma_start3A_14 = arith.constant 0 : i32
    %dma_start3A_15 = arith.constant 0 : i32
    %dma_start3A_16 = tpu.memref_slice %arg2[%dma_start3A_14, %dma_start3A_15] : memref<10128x80xf32, #tpu.memory_space<hbm>> -> memref<10128x80xf32, #tpu.memory_space<hbm>>
    %dma_start3A_17 = tpu.memref_slice %arg11[%dma_start3A_6] : memref<5x!tpu.dma_semaphore, #tpu.memory_space<semaphore_mem>> -> memref<1x!tpu.dma_semaphore, #tpu.memory_space<semaphore_mem>>
    %dma_start3A_18 = tpu.memref_squeeze %dma_start3A_17 : memref<1x!tpu.dma_semaphore, #tpu.memory_space<semaphore_mem>> -> memref<!tpu.dma_semaphore, #tpu.memory_space<semaphore_mem>>
    tpu.enqueue_indirect_dma source(%dma_start3A_16 : memref<10128x80xf32, #tpu.memory_space<hbm>>) target(%dma_start3A_10 : memref<128x80xf32, #tpu.memory_space<vmem>>) offsets(%dma_start3A_13 : memref<128xi32, #tpu.memory_space<vmem>>) semaphore(%dma_start3A_18 : memref<!tpu.dma_semaphore, #tpu.memory_space<semaphore_mem>>)
    %dma_start3A_19 = arith.constant 1 : i32
    %dma_start3A_20 = arith.constant 1 : i32
    %dma_start3A_21 = arith.constant 1 : i32
    %dma_start3A_22 = arith.constant 0 : i32
    %dma_start3A_23 = arith.constant 0 : i32
    %dma_start3A_24 = tpu.memref_slice %arg10[%dma_start3A_20, %dma_start3A_22, %dma_start3A_23] : memref<5x128x80xf32, #tpu.memory_space<vmem>> -> memref<1x128x80xf32, #tpu.memory_space<vmem>>
    %dma_start3A_25 = tpu.memref_squeeze %dma_start3A_24 : memref<1x128x80xf32, #tpu.memory_space<vmem>> -> memref<128x80xf32, #tpu.memory_space<vmem>>
    %dma_start3A_26 = arith.constant 0 : i32
    %dma_start3A_27 = tpu.memref_slice %arg8[%dma_start3A_19, %dma_start3A_26] : memref<80x128xi32, #tpu.memory_space<vmem>> -> memref<1x128xi32, #tpu.memory_space<vmem>>
    %dma_start3A_28 = tpu.memref_squeeze %dma_start3A_27 : memref<1x128xi32, #tpu.memory_space<vmem>> -> memref<128xi32, #tpu.memory_space<vmem>>
    %dma_start3A_29 = arith.constant 0 : i32
    %dma_start3A_30 = arith.constant 0 : i32
    %dma_start3A_31 = tpu.memref_slice %arg2[%dma_start3A_29, %dma_start3A_30] : memref<10128x80xf32, #tpu.memory_space<hbm>> -> memref<10128x80xf32, #tpu.memory_space<hbm>>
    %dma_start3A_32 = tpu.memref_slice %arg11[%dma_start3A_21] : memref<5x!tpu.dma_semaphore, #tpu.memory_space<semaphore_mem>> -> memref<1x!tpu.dma_semaphore, #tpu.memory_space<semaphore_mem>>
    %dma_start3A_33 = tpu.memref_squeeze %dma_start3A_32 : memref<1x!tpu.dma_semaphore, #tpu.memory_space<semaphore_mem>> -> memref<!tpu.dma_semaphore, #tpu.memory_space<semaphore_mem>>
    tpu.enqueue_indirect_dma source(%dma_start3A_31 : memref<10128x80xf32, #tpu.memory_space<hbm>>) target(%dma_start3A_25 : memref<128x80xf32, #tpu.memory_space<vmem>>) offsets(%dma_start3A_28 : memref<128xi32, #tpu.memory_space<vmem>>) semaphore(%dma_start3A_33 : memref<!tpu.dma_semaphore, #tpu.memory_space<semaphore_mem>>)
    %dma_start3A_34 = arith.constant 2 : i32
    %dma_start3A_35 = arith.constant 2 : i32
    %dma_start3A_36 = arith.constant 2 : i32
    %dma_start3A_37 = arith.constant 0 : i32
    %dma_start3A_38 = arith.constant 0 : i32
    %dma_start3A_39 = tpu.memref_slice %arg10[%dma_start3A_35, %dma_start3A_37, %dma_start3A_38] : memref<5x128x80xf32, #tpu.memory_space<vmem>> -> memref<1x128x80xf32, #tpu.memory_space<vmem>>
    %dma_start3A_40 = tpu.memref_squeeze %dma_start3A_39 : memref<1x128x80xf32, #tpu.memory_space<vmem>> -> memref<128x80xf32, #tpu.memory_space<vmem>>
    %dma_start3A_41 = arith.constant 0 : i32
    %dma_start3A_42 = tpu.memref_slice %arg8[%dma_start3A_34, %dma_start3A_41] : memref<80x128xi32, #tpu.memory_space<vmem>> -> memref<1x128xi32, #tpu.memory_space<vmem>>
    %dma_start3A_43 = tpu.memref_squeeze %dma_start3A_42 : memref<1x128xi32, #tpu.memory_space<vmem>> -> memref<128xi32, #tpu.memory_space<vmem>>
    %dma_start3A_44 = arith.constant 0 : i32
    %dma_start3A_45 = arith.constant 0 : i32
    %dma_start3A_46 = tpu.memref_slice %arg2[%dma_start3A_44, %dma_start3A_45] : memref<10128x80xf32, #tpu.memory_space<hbm>> -> memref<10128x80xf32, #tpu.memory_space<hbm>>
    %dma_start3A_47 = tpu.memref_slice %arg11[%dma_start3A_36] : memref<5x!tpu.dma_semaphore, #tpu.memory_space<semaphore_mem>> -> memref<1x!tpu.dma_semaphore, #tpu.memory_space<semaphore_mem>>
    %dma_start3A_48 = tpu.memref_squeeze %dma_start3A_47 : memref<1x!tpu.dma_semaphore, #tpu.memory_space<semaphore_mem>> -> memref<!tpu.dma_semaphore, #tpu.memory_space<semaphore_mem>>
    tpu.enqueue_indirect_dma source(%dma_start3A_46 : memref<10128x80xf32, #tpu.memory_space<hbm>>) target(%dma_start3A_40 : memref<128x80xf32, #tpu.memory_space<vmem>>) offsets(%dma_start3A_43 : memref<128xi32, #tpu.memory_space<vmem>>) semaphore(%dma_start3A_48 : memref<!tpu.dma_semaphore, #tpu.memory_space<semaphore_mem>>)
    %dma_start3A_49 = arith.constant 3 : i32
    %dma_start3A_50 = arith.constant 3 : i32
    %dma_start3A_51 = arith.constant 3 : i32
    %dma_start3A_52 = arith.constant 0 : i32
    %dma_start3A_53 = arith.constant 0 : i32
    %dma_start3A_54 = tpu.memref_slice %arg10[%dma_start3A_50, %dma_start3A_52, %dma_start3A_53] : memref<5x128x80xf32, #tpu.memory_space<vmem>> -> memref<1x128x80xf32, #tpu.memory_space<vmem>>
    %dma_start3A_55 = tpu.memref_squeeze %dma_start3A_54 : memref<1x128x80xf32, #tpu.memory_space<vmem>> -> memref<128x80xf32, #tpu.memory_space<vmem>>
    %dma_start3A_56 = arith.constant 0 : i32
    %dma_start3A_57 = tpu.memref_slice %arg8[%dma_start3A_49, %dma_start3A_56] : memref<80x128xi32, #tpu.memory_space<vmem>> -> memref<1x128xi32, #tpu.memory_space<vmem>>
    %dma_start3A_58 = tpu.memref_squeeze %dma_start3A_57 : memref<1x128xi32, #tpu.memory_space<vmem>> -> memref<128xi32, #tpu.memory_space<vmem>>
    %dma_start3A_59 = arith.constant 0 : i32
    %dma_start3A_60 = arith.constant 0 : i32
    %dma_start3A_61 = tpu.memref_slice %arg2[%dma_start3A_59, %dma_start3A_60] : memref<10128x80xf32, #tpu.memory_space<hbm>> -> memref<10128x80xf32, #tpu.memory_space<hbm>>
    %dma_start3A_62 = tpu.memref_slice %arg11[%dma_start3A_51] : memref<5x!tpu.dma_semaphore, #tpu.memory_space<semaphore_mem>> -> memref<1x!tpu.dma_semaphore, #tpu.memory_space<semaphore_mem>>
    %dma_start3A_63 = tpu.memref_squeeze %dma_start3A_62 : memref<1x!tpu.dma_semaphore, #tpu.memory_space<semaphore_mem>> -> memref<!tpu.dma_semaphore, #tpu.memory_space<semaphore_mem>>
    tpu.enqueue_indirect_dma source(%dma_start3A_61 : memref<10128x80xf32, #tpu.memory_space<hbm>>) target(%dma_start3A_55 : memref<128x80xf32, #tpu.memory_space<vmem>>) offsets(%dma_start3A_58 : memref<128xi32, #tpu.memory_space<vmem>>) semaphore(%dma_start3A_63 : memref<!tpu.dma_semaphore, #tpu.memory_space<semaphore_mem>>)
    %dma_start3A_64 = arith.constant 4 : i32
    %dma_start3A_65 = arith.constant 4 : i32
    %dma_start3A_66 = arith.constant 4 : i32
    %dma_start3A_67 = arith.constant 0 : i32
    %dma_start3A_68 = arith.constant 0 : i32
    %dma_start3A_69 = tpu.memref_slice %arg10[%dma_start3A_65, %dma_start3A_67, %dma_start3A_68] : memref<5x128x80xf32, #tpu.memory_space<vmem>> -> memref<1x128x80xf32, #tpu.memory_space<vmem>>
    %dma_start3A_70 = tpu.memref_squeeze %dma_start3A_69 : memref<1x128x80xf32, #tpu.memory_space<vmem>> -> memref<128x80xf32, #tpu.memory_space<vmem>>
    %dma_start3A_71 = arith.constant 0 : i32
    %dma_start3A_72 = tpu.memref_slice %arg8[%dma_start3A_64, %dma_start3A_71] : memref<80x128xi32, #tpu.memory_space<vmem>> -> memref<1x128xi32, #tpu.memory_space<vmem>>
    %dma_start3A_73 = tpu.memref_squeeze %dma_start3A_72 : memref<1x128xi32, #tpu.memory_space<vmem>> -> memref<128xi32, #tpu.memory_space<vmem>>
    %dma_start3A_74 = arith.constant 0 : i32
    %dma_start3A_75 = arith.constant 0 : i32
    %dma_start3A_76 = tpu.memref_slice %arg2[%dma_start3A_74, %dma_start3A_75] : memref<10128x80xf32, #tpu.memory_space<hbm>> -> memref<10128x80xf32, #tpu.memory_space<hbm>>
    %dma_start3A_77 = tpu.memref_slice %arg11[%dma_start3A_66] : memref<5x!tpu.dma_semaphore, #tpu.memory_space<semaphore_mem>> -> memref<1x!tpu.dma_semaphore, #tpu.memory_space<semaphore_mem>>
    %dma_start3A_78 = tpu.memref_squeeze %dma_start3A_77 : memref<1x!tpu.dma_semaphore, #tpu.memory_space<semaphore_mem>> -> memref<!tpu.dma_semaphore, #tpu.memory_space<semaphore_mem>>
    tpu.enqueue_indirect_dma source(%dma_start3A_76 : memref<10128x80xf32, #tpu.memory_space<hbm>>) target(%dma_start3A_70 : memref<128x80xf32, #tpu.memory_space<vmem>>) offsets(%dma_start3A_73 : memref<128xi32, #tpu.memory_space<vmem>>) semaphore(%dma_start3A_78 : memref<!tpu.dma_semaphore, #tpu.memory_space<semaphore_mem>>)
    %scan3A = arith.constant 0 : i32
    %scan3A_79 = arith.constant 0 : i32
    %scan3A_80 = arith.constant 16 : i32
    %scan3A_81 = arith.addi %scan3A_79, %scan3A_80 : i32
    %scan3A_82 = arith.constant 1 : i32
    scf.for %scan3A_92 = %scan3A_79 to %scan3A_81 step %scan3A_82  : i32 {
      %mul3A_93 = arith.constant 5 : i32
      %mul3A_94 = arith.muli %scan3A_92, %mul3A_93 : i32
      %add3A_95 = arith.constant 0 : i32
      %add3A_96 = arith.addi %mul3A_94, %add3A_95 : i32
      %dma_wait3A = arith.constant 0 : i32
      %dma_wait3A_97 = arith.constant 0 : i32
      %dma_wait3A_98 = arith.constant 0 : i32
      %dma_wait3A_99 = arith.constant 0 : i32
      %dma_wait3A_100 = tpu.memref_slice %arg10[%dma_wait3A, %dma_wait3A_98, %dma_wait3A_99] : memref<5x128x80xf32, #tpu.memory_space<vmem>> -> memref<1x128x80xf32, #tpu.memory_space<vmem>>
      %dma_wait3A_101 = tpu.memref_squeeze %dma_wait3A_100 : memref<1x128x80xf32, #tpu.memory_space<vmem>> -> memref<128x80xf32, #tpu.memory_space<vmem>>
      %dma_wait3A_102 = arith.constant 0 : i32
      %dma_wait3A_103 = tpu.memref_slice %arg8[%add3A_96, %dma_wait3A_102] : memref<80x128xi32, #tpu.memory_space<vmem>> -> memref<1x128xi32, #tpu.memory_space<vmem>>
      %dma_wait3A_104 = tpu.memref_squeeze %dma_wait3A_103 : memref<1x128xi32, #tpu.memory_space<vmem>> -> memref<128xi32, #tpu.memory_space<vmem>>
      %dma_wait3A_105 = arith.constant 0 : i32
      %dma_wait3A_106 = arith.constant 0 : i32
      %dma_wait3A_107 = tpu.memref_slice %arg2[%dma_wait3A_105, %dma_wait3A_106] : memref<10128x80xf32, #tpu.memory_space<hbm>> -> memref<10128x80xf32, #tpu.memory_space<hbm>>
      %dma_wait3A_108 = tpu.memref_slice %arg11[%dma_wait3A_97] : memref<5x!tpu.dma_semaphore, #tpu.memory_space<semaphore_mem>> -> memref<1x!tpu.dma_semaphore, #tpu.memory_space<semaphore_mem>>
      %dma_wait3A_109 = tpu.memref_squeeze %dma_wait3A_108 : memref<1x!tpu.dma_semaphore, #tpu.memory_space<semaphore_mem>> -> memref<!tpu.dma_semaphore, #tpu.memory_space<semaphore_mem>>
      tpu.wait_indirect_dma semaphore(%dma_wait3A_109 : memref<!tpu.dma_semaphore, #tpu.memory_space<semaphore_mem>>) src(%dma_wait3A_107 : memref<10128x80xf32, #tpu.memory_space<hbm>>) dst(%dma_wait3A_101 : memref<128x80xf32, #tpu.memory_space<vmem>>)
      %run_scoped3A = arith.constant 0 : i32
      "tpu.region"() ({
        %run_scoped3A_208 = tpu.sem_alloc : memref<!tpu.dma_semaphore, #tpu.memory_space<semaphore_mem>>
        %dma_start3A_209 = arith.constant 0 : i32
        %dma_start3A_210 = arith.constant 0 : i32
        %dma_start3A_211 = tpu.memref_slice %arg10[%run_scoped3A, %dma_start3A_209, %dma_start3A_210] : memref<5x128x80xf32, #tpu.memory_space<vmem>> -> memref<1x128x80xf32, #tpu.memory_space<vmem>>
        %dma_start3A_212 = tpu.memref_squeeze %dma_start3A_211 : memref<1x128x80xf32, #tpu.memory_space<vmem>> -> memref<128x80xf32, #tpu.memory_space<vmem>>
        %dma_start3A_213 = arith.constant 0 : i32
        %dma_start3A_214 = tpu.memref_slice %arg9[%add3A_96, %dma_start3A_213] : memref<80x128xi32, #tpu.memory_space<vmem>> -> memref<1x128xi32, #tpu.memory_space<vmem>>
        %dma_start3A_215 = tpu.memref_squeeze %dma_start3A_214 : memref<1x128xi32, #tpu.memory_space<vmem>> -> memref<128xi32, #tpu.memory_space<vmem>>
        %dma_start3A_216 = arith.constant 0 : i32
        %dma_start3A_217 = arith.constant 0 : i32
        %dma_start3A_218 = tpu.memref_slice %arg7[%dma_start3A_216, %dma_start3A_217] : memref<10000x80xf32, #tpu.memory_space<vmem_shared>> -> memref<10000x80xf32, #tpu.memory_space<vmem_shared>>
        tpu.enqueue_indirect_dma source(%dma_start3A_212 : memref<128x80xf32, #tpu.memory_space<vmem>>) target(%dma_start3A_218 : memref<10000x80xf32, #tpu.memory_space<vmem_shared>>) offsets(%dma_start3A_215 : memref<128xi32, #tpu.memory_space<vmem>>) semaphore(%run_scoped3A_208 : memref<!tpu.dma_semaphore, #tpu.memory_space<semaphore_mem>>) {add = true}
        %dma_wait3A_219 = arith.constant 0 : i32
        %dma_wait3A_220 = arith.constant 0 : i32
        %dma_wait3A_221 = tpu.memref_slice %arg10[%run_scoped3A, %dma_wait3A_219, %dma_wait3A_220] : memref<5x128x80xf32, #tpu.memory_space<vmem>> -> memref<1x128x80xf32, #tpu.memory_space<vmem>>
        %dma_wait3A_222 = tpu.memref_squeeze %dma_wait3A_221 : memref<1x128x80xf32, #tpu.memory_space<vmem>> -> memref<128x80xf32, #tpu.memory_space<vmem>>
        %dma_wait3A_223 = arith.constant 0 : i32
        %dma_wait3A_224 = tpu.memref_slice %arg9[%add3A_96, %dma_wait3A_223] : memref<80x128xi32, #tpu.memory_space<vmem>> -> memref<1x128xi32, #tpu.memory_space<vmem>>
        %dma_wait3A_225 = tpu.memref_squeeze %dma_wait3A_224 : memref<1x128xi32, #tpu.memory_space<vmem>> -> memref<128xi32, #tpu.memory_space<vmem>>
        %dma_wait3A_226 = arith.constant 0 : i32
        %dma_wait3A_227 = arith.constant 0 : i32
        %dma_wait3A_228 = tpu.memref_slice %arg7[%dma_wait3A_226, %dma_wait3A_227] : memref<10000x80xf32, #tpu.memory_space<vmem_shared>> -> memref<10000x80xf32, #tpu.memory_space<vmem_shared>>
        tpu.wait_indirect_dma semaphore(%run_scoped3A_208 : memref<!tpu.dma_semaphore, #tpu.memory_space<semaphore_mem>>) src(%dma_wait3A_222 : memref<128x80xf32, #tpu.memory_space<vmem>>) dst(%dma_wait3A_228 : memref<10000x80xf32, #tpu.memory_space<vmem_shared>>)
        tpu.yield
      }) : () -> ()
      %lt3A = arith.constant 15 : i32
      %lt3A_110 = arith.cmpi slt, %scan3A_92, %lt3A : i32
      %convert_element_type3A = arith.extui %lt3A_110 : i1 to i32
      %cond3A = arith.constant 0 : i32
      %cond3A_111 = arith.cmpi ne, %convert_element_type3A, %cond3A : i32
      scf.if %cond3A_111 {
        %add3A_208 = arith.constant 5 : i32
        %add3A_209 = arith.addi %add3A_96, %add3A_208 : i32
        %dma_start3A_210 = arith.constant 0 : i32
        %dma_start3A_211 = arith.constant 0 : i32
        %dma_start3A_212 = arith.constant 0 : i32
        %dma_start3A_213 = arith.constant 0 : i32
        %dma_start3A_214 = tpu.memref_slice %arg10[%dma_start3A_210, %dma_start3A_212, %dma_start3A_213] : memref<5x128x80xf32, #tpu.memory_space<vmem>> -> memref<1x128x80xf32, #tpu.memory_space<vmem>>
        %dma_start3A_215 = tpu.memref_squeeze %dma_start3A_214 : memref<1x128x80xf32, #tpu.memory_space<vmem>> -> memref<128x80xf32, #tpu.memory_space<vmem>>
        %dma_start3A_216 = arith.constant 0 : i32
        %dma_start3A_217 = tpu.memref_slice %arg8[%add3A_209, %dma_start3A_216] : memref<80x128xi32, #tpu.memory_space<vmem>> -> memref<1x128xi32, #tpu.memory_space<vmem>>
        %dma_start3A_218 = tpu.memref_squeeze %dma_start3A_217 : memref<1x128xi32, #tpu.memory_space<vmem>> -> memref<128xi32, #tpu.memory_space<vmem>>
        %dma_start3A_219 = arith.constant 0 : i32
        %dma_start3A_220 = arith.constant 0 : i32
        %dma_start3A_221 = tpu.memref_slice %arg2[%dma_start3A_219, %dma_start3A_220] : memref<10128x80xf32, #tpu.memory_space<hbm>> -> memref<10128x80xf32, #tpu.memory_space<hbm>>
        %dma_start3A_222 = tpu.memref_slice %arg11[%dma_start3A_211] : memref<5x!tpu.dma_semaphore, #tpu.memory_space<semaphore_mem>> -> memref<1x!tpu.dma_semaphore, #tpu.memory_space<semaphore_mem>>
        %dma_start3A_223 = tpu.memref_squeeze %dma_start3A_222 : memref<1x!tpu.dma_semaphore, #tpu.memory_space<semaphore_mem>> -> memref<!tpu.dma_semaphore, #tpu.memory_space<semaphore_mem>>
        tpu.enqueue_indirect_dma source(%dma_start3A_221 : memref<10128x80xf32, #tpu.memory_space<hbm>>) target(%dma_start3A_215 : memref<128x80xf32, #tpu.memory_space<vmem>>) offsets(%dma_start3A_218 : memref<128xi32, #tpu.memory_space<vmem>>) semaphore(%dma_start3A_223 : memref<!tpu.dma_semaphore, #tpu.memory_space<semaphore_mem>>)
      } else {
      }
      %mul3A_112 = arith.constant 5 : i32
      %mul3A_113 = arith.muli %scan3A_92, %mul3A_112 : i32
      %add3A_114 = arith.constant 1 : i32
      %add3A_115 = arith.addi %mul3A_113, %add3A_114 : i32
      %dma_wait3A_116 = arith.constant 1 : i32
      %dma_wait3A_117 = arith.constant 1 : i32
      %dma_wait3A_118 = arith.constant 0 : i32
      %dma_wait3A_119 = arith.constant 0 : i32
      %dma_wait3A_120 = tpu.memref_slice %arg10[%dma_wait3A_116, %dma_wait3A_118, %dma_wait3A_119] : memref<5x128x80xf32, #tpu.memory_space<vmem>> -> memref<1x128x80xf32, #tpu.memory_space<vmem>>
      %dma_wait3A_121 = tpu.memref_squeeze %dma_wait3A_120 : memref<1x128x80xf32, #tpu.memory_space<vmem>> -> memref<128x80xf32, #tpu.memory_space<vmem>>
      %dma_wait3A_122 = arith.constant 0 : i32
      %dma_wait3A_123 = tpu.memref_slice %arg8[%add3A_115, %dma_wait3A_122] : memref<80x128xi32, #tpu.memory_space<vmem>> -> memref<1x128xi32, #tpu.memory_space<vmem>>
      %dma_wait3A_124 = tpu.memref_squeeze %dma_wait3A_123 : memref<1x128xi32, #tpu.memory_space<vmem>> -> memref<128xi32, #tpu.memory_space<vmem>>
      %dma_wait3A_125 = arith.constant 0 : i32
      %dma_wait3A_126 = arith.constant 0 : i32
      %dma_wait3A_127 = tpu.memref_slice %arg2[%dma_wait3A_125, %dma_wait3A_126] : memref<10128x80xf32, #tpu.memory_space<hbm>> -> memref<10128x80xf32, #tpu.memory_space<hbm>>
      %dma_wait3A_128 = tpu.memref_slice %arg11[%dma_wait3A_117] : memref<5x!tpu.dma_semaphore, #tpu.memory_space<semaphore_mem>> -> memref<1x!tpu.dma_semaphore, #tpu.memory_space<semaphore_mem>>
      %dma_wait3A_129 = tpu.memref_squeeze %dma_wait3A_128 : memref<1x!tpu.dma_semaphore, #tpu.memory_space<semaphore_mem>> -> memref<!tpu.dma_semaphore, #tpu.memory_space<semaphore_mem>>
      tpu.wait_indirect_dma semaphore(%dma_wait3A_129 : memref<!tpu.dma_semaphore, #tpu.memory_space<semaphore_mem>>) src(%dma_wait3A_127 : memref<10128x80xf32, #tpu.memory_space<hbm>>) dst(%dma_wait3A_121 : memref<128x80xf32, #tpu.memory_space<vmem>>)
      %run_scoped3A_130 = arith.constant 1 : i32
      "tpu.region"() ({
        %run_scoped3A_208 = tpu.sem_alloc : memref<!tpu.dma_semaphore, #tpu.memory_space<semaphore_mem>>
        %dma_start3A_209 = arith.constant 0 : i32
        %dma_start3A_210 = arith.constant 0 : i32
        %dma_start3A_211 = tpu.memref_slice %arg10[%run_scoped3A_130, %dma_start3A_209, %dma_start3A_210] : memref<5x128x80xf32, #tpu.memory_space<vmem>> -> memref<1x128x80xf32, #tpu.memory_space<vmem>>
        %dma_start3A_212 = tpu.memref_squeeze %dma_start3A_211 : memref<1x128x80xf32, #tpu.memory_space<vmem>> -> memref<128x80xf32, #tpu.memory_space<vmem>>
        %dma_start3A_213 = arith.constant 0 : i32
        %dma_start3A_214 = tpu.memref_slice %arg9[%add3A_115, %dma_start3A_213] : memref<80x128xi32, #tpu.memory_space<vmem>> -> memref<1x128xi32, #tpu.memory_space<vmem>>
        %dma_start3A_215 = tpu.memref_squeeze %dma_start3A_214 : memref<1x128xi32, #tpu.memory_space<vmem>> -> memref<128xi32, #tpu.memory_space<vmem>>
        %dma_start3A_216 = arith.constant 0 : i32
        %dma_start3A_217 = arith.constant 0 : i32
        %dma_start3A_218 = tpu.memref_slice %arg7[%dma_start3A_216, %dma_start3A_217] : memref<10000x80xf32, #tpu.memory_space<vmem_shared>> -> memref<10000x80xf32, #tpu.memory_space<vmem_shared>>
        tpu.enqueue_indirect_dma source(%dma_start3A_212 : memref<128x80xf32, #tpu.memory_space<vmem>>) target(%dma_start3A_218 : memref<10000x80xf32, #tpu.memory_space<vmem_shared>>) offsets(%dma_start3A_215 : memref<128xi32, #tpu.memory_space<vmem>>) semaphore(%run_scoped3A_208 : memref<!tpu.dma_semaphore, #tpu.memory_space<semaphore_mem>>) {add = true}
        %dma_wait3A_219 = arith.constant 0 : i32
        %dma_wait3A_220 = arith.constant 0 : i32
        %dma_wait3A_221 = tpu.memref_slice %arg10[%run_scoped3A_130, %dma_wait3A_219, %dma_wait3A_220] : memref<5x128x80xf32, #tpu.memory_space<vmem>> -> memref<1x128x80xf32, #tpu.memory_space<vmem>>
        %dma_wait3A_222 = tpu.memref_squeeze %dma_wait3A_221 : memref<1x128x80xf32, #tpu.memory_space<vmem>> -> memref<128x80xf32, #tpu.memory_space<vmem>>
        %dma_wait3A_223 = arith.constant 0 : i32
        %dma_wait3A_224 = tpu.memref_slice %arg9[%add3A_115, %dma_wait3A_223] : memref<80x128xi32, #tpu.memory_space<vmem>> -> memref<1x128xi32, #tpu.memory_space<vmem>>
        %dma_wait3A_225 = tpu.memref_squeeze %dma_wait3A_224 : memref<1x128xi32, #tpu.memory_space<vmem>> -> memref<128xi32, #tpu.memory_space<vmem>>
        %dma_wait3A_226 = arith.constant 0 : i32
        %dma_wait3A_227 = arith.constant 0 : i32
        %dma_wait3A_228 = tpu.memref_slice %arg7[%dma_wait3A_226, %dma_wait3A_227] : memref<10000x80xf32, #tpu.memory_space<vmem_shared>> -> memref<10000x80xf32, #tpu.memory_space<vmem_shared>>
        tpu.wait_indirect_dma semaphore(%run_scoped3A_208 : memref<!tpu.dma_semaphore, #tpu.memory_space<semaphore_mem>>) src(%dma_wait3A_222 : memref<128x80xf32, #tpu.memory_space<vmem>>) dst(%dma_wait3A_228 : memref<10000x80xf32, #tpu.memory_space<vmem_shared>>)
        tpu.yield
      }) : () -> ()
      %lt3A_131 = arith.constant 15 : i32
      %lt3A_132 = arith.cmpi slt, %scan3A_92, %lt3A_131 : i32
      %convert_element_type3A_133 = arith.extui %lt3A_132 : i1 to i32
      %cond3A_134 = arith.constant 0 : i32
      %cond3A_135 = arith.cmpi ne, %convert_element_type3A_133, %cond3A_134 : i32
      scf.if %cond3A_135 {
        %add3A_208 = arith.constant 5 : i32
        %add3A_209 = arith.addi %add3A_115, %add3A_208 : i32
        %dma_start3A_210 = arith.constant 1 : i32
        %dma_start3A_211 = arith.constant 1 : i32
        %dma_start3A_212 = arith.constant 0 : i32
        %dma_start3A_213 = arith.constant 0 : i32
        %dma_start3A_214 = tpu.memref_slice %arg10[%dma_start3A_210, %dma_start3A_212, %dma_start3A_213] : memref<5x128x80xf32, #tpu.memory_space<vmem>> -> memref<1x128x80xf32, #tpu.memory_space<vmem>>
        %dma_start3A_215 = tpu.memref_squeeze %dma_start3A_214 : memref<1x128x80xf32, #tpu.memory_space<vmem>> -> memref<128x80xf32, #tpu.memory_space<vmem>>
        %dma_start3A_216 = arith.constant 0 : i32
        %dma_start3A_217 = tpu.memref_slice %arg8[%add3A_209, %dma_start3A_216] : memref<80x128xi32, #tpu.memory_space<vmem>> -> memref<1x128xi32, #tpu.memory_space<vmem>>
        %dma_start3A_218 = tpu.memref_squeeze %dma_start3A_217 : memref<1x128xi32, #tpu.memory_space<vmem>> -> memref<128xi32, #tpu.memory_space<vmem>>
        %dma_start3A_219 = arith.constant 0 : i32
        %dma_start3A_220 = arith.constant 0 : i32
        %dma_start3A_221 = tpu.memref_slice %arg2[%dma_start3A_219, %dma_start3A_220] : memref<10128x80xf32, #tpu.memory_space<hbm>> -> memref<10128x80xf32, #tpu.memory_space<hbm>>
        %dma_start3A_222 = tpu.memref_slice %arg11[%dma_start3A_211] : memref<5x!tpu.dma_semaphore, #tpu.memory_space<semaphore_mem>> -> memref<1x!tpu.dma_semaphore, #tpu.memory_space<semaphore_mem>>
        %dma_start3A_223 = tpu.memref_squeeze %dma_start3A_222 : memref<1x!tpu.dma_semaphore, #tpu.memory_space<semaphore_mem>> -> memref<!tpu.dma_semaphore, #tpu.memory_space<semaphore_mem>>
        tpu.enqueue_indirect_dma source(%dma_start3A_221 : memref<10128x80xf32, #tpu.memory_space<hbm>>) target(%dma_start3A_215 : memref<128x80xf32, #tpu.memory_space<vmem>>) offsets(%dma_start3A_218 : memref<128xi32, #tpu.memory_space<vmem>>) semaphore(%dma_start3A_223 : memref<!tpu.dma_semaphore, #tpu.memory_space<semaphore_mem>>)
      } else {
      }
      %mul3A_136 = arith.constant 5 : i32
      %mul3A_137 = arith.muli %scan3A_92, %mul3A_136 : i32
      %add3A_138 = arith.constant 2 : i32
      %add3A_139 = arith.addi %mul3A_137, %add3A_138 : i32
      %dma_wait3A_140 = arith.constant 2 : i32
      %dma_wait3A_141 = arith.constant 2 : i32
      %dma_wait3A_142 = arith.constant 0 : i32
      %dma_wait3A_143 = arith.constant 0 : i32
      %dma_wait3A_144 = tpu.memref_slice %arg10[%dma_wait3A_140, %dma_wait3A_142, %dma_wait3A_143] : memref<5x128x80xf32, #tpu.memory_space<vmem>> -> memref<1x128x80xf32, #tpu.memory_space<vmem>>
      %dma_wait3A_145 = tpu.memref_squeeze %dma_wait3A_144 : memref<1x128x80xf32, #tpu.memory_space<vmem>> -> memref<128x80xf32, #tpu.memory_space<vmem>>
      %dma_wait3A_146 = arith.constant 0 : i32
      %dma_wait3A_147 = tpu.memref_slice %arg8[%add3A_139, %dma_wait3A_146] : memref<80x128xi32, #tpu.memory_space<vmem>> -> memref<1x128xi32, #tpu.memory_space<vmem>>
      %dma_wait3A_148 = tpu.memref_squeeze %dma_wait3A_147 : memref<1x128xi32, #tpu.memory_space<vmem>> -> memref<128xi32, #tpu.memory_space<vmem>>
      %dma_wait3A_149 = arith.constant 0 : i32
      %dma_wait3A_150 = arith.constant 0 : i32
      %dma_wait3A_151 = tpu.memref_slice %arg2[%dma_wait3A_149, %dma_wait3A_150] : memref<10128x80xf32, #tpu.memory_space<hbm>> -> memref<10128x80xf32, #tpu.memory_space<hbm>>
      %dma_wait3A_152 = tpu.memref_slice %arg11[%dma_wait3A_141] : memref<5x!tpu.dma_semaphore, #tpu.memory_space<semaphore_mem>> -> memref<1x!tpu.dma_semaphore, #tpu.memory_space<semaphore_mem>>
      %dma_wait3A_153 = tpu.memref_squeeze %dma_wait3A_152 : memref<1x!tpu.dma_semaphore, #tpu.memory_space<semaphore_mem>> -> memref<!tpu.dma_semaphore, #tpu.memory_space<semaphore_mem>>
      tpu.wait_indirect_dma semaphore(%dma_wait3A_153 : memref<!tpu.dma_semaphore, #tpu.memory_space<semaphore_mem>>) src(%dma_wait3A_151 : memref<10128x80xf32, #tpu.memory_space<hbm>>) dst(%dma_wait3A_145 : memref<128x80xf32, #tpu.memory_space<vmem>>)
      %run_scoped3A_154 = arith.constant 2 : i32
      "tpu.region"() ({
        %run_scoped3A_208 = tpu.sem_alloc : memref<!tpu.dma_semaphore, #tpu.memory_space<semaphore_mem>>
        %dma_start3A_209 = arith.constant 0 : i32
        %dma_start3A_210 = arith.constant 0 : i32
        %dma_start3A_211 = tpu.memref_slice %arg10[%run_scoped3A_154, %dma_start3A_209, %dma_start3A_210] : memref<5x128x80xf32, #tpu.memory_space<vmem>> -> memref<1x128x80xf32, #tpu.memory_space<vmem>>
        %dma_start3A_212 = tpu.memref_squeeze %dma_start3A_211 : memref<1x128x80xf32, #tpu.memory_space<vmem>> -> memref<128x80xf32, #tpu.memory_space<vmem>>
        %dma_start3A_213 = arith.constant 0 : i32
        %dma_start3A_214 = tpu.memref_slice %arg9[%add3A_139, %dma_start3A_213] : memref<80x128xi32, #tpu.memory_space<vmem>> -> memref<1x128xi32, #tpu.memory_space<vmem>>
        %dma_start3A_215 = tpu.memref_squeeze %dma_start3A_214 : memref<1x128xi32, #tpu.memory_space<vmem>> -> memref<128xi32, #tpu.memory_space<vmem>>
        %dma_start3A_216 = arith.constant 0 : i32
        %dma_start3A_217 = arith.constant 0 : i32
        %dma_start3A_218 = tpu.memref_slice %arg7[%dma_start3A_216, %dma_start3A_217] : memref<10000x80xf32, #tpu.memory_space<vmem_shared>> -> memref<10000x80xf32, #tpu.memory_space<vmem_shared>>
        tpu.enqueue_indirect_dma source(%dma_start3A_212 : memref<128x80xf32, #tpu.memory_space<vmem>>) target(%dma_start3A_218 : memref<10000x80xf32, #tpu.memory_space<vmem_shared>>) offsets(%dma_start3A_215 : memref<128xi32, #tpu.memory_space<vmem>>) semaphore(%run_scoped3A_208 : memref<!tpu.dma_semaphore, #tpu.memory_space<semaphore_mem>>) {add = true}
        %dma_wait3A_219 = arith.constant 0 : i32
        %dma_wait3A_220 = arith.constant 0 : i32
        %dma_wait3A_221 = tpu.memref_slice %arg10[%run_scoped3A_154, %dma_wait3A_219, %dma_wait3A_220] : memref<5x128x80xf32, #tpu.memory_space<vmem>> -> memref<1x128x80xf32, #tpu.memory_space<vmem>>
        %dma_wait3A_222 = tpu.memref_squeeze %dma_wait3A_221 : memref<1x128x80xf32, #tpu.memory_space<vmem>> -> memref<128x80xf32, #tpu.memory_space<vmem>>
        %dma_wait3A_223 = arith.constant 0 : i32
        %dma_wait3A_224 = tpu.memref_slice %arg9[%add3A_139, %dma_wait3A_223] : memref<80x128xi32, #tpu.memory_space<vmem>> -> memref<1x128xi32, #tpu.memory_space<vmem>>
        %dma_wait3A_225 = tpu.memref_squeeze %dma_wait3A_224 : memref<1x128xi32, #tpu.memory_space<vmem>> -> memref<128xi32, #tpu.memory_space<vmem>>
        %dma_wait3A_226 = arith.constant 0 : i32
        %dma_wait3A_227 = arith.constant 0 : i32
        %dma_wait3A_228 = tpu.memref_slice %arg7[%dma_wait3A_226, %dma_wait3A_227] : memref<10000x80xf32, #tpu.memory_space<vmem_shared>> -> memref<10000x80xf32, #tpu.memory_space<vmem_shared>>
        tpu.wait_indirect_dma semaphore(%run_scoped3A_208 : memref<!tpu.dma_semaphore, #tpu.memory_space<semaphore_mem>>) src(%dma_wait3A_222 : memref<128x80xf32, #tpu.memory_space<vmem>>) dst(%dma_wait3A_228 : memref<10000x80xf32, #tpu.memory_space<vmem_shared>>)
        tpu.yield
      }) : () -> ()
      %lt3A_155 = arith.constant 15 : i32
      %lt3A_156 = arith.cmpi slt, %scan3A_92, %lt3A_155 : i32
      %convert_element_type3A_157 = arith.extui %lt3A_156 : i1 to i32
      %cond3A_158 = arith.constant 0 : i32
      %cond3A_159 = arith.cmpi ne, %convert_element_type3A_157, %cond3A_158 : i32
      scf.if %cond3A_159 {
        %add3A_208 = arith.constant 5 : i32
        %add3A_209 = arith.addi %add3A_139, %add3A_208 : i32
        %dma_start3A_210 = arith.constant 2 : i32
        %dma_start3A_211 = arith.constant 2 : i32
        %dma_start3A_212 = arith.constant 0 : i32
        %dma_start3A_213 = arith.constant 0 : i32
        %dma_start3A_214 = tpu.memref_slice %arg10[%dma_start3A_210, %dma_start3A_212, %dma_start3A_213] : memref<5x128x80xf32, #tpu.memory_space<vmem>> -> memref<1x128x80xf32, #tpu.memory_space<vmem>>
        %dma_start3A_215 = tpu.memref_squeeze %dma_start3A_214 : memref<1x128x80xf32, #tpu.memory_space<vmem>> -> memref<128x80xf32, #tpu.memory_space<vmem>>
        %dma_start3A_216 = arith.constant 0 : i32
        %dma_start3A_217 = tpu.memref_slice %arg8[%add3A_209, %dma_start3A_216] : memref<80x128xi32, #tpu.memory_space<vmem>> -> memref<1x128xi32, #tpu.memory_space<vmem>>
        %dma_start3A_218 = tpu.memref_squeeze %dma_start3A_217 : memref<1x128xi32, #tpu.memory_space<vmem>> -> memref<128xi32, #tpu.memory_space<vmem>>
        %dma_start3A_219 = arith.constant 0 : i32
        %dma_start3A_220 = arith.constant 0 : i32
        %dma_start3A_221 = tpu.memref_slice %arg2[%dma_start3A_219, %dma_start3A_220] : memref<10128x80xf32, #tpu.memory_space<hbm>> -> memref<10128x80xf32, #tpu.memory_space<hbm>>
        %dma_start3A_222 = tpu.memref_slice %arg11[%dma_start3A_211] : memref<5x!tpu.dma_semaphore, #tpu.memory_space<semaphore_mem>> -> memref<1x!tpu.dma_semaphore, #tpu.memory_space<semaphore_mem>>
        %dma_start3A_223 = tpu.memref_squeeze %dma_start3A_222 : memref<1x!tpu.dma_semaphore, #tpu.memory_space<semaphore_mem>> -> memref<!tpu.dma_semaphore, #tpu.memory_space<semaphore_mem>>
        tpu.enqueue_indirect_dma source(%dma_start3A_221 : memref<10128x80xf32, #tpu.memory_space<hbm>>) target(%dma_start3A_215 : memref<128x80xf32, #tpu.memory_space<vmem>>) offsets(%dma_start3A_218 : memref<128xi32, #tpu.memory_space<vmem>>) semaphore(%dma_start3A_223 : memref<!tpu.dma_semaphore, #tpu.memory_space<semaphore_mem>>)
      } else {
      }
      %mul3A_160 = arith.constant 5 : i32
      %mul3A_161 = arith.muli %scan3A_92, %mul3A_160 : i32
      %add3A_162 = arith.constant 3 : i32
      %add3A_163 = arith.addi %mul3A_161, %add3A_162 : i32
      %dma_wait3A_164 = arith.constant 3 : i32
      %dma_wait3A_165 = arith.constant 3 : i32
      %dma_wait3A_166 = arith.constant 0 : i32
      %dma_wait3A_167 = arith.constant 0 : i32
      %dma_wait3A_168 = tpu.memref_slice %arg10[%dma_wait3A_164, %dma_wait3A_166, %dma_wait3A_167] : memref<5x128x80xf32, #tpu.memory_space<vmem>> -> memref<1x128x80xf32, #tpu.memory_space<vmem>>
      %dma_wait3A_169 = tpu.memref_squeeze %dma_wait3A_168 : memref<1x128x80xf32, #tpu.memory_space<vmem>> -> memref<128x80xf32, #tpu.memory_space<vmem>>
      %dma_wait3A_170 = arith.constant 0 : i32
      %dma_wait3A_171 = tpu.memref_slice %arg8[%add3A_163, %dma_wait3A_170] : memref<80x128xi32, #tpu.memory_space<vmem>> -> memref<1x128xi32, #tpu.memory_space<vmem>>
      %dma_wait3A_172 = tpu.memref_squeeze %dma_wait3A_171 : memref<1x128xi32, #tpu.memory_space<vmem>> -> memref<128xi32, #tpu.memory_space<vmem>>
      %dma_wait3A_173 = arith.constant 0 : i32
      %dma_wait3A_174 = arith.constant 0 : i32
      %dma_wait3A_175 = tpu.memref_slice %arg2[%dma_wait3A_173, %dma_wait3A_174] : memref<10128x80xf32, #tpu.memory_space<hbm>> -> memref<10128x80xf32, #tpu.memory_space<hbm>>
      %dma_wait3A_176 = tpu.memref_slice %arg11[%dma_wait3A_165] : memref<5x!tpu.dma_semaphore, #tpu.memory_space<semaphore_mem>> -> memref<1x!tpu.dma_semaphore, #tpu.memory_space<semaphore_mem>>
      %dma_wait3A_177 = tpu.memref_squeeze %dma_wait3A_176 : memref<1x!tpu.dma_semaphore, #tpu.memory_space<semaphore_mem>> -> memref<!tpu.dma_semaphore, #tpu.memory_space<semaphore_mem>>
      tpu.wait_indirect_dma semaphore(%dma_wait3A_177 : memref<!tpu.dma_semaphore, #tpu.memory_space<semaphore_mem>>) src(%dma_wait3A_175 : memref<10128x80xf32, #tpu.memory_space<hbm>>) dst(%dma_wait3A_169 : memref<128x80xf32, #tpu.memory_space<vmem>>)
      %run_scoped3A_178 = arith.constant 3 : i32
      "tpu.region"() ({
        %run_scoped3A_208 = tpu.sem_alloc : memref<!tpu.dma_semaphore, #tpu.memory_space<semaphore_mem>>
        %dma_start3A_209 = arith.constant 0 : i32
        %dma_start3A_210 = arith.constant 0 : i32
        %dma_start3A_211 = tpu.memref_slice %arg10[%run_scoped3A_178, %dma_start3A_209, %dma_start3A_210] : memref<5x128x80xf32, #tpu.memory_space<vmem>> -> memref<1x128x80xf32, #tpu.memory_space<vmem>>
        %dma_start3A_212 = tpu.memref_squeeze %dma_start3A_211 : memref<1x128x80xf32, #tpu.memory_space<vmem>> -> memref<128x80xf32, #tpu.memory_space<vmem>>
        %dma_start3A_213 = arith.constant 0 : i32
        %dma_start3A_214 = tpu.memref_slice %arg9[%add3A_163, %dma_start3A_213] : memref<80x128xi32, #tpu.memory_space<vmem>> -> memref<1x128xi32, #tpu.memory_space<vmem>>
        %dma_start3A_215 = tpu.memref_squeeze %dma_start3A_214 : memref<1x128xi32, #tpu.memory_space<vmem>> -> memref<128xi32, #tpu.memory_space<vmem>>
        %dma_start3A_216 = arith.constant 0 : i32
        %dma_start3A_217 = arith.constant 0 : i32
        %dma_start3A_218 = tpu.memref_slice %arg7[%dma_start3A_216, %dma_start3A_217] : memref<10000x80xf32, #tpu.memory_space<vmem_shared>> -> memref<10000x80xf32, #tpu.memory_space<vmem_shared>>
        tpu.enqueue_indirect_dma source(%dma_start3A_212 : memref<128x80xf32, #tpu.memory_space<vmem>>) target(%dma_start3A_218 : memref<10000x80xf32, #tpu.memory_space<vmem_shared>>) offsets(%dma_start3A_215 : memref<128xi32, #tpu.memory_space<vmem>>) semaphore(%run_scoped3A_208 : memref<!tpu.dma_semaphore, #tpu.memory_space<semaphore_mem>>) {add = true}
        %dma_wait3A_219 = arith.constant 0 : i32
        %dma_wait3A_220 = arith.constant 0 : i32
        %dma_wait3A_221 = tpu.memref_slice %arg10[%run_scoped3A_178, %dma_wait3A_219, %dma_wait3A_220] : memref<5x128x80xf32, #tpu.memory_space<vmem>> -> memref<1x128x80xf32, #tpu.memory_space<vmem>>
        %dma_wait3A_222 = tpu.memref_squeeze %dma_wait3A_221 : memref<1x128x80xf32, #tpu.memory_space<vmem>> -> memref<128x80xf32, #tpu.memory_space<vmem>>
        %dma_wait3A_223 = arith.constant 0 : i32
        %dma_wait3A_224 = tpu.memref_slice %arg9[%add3A_163, %dma_wait3A_223] : memref<80x128xi32, #tpu.memory_space<vmem>> -> memref<1x128xi32, #tpu.memory_space<vmem>>
        %dma_wait3A_225 = tpu.memref_squeeze %dma_wait3A_224 : memref<1x128xi32, #tpu.memory_space<vmem>> -> memref<128xi32, #tpu.memory_space<vmem>>
        %dma_wait3A_226 = arith.constant 0 : i32
        %dma_wait3A_227 = arith.constant 0 : i32
        %dma_wait3A_228 = tpu.memref_slice %arg7[%dma_wait3A_226, %dma_wait3A_227] : memref<10000x80xf32, #tpu.memory_space<vmem_shared>> -> memref<10000x80xf32, #tpu.memory_space<vmem_shared>>
        tpu.wait_indirect_dma semaphore(%run_scoped3A_208 : memref<!tpu.dma_semaphore, #tpu.memory_space<semaphore_mem>>) src(%dma_wait3A_222 : memref<128x80xf32, #tpu.memory_space<vmem>>) dst(%dma_wait3A_228 : memref<10000x80xf32, #tpu.memory_space<vmem_shared>>)
        tpu.yield
      }) : () -> ()
      %lt3A_179 = arith.constant 15 : i32
      %lt3A_180 = arith.cmpi slt, %scan3A_92, %lt3A_179 : i32
      %convert_element_type3A_181 = arith.extui %lt3A_180 : i1 to i32
      %cond3A_182 = arith.constant 0 : i32
      %cond3A_183 = arith.cmpi ne, %convert_element_type3A_181, %cond3A_182 : i32
      scf.if %cond3A_183 {
        %add3A_208 = arith.constant 5 : i32
        %add3A_209 = arith.addi %add3A_163, %add3A_208 : i32
        %dma_start3A_210 = arith.constant 3 : i32
        %dma_start3A_211 = arith.constant 3 : i32
        %dma_start3A_212 = arith.constant 0 : i32
        %dma_start3A_213 = arith.constant 0 : i32
        %dma_start3A_214 = tpu.memref_slice %arg10[%dma_start3A_210, %dma_start3A_212, %dma_start3A_213] : memref<5x128x80xf32, #tpu.memory_space<vmem>> -> memref<1x128x80xf32, #tpu.memory_space<vmem>>
        %dma_start3A_215 = tpu.memref_squeeze %dma_start3A_214 : memref<1x128x80xf32, #tpu.memory_space<vmem>> -> memref<128x80xf32, #tpu.memory_space<vmem>>
        %dma_start3A_216 = arith.constant 0 : i32
        %dma_start3A_217 = tpu.memref_slice %arg8[%add3A_209, %dma_start3A_216] : memref<80x128xi32, #tpu.memory_space<vmem>> -> memref<1x128xi32, #tpu.memory_space<vmem>>
        %dma_start3A_218 = tpu.memref_squeeze %dma_start3A_217 : memref<1x128xi32, #tpu.memory_space<vmem>> -> memref<128xi32, #tpu.memory_space<vmem>>
        %dma_start3A_219 = arith.constant 0 : i32
        %dma_start3A_220 = arith.constant 0 : i32
        %dma_start3A_221 = tpu.memref_slice %arg2[%dma_start3A_219, %dma_start3A_220] : memref<10128x80xf32, #tpu.memory_space<hbm>> -> memref<10128x80xf32, #tpu.memory_space<hbm>>
        %dma_start3A_222 = tpu.memref_slice %arg11[%dma_start3A_211] : memref<5x!tpu.dma_semaphore, #tpu.memory_space<semaphore_mem>> -> memref<1x!tpu.dma_semaphore, #tpu.memory_space<semaphore_mem>>
        %dma_start3A_223 = tpu.memref_squeeze %dma_start3A_222 : memref<1x!tpu.dma_semaphore, #tpu.memory_space<semaphore_mem>> -> memref<!tpu.dma_semaphore, #tpu.memory_space<semaphore_mem>>
        tpu.enqueue_indirect_dma source(%dma_start3A_221 : memref<10128x80xf32, #tpu.memory_space<hbm>>) target(%dma_start3A_215 : memref<128x80xf32, #tpu.memory_space<vmem>>) offsets(%dma_start3A_218 : memref<128xi32, #tpu.memory_space<vmem>>) semaphore(%dma_start3A_223 : memref<!tpu.dma_semaphore, #tpu.memory_space<semaphore_mem>>)
      } else {
      }
      %mul3A_184 = arith.constant 5 : i32
      %mul3A_185 = arith.muli %scan3A_92, %mul3A_184 : i32
      %add3A_186 = arith.constant 4 : i32
      %add3A_187 = arith.addi %mul3A_185, %add3A_186 : i32
      %dma_wait3A_188 = arith.constant 4 : i32
      %dma_wait3A_189 = arith.constant 4 : i32
      %dma_wait3A_190 = arith.constant 0 : i32
      %dma_wait3A_191 = arith.constant 0 : i32
      %dma_wait3A_192 = tpu.memref_slice %arg10[%dma_wait3A_188, %dma_wait3A_190, %dma_wait3A_191] : memref<5x128x80xf32, #tpu.memory_space<vmem>> -> memref<1x128x80xf32, #tpu.memory_space<vmem>>
      %dma_wait3A_193 = tpu.memref_squeeze %dma_wait3A_192 : memref<1x128x80xf32, #tpu.memory_space<vmem>> -> memref<128x80xf32, #tpu.memory_space<vmem>>
      %dma_wait3A_194 = arith.constant 0 : i32
      %dma_wait3A_195 = tpu.memref_slice %arg8[%add3A_187, %dma_wait3A_194] : memref<80x128xi32, #tpu.memory_space<vmem>> -> memref<1x128xi32, #tpu.memory_space<vmem>>
      %dma_wait3A_196 = tpu.memref_squeeze %dma_wait3A_195 : memref<1x128xi32, #tpu.memory_space<vmem>> -> memref<128xi32, #tpu.memory_space<vmem>>
      %dma_wait3A_197 = arith.constant 0 : i32
      %dma_wait3A_198 = arith.constant 0 : i32
      %dma_wait3A_199 = tpu.memref_slice %arg2[%dma_wait3A_197, %dma_wait3A_198] : memref<10128x80xf32, #tpu.memory_space<hbm>> -> memref<10128x80xf32, #tpu.memory_space<hbm>>
      %dma_wait3A_200 = tpu.memref_slice %arg11[%dma_wait3A_189] : memref<5x!tpu.dma_semaphore, #tpu.memory_space<semaphore_mem>> -> memref<1x!tpu.dma_semaphore, #tpu.memory_space<semaphore_mem>>
      %dma_wait3A_201 = tpu.memref_squeeze %dma_wait3A_200 : memref<1x!tpu.dma_semaphore, #tpu.memory_space<semaphore_mem>> -> memref<!tpu.dma_semaphore, #tpu.memory_space<semaphore_mem>>
      tpu.wait_indirect_dma semaphore(%dma_wait3A_201 : memref<!tpu.dma_semaphore, #tpu.memory_space<semaphore_mem>>) src(%dma_wait3A_199 : memref<10128x80xf32, #tpu.memory_space<hbm>>) dst(%dma_wait3A_193 : memref<128x80xf32, #tpu.memory_space<vmem>>)
      %run_scoped3A_202 = arith.constant 4 : i32
      "tpu.region"() ({
        %run_scoped3A_208 = tpu.sem_alloc : memref<!tpu.dma_semaphore, #tpu.memory_space<semaphore_mem>>
        %dma_start3A_209 = arith.constant 0 : i32
        %dma_start3A_210 = arith.constant 0 : i32
        %dma_start3A_211 = tpu.memref_slice %arg10[%run_scoped3A_202, %dma_start3A_209, %dma_start3A_210] : memref<5x128x80xf32, #tpu.memory_space<vmem>> -> memref<1x128x80xf32, #tpu.memory_space<vmem>>
        %dma_start3A_212 = tpu.memref_squeeze %dma_start3A_211 : memref<1x128x80xf32, #tpu.memory_space<vmem>> -> memref<128x80xf32, #tpu.memory_space<vmem>>
        %dma_start3A_213 = arith.constant 0 : i32
        %dma_start3A_214 = tpu.memref_slice %arg9[%add3A_187, %dma_start3A_213] : memref<80x128xi32, #tpu.memory_space<vmem>> -> memref<1x128xi32, #tpu.memory_space<vmem>>
        %dma_start3A_215 = tpu.memref_squeeze %dma_start3A_214 : memref<1x128xi32, #tpu.memory_space<vmem>> -> memref<128xi32, #tpu.memory_space<vmem>>
        %dma_start3A_216 = arith.constant 0 : i32
        %dma_start3A_217 = arith.constant 0 : i32
        %dma_start3A_218 = tpu.memref_slice %arg7[%dma_start3A_216, %dma_start3A_217] : memref<10000x80xf32, #tpu.memory_space<vmem_shared>> -> memref<10000x80xf32, #tpu.memory_space<vmem_shared>>
        tpu.enqueue_indirect_dma source(%dma_start3A_212 : memref<128x80xf32, #tpu.memory_space<vmem>>) target(%dma_start3A_218 : memref<10000x80xf32, #tpu.memory_space<vmem_shared>>) offsets(%dma_start3A_215 : memref<128xi32, #tpu.memory_space<vmem>>) semaphore(%run_scoped3A_208 : memref<!tpu.dma_semaphore, #tpu.memory_space<semaphore_mem>>) {add = true}
        %dma_wait3A_219 = arith.constant 0 : i32
        %dma_wait3A_220 = arith.constant 0 : i32
        %dma_wait3A_221 = tpu.memref_slice %arg10[%run_scoped3A_202, %dma_wait3A_219, %dma_wait3A_220] : memref<5x128x80xf32, #tpu.memory_space<vmem>> -> memref<1x128x80xf32, #tpu.memory_space<vmem>>
        %dma_wait3A_222 = tpu.memref_squeeze %dma_wait3A_221 : memref<1x128x80xf32, #tpu.memory_space<vmem>> -> memref<128x80xf32, #tpu.memory_space<vmem>>
        %dma_wait3A_223 = arith.constant 0 : i32
        %dma_wait3A_224 = tpu.memref_slice %arg9[%add3A_187, %dma_wait3A_223] : memref<80x128xi32, #tpu.memory_space<vmem>> -> memref<1x128xi32, #tpu.memory_space<vmem>>
        %dma_wait3A_225 = tpu.memref_squeeze %dma_wait3A_224 : memref<1x128xi32, #tpu.memory_space<vmem>> -> memref<128xi32, #tpu.memory_space<vmem>>
        %dma_wait3A_226 = arith.constant 0 : i32
        %dma_wait3A_227 = arith.constant 0 : i32
        %dma_wait3A_228 = tpu.memref_slice %arg7[%dma_wait3A_226, %dma_wait3A_227] : memref<10000x80xf32, #tpu.memory_space<vmem_shared>> -> memref<10000x80xf32, #tpu.memory_space<vmem_shared>>
        tpu.wait_indirect_dma semaphore(%run_scoped3A_208 : memref<!tpu.dma_semaphore, #tpu.memory_space<semaphore_mem>>) src(%dma_wait3A_222 : memref<128x80xf32, #tpu.memory_space<vmem>>) dst(%dma_wait3A_228 : memref<10000x80xf32, #tpu.memory_space<vmem_shared>>)
        tpu.yield
      }) : () -> ()
      %lt3A_203 = arith.constant 15 : i32
      %lt3A_204 = arith.cmpi slt, %scan3A_92, %lt3A_203 : i32
      %convert_element_type3A_205 = arith.extui %lt3A_204 : i1 to i32
      %cond3A_206 = arith.constant 0 : i32
      %cond3A_207 = arith.cmpi ne, %convert_element_type3A_205, %cond3A_206 : i32
      scf.if %cond3A_207 {
        %add3A_208 = arith.constant 5 : i32
        %add3A_209 = arith.addi %add3A_187, %add3A_208 : i32
        %dma_start3A_210 = arith.constant 4 : i32
        %dma_start3A_211 = arith.constant 4 : i32
        %dma_start3A_212 = arith.constant 0 : i32
        %dma_start3A_213 = arith.constant 0 : i32
        %dma_start3A_214 = tpu.memref_slice %arg10[%dma_start3A_210, %dma_start3A_212, %dma_start3A_213] : memref<5x128x80xf32, #tpu.memory_space<vmem>> -> memref<1x128x80xf32, #tpu.memory_space<vmem>>
        %dma_start3A_215 = tpu.memref_squeeze %dma_start3A_214 : memref<1x128x80xf32, #tpu.memory_space<vmem>> -> memref<128x80xf32, #tpu.memory_space<vmem>>
        %dma_start3A_216 = arith.constant 0 : i32
        %dma_start3A_217 = tpu.memref_slice %arg8[%add3A_209, %dma_start3A_216] : memref<80x128xi32, #tpu.memory_space<vmem>> -> memref<1x128xi32, #tpu.memory_space<vmem>>
        %dma_start3A_218 = tpu.memref_squeeze %dma_start3A_217 : memref<1x128xi32, #tpu.memory_space<vmem>> -> memref<128xi32, #tpu.memory_space<vmem>>
        %dma_start3A_219 = arith.constant 0 : i32
        %dma_start3A_220 = arith.constant 0 : i32
        %dma_start3A_221 = tpu.memref_slice %arg2[%dma_start3A_219, %dma_start3A_220] : memref<10128x80xf32, #tpu.memory_space<hbm>> -> memref<10128x80xf32, #tpu.memory_space<hbm>>
        %dma_start3A_222 = tpu.memref_slice %arg11[%dma_start3A_211] : memref<5x!tpu.dma_semaphore, #tpu.memory_space<semaphore_mem>> -> memref<1x!tpu.dma_semaphore, #tpu.memory_space<semaphore_mem>>
        %dma_start3A_223 = tpu.memref_squeeze %dma_start3A_222 : memref<1x!tpu.dma_semaphore, #tpu.memory_space<semaphore_mem>> -> memref<!tpu.dma_semaphore, #tpu.memory_space<semaphore_mem>>
        tpu.enqueue_indirect_dma source(%dma_start3A_221 : memref<10128x80xf32, #tpu.memory_space<hbm>>) target(%dma_start3A_215 : memref<128x80xf32, #tpu.memory_space<vmem>>) offsets(%dma_start3A_218 : memref<128xi32, #tpu.memory_space<vmem>>) semaphore(%dma_start3A_223 : memref<!tpu.dma_semaphore, #tpu.memory_space<semaphore_mem>>)
      } else {
      }
    }
    %scan3A_83 = arith.constant 16 : i32
    %barrier3A_84 = arith.constant 0 : index
    tpu.barrier barrier_id(%barrier3A_84)
    %mul3A_85 = arith.constant 625 : i32
    %mul3A_86 = arith.muli %arg1, %mul3A_85 : i32
    %mul3A_87 = arith.constant 10000 : i32
    %mul3A_88 = arith.muli %arg0, %mul3A_87 : i32
    %mul3A_89 = arith.constant 625 : i32
    %mul3A_90 = arith.muli %arg1, %mul3A_89 : i32
    %add3A_91 = arith.addi %mul3A_88, %mul3A_90 : i32
    "tpu.region"() ({
      %run_scoped3A = tpu.sem_alloc : memref<!tpu.dma_semaphore, #tpu.memory_space<semaphore_mem>>
      %dma_start3A_92 = arith.constant 0 : i32
      %dma_start3A_93 = tpu.memref_slice %arg6[%add3A_91, %dma_start3A_92] : memref<20000x80xf32, #tpu.memory_space<hbm>> -> memref<625x80xf32, #tpu.memory_space<hbm>>
      %dma_start3A_94 = arith.constant 0 : i32
      %dma_start3A_95 = tpu.memref_slice %arg7[%mul3A_86, %dma_start3A_94] : memref<10000x80xf32, #tpu.memory_space<vmem_shared>> -> memref<625x80xf32, #tpu.memory_space<vmem_shared>>
      tpu.enqueue_dma source(%dma_start3A_95 : memref<625x80xf32, #tpu.memory_space<vmem_shared>>) target(%dma_start3A_93 : memref<625x80xf32, #tpu.memory_space<hbm>>) target_semaphore(%run_scoped3A : memref<!tpu.dma_semaphore, #tpu.memory_space<semaphore_mem>>)
      %dma_wait3A = arith.constant 0 : i32
      %dma_wait3A_96 = tpu.memref_slice %arg6[%add3A_91, %dma_wait3A] : memref<20000x80xf32, #tpu.memory_space<hbm>> -> memref<625x80xf32, #tpu.memory_space<hbm>>
      %dma_wait3A_97 = arith.constant 0 : i32
      %dma_wait3A_98 = tpu.memref_slice %arg7[%mul3A_86, %dma_wait3A_97] : memref<10000x80xf32, #tpu.memory_space<vmem_shared>> -> memref<625x80xf32, #tpu.memory_space<vmem_shared>>
      tpu.wait_dma2 semaphore(%run_scoped3A : memref<!tpu.dma_semaphore, #tpu.memory_space<semaphore_mem>>) src(%dma_wait3A_98 : memref<625x80xf32, #tpu.memory_space<vmem_shared>>) dst(%dma_wait3A_96 : memref<625x80xf32, #tpu.memory_space<hbm>>)
      tpu.yield
    }) : () -> ()
    return
  }
}

module attributes {stable_mosaic.version = 14 : i64} {
  func.func @_fold_body(%arg0: memref<256x256xf32, #tpu.memory_space<vmem>>, %arg1: memref<256x256xf32, #tpu.memory_space<vmem>>, %arg2: memref<256x48xf32, #tpu.memory_space<vmem>>, %arg3: memref<256x48xf32, #tpu.memory_space<vmem>>, %arg4: memref<256x48xf32, #tpu.memory_space<vmem>>) attributes {dimension_semantics = [], scalar_prefetch = 0 : i64, scratch_operands = 0 : i64, tpu.core_type = #tpu.core_type<tc>} {
    %get3A = arith.constant 0 : index
    %get3A_0 = arith.constant 0 : index
    %get3A_1 = vector.load %arg0[%get3A, %get3A_0] : memref<256x256xf32, #tpu.memory_space<vmem>>, vector<256x256xf32>
    %get3A_2 = arith.constant 0 : index
    %get3A_3 = arith.constant 0 : index
    %get3A_4 = vector.load %arg2[%get3A_2, %get3A_3] : memref<256x48xf32, #tpu.memory_space<vmem>>, vector<256x48xf32>
    %dot_general3A = arith.constant dense<0.000000e+00> : vector<256x48xf32>
    %dot_general3A_5 = tpu.matmul %get3A_1, %get3A_4, %dot_general3A {dimension_numbers = #tpu.dot_dimension_numbers<[1], [0], [0], [1], [0, 0, 1, 1], [], []>, transpose_lhs_hint = false} : vector<256x256xf32>, vector<256x48xf32>, vector<256x48xf32> -> vector<256x48xf32>
    %swap3A = arith.constant 0 : index
    %swap3A_6 = arith.constant 0 : index
    %swap3A_7 = vector.load %arg3[%swap3A, %swap3A_6] : memref<256x48xf32, #tpu.memory_space<vmem>>, vector<256x48xf32>
    tpu.vector_store %arg3[%swap3A, %swap3A_6], %dot_general3A_5 {strides = array<i32>} : memref<256x48xf32, #tpu.memory_space<vmem>>, vector<256x48xf32>,
    %get3A_8 = arith.constant 0 : index
    %get3A_9 = arith.constant 0 : index
    %get3A_10 = vector.load %arg1[%get3A_8, %get3A_9] : memref<256x256xf32, #tpu.memory_space<vmem>>, vector<256x256xf32>
    %get3A_11 = arith.constant 0 : index
    %get3A_12 = arith.constant 0 : index
    %get3A_13 = vector.load %arg2[%get3A_11, %get3A_12] : memref<256x48xf32, #tpu.memory_space<vmem>>, vector<256x48xf32>
    %dot_general3A_14 = arith.constant dense<0.000000e+00> : vector<256x48xf32>
    %dot_general3A_15 = tpu.matmul %get3A_10, %get3A_13, %dot_general3A_14 {dimension_numbers = #tpu.dot_dimension_numbers<[1], [0], [0], [1], [0, 0, 1, 1], [], []>, transpose_lhs_hint = false} : vector<256x256xf32>, vector<256x48xf32>, vector<256x48xf32> -> vector<256x48xf32>
    %swap3A_16 = arith.constant 0 : index
    %swap3A_17 = arith.constant 0 : index
    %swap3A_18 = vector.load %arg4[%swap3A_16, %swap3A_17] : memref<256x48xf32, #tpu.memory_space<vmem>>, vector<256x48xf32>
    tpu.vector_store %arg4[%swap3A_16, %swap3A_17], %dot_general3A_15 {strides = array<i32>} : memref<256x48xf32, #tpu.memory_space<vmem>>, vector<256x48xf32>,
    return
  }
}

module attributes {stable_mosaic.version = 14 : i64} {
  func.func @_mid_body(%arg0: i32, %arg1: memref<2x400x80xf32, #tpu.memory_space<vmem>>, %arg2: memref<2x400x64xf32, #tpu.memory_space<vmem>>, %arg3: memref<400x128xf32, #tpu.memory_space<vmem>>, %arg4: memref<128x256xf32, #tpu.memory_space<vmem>>, %arg5: memref<128x256xf32, #tpu.memory_space<vmem>>, %arg6: memref<256x48xf32, #tpu.memory_space<vmem>>, %arg7: memref<256x48xf32, #tpu.memory_space<vmem>>, %arg8: memref<400x48xf32, #tpu.memory_space<vmem>>, %arg9: memref<400x48xf32, #tpu.memory_space<vmem>>) attributes {dimension_semantics = [#tpu.dimension_semantics<arbitrary>], iteration_bounds = array<i64: 25>, scalar_prefetch = 0 : i64, scratch_operands = 0 : i64, tpu.core_type = #tpu.core_type<tc>, window_params = [{transform_indices = @transform_0, window_bounds = array<i64: 2, 400, 80>}, {transform_indices = @transform_1, window_bounds = array<i64: 2, 400, 64>}, {transform_indices = @transform_2, window_bounds = array<i64: 400, 128>}, {pipeline_mode = #tpu.pipeline_mode<synchronous>, transform_indices = @transform_3, window_bounds = array<i64: 128, 256>}, {pipeline_mode = #tpu.pipeline_mode<synchronous>, transform_indices = @transform_4, window_bounds = array<i64: 128, 256>}, {pipeline_mode = #tpu.pipeline_mode<synchronous>, transform_indices = @transform_5, window_bounds = array<i64: 256, 48>}, {pipeline_mode = #tpu.pipeline_mode<synchronous>, transform_indices = @transform_6, window_bounds = array<i64: 256, 48>}, {transform_indices = @transform_7, window_bounds = array<i64: 400, 48>}, {transform_indices = @transform_8, window_bounds = array<i64: 400, 48>}]} {
    %get3A = arith.constant 0 : index
    %get3A_0 = arith.constant 0 : index
    %get3A_1 = arith.constant 0 : index
    %get3A_2 = vector.load %arg1[%get3A, %get3A_0, %get3A_1] : memref<2x400x80xf32, #tpu.memory_space<vmem>>, vector<1x400x80xf32>
    %get3A_3 = vector.shape_cast %get3A_2 : vector<1x400x80xf32> to vector<400x80xf32>
    %get3A_4 = arith.constant 1 : index
    %get3A_5 = arith.constant 0 : index
    %get3A_6 = arith.constant 0 : index
    %get3A_7 = vector.load %arg1[%get3A_4, %get3A_5, %get3A_6] : memref<2x400x80xf32, #tpu.memory_space<vmem>>, vector<1x400x80xf32>
    %get3A_8 = vector.shape_cast %get3A_7 : vector<1x400x80xf32> to vector<400x80xf32>
    %add3A = arith.addf %get3A_3, %get3A_8 : vector<400x80xf32>
    %get3A_9 = arith.constant 0 : index
    %get3A_10 = arith.constant 0 : index
    %get3A_11 = arith.constant 0 : index
    %get3A_12 = vector.load %arg2[%get3A_9, %get3A_10, %get3A_11] : memref<2x400x64xf32, #tpu.memory_space<vmem>>, vector<1x400x64xf32>
    %get3A_13 = vector.shape_cast %get3A_12 : vector<1x400x64xf32> to vector<400x64xf32>
    %get3A_14 = arith.constant 1 : index
    %get3A_15 = arith.constant 0 : index
    %get3A_16 = arith.constant 0 : index
    %get3A_17 = vector.load %arg2[%get3A_14, %get3A_15, %get3A_16] : memref<2x400x64xf32, #tpu.memory_space<vmem>>, vector<1x400x64xf32>
    %get3A_18 = vector.shape_cast %get3A_17 : vector<1x400x64xf32> to vector<400x64xf32>
    %add3A_19 = arith.addf %get3A_13, %get3A_18 : vector<400x64xf32>
    %slice3A = vector.extract_strided_slice %add3A {offsets = [0, 0], sizes = [400, 64], strides = [1, 1]} : vector<400x80xf32> to vector<400x64xf32>
    %concatenate3A = tpu.concatenate %slice3A, %add3A_19 in 1 : vector<400x64xf32>, vector<400x64xf32> -> vector<400x128xf32>
    %slice3A_20 = vector.extract_strided_slice %add3A {offsets = [0, 64], sizes = [400, 1], strides = [1, 1]} : vector<400x80xf32> to vector<400x1xf32>
    %max3A = arith.constant 1.000000e+00 : f32
    %max3A_21 = vector.broadcast %max3A : f32 to vector<400x1xf32>
    %max3A_22 = arith.maximumf %slice3A_20, %max3A_21 : vector<400x1xf32>
    %div3A = arith.constant 1.000000e+00 : f32
    %div3A_23 = vector.broadcast %div3A : f32 to vector<400x1xf32>
    %div3A_24 = arith.divf %div3A_23, %max3A_22 : vector<400x1xf32>
    %mul3A = vector.broadcast %div3A_24 : vector<400x1xf32> to vector<400x128xf32>
    %mul3A_25 = arith.mulf %concatenate3A, %mul3A : vector<400x128xf32>
    %get3A_26 = arith.constant 0 : index
    %get3A_27 = arith.constant 0 : index
    %get3A_28 = vector.load %arg4[%get3A_26, %get3A_27] : memref<128x256xf32, #tpu.memory_space<vmem>>, vector<128x256xf32>
    %dot_general3A = arith.constant dense<0.000000e+00> : vector<400x256xf32>
    %dot_general3A_29 = tpu.matmul %mul3A_25, %get3A_28, %dot_general3A {dimension_numbers = #tpu.dot_dimension_numbers<[1], [0], [0], [1], [0, 0, 1, 1], [], []>, transpose_lhs_hint = false} : vector<400x128xf32>, vector<128x256xf32>, vector<400x256xf32> -> vector<400x256xf32>
    %get3A_30 = arith.constant 0 : index
    %get3A_31 = arith.constant 0 : index
    %get3A_32 = vector.load %arg3[%get3A_30, %get3A_31] : memref<400x128xf32, #tpu.memory_space<vmem>>, vector<400x128xf32>
    %get3A_33 = arith.constant 0 : index
    %get3A_34 = arith.constant 0 : index
    %get3A_35 = vector.load %arg5[%get3A_33, %get3A_34] : memref<128x256xf32, #tpu.memory_space<vmem>>, vector<128x256xf32>
    %dot_general3A_36 = arith.constant dense<0.000000e+00> : vector<400x256xf32>
    %dot_general3A_37 = tpu.matmul %get3A_32, %get3A_35, %dot_general3A_36 {dimension_numbers = #tpu.dot_dimension_numbers<[1], [0], [0], [1], [0, 0, 1, 1], [], []>, transpose_lhs_hint = false} : vector<400x128xf32>, vector<128x256xf32>, vector<400x256xf32> -> vector<400x256xf32>
    %add3A_38 = arith.addf %dot_general3A_29, %dot_general3A_37 : vector<400x256xf32>
    %max3A_39 = arith.constant 0.000000e+00 : f32
    %max3A_40 = vector.broadcast %max3A_39 : f32 to vector<400x256xf32>
    %max3A_41 = arith.maximumf %add3A_38, %max3A_40 : vector<400x256xf32>
    %get3A_42 = arith.constant 0 : index
    %get3A_43 = arith.constant 0 : index
    %get3A_44 = vector.load %arg6[%get3A_42, %get3A_43] : memref<256x48xf32, #tpu.memory_space<vmem>>, vector<256x48xf32>
    %dot_general3A_45 = arith.constant dense<0.000000e+00> : vector<400x48xf32>
    %dot_general3A_46 = tpu.matmul %max3A_41, %get3A_44, %dot_general3A_45 {dimension_numbers = #tpu.dot_dimension_numbers<[1], [0], [0], [1], [0, 0, 1, 1], [], []>, transpose_lhs_hint = false} : vector<400x256xf32>, vector<256x48xf32>, vector<400x48xf32> -> vector<400x48xf32>
    %swap3A = arith.constant 0 : index
    %swap3A_47 = arith.constant 0 : index
    %swap3A_48 = vector.load %arg8[%swap3A, %swap3A_47] : memref<400x48xf32, #tpu.memory_space<vmem>>, vector<400x48xf32>
    tpu.vector_store %arg8[%swap3A, %swap3A_47], %dot_general3A_46 {strides = array<i32>} : memref<400x48xf32, #tpu.memory_space<vmem>>, vector<400x48xf32>,
    %iota3A = tpu.iota {dimensions = array<i32: 1>} : vector<400x48xi32>
    %get3A_49 = arith.constant 0 : index
    %get3A_50 = arith.constant 0 : index
    %get3A_51 = vector.load %arg7[%get3A_49, %get3A_50] : memref<256x48xf32, #tpu.memory_space<vmem>>, vector<256x48xf32>
    %dot_general3A_52 = arith.constant dense<0.000000e+00> : vector<400x48xf32>
    %dot_general3A_53 = tpu.matmul %max3A_41, %get3A_51, %dot_general3A_52 {dimension_numbers = #tpu.dot_dimension_numbers<[1], [0], [0], [1], [0, 0, 1, 1], [], []>, transpose_lhs_hint = false} : vector<400x256xf32>, vector<256x48xf32>, vector<400x48xf32> -> vector<400x48xf32>
    %eq3A = arith.constant 40 : i32
    %eq3A_54 = vector.broadcast %eq3A : i32 to vector<400x48xi32>
    %eq3A_55 = arith.cmpi eq, %iota3A, %eq3A_54 : vector<400x48xi32>
    %jit3A = arith.constant 0.000000e+00 : f32
    %broadcast_in_dim3A = vector.shape_cast %div3A_24 : vector<400x1xf32> to vector<400x1xf32>
    %broadcast_in_dim3A_56 = vector.broadcast %broadcast_in_dim3A : vector<400x1xf32> to vector<400x48xf32>
    %broadcast_in_dim3A_57 = vector.broadcast %jit3A : f32 to vector<400x48xf32>
    %select_n3A = arith.select %eq3A_55, %broadcast_in_dim3A_56, %broadcast_in_dim3A_57 : vector<400x48xi1>, vector<400x48xf32>
    %add3A_58 = arith.addf %dot_general3A_53, %select_n3A : vector<400x48xf32>
    %swap3A_59 = arith.constant 0 : index
    %swap3A_60 = arith.constant 0 : index
    %swap3A_61 = vector.load %arg9[%swap3A_59, %swap3A_60] : memref<400x48xf32, #tpu.memory_space<vmem>>, vector<400x48xf32>
    tpu.vector_store %arg9[%swap3A_59, %swap3A_60], %add3A_58 {strides = array<i32>} : memref<400x48xf32, #tpu.memory_space<vmem>>, vector<400x48xf32>,
    return
  }
  func.func @transform_0(%arg0: i32) -> (i32, i32, i32) {
    %c0_i32 = arith.constant 0 : i32
    %c0_i32_0 = arith.constant 0 : i32
    %c0_i32_1 = arith.constant 0 : i32
    return %c0_i32, %arg0, %c0_i32_0 : i32, i32, i32
  }
  func.func @transform_1(%arg0: i32) -> (i32, i32, i32) {
    %c0_i32 = arith.constant 0 : i32
    %c0_i32_0 = arith.constant 0 : i32
    %c0_i32_1 = arith.constant 0 : i32
    return %c0_i32, %arg0, %c0_i32_0 : i32, i32, i32
  }
  func.func @transform_2(%arg0: i32) -> (i32, i32) {
    %c0_i32 = arith.constant 0 : i32
    %c0_i32_0 = arith.constant 0 : i32
    return %arg0, %c0_i32 : i32, i32
  }
  func.func @transform_3(%arg0: i32) -> (i32, i32) {
    %c0_i32 = arith.constant 0 : i32
    %c0_i32_0 = arith.constant 0 : i32
    %c0_i32_1 = arith.constant 0 : i32
    return %c0_i32, %c0_i32_0 : i32, i32
  }
  func.func @transform_4(%arg0: i32) -> (i32, i32) {
    %c0_i32 = arith.constant 0 : i32
    %c0_i32_0 = arith.constant 0 : i32
    %c0_i32_1 = arith.constant 0 : i32
    return %c0_i32, %c0_i32_0 : i32, i32
  }
  func.func @transform_5(%arg0: i32) -> (i32, i32) {
    %c0_i32 = arith.constant 0 : i32
    %c0_i32_0 = arith.constant 0 : i32
    %c0_i32_1 = arith.constant 0 : i32
    return %c0_i32, %c0_i32_0 : i32, i32
  }
  func.func @transform_6(%arg0: i32) -> (i32, i32) {
    %c0_i32 = arith.constant 0 : i32
    %c0_i32_0 = arith.constant 0 : i32
    %c0_i32_1 = arith.constant 0 : i32
    return %c0_i32, %c0_i32_0 : i32, i32
  }
  func.func @transform_7(%arg0: i32) -> (i32, i32) {
    %c0_i32 = arith.constant 0 : i32
    %c0_i32_0 = arith.constant 0 : i32
    return %arg0, %c0_i32 : i32, i32
  }
  func.func @transform_8(%arg0: i32) -> (i32, i32) {
    %c0_i32 = arith.constant 0 : i32
    %c0_i32_0 = arith.constant 0 : i32
    return %arg0, %c0_i32 : i32, i32
  }
}

module attributes {stable_mosaic.version = 14 : i64} {
  func.func @_out_body(%arg0: i32, %arg1: memref<2x400x48xf32, #tpu.memory_space<vmem>>, %arg2: memref<400x48xf32, #tpu.memory_space<vmem>>, %arg3: memref<400x40xf32, #tpu.memory_space<vmem>>) attributes {dimension_semantics = [#tpu.dimension_semantics<arbitrary>], iteration_bounds = array<i64: 25>, scalar_prefetch = 0 : i64, scratch_operands = 0 : i64, tpu.core_type = #tpu.core_type<tc>, window_params = [{transform_indices = @transform_0, window_bounds = array<i64: 2, 400, 48>}, {transform_indices = @transform_1, window_bounds = array<i64: 400, 48>}, {transform_indices = @transform_2, window_bounds = array<i64: 400, 40>}]} {
    %get3A = arith.constant 0 : index
    %get3A_0 = arith.constant 0 : index
    %get3A_1 = arith.constant 0 : index
    %get3A_2 = vector.load %arg1[%get3A, %get3A_0, %get3A_1] : memref<2x400x48xf32, #tpu.memory_space<vmem>>, vector<1x400x48xf32>
    %get3A_3 = vector.shape_cast %get3A_2 : vector<1x400x48xf32> to vector<400x48xf32>
    %get3A_4 = arith.constant 1 : index
    %get3A_5 = arith.constant 0 : index
    %get3A_6 = arith.constant 0 : index
    %get3A_7 = vector.load %arg1[%get3A_4, %get3A_5, %get3A_6] : memref<2x400x48xf32, #tpu.memory_space<vmem>>, vector<1x400x48xf32>
    %get3A_8 = vector.shape_cast %get3A_7 : vector<1x400x48xf32> to vector<400x48xf32>
    %add3A = arith.addf %get3A_3, %get3A_8 : vector<400x48xf32>
    %get3A_9 = arith.constant 0 : index
    %get3A_10 = arith.constant 40 : index
    %get3A_11 = vector.load %arg2[%get3A_9, %get3A_10] : memref<400x48xf32, #tpu.memory_space<vmem>>, vector<400x1xf32>
    %slice3A = vector.extract_strided_slice %add3A {offsets = [0, 0], sizes = [400, 40], strides = [1, 1]} : vector<400x48xf32> to vector<400x40xf32>
    %mul3A = vector.broadcast %get3A_11 : vector<400x1xf32> to vector<400x40xf32>
    %mul3A_12 = arith.mulf %slice3A, %mul3A : vector<400x40xf32>
    %get3A_13 = arith.constant 0 : index
    %get3A_14 = arith.constant 0 : index
    %get3A_15 = vector.load %arg2[%get3A_13, %get3A_14] : memref<400x48xf32, #tpu.memory_space<vmem>>, vector<400x40xf32>
    %add3A_16 = arith.addf %mul3A_12, %get3A_15 : vector<400x40xf32>
    %reduce_max3A = arith.constant dense<0xFF800000> : vector<400xf32>
    %reduce_max3A_17 = vector.multi_reduction <maximumf>, %add3A_16, %reduce_max3A [1] : vector<400x40xf32> to vector<400xf32>
    %broadcast_in_dim3A = vector.shape_cast %reduce_max3A_17 : vector<400xf32> to vector<400x1xf32>
    %sub3A = vector.broadcast %broadcast_in_dim3A : vector<400x1xf32> to vector<400x40xf32>
    %sub3A_18 = arith.subf %add3A_16, %sub3A : vector<400x40xf32>
    %exp3A = math.exp %sub3A_18 : vector<400x40xf32>
    %reduce_sum3A = arith.constant dense<0.000000e+00> : vector<400xf32>
    %reduce_sum3A_19 = vector.multi_reduction <add>, %exp3A, %reduce_sum3A [1] : vector<400x40xf32> to vector<400xf32>
    %broadcast_in_dim3A_20 = vector.shape_cast %reduce_sum3A_19 : vector<400xf32> to vector<400x1xf32>
    %log3A = math.log %broadcast_in_dim3A_20 : vector<400x1xf32>
    %sub3A_21 = vector.broadcast %broadcast_in_dim3A : vector<400x1xf32> to vector<400x40xf32>
    %sub3A_22 = arith.subf %add3A_16, %sub3A_21 : vector<400x40xf32>
    %sub3A_23 = vector.broadcast %log3A : vector<400x1xf32> to vector<400x40xf32>
    %sub3A_24 = arith.subf %sub3A_22, %sub3A_23 : vector<400x40xf32>
    %swap3A = arith.constant 0 : index
    %swap3A_25 = arith.constant 0 : index
    %swap3A_26 = vector.load %arg3[%swap3A, %swap3A_25] : memref<400x40xf32, #tpu.memory_space<vmem>>, vector<400x40xf32>
    tpu.vector_store %arg3[%swap3A, %swap3A_25], %sub3A_24 {strides = array<i32>} : memref<400x40xf32, #tpu.memory_space<vmem>>, vector<400x40xf32>,
    return
  }
  func.func @transform_0(%arg0: i32) -> (i32, i32, i32) {
    %c0_i32 = arith.constant 0 : i32
    %c0_i32_0 = arith.constant 0 : i32
    %c0_i32_1 = arith.constant 0 : i32
    return %c0_i32, %arg0, %c0_i32_0 : i32, i32, i32
  }
  func.func @transform_1(%arg0: i32) -> (i32, i32) {
    %c0_i32 = arith.constant 0 : i32
    %c0_i32_0 = arith.constant 0 : i32
    return %arg0, %c0_i32 : i32, i32
  }
  func.func @transform_2(%arg0: i32) -> (i32, i32) {
    %c0_i32 = arith.constant 0 : i32
    %c0_i32_0 = arith.constant 0 : i32
    return %arg0, %c0_i32 : i32, i32
  }
}

</mosaic_0001>

<sc_bundles>
// kernel: kernel.11.cloned.1.call-start
scs
__scs_entry_jumppad:
0x0: {  	(pc) =	sbr.rel $0x88, $3  }
0x1: {  	(tag) =	ssettag $0x0;
	lr =	simm.s32 $0x1  }
0x2: {  	[smem:$0x3F9A] =	sst lr;
	_ =	strace $0xD0000000  }
0x3: {  	_ = 	snop  }
0x4: {  	_ = 	snop  }
0x5: {  	_ = 	snop  }
0x6: {  	_ = 	snop  }
0x7: {  	_ = 	snop  }
__scs_overlays_trampoline_lowered:
0x8: {  	[smem:$0x3FA9] =	sst s0  }
0x9: {  	[smem:$0x3FAA] =	sst s1  }
0xa: {  	[smem:$0x3FAB] =	sst s2  }
0xb: {  	[smem:$0x3FAC] =	sst s3  }
0xc: {  	[smem:$0x3FAD] =	sst s4  }
0xd: {  	[smem:$0x3FAE] =	sst s5  }
0xe: {  	[smem:$0x3FAF] =	sst s6  }
0xf: {  	[smem:$0x3FB0] =	sst s7  }
0x10: {  	[smem:$0x3FB1] =	sst s8  }
0x11: {  	[smem:$0x3FB2] =	sst s9;
	s0 =	simm.s32 @!p0 $0x0  }
0x12: {  	s1 =	sld [smem:$0x3F98];
	s0 =	simm.s32 @p0 $0x1  }
0x13: {  	[smem:$0x3FB3] =	sst s0;
	s0 =	simm.s32 @!p1 $0x0  }
0x14: {  	s2 =	sld [smem:$0x3F97];
	s0 =	simm.s32 @p1 $0x1  }
0x15: {  	[smem:$0x3FB4] =	sst s0;
	s0 =	simm.s32 @!p2 $0x0  }
0x16: {  	s3 =	sld [smem:$0x3FDB];
	s0 =	simm.s32 @p2 $0x1  }
0x17: {  	s4 =	simm.s32 $0x1BF5;
	[smem:$0x3FB6] =	sst s0  }
0x18: {  	s0 =	sld [smem:$0x3F99];
	_ =	swait.ge [sflag:s4], $0x0  }
0x19: {  	s7 =	sld [smem:$0x3F9A]  }
0x1a: {  	s8 =	sadd.s32 $0xFFFFE003, lr  }
0x1b: {  	s9 =	sadd.s32 $0xFFFFFEF7, lr;
	s5 =	simm.s32 $0xFFFFFFFF;
	p2 =	slt.u32 s8, $0xFFFFF086  }
0x1c: {  	p1 =	slt.u32 s9, $0xF7A;
	s5 =	simm.s32 @!p2 $0x0  }
0x1d: {  	s5 =	simm.s32 @p1 $0x1;
	p0 =	seq.s32 s7, s2  }
0x1e: {  	s7 =	smul.u32 @!p0 $0xF7A, s2;
	p2 =	seq.s32 @!p0 s5, $0x0  }
0x1f: {  	s9 =	smul.u32 $0xF7A, s1;
	s8 =	simm.s32 @!p0 $0x1BF5;
	p2 =	por !p2, p0  }
0x20: {  	[sflag:s8] =	ssyncset.s32 @!p0 $0xFFFFF086;
	s6 =	sadd.s32 @!p0 s3, s7;
	s7 =	simm.s32 @!p0 $0x108  }
0x21: {  	s3 =	sadd.s32 s3, s9;
	s6 =	sadd.s32 @!p0 $0x88, s6;
	s7 =	simm.s32 @p2 $0x1082  }
0x22: {  	[simem:s7], [sflag:s8] =	dma.local @!p0 [hbm:s6], $0xF7A  }
0x23: {  	s9 =	sor.u32 $0xD0000000, s2;
	s6 =	simm.s32 $0x108;
	_ =	swait.ge @!p0 [sflag:s8], $0x0  }
0x24: {  	s3 =	sadd.s32 $0x88, s3;
	s6 =	simm.s32 @!p1 $0x1082;
	[sflag:s4] =	ssyncset.s32 $0xFFFFF086  }
0x25: {  	[simem:s6], [sflag:s4] =	dma.local [hbm:s3], $0xF7A  }
0x26: {  	[smem:$0x3F9A] =	sst s1;
	(tag) =	ssettag s2;
	_ =	strace s9  }
0x27: {  	s1 =	sld [smem:$0x3FAA]  }
0x28: {  	s2 =	sld [smem:$0x3FAB]  }
0x29: {  	s4 =	sld [smem:$0x3FAD]  }
0x2a: {  	p0 =	seq.s32 s5, $0x0;
	s5 =	sld [smem:$0x3FAE]  }
0x2b: {  	s6 =	sld [smem:$0x3FAF]  }
0x2c: {  	s7 =	sld [smem:$0x3FB0]  }
0x2d: {  	s3 =	simm.s32 $0x108;
	s8 =	sld [smem:$0x3FB1]  }
0x2e: {  	s3 =	simm.s32 @!p0 $0x1082;
	s9 =	sld [smem:$0x3FB2]  }
0x2f: {  	lr =	sadd.s32 s0, s3;
	s0 =	sld [smem:$0x3FA9]  }
0x30: {  	s3 =	sld [smem:$0x3FAC]  }
0x31: {  	[smem:$0x3FB5] =	sst s10  }
0x32: {  	s10 =	sld [smem:$0x3FB3];
	_ =	sdelay $0x3  }
0x33: {  	p0 =	seq.s32 s10, $0x1;
	s10 =	sld [smem:$0x3FB5];
	_ =	sdelay $0x3  }
0x34: {  	[smem:$0x3FB5] =	sst s10  }
0x35: {  	s10 =	sld [smem:$0x3FB4];
	_ =	sdelay $0x3  }
0x36: {  	p1 =	seq.s32 s10, $0x1;
	s10 =	sld [smem:$0x3FB5];
	_ =	sdelay $0x3  }
0x37: {  	[smem:$0x3FB5] =	sst s10  }
0x38: {  	s10 =	sld [smem:$0x3FB6]  }
0x39: {  	_ = 	snop;
	(pc) =	sbr.ind lr, $3  }
0x3a: {  	_ = 	snop  }
0x3b: {  	_ = 	snop  }
0x3c: {  	p2 =	seq.s32 s10, $0x1;
	s10 =	sld [smem:$0x3FB5]  }
0x3d: {  	_ =	shalt  }
0x3e: {  	_ =	shalt  }
0x3f: {  	_ =	shalt  }
0x40: {  	_ =	shalt  }
0x41: {  	_ =	shalt  }
0x42: {  	_ =	shalt  }
0x43: {  	_ =	shalt  }
0x44: {  	_ =	shalt  }
0x45: {  	_ =	shalt  }
0x46: {  	_ =	shalt  }
0x47: {  	_ =	shalt  }
0x48: {  	_ =	shalt  }
0x49: {  	_ =	shalt  }
0x4a: {  	_ =	shalt  }
0x4b: {  	_ =	shalt  }
0x4c: {  	_ =	shalt  }
0x4d: {  	_ =	shalt  }
0x4e: {  	_ =	shalt  }
0x4f: {  	_ =	shalt  }
0x50: {  	_ =	shalt  }
0x51: {  	_ =	shalt  }
0x52: {  	_ =	shalt  }
0x53: {  	_ =	shalt  }
0x54: {  	_ =	shalt  }
0x55: {  	_ =	shalt  }
0x56: {  	_ =	shalt  }
0x57: {  	_ =	shalt  }
0x58: {  	_ =	shalt  }
0x59: {  	_ =	shalt  }
0x5a: {  	_ =	shalt  }
0x5b: {  	_ =	shalt  }
0x5c: {  	_ =	shalt  }
0x5d: {  	_ =	shalt  }
0x5e: {  	_ =	shalt  }
0x5f: {  	_ =	shalt  }
0x60: {  	_ =	shalt  }
0x61: {  	_ =	shalt  }
0x62: {  	_ =	shalt  }
0x63: {  	_ =	shalt  }
0x64: {  	_ =	shalt  }
0x65: {  	_ =	shalt  }
0x66: {  	_ =	shalt  }
0x67: {  	_ =	shalt  }
0x68: {  	_ =	shalt  }
0x69: {  	_ =	shalt  }
0x6a: {  	_ =	shalt  }
0x6b: {  	_ =	shalt  }
0x6c: {  	_ =	shalt  }
0x6d: {  	_ =	shalt  }
0x6e: {  	_ =	shalt  }
0x6f: {  	_ =	shalt  }
0x70: {  	_ =	shalt  }
0x71: {  	_ =	shalt  }
0x72: {  	_ =	shalt  }
0x73: {  	_ =	shalt  }
0x74: {  	_ =	shalt  }
0x75: {  	_ =	shalt  }
0x76: {  	_ =	shalt  }
0x77: {  	_ =	shalt  }
0x78: {  	_ =	shalt  }
0x79: {  	_ =	shalt  }
0x7a: {  	_ =	shalt  }
0x7b: {  	_ =	shalt  }
0x7c: {  	_ =	shalt  }
0x7d: {  	_ =	shalt  }
0x7e: {  	_ =	shalt  }
0x7f: {  	_ =	shalt  }
0x80: {  	_ =	shalt  }
0x81: {  	_ =	shalt  }
0x82: {  	_ =	shalt  }
0x83: {  	_ =	shalt  }
0x84: {  	_ =	shalt  }
0x85: {  	_ =	shalt  }
0x86: {  	_ =	shalt  }
0x87: {  	_ =	shalt  }
.Lfunc_end0:
.L_simem_size_0:
called_computation.1_lowered:
.L_overlay_start_0:
0x88: {  	s2 =	sld [smem:$0x3FD9]  }
0x89: {  	s3 =	sld [smem:$0x3FFE];
	_ =	sdelay $0x1  }
0x8a: {  	s1 =	srdreg.scid  }
0x8b: {  	s0 =	sand.u32 $0x1, s1  }
0x8c: {  	s17 =	sshll.u32 s0, $0xA;
	s2 =	sadd.s32 s3, s2  }
0x8d: {  	s2 =	sadd.s32 s2, s17  }
0x8e: {  	[smem:$0x3FC1] =	sst s2  }
0x8f: {  	_ = 	snop  }
0x90: {  	s2 =	sld [smem:$0x3FD0];
	(tm) =	ssettm $0x1  }
0x91: {  	s18 =	sld [smem:$0x3FFB];
	_ =	sdelay $0x3  }
0x92: {  	_ =	strace s18  }
0x93: {  	s3 =	sld [smem:$0x3FFC];
	_ =	sdelay $0x3  }
0x94: {  	_ =	strace s3  }
0x95: {  	s3 =	sld [smem:$0x3FFD];
	_ =	sdelay $0x3  }
0x96: {  	_ =	strace s3  }
0x97: {  	_ =	strace $0x8FFFFFFF  }
0x98: {  	s19 =	sld [smem:$0x3FDB];
	_ =	sdelay $0x1  }
0x99: {  	s4 =	simm.s32 $_scs_section_size  }
0x9a: {  	s5 =	simm.s32 $_size__tile_overlayer_lowered;
	s6 =	simm.s32 $_tile_overlayer_lowered  }
0x9b: {  	s22 =	simm.s32 $0x1BFF;
	s21 =	sshll.u32 s6, $0x1;
	s3 =	sadd.s32 s4, s19  }
0x9c: {  	s7 =	simm.s32 $0x0;
	s20 =	sshll.u32 s5, $0x1;
	s5 =	sadd.s32 s21, s3  }
0x9d: {  	[timem:s7], [sflag:s22] =	dma.local [hbm:s5], s20  }
0x9e: {  	_ =	swait.ge [sflag:s22], s20  }
0x9f: {  	s4 =	ssub.s32 $0x0, s20;
	[sflag:s22] =	ssyncset.done $0x0  }
0xa0: {  	[sflag:s22] =	ssyncadd.s32 s4;
	_ =	sdelay $0x1  }
0xa1: {  	s23 =	simm.s32 $0x1B8B  }
0xa2: {  	_ =	swait.ge [sflag:s23], $0x1  }
0xa3: {  	[sflag:s23] =	ssyncset.done $0x0  }
0xa4: {  	s25 =	simm.s32 $0x1B8E;
	s24 =	sld [smem:$0x3FFE];
	[sflag:s23] =	ssyncadd.s32 $0xFFFFFFFF  }
0xa5: {  	s26 =	simm.s32 $execute0_lowered;
	[smem:$0x3FD2] =	sst s25  }
0xa6: {  	s5 =	sshll.u32 s26, $0x1;
	_ =	strace $0x80000046;
	[dreg:$0x1] =	wrdreg $0xFFFFFFFF  }
0xa7: {  	s28 =	simm.s32 $_size_execute0_lowered;
	s3 =	sadd.s32 s3, s5;
	[dreg:$0x0] =	wrdreg $0x0  }
0xa8: {  	s5 =	sshll.u32 s28, $0x1;
	[dreg:$0x2] =	wrdreg s3  }
0xa9: {  	[dreg:$0x3] =	wrdreg s5  }
0xaa: {  	[dreg:$0x4] =	wrdreg $0xC0  }
0xab: {  	_ =	task [dreg:s7], $0x5FFFF  }
0xac: {  	[dreg:$0x1] =	wrdreg $0xFFFFFFFF  }
0xad: {  	[dreg:$0x0] =	wrdreg $0x60  }
0xae: {  	[dreg:$0x2] =	wrdreg s24  }
0xaf: {  	[dreg:$0x3] =	wrdreg s2  }
0xb0: {  	[dreg:$0x4] =	wrdreg $0x0  }
0xb1: {  	[dreg:$0x5] =	wrdreg $0xA  }
0xb2: {  	_ =	task.clear_ibuf [dreg:s7], $0x6FFFF;
	_ =	strace $0x90000046  }
0xb3: {  	s29 =	simm.s32 $0xA;
	_ =	strace $0x80000048  }
0xb4: {  	_ =	swait.ge [sflag:s29], $0x1  }
0xb5: {  	[sflag:s29] =	ssyncadd.s32 $0xFFFFFFFF  }
0xb6: {  	_ =	strace $0x90000048  }
0xb7: {  	_ =	sfence  }
0xb8: {  	s30 =	sld [smem:$0x0];
	_ =	sdelay $0x2  }
0xb9: {  	s31 =	sshll.u32 s1, $0xD;
	s1 =	sshrl.u32 s1, $0x2  }
0xba: {  	s3 =	sand.u32 $0x4000, s31;
	s1 =	sadd.s32 s1, s30  }
0xbb: {  	s0 =	sor.u32 s3, s0;
	s1 =	sshll.u32 s1, $0x11  }
0xbc: {  	s0 =	sor.u32 s1, s0  }
0xbd: {  	s0 =	sadd.s32 $0x8F2B, s0  }
0xbe: {  	[sflag:s0] =	ssyncadd.remote.s32 $0x1  }
0xbf: {  	_ =	sfence.sel $0xFFFF  }
0xc0: {  	[dreg:$0x0] =	wrdreg $0xFFFFFFFF;
	(pc) =	sbr.abs _section_cstart, $3  }
0xc1: {  	[dreg:$0x1] =	wrdreg $0xFFFFFFFF  }
0xc2: {  	_ =	task.clear_ibuf [dreg:s7], $0x2FFFF;
	_ =	strace $0x9FFFFFFF  }
0xc3: {  	(tm) =	ssettm $0x7FFFFFFF  }
tec
execute0_lowered:
.L_overlay_start_1:
0x0: {  	(tag) =	ssettag $0x1  }
0x1: {  	s0 =	srdreg.scid;
	s1 =	rddreg [dreg:$0x0]  }
0x2: {  	s11 =	stileid.u32;
	s3 =	rddreg [dreg:$0x1];
	s24 =	simm.s32 $0x0  }
0x3: {  	s12 =	simm.s32 $0x9;
	s13 =	simm.s32 $0x9C40;
	s15 =	simm.s32 $0x80  }
0x4: {  	s16 =	simm.s32 $0xEC40;
	s20 =	simm.s32 $0x12C40;
	s29 =	simm.s32 $0x1AC40  }
0x5: {  	s31 =	simm.s32 $0x1CC40;
	s14 =	simm.s32 $0x5;
	s17 =	simm.s32 $0x7  }
0x6: {  	s18 =	simm.s32 $0x8;
	s19 =	simm.s32 $0x0;
	s5 =	smul.u32 $0x9C40, s11  }
0x7: {  	s0 =	sand.u32 $0x1, s0;
	[smem:$0x7FF] =	sst s24;
	s6 =	smul.u32 $0x1388, s11  }
0x8: {  	s26 =	sshll.u32 s11, $0x6;
	s24 =	simm.s32 $0x16C40;
	s2 =	sshll.u32 s0, $0x4  }
0x9: {  	s8 =	smul.u32 $0x13880, s0;
	s0 =	ssub.s32 $0x2, s0;
	s4 =	sor.u32 s11, s2  }
0xa: {  	s2 =	rddreg [dreg:$0x2];
	_ =	strace $0x80000047;
	s10 =	sshrl.u32 s5, $0x3  }
0xb: {  	s25 =	sshrl.u32 s0, $0x1;
	s7 =	smul.u32 $0x500, s4;
	s4 =	sadd.s32 $0x1800, s1  }
0xc: {  	s10 =	sadd.s32 s10, s1;
	s6 =	sadd.s32 s6, s8;
	s0 =	ssub.s32 s0, s25  }
.Ltmp0:
0xd: {  	s28 =	sadd.s32 s5, s2;
	s30 =	sadd.s32 $0x1F600, s10;
	(pc) =	sbr.rel .LBB2_1-.Ltmp0, $4  }
0xe: {  	s10 =	smax.u32 s0, $0x1;
	s11 =	sshrl.u32 s28, $0x3;
	s0 =	simm.s32 $0x3  }
0xf: {  	s9 =	sadd.s32 s7, s1;
	[dreg:$0x4] =	wrdreg s30;
	s3 =	sadd.s32 s3, s7  }
0x10: {  	s1 =	sadd.s32 s6, s1;
	s6 =	sor.u32 $0x1C09, s26;
	[dreg:$0x5] =	wrdreg s3  }
0x11: {  	s8 =	sadd.s32 $0x15600, s9;
	s9 =	sadd.s32 $0x33000, s1;
	s1 =	simm.s32 $0x1  }
.LBB2_4:
0x12: {  	_ =	swait.ge [sflag:s18], $0x2000  }
0x13: {  	[sflag:s18] =	ssyncset.done $0x0  }
0x14: {  	[sflag:s18] =	ssyncadd.s32 $0xFFFFE000  }
0x15: {  	[spmem:s2] =	stream.indirect.scatter.add.f32 [tilespmem:s31], [sflag:$0x9], $0x40, s3, s15, $0xb8;
	[tilespmem:$0x1EC40] =	vst v63  }
0x16: {  	_ =	swait.ge [sflag:s12], $0x2000  }
0x17: {  	s19 =	sadd.s32 $0x1, s19;
	[sflag:s12] =	ssyncset.done $0x0  }
0x18: {  	p0 =	sne.s32 s19, s10;
	[sflag:s12] =	ssyncadd.s32 $0xFFFFE000  }
.Ltmp1:
0x19: {  	[bflag:$0x0] =	sbarrier.arrive $0xFFFF;
	(pc) =	sbr.rel @!p0 .LBB2_5-.Ltmp1, $4  }
0x1a: {  	[hbm:s9], [sflag:s6] =	dma.local [spmem:s11], $0x1388  }
0x1b: {  	_ =	swait.ge [sflag:s12], $0x1388  }
0x1c: {  	[sflag:s12] =	ssyncset.done $0x0  }
0x1d: {  	[sflag:s12] =	ssyncadd.s32 $0xFFFFEC78  }
.LBB2_1:
0x1e: {  	s3 =	rddreg [dreg:$0x4]  }
0x1f: {  	[spmem:s11], [sflag:s6] =	dma.local [hbm:s3], $0x1388  }
0x20: {  	_ =	swait.ge [sflag:s12], $0x1388  }
0x21: {  	[sflag:s12] =	ssyncset.done $0x0  }
0x22: {  	[sflag:s12] =	ssyncadd.s32 $0xFFFFEC78  }
0x23: {  	[bflag:$0x0] =	sbarrier.arrive $0xFFFF  }
0x24: {  	s25 =	simm.s32 $0x0;
	s5 =	rddreg [dreg:$0x5]  }
0x25: {  	[tilespmem:s13], [sflag:$0x9] =	stream.linear.gather [hbm4b:s5+s25], $0x2800, $0x38;
	[tilespmem:$0x1EC40] =	vst v63  }
0x26: {  	_ =	swait.ge [sflag:s12], $0x2800  }
0x27: {  	[sflag:s12] =	ssyncset.done $0x0  }
0x28: {  	s26 =	simm.s32 $0xC440;
	[sflag:s12] =	ssyncadd.s32 $0xFFFFD800  }
0x29: {  	[tilespmem:s26], [sflag:$0x9] =	stream.linear.gather [hbm4b:s8+s25], $0x2800, $0x38;
	[tilespmem:$0x1EC40] =	vst v63  }
0x2a: {  	_ =	swait.ge [sflag:s12], $0x2800  }
0x2b: {  	[sflag:s12] =	ssyncset.done $0x0  }
0x2c: {  	[sflag:s12] =	ssyncadd.s32 $0xFFFFD800  }
0x2d: {  	[tilespmem:s16], [sflag:$0x1] =	stream.indirect.gather [hbm4b:s4+s15], $0x40, s13, s15, $0xb8;
	[tilespmem:$0x1EC40] =	vst v63  }
0x2e: {  	s28 =	simm.s32 $0x9CC0;
	s30 =	simm.s32 $0x10C40  }
0x2f: {  	[tilespmem:s30], [sflag:$0x2] =	stream.indirect.gather [hbm4b:s4+s15], $0x40, s28, s15, $0xb8;
	[tilespmem:$0x1EC40] =	vst v63  }
0x30: {  	s7 =	simm.s32 $0x9D40  }
0x31: {  	[tilespmem:s20], [sflag:$0x3] =	stream.indirect.gather [hbm4b:s4+s15], $0x40, s7, s15, $0xb8;
	[tilespmem:$0x1EC40] =	vst v63  }
0x32: {  	s21 =	simm.s32 $0x9DC0;
	s22 =	simm.s32 $0x14C40  }
0x33: {  	[tilespmem:s22], [sflag:$0x4] =	stream.indirect.gather [hbm4b:s4+s15], $0x40, s21, s15, $0xb8;
	[tilespmem:$0x1EC40] =	vst v63  }
0x34: {  	s23 =	simm.s32 $0x9E40  }
0x35: {  	[tilespmem:s24], [sflag:$0x5] =	stream.indirect.gather [hbm4b:s4+s15], $0x40, s23, s15, $0xb8;
	[tilespmem:$0x1EC40] =	vst v63  }
0x36: {  	s25 =	simm.s32 $0x9EC0;
	s26 =	simm.s32 $0x18C40  }
0x37: {  	[tilespmem:s26], [sflag:$0x6] =	stream.indirect.gather [hbm4b:s4+s15], $0x40, s25, s15, $0xb8;
	[tilespmem:$0x1EC40] =	vst v63  }
0x38: {  	s28 =	simm.s32 $0x9F40  }
0x39: {  	[tilespmem:s29], [sflag:$0x7] =	stream.indirect.gather [hbm4b:s4+s15], $0x40, s28, s15, $0xb8;
	[tilespmem:$0x1EC40] =	vst v63  }
0x3a: {  	s30 =	simm.s32 $0x9FC0;
	s21 =	simm.s32 $0x0  }
0x3b: {  	[tilespmem:s31], [sflag:$0x8] =	stream.indirect.gather [hbm4b:s4+s15], $0x40, s30, s15, $0xb8;
	[tilespmem:$0x1EC40] =	vst v63  }
.LBB2_2:
0x3c: {  	_ =	swait.ge [sflag:s1], $0x2000  }
0x3d: {  	s22 =	sshra.s32 s21, $0x2;
	[sflag:s1] =	ssyncset.done $0x0  }
0x3e: {  	s3 =	sadd.s32 $0xC440, s22;
	[sflag:s1] =	ssyncadd.s32 $0xFFFFE000  }
0x3f: {  	[spmem:s2] =	stream.indirect.scatter.add.f32 [tilespmem:s16], [sflag:$0x9], $0x40, s3, s15, $0xb8;
	[tilespmem:$0x1EC40] =	vst v63  }
0x40: {  	_ =	swait.ge [sflag:s12], $0x2000  }
0x41: {  	p0 =	seq.s32 s21, $0x9000;
	[sflag:s12] =	ssyncset.done $0x0  }
0x42: {  	s3 =	simm.s32 @p0 $0x2;
	[sflag:s12] =	ssyncadd.s32 $0xFFFFE000  }
0x43: {  	s26 =	sshra.s32 @p0 s21, $0x2;
	_ =	swait.ge @p0 [sflag:s3], $0x2000  }
0x44: {  	s28 =	simm.s32 @p0 $0x80;
	s23 =	simm.s32 @p0 $0x10C40;
	[sflag:s3] =	ssyncset.done @p0 $0x0  }
0x45: {  	s30 =	simm.s32 @p0 $0x9;
	[sflag:s3] =	ssyncadd.s32 @p0 $0xFFFFE000;
	s3 =	sadd.s32 @p0 $0xC4C0, s26  }
0x46: {  	[spmem:s2] =	stream.indirect.scatter.add.f32 @p0 [tilespmem:s23], [sflag:$0x9], $0x40, s3, s28, $0xb8;
	[tilespmem:$0x1EC40] =	vst v63  }
0x47: {  	_ =	swait.ge @p0 [sflag:s30], $0x2000  }
0x48: {  	s25 =	simm.s32 @!p0 $0x80;
	s23 =	sshra.s32 @!p0 s21, $0x2;
	[sflag:s30] =	ssyncset.done @p0 $0x0  }
0x49: {  	s5 =	simm.s32 @!p0 $0xEC40;
	s3 =	sadd.s32 @!p0 $0xA040, s23;
	[sflag:s30] =	ssyncadd.s32 @p0 $0xFFFFE000  }
0x4a: {  	[tilespmem:s5], [sflag:$0x1] =	stream.indirect.gather @!p0 [hbm4b:s4+s25], $0x40, s3, s25, $0xb8;
	[tilespmem:$0x1EC40] =	vst v63  }
0x4b: {  	s3 =	simm.s32 @!p0 $0x2  }
0x4c: {  	_ =	swait.ge @!p0 [sflag:s3], $0x2000  }
0x4d: {  	[sflag:s3] =	ssyncset.done @!p0 $0x0  }
0x4e: {  	s5 =	simm.s32 @!p0 $0x10C40;
	[sflag:s3] =	ssyncadd.s32 @!p0 $0xFFFFE000;
	s3 =	sadd.s32 @!p0 $0xC4C0, s23  }
0x4f: {  	[spmem:s2] =	stream.indirect.scatter.add.f32 @!p0 [tilespmem:s5], [sflag:$0x9], $0x40, s3, s25, $0xb8;
	[tilespmem:$0x1EC40] =	vst v63  }
0x50: {  	s3 =	simm.s32 @!p0 $0x9  }
0x51: {  	_ =	swait.ge @!p0 [sflag:s3], $0x2000  }
0x52: {  	[sflag:s3] =	ssyncset.done @!p0 $0x0  }
0x53: {  	s7 =	sadd.s32 @!p0 $0xA0C0, s23;
	[sflag:s3] =	ssyncadd.s32 @!p0 $0xFFFFE000  }
0x54: {  	[tilespmem:s5], [sflag:$0x2] =	stream.indirect.gather @!p0 [hbm4b:s4+s25], $0x40, s7, s25, $0xb8;
	[tilespmem:$0x1EC40] =	vst v63  }
0x55: {  	_ =	swait.ge [sflag:s0], $0x2000  }
0x56: {  	[sflag:s0] =	ssyncset.done $0x0  }
0x57: {  	s7 =	sadd.s32 $0xC540, s22;
	[sflag:s0] =	ssyncadd.s32 $0xFFFFE000  }
0x58: {  	[spmem:s2] =	stream.indirect.scatter.add.f32 [tilespmem:s20], [sflag:$0x9], $0x40, s7, s15, $0xb8;
	[tilespmem:$0x1EC40] =	vst v63  }
0x59: {  	_ =	swait.ge [sflag:s12], $0x2000  }
0x5a: {  	[sflag:s12] =	ssyncset.done $0x0  }
0x5b: {  	s5 =	simm.s32 @p0 $0x4;
	[sflag:s12] =	ssyncadd.s32 $0xFFFFE000  }
0x5c: {  	_ =	swait.ge @p0 [sflag:s5], $0x2000  }
0x5d: {  	[sflag:s5] =	ssyncset.done @p0 $0x0  }
0x5e: {  	s7 =	simm.s32 @p0 $0x14C40;
	[sflag:s5] =	ssyncadd.s32 @p0 $0xFFFFE000;
	s5 =	sadd.s32 @p0 $0xC5C0, s26  }
0x5f: {  	[spmem:s2] =	stream.indirect.scatter.add.f32 @p0 [tilespmem:s7], [sflag:$0x9], $0x40, s5, s28, $0xb8;
	[tilespmem:$0x1EC40] =	vst v63  }
0x60: {  	_ =	swait.ge @p0 [sflag:s30], $0x2000  }
0x61: {  	[sflag:s30] =	ssyncset.done @p0 $0x0  }
0x62: {  	s5 =	sadd.s32 @!p0 $0xA140, s23;
	s7 =	simm.s32 @!p0 $0x12C40;
	[sflag:s30] =	ssyncadd.s32 @p0 $0xFFFFE000  }
0x63: {  	[tilespmem:s7], [sflag:$0x3] =	stream.indirect.gather @!p0 [hbm4b:s4+s25], $0x40, s5, s25, $0xb8;
	[tilespmem:$0x1EC40] =	vst v63  }
0x64: {  	s5 =	simm.s32 @!p0 $0x4  }
0x65: {  	_ =	swait.ge @!p0 [sflag:s5], $0x2000  }
0x66: {  	[sflag:s5] =	ssyncset.done @!p0 $0x0  }
0x67: {  	s7 =	simm.s32 @!p0 $0x14C40;
	[sflag:s5] =	ssyncadd.s32 @!p0 $0xFFFFE000;
	s5 =	sadd.s32 @!p0 $0xC5C0, s23  }
0x68: {  	[spmem:s2] =	stream.indirect.scatter.add.f32 @!p0 [tilespmem:s7], [sflag:$0x9], $0x40, s5, s25, $0xb8;
	[tilespmem:$0x1EC40] =	vst v63  }
0x69: {  	_ =	swait.ge @!p0 [sflag:s3], $0x2000  }
0x6a: {  	[sflag:s3] =	ssyncset.done @!p0 $0x0  }
0x6b: {  	s5 =	sadd.s32 @!p0 $0xA1C0, s23;
	[sflag:s3] =	ssyncadd.s32 @!p0 $0xFFFFE000  }
0x6c: {  	[tilespmem:s7], [sflag:$0x4] =	stream.indirect.gather @!p0 [hbm4b:s4+s25], $0x40, s5, s25, $0xb8;
	[tilespmem:$0x1EC40] =	vst v63  }
0x6d: {  	_ =	swait.ge [sflag:s14], $0x2000  }
0x6e: {  	[sflag:s14] =	ssyncset.done $0x0  }
0x6f: {  	s7 =	sadd.s32 $0xC640, s22;
	[sflag:s14] =	ssyncadd.s32 $0xFFFFE000  }
0x70: {  	[spmem:s2] =	stream.indirect.scatter.add.f32 [tilespmem:s24], [sflag:$0x9], $0x40, s7, s15, $0xb8;
	[tilespmem:$0x1EC40] =	vst v63  }
0x71: {  	_ =	swait.ge [sflag:s12], $0x2000  }
0x72: {  	[sflag:s12] =	ssyncset.done $0x0  }
0x73: {  	s5 =	simm.s32 @p0 $0x6;
	[sflag:s12] =	ssyncadd.s32 $0xFFFFE000  }
0x74: {  	_ =	swait.ge @p0 [sflag:s5], $0x2000  }
0x75: {  	[sflag:s5] =	ssyncset.done @p0 $0x0  }
0x76: {  	s7 =	simm.s32 @p0 $0x18C40;
	[sflag:s5] =	ssyncadd.s32 @p0 $0xFFFFE000;
	s5 =	sadd.s32 @p0 $0xC6C0, s26  }
0x77: {  	[spmem:s2] =	stream.indirect.scatter.add.f32 @p0 [tilespmem:s7], [sflag:$0x9], $0x40, s5, s28, $0xb8;
	[tilespmem:$0x1EC40] =	vst v63  }
0x78: {  	_ =	swait.ge @p0 [sflag:s30], $0x2000  }
0x79: {  	[sflag:s30] =	ssyncset.done @p0 $0x0  }
0x7a: {  	s5 =	sadd.s32 @!p0 $0xA240, s23;
	s7 =	simm.s32 @!p0 $0x16C40;
	[sflag:s30] =	ssyncadd.s32 @p0 $0xFFFFE000  }
0x7b: {  	[tilespmem:s7], [sflag:$0x5] =	stream.indirect.gather @!p0 [hbm4b:s4+s25], $0x40, s5, s25, $0xb8;
	[tilespmem:$0x1EC40] =	vst v63  }
0x7c: {  	s5 =	simm.s32 @!p0 $0x6  }
0x7d: {  	_ =	swait.ge @!p0 [sflag:s5], $0x2000  }
0x7e: {  	[sflag:s5] =	ssyncset.done @!p0 $0x0  }
0x7f: {  	s7 =	simm.s32 @!p0 $0x18C40;
	[sflag:s5] =	ssyncadd.s32 @!p0 $0xFFFFE000;
	s5 =	sadd.s32 @!p0 $0xC6C0, s23  }
0x80: {  	[spmem:s2] =	stream.indirect.scatter.add.f32 @!p0 [tilespmem:s7], [sflag:$0x9], $0x40, s5, s25, $0xb8;
	[tilespmem:$0x1EC40] =	vst v63  }
0x81: {  	_ =	swait.ge @!p0 [sflag:s3], $0x2000  }
0x82: {  	[sflag:s3] =	ssyncset.done @!p0 $0x0  }
0x83: {  	[sflag:s3] =	ssyncadd.s32 @!p0 $0xFFFFE000;
	s3 =	sadd.s32 @!p0 $0xA2C0, s23  }
0x84: {  	[tilespmem:s7], [sflag:$0x6] =	stream.indirect.gather @!p0 [hbm4b:s4+s25], $0x40, s3, s25, $0xb8;
	[tilespmem:$0x1EC40] =	vst v63  }
0x85: {  	_ =	swait.ge [sflag:s17], $0x2000  }
0x86: {  	[sflag:s17] =	ssyncset.done $0x0  }
.Ltmp2:
0x87: {  	s30 =	sadd.s32 $0xC740, s22;
	[sflag:s17] =	ssyncadd.s32 $0xFFFFE000;
	(pc) =	sbr.rel @p0 .LBB2_4-.Ltmp2, $4  }
0x88: {  	[spmem:s2] =	stream.indirect.scatter.add.f32 [tilespmem:s29], [sflag:$0x9], $0x40, s30, s15, $0xb8;
	[tilespmem:$0x1EC40] =	vst v63  }
0x89: {  	_ =	swait.ge [sflag:s12], $0x2000  }
0x8a: {  	[sflag:s12] =	ssyncset.done $0x0  }
0x8b: {  	s3 =	sadd.s32 $0xC7C0, s22;
	[sflag:s12] =	ssyncadd.s32 $0xFFFFE000  }
0x8c: {  	s5 =	sadd.s32 $0xA340, s22  }
0x8d: {  	[tilespmem:s29], [sflag:$0x7] =	stream.indirect.gather [hbm4b:s4+s15], $0x40, s5, s15, $0xb8;
	[tilespmem:$0x1EC40] =	vst v63  }
0x8e: {  	_ =	swait.ge [sflag:s18], $0x2000  }
0x8f: {  	[sflag:s18] =	ssyncset.done $0x0  }
0x90: {  	[sflag:s18] =	ssyncadd.s32 $0xFFFFE000  }
0x91: {  	[spmem:s2] =	stream.indirect.scatter.add.f32 [tilespmem:s31], [sflag:$0x9], $0x40, s3, s15, $0xb8;
	[tilespmem:$0x1EC40] =	vst v63  }
.Ltmp3:
0x92: {  	_ = 	snop;
	(pc) =	sbr.rel .LBB2_2-.Ltmp3, $4  }
0x93: {  	_ =	swait.ge [sflag:s12], $0x2000  }
0x94: {  	[sflag:s12] =	ssyncset.done $0x0  }
0x95: {  	s30 =	sadd.s32 $0xA3C0, s22;
	s21 =	sadd.s32 $0x1000, s21;
	[sflag:s12] =	ssyncadd.s32 $0xFFFFE000  }
0x96: {  	[tilespmem:s31], [sflag:$0x8] =	stream.indirect.gather [hbm4b:s4+s15], $0x40, s30, s15, $0xb8;
	[tilespmem:$0x1EC40] =	vst v63  }
.LBB2_5:
0x97: {  	_ =	sfence.sel $0x180000  }
0x98: {  	[bflag:$0x0] =	sbarrier.arrive $0xFFFF  }
0x99: {  	_ =	strace $0x90000047  }
0x9a: {  	s0 =	stileid.u32;
	[bflag:$0x2] =	sbarrier.arrive $0xFFFF  }
0x9b: {  	p0 =	sne.s32 s0, $0x0;
	s0 =	rddreg [dreg:$0x3]  }
0x9c: {  	s0 =	sadd.s32 @!p0 $0x100000, s0  }
0x9d: {  	[sflag:s0] =	ssyncadd.tile.s32 @!p0 $0x1;
	_ =	shalt  }
.Lfunc_end2:
_tile_overlayer_lowered:
.L_overlay_start_2:
0x9e: {  	(tag) =	ssettag $0x2  }
0x9f: {  	s0 =	rddreg [dreg:$0x0];
	s2 =	stileid.u32  }
0xa0: {  	s1 =	rddreg [dreg:$0x1];
	p0 =	sne.s32 s2, $0x0  }
0xa1: {  	s3 =	rddreg [dreg:$0x2];
	[bflag:$0x3] =	sbarrier.arrive $0xFFFF;
	s2 =	simm.s32 @!p0 $0x1C09  }
0xa2: {  	[timem:s3], [sflag:s2] =	dma.local @!p0 [hbm:s0], s1  }
0xa3: {  	s0 =	simm.s32 @!p0 $0x9  }
0xa4: {  	_ =	swait.ge @!p0 [sflag:s0], s1  }
0xa5: {  	s1 =	ssub.s32 @!p0 $0x0, s1;
	[sflag:s0] =	ssyncset.done @!p0 $0x0  }
0xa6: {  	[sflag:s0] =	ssyncadd.s32 @!p0 s1  }
0xa7: {  	[bflag:$0x3] =	sbarrier.arrive $0xFFFF  }
0xa8: {  	_ =	shalt  }

// kernel: kernel.14.cloned.1.call-start
scs
__scs_entry_jumppad:
0x0: {  	(pc) =	sbr.rel $0x88, $3  }
0x1: {  	(tag) =	ssettag $0x0;
	lr =	simm.s32 $0x1  }
0x2: {  	[smem:$0x3F9A] =	sst lr;
	_ =	strace $0xD0000000  }
0x3: {  	_ = 	snop  }
0x4: {  	_ = 	snop  }
0x5: {  	_ = 	snop  }
0x6: {  	_ = 	snop  }
0x7: {  	_ = 	snop  }
__scs_overlays_trampoline_lowered:
0x8: {  	[smem:$0x3FA9] =	sst s0  }
0x9: {  	[smem:$0x3FAA] =	sst s1  }
0xa: {  	[smem:$0x3FAB] =	sst s2  }
0xb: {  	[smem:$0x3FAC] =	sst s3  }
0xc: {  	[smem:$0x3FAD] =	sst s4  }
0xd: {  	[smem:$0x3FAE] =	sst s5  }
0xe: {  	[smem:$0x3FAF] =	sst s6  }
0xf: {  	[smem:$0x3FB0] =	sst s7  }
0x10: {  	[smem:$0x3FB1] =	sst s8  }
0x11: {  	[smem:$0x3FB2] =	sst s9;
	s0 =	simm.s32 @!p0 $0x0  }
0x12: {  	s1 =	sld [smem:$0x3F98];
	s0 =	simm.s32 @p0 $0x1  }
0x13: {  	[smem:$0x3FB3] =	sst s0;
	s0 =	simm.s32 @!p1 $0x0  }
0x14: {  	s2 =	sld [smem:$0x3F97];
	s0 =	simm.s32 @p1 $0x1  }
0x15: {  	[smem:$0x3FB4] =	sst s0;
	s0 =	simm.s32 @!p2 $0x0  }
0x16: {  	s3 =	sld [smem:$0x3FDB];
	s0 =	simm.s32 @p2 $0x1  }
0x17: {  	s4 =	simm.s32 $0x1BF5;
	[smem:$0x3FB6] =	sst s0  }
0x18: {  	s0 =	sld [smem:$0x3F99];
	_ =	swait.ge [sflag:s4], $0x0  }
0x19: {  	s7 =	sld [smem:$0x3F9A]  }
0x1a: {  	s8 =	sadd.s32 $0xFFFFE003, lr  }
0x1b: {  	s9 =	sadd.s32 $0xFFFFFEF7, lr;
	s5 =	simm.s32 $0xFFFFFFFF;
	p2 =	slt.u32 s8, $0xFFFFF086  }
0x1c: {  	p1 =	slt.u32 s9, $0xF7A;
	s5 =	simm.s32 @!p2 $0x0  }
0x1d: {  	s5 =	simm.s32 @p1 $0x1;
	p0 =	seq.s32 s7, s2  }
0x1e: {  	s7 =	smul.u32 @!p0 $0xF7A, s2;
	p2 =	seq.s32 @!p0 s5, $0x0  }
0x1f: {  	s9 =	smul.u32 $0xF7A, s1;
	s8 =	simm.s32 @!p0 $0x1BF5;
	p2 =	por !p2, p0  }
0x20: {  	[sflag:s8] =	ssyncset.s32 @!p0 $0xFFFFF086;
	s6 =	sadd.s32 @!p0 s3, s7;
	s7 =	simm.s32 @!p0 $0x108  }
0x21: {  	s3 =	sadd.s32 s3, s9;
	s6 =	sadd.s32 @!p0 $0x88, s6;
	s7 =	simm.s32 @p2 $0x1082  }
0x22: {  	[simem:s7], [sflag:s8] =	dma.local @!p0 [hbm:s6], $0xF7A  }
0x23: {  	s9 =	sor.u32 $0xD0000000, s2;
	s6 =	simm.s32 $0x108;
	_ =	swait.ge @!p0 [sflag:s8], $0x0  }
0x24: {  	s3 =	sadd.s32 $0x88, s3;
	s6 =	simm.s32 @!p1 $0x1082;
	[sflag:s4] =	ssyncset.s32 $0xFFFFF086  }
0x25: {  	[simem:s6], [sflag:s4] =	dma.local [hbm:s3], $0xF7A  }
0x26: {  	[smem:$0x3F9A] =	sst s1;
	(tag) =	ssettag s2;
	_ =	strace s9  }
0x27: {  	s1 =	sld [smem:$0x3FAA]  }
0x28: {  	s2 =	sld [smem:$0x3FAB]  }
0x29: {  	s4 =	sld [smem:$0x3FAD]  }
0x2a: {  	p0 =	seq.s32 s5, $0x0;
	s5 =	sld [smem:$0x3FAE]  }
0x2b: {  	s6 =	sld [smem:$0x3FAF]  }
0x2c: {  	s7 =	sld [smem:$0x3FB0]  }
0x2d: {  	s3 =	simm.s32 $0x108;
	s8 =	sld [smem:$0x3FB1]  }
0x2e: {  	s3 =	simm.s32 @!p0 $0x1082;
	s9 =	sld [smem:$0x3FB2]  }
0x2f: {  	lr =	sadd.s32 s0, s3;
	s0 =	sld [smem:$0x3FA9]  }
0x30: {  	s3 =	sld [smem:$0x3FAC]  }
0x31: {  	[smem:$0x3FB5] =	sst s10  }
0x32: {  	s10 =	sld [smem:$0x3FB3];
	_ =	sdelay $0x3  }
0x33: {  	p0 =	seq.s32 s10, $0x1;
	s10 =	sld [smem:$0x3FB5];
	_ =	sdelay $0x3  }
0x34: {  	[smem:$0x3FB5] =	sst s10  }
0x35: {  	s10 =	sld [smem:$0x3FB4];
	_ =	sdelay $0x3  }
0x36: {  	p1 =	seq.s32 s10, $0x1;
	s10 =	sld [smem:$0x3FB5];
	_ =	sdelay $0x3  }
0x37: {  	[smem:$0x3FB5] =	sst s10  }
0x38: {  	s10 =	sld [smem:$0x3FB6]  }
0x39: {  	_ = 	snop;
	(pc) =	sbr.ind lr, $3  }
0x3a: {  	_ = 	snop  }
0x3b: {  	_ = 	snop  }
0x3c: {  	p2 =	seq.s32 s10, $0x1;
	s10 =	sld [smem:$0x3FB5]  }
0x3d: {  	_ =	shalt  }
0x3e: {  	_ =	shalt  }
0x3f: {  	_ =	shalt  }
0x40: {  	_ =	shalt  }
0x41: {  	_ =	shalt  }
0x42: {  	_ =	shalt  }
0x43: {  	_ =	shalt  }
0x44: {  	_ =	shalt  }
0x45: {  	_ =	shalt  }
0x46: {  	_ =	shalt  }
0x47: {  	_ =	shalt  }
0x48: {  	_ =	shalt  }
0x49: {  	_ =	shalt  }
0x4a: {  	_ =	shalt  }
0x4b: {  	_ =	shalt  }
0x4c: {  	_ =	shalt  }
0x4d: {  	_ =	shalt  }
0x4e: {  	_ =	shalt  }
0x4f: {  	_ =	shalt  }
0x50: {  	_ =	shalt  }
0x51: {  	_ =	shalt  }
0x52: {  	_ =	shalt  }
0x53: {  	_ =	shalt  }
0x54: {  	_ =	shalt  }
0x55: {  	_ =	shalt  }
0x56: {  	_ =	shalt  }
0x57: {  	_ =	shalt  }
0x58: {  	_ =	shalt  }
0x59: {  	_ =	shalt  }
0x5a: {  	_ =	shalt  }
0x5b: {  	_ =	shalt  }
0x5c: {  	_ =	shalt  }
0x5d: {  	_ =	shalt  }
0x5e: {  	_ =	shalt  }
0x5f: {  	_ =	shalt  }
0x60: {  	_ =	shalt  }
0x61: {  	_ =	shalt  }
0x62: {  	_ =	shalt  }
0x63: {  	_ =	shalt  }
0x64: {  	_ =	shalt  }
0x65: {  	_ =	shalt  }
0x66: {  	_ =	shalt  }
0x67: {  	_ =	shalt  }
0x68: {  	_ =	shalt  }
0x69: {  	_ =	shalt  }
0x6a: {  	_ =	shalt  }
0x6b: {  	_ =	shalt  }
0x6c: {  	_ =	shalt  }
0x6d: {  	_ =	shalt  }
0x6e: {  	_ =	shalt  }
0x6f: {  	_ =	shalt  }
0x70: {  	_ =	shalt  }
0x71: {  	_ =	shalt  }
0x72: {  	_ =	shalt  }
0x73: {  	_ =	shalt  }
0x74: {  	_ =	shalt  }
0x75: {  	_ =	shalt  }
0x76: {  	_ =	shalt  }
0x77: {  	_ =	shalt  }
0x78: {  	_ =	shalt  }
0x79: {  	_ =	shalt  }
0x7a: {  	_ =	shalt  }
0x7b: {  	_ =	shalt  }
0x7c: {  	_ =	shalt  }
0x7d: {  	_ =	shalt  }
0x7e: {  	_ =	shalt  }
0x7f: {  	_ =	shalt  }
0x80: {  	_ =	shalt  }
0x81: {  	_ =	shalt  }
0x82: {  	_ =	shalt  }
0x83: {  	_ =	shalt  }
0x84: {  	_ =	shalt  }
0x85: {  	_ =	shalt  }
0x86: {  	_ =	shalt  }
0x87: {  	_ =	shalt  }
.Lfunc_end0:
.L_simem_size_0:
called_computation.2_lowered:
.L_overlay_start_0:
0x88: {  	s2 =	sld [smem:$0x3FD9]  }
0x89: {  	s3 =	sld [smem:$0x3FFE];
	_ =	sdelay $0x1  }
0x8a: {  	s1 =	srdreg.scid  }
0x8b: {  	s0 =	sand.u32 $0x1, s1  }
0x8c: {  	s17 =	sshll.u32 s0, $0xA;
	s2 =	sadd.s32 s3, s2  }
0x8d: {  	s2 =	sadd.s32 s2, s17  }
0x8e: {  	[smem:$0x3FC1] =	sst s2  }
0x8f: {  	_ = 	snop  }
0x90: {  	s2 =	sld [smem:$0x3FD0];
	(tm) =	ssettm $0x1  }
0x91: {  	s18 =	sld [smem:$0x3FFB];
	_ =	sdelay $0x3  }
0x92: {  	_ =	strace s18  }
0x93: {  	s3 =	sld [smem:$0x3FFC];
	_ =	sdelay $0x3  }
0x94: {  	_ =	strace s3  }
0x95: {  	s3 =	sld [smem:$0x3FFD];
	_ =	sdelay $0x3  }
0x96: {  	_ =	strace s3  }
0x97: {  	_ =	strace $0x8FFFFFFF  }
0x98: {  	s19 =	sld [smem:$0x3FDB];
	_ =	sdelay $0x1  }
0x99: {  	s4 =	simm.s32 $_scs_section_size  }
0x9a: {  	s5 =	simm.s32 $_size__tile_overlayer_lowered;
	s6 =	simm.s32 $_tile_overlayer_lowered  }
0x9b: {  	s22 =	simm.s32 $0x1BFF;
	s21 =	sshll.u32 s6, $0x1;
	s3 =	sadd.s32 s4, s19  }
0x9c: {  	s7 =	simm.s32 $0x0;
	s20 =	sshll.u32 s5, $0x1;
	s5 =	sadd.s32 s21, s3  }
0x9d: {  	[timem:s7], [sflag:s22] =	dma.local [hbm:s5], s20  }
0x9e: {  	_ =	swait.ge [sflag:s22], s20  }
0x9f: {  	s4 =	ssub.s32 $0x0, s20;
	[sflag:s22] =	ssyncset.done $0x0  }
0xa0: {  	[sflag:s22] =	ssyncadd.s32 s4;
	_ =	sdelay $0x1  }
0xa1: {  	s23 =	simm.s32 $0x1B8B  }
0xa2: {  	_ =	swait.ge [sflag:s23], $0x1  }
0xa3: {  	[sflag:s23] =	ssyncset.done $0x0  }
0xa4: {  	s25 =	simm.s32 $0x1B8E;
	s24 =	sld [smem:$0x3FFE];
	[sflag:s23] =	ssyncadd.s32 $0xFFFFFFFF  }
0xa5: {  	s26 =	simm.s32 $execute0_lowered;
	[smem:$0x3FD2] =	sst s25  }
0xa6: {  	s5 =	sshll.u32 s26, $0x1;
	_ =	strace $0x8000004C;
	[dreg:$0x1] =	wrdreg $0xFFFFFFFF  }
0xa7: {  	s28 =	simm.s32 $_size_execute0_lowered;
	s3 =	sadd.s32 s3, s5;
	[dreg:$0x0] =	wrdreg $0x0  }
0xa8: {  	s5 =	sshll.u32 s28, $0x1;
	[dreg:$0x2] =	wrdreg s3  }
0xa9: {  	[dreg:$0x3] =	wrdreg s5  }
0xaa: {  	[dreg:$0x4] =	wrdreg $0xC0  }
0xab: {  	_ =	task [dreg:s7], $0x5FFFF  }
0xac: {  	[dreg:$0x1] =	wrdreg $0xFFFFFFFF  }
0xad: {  	[dreg:$0x0] =	wrdreg $0x60  }
0xae: {  	[dreg:$0x2] =	wrdreg s24  }
0xaf: {  	[dreg:$0x3] =	wrdreg s2  }
0xb0: {  	[dreg:$0x4] =	wrdreg $0x0  }
0xb1: {  	[dreg:$0x5] =	wrdreg $0x9  }
0xb2: {  	_ =	task.clear_ibuf [dreg:s7], $0x6FFFF;
	_ =	strace $0x9000004C  }
0xb3: {  	s29 =	simm.s32 $0x9;
	_ =	strace $0x8000004E  }
0xb4: {  	_ =	swait.ge [sflag:s29], $0x1  }
0xb5: {  	[sflag:s29] =	ssyncadd.s32 $0xFFFFFFFF  }
0xb6: {  	_ =	strace $0x9000004E  }
0xb7: {  	_ =	sfence  }
0xb8: {  	s30 =	sld [smem:$0x0];
	_ =	sdelay $0x2  }
0xb9: {  	s31 =	sshll.u32 s1, $0xD;
	s1 =	sshrl.u32 s1, $0x2  }
0xba: {  	s3 =	sand.u32 $0x4000, s31;
	s1 =	sadd.s32 s1, s30  }
0xbb: {  	s0 =	sor.u32 s3, s0;
	s1 =	sshll.u32 s1, $0x11  }
0xbc: {  	s0 =	sor.u32 s1, s0  }
0xbd: {  	s0 =	sadd.s32 $0x8F2B, s0  }
0xbe: {  	[sflag:s0] =	ssyncadd.remote.s32 $0x1  }
0xbf: {  	_ =	sfence.sel $0xFFFF  }
0xc0: {  	[dreg:$0x0] =	wrdreg $0xFFFFFFFF;
	(pc) =	sbr.abs _section_cstart, $3  }
0xc1: {  	[dreg:$0x1] =	wrdreg $0xFFFFFFFF  }
0xc2: {  	_ =	task.clear_ibuf [dreg:s7], $0x2FFFF;
	_ =	strace $0x9FFFFFFF  }
0xc3: {  	(tm) =	ssettm $0x7FFFFFFF  }
tec
execute0_lowered:
.L_overlay_start_1:
0x0: {  	(tag) =	ssettag $0x1  }
0x1: {  	s0 =	srdreg.scid;
	s1 =	rddreg [dreg:$0x0]  }
0x2: {  	s11 =	stileid.u32;
	s3 =	rddreg [dreg:$0x1];
	s24 =	simm.s32 $0x0  }
0x3: {  	s12 =	simm.s32 $0x9;
	s13 =	simm.s32 $0x7530;
	s15 =	simm.s32 $0x80  }
0x4: {  	s16 =	simm.s32 $0xC530;
	s20 =	simm.s32 $0xF530;
	s29 =	simm.s32 $0x15530  }
0x5: {  	s31 =	simm.s32 $0x16D30;
	s14 =	simm.s32 $0x5;
	s17 =	simm.s32 $0x7  }
0x6: {  	s18 =	simm.s32 $0x8;
	s19 =	simm.s32 $0x0;
	s5 =	smul.u32 $0x7530, s11  }
0x7: {  	s0 =	sand.u32 $0x1, s0;
	[smem:$0x7FF] =	sst s24;
	s6 =	smul.u32 $0xEA6, s11  }
0x8: {  	s26 =	sshll.u32 s11, $0x6;
	s24 =	simm.s32 $0x12530;
	s2 =	sshll.u32 s0, $0x4  }
0x9: {  	s8 =	smul.u32 $0xEA60, s0;
	s0 =	ssub.s32 $0x2, s0;
	s4 =	sor.u32 s11, s2  }
0xa: {  	s2 =	rddreg [dreg:$0x2];
	_ =	strace $0x8000004D;
	s10 =	sshrl.u32 s5, $0x3  }
0xb: {  	s25 =	sshrl.u32 s0, $0x1;
	s7 =	smul.u32 $0x500, s4;
	s4 =	sadd.s32 $0x1800, s1  }
0xc: {  	s10 =	sadd.s32 s10, s1;
	s6 =	sadd.s32 s6, s8;
	s0 =	ssub.s32 s0, s25  }
.Ltmp0:
0xd: {  	s28 =	sadd.s32 s5, s2;
	s30 =	sadd.s32 $0x1F600, s10;
	(pc) =	sbr.rel .LBB2_1-.Ltmp0, $4  }
0xe: {  	s10 =	smax.u32 s0, $0x1;
	s11 =	sshrl.u32 s28, $0x3;
	s0 =	simm.s32 $0x3  }
0xf: {  	s9 =	sadd.s32 s7, s1;
	[dreg:$0x4] =	wrdreg s30;
	s3 =	sadd.s32 s3, s7  }
0x10: {  	s1 =	sadd.s32 s6, s1;
	s6 =	sor.u32 $0x1C09, s26;
	[dreg:$0x5] =	wrdreg s3  }
0x11: {  	s8 =	sadd.s32 $0x15600, s9;
	s9 =	sadd.s32 $0x2E200, s1;
	s1 =	simm.s32 $0x1  }
.LBB2_4:
0x12: {  	_ =	swait.ge [sflag:s18], $0x1800  }
0x13: {  	[sflag:s18] =	ssyncset.done $0x0  }
0x14: {  	[sflag:s18] =	ssyncadd.s32 $0xFFFFE800  }
0x15: {  	[spmem:s2] =	stream.indirect.scatter.add.f32 [tilespmem:s31], [sflag:$0x9], $0x30, s3, s15, $0xb8;
	[tilespmem:$0x18530] =	vst v63  }
0x16: {  	_ =	swait.ge [sflag:s12], $0x1800  }
0x17: {  	s19 =	sadd.s32 $0x1, s19;
	[sflag:s12] =	ssyncset.done $0x0  }
0x18: {  	p0 =	sne.s32 s19, s10;
	[sflag:s12] =	ssyncadd.s32 $0xFFFFE800  }
.Ltmp1:
0x19: {  	[bflag:$0x0] =	sbarrier.arrive $0xFFFF;
	(pc) =	sbr.rel @!p0 .LBB2_5-.Ltmp1, $4  }
0x1a: {  	[hbm:s9], [sflag:s6] =	dma.local [spmem:s11], $0xEA6  }
0x1b: {  	_ =	swait.ge [sflag:s12], $0xEA6  }
0x1c: {  	[sflag:s12] =	ssyncset.done $0x0  }
0x1d: {  	[sflag:s12] =	ssyncadd.s32 $0xFFFFF15A  }
.LBB2_1:
0x1e: {  	s3 =	rddreg [dreg:$0x4]  }
0x1f: {  	[spmem:s11], [sflag:s6] =	dma.local [hbm:s3], $0xEA6  }
0x20: {  	_ =	swait.ge [sflag:s12], $0xEA6  }
0x21: {  	[sflag:s12] =	ssyncset.done $0x0  }
0x22: {  	[sflag:s12] =	ssyncadd.s32 $0xFFFFF15A  }
0x23: {  	[bflag:$0x0] =	sbarrier.arrive $0xFFFF  }
0x24: {  	s25 =	simm.s32 $0x0;
	s5 =	rddreg [dreg:$0x5]  }
0x25: {  	[tilespmem:s13], [sflag:$0x9] =	stream.linear.gather [hbm4b:s5+s25], $0x2800, $0x38;
	[tilespmem:$0x18530] =	vst v63  }
0x26: {  	_ =	swait.ge [sflag:s12], $0x2800  }
0x27: {  	[sflag:s12] =	ssyncset.done $0x0  }
0x28: {  	s26 =	simm.s32 $0x9D30;
	[sflag:s12] =	ssyncadd.s32 $0xFFFFD800  }
0x29: {  	[tilespmem:s26], [sflag:$0x9] =	stream.linear.gather [hbm4b:s8+s25], $0x2800, $0x38;
	[tilespmem:$0x18530] =	vst v63  }
0x2a: {  	_ =	swait.ge [sflag:s12], $0x2800  }
0x2b: {  	[sflag:s12] =	ssyncset.done $0x0  }
0x2c: {  	[sflag:s12] =	ssyncadd.s32 $0xFFFFD800  }
0x2d: {  	[tilespmem:s16], [sflag:$0x1] =	stream.indirect.gather [hbm4b:s4+s15], $0x30, s13, s15, $0xb8;
	[tilespmem:$0x18530] =	vst v63  }
0x2e: {  	s28 =	simm.s32 $0x75B0;
	s30 =	simm.s32 $0xDD30  }
0x2f: {  	[tilespmem:s30], [sflag:$0x2] =	stream.indirect.gather [hbm4b:s4+s15], $0x30, s28, s15, $0xb8;
	[tilespmem:$0x18530] =	vst v63  }
0x30: {  	s7 =	simm.s32 $0x7630  }
0x31: {  	[tilespmem:s20], [sflag:$0x3] =	stream.indirect.gather [hbm4b:s4+s15], $0x30, s7, s15, $0xb8;
	[tilespmem:$0x18530] =	vst v63  }
0x32: {  	s21 =	simm.s32 $0x76B0;
	s22 =	simm.s32 $0x10D30  }
0x33: {  	[tilespmem:s22], [sflag:$0x4] =	stream.indirect.gather [hbm4b:s4+s15], $0x30, s21, s15, $0xb8;
	[tilespmem:$0x18530] =	vst v63  }
0x34: {  	s23 =	simm.s32 $0x7730  }
0x35: {  	[tilespmem:s24], [sflag:$0x5] =	stream.indirect.gather [hbm4b:s4+s15], $0x30, s23, s15, $0xb8;
	[tilespmem:$0x18530] =	vst v63  }
0x36: {  	s25 =	simm.s32 $0x77B0;
	s26 =	simm.s32 $0x13D30  }
0x37: {  	[tilespmem:s26], [sflag:$0x6] =	stream.indirect.gather [hbm4b:s4+s15], $0x30, s25, s15, $0xb8;
	[tilespmem:$0x18530] =	vst v63  }
0x38: {  	s28 =	simm.s32 $0x7830  }
0x39: {  	[tilespmem:s29], [sflag:$0x7] =	stream.indirect.gather [hbm4b:s4+s15], $0x30, s28, s15, $0xb8;
	[tilespmem:$0x18530] =	vst v63  }
0x3a: {  	s30 =	simm.s32 $0x78B0;
	s21 =	simm.s32 $0x0  }
0x3b: {  	[tilespmem:s31], [sflag:$0x8] =	stream.indirect.gather [hbm4b:s4+s15], $0x30, s30, s15, $0xb8;
	[tilespmem:$0x18530] =	vst v63  }
.LBB2_2:
0x3c: {  	_ =	swait.ge [sflag:s1], $0x1800  }
0x3d: {  	s22 =	sshra.s32 s21, $0x2;
	[sflag:s1] =	ssyncset.done $0x0  }
0x3e: {  	s3 =	sadd.s32 $0x9D30, s22;
	[sflag:s1] =	ssyncadd.s32 $0xFFFFE800  }
0x3f: {  	[spmem:s2] =	stream.indirect.scatter.add.f32 [tilespmem:s16], [sflag:$0x9], $0x30, s3, s15, $0xb8;
	[tilespmem:$0x18530] =	vst v63  }
0x40: {  	_ =	swait.ge [sflag:s12], $0x1800  }
0x41: {  	p0 =	seq.s32 s21, $0x9000;
	[sflag:s12] =	ssyncset.done $0x0  }
0x42: {  	s3 =	simm.s32 @p0 $0x2;
	[sflag:s12] =	ssyncadd.s32 $0xFFFFE800  }
0x43: {  	s26 =	sshra.s32 @p0 s21, $0x2;
	_ =	swait.ge @p0 [sflag:s3], $0x1800  }
0x44: {  	s28 =	simm.s32 @p0 $0x80;
	s23 =	simm.s32 @p0 $0xDD30;
	[sflag:s3] =	ssyncset.done @p0 $0x0  }
0x45: {  	s30 =	simm.s32 @p0 $0x9;
	[sflag:s3] =	ssyncadd.s32 @p0 $0xFFFFE800;
	s3 =	sadd.s32 @p0 $0x9DB0, s26  }
0x46: {  	[spmem:s2] =	stream.indirect.scatter.add.f32 @p0 [tilespmem:s23], [sflag:$0x9], $0x30, s3, s28, $0xb8;
	[tilespmem:$0x18530] =	vst v63  }
0x47: {  	_ =	swait.ge @p0 [sflag:s30], $0x1800  }
0x48: {  	s25 =	simm.s32 @!p0 $0x80;
	s23 =	sshra.s32 @!p0 s21, $0x2;
	[sflag:s30] =	ssyncset.done @p0 $0x0  }
0x49: {  	s5 =	simm.s32 @!p0 $0xC530;
	s3 =	sadd.s32 @!p0 $0x7930, s23;
	[sflag:s30] =	ssyncadd.s32 @p0 $0xFFFFE800  }
0x4a: {  	[tilespmem:s5], [sflag:$0x1] =	stream.indirect.gather @!p0 [hbm4b:s4+s25], $0x30, s3, s25, $0xb8;
	[tilespmem:$0x18530] =	vst v63  }
0x4b: {  	s3 =	simm.s32 @!p0 $0x2  }
0x4c: {  	_ =	swait.ge @!p0 [sflag:s3], $0x1800  }
0x4d: {  	[sflag:s3] =	ssyncset.done @!p0 $0x0  }
0x4e: {  	s5 =	simm.s32 @!p0 $0xDD30;
	[sflag:s3] =	ssyncadd.s32 @!p0 $0xFFFFE800;
	s3 =	sadd.s32 @!p0 $0x9DB0, s23  }
0x4f: {  	[spmem:s2] =	stream.indirect.scatter.add.f32 @!p0 [tilespmem:s5], [sflag:$0x9], $0x30, s3, s25, $0xb8;
	[tilespmem:$0x18530] =	vst v63  }
0x50: {  	s3 =	simm.s32 @!p0 $0x9  }
0x51: {  	_ =	swait.ge @!p0 [sflag:s3], $0x1800  }
0x52: {  	[sflag:s3] =	ssyncset.done @!p0 $0x0  }
0x53: {  	s7 =	sadd.s32 @!p0 $0x79B0, s23;
	[sflag:s3] =	ssyncadd.s32 @!p0 $0xFFFFE800  }
0x54: {  	[tilespmem:s5], [sflag:$0x2] =	stream.indirect.gather @!p0 [hbm4b:s4+s25], $0x30, s7, s25, $0xb8;
	[tilespmem:$0x18530] =	vst v63  }
0x55: {  	_ =	swait.ge [sflag:s0], $0x1800  }
0x56: {  	[sflag:s0] =	ssyncset.done $0x0  }
0x57: {  	s7 =	sadd.s32 $0x9E30, s22;
	[sflag:s0] =	ssyncadd.s32 $0xFFFFE800  }
0x58: {  	[spmem:s2] =	stream.indirect.scatter.add.f32 [tilespmem:s20], [sflag:$0x9], $0x30, s7, s15, $0xb8;
	[tilespmem:$0x18530] =	vst v63  }
0x59: {  	_ =	swait.ge [sflag:s12], $0x1800  }
0x5a: {  	[sflag:s12] =	ssyncset.done $0x0  }
0x5b: {  	s5 =	simm.s32 @p0 $0x4;
	[sflag:s12] =	ssyncadd.s32 $0xFFFFE800  }
0x5c: {  	_ =	swait.ge @p0 [sflag:s5], $0x1800  }
0x5d: {  	[sflag:s5] =	ssyncset.done @p0 $0x0  }
0x5e: {  	s7 =	simm.s32 @p0 $0x10D30;
	[sflag:s5] =	ssyncadd.s32 @p0 $0xFFFFE800;
	s5 =	sadd.s32 @p0 $0x9EB0, s26  }
0x5f: {  	[spmem:s2] =	stream.indirect.scatter.add.f32 @p0 [tilespmem:s7], [sflag:$0x9], $0x30, s5, s28, $0xb8;
	[tilespmem:$0x18530] =	vst v63  }
0x60: {  	_ =	swait.ge @p0 [sflag:s30], $0x1800  }
0x61: {  	[sflag:s30] =	ssyncset.done @p0 $0x0  }
0x62: {  	s5 =	sadd.s32 @!p0 $0x7A30, s23;
	s7 =	simm.s32 @!p0 $0xF530;
	[sflag:s30] =	ssyncadd.s32 @p0 $0xFFFFE800  }
0x63: {  	[tilespmem:s7], [sflag:$0x3] =	stream.indirect.gather @!p0 [hbm4b:s4+s25], $0x30, s5, s25, $0xb8;
	[tilespmem:$0x18530] =	vst v63  }
0x64: {  	s5 =	simm.s32 @!p0 $0x4  }
0x65: {  	_ =	swait.ge @!p0 [sflag:s5], $0x1800  }
0x66: {  	[sflag:s5] =	ssyncset.done @!p0 $0x0  }
0x67: {  	s7 =	simm.s32 @!p0 $0x10D30;
	[sflag:s5] =	ssyncadd.s32 @!p0 $0xFFFFE800;
	s5 =	sadd.s32 @!p0 $0x9EB0, s23  }
0x68: {  	[spmem:s2] =	stream.indirect.scatter.add.f32 @!p0 [tilespmem:s7], [sflag:$0x9], $0x30, s5, s25, $0xb8;
	[tilespmem:$0x18530] =	vst v63  }
0x69: {  	_ =	swait.ge @!p0 [sflag:s3], $0x1800  }
0x6a: {  	[sflag:s3] =	ssyncset.done @!p0 $0x0  }
0x6b: {  	s5 =	sadd.s32 @!p0 $0x7AB0, s23;
	[sflag:s3] =	ssyncadd.s32 @!p0 $0xFFFFE800  }
0x6c: {  	[tilespmem:s7], [sflag:$0x4] =	stream.indirect.gather @!p0 [hbm4b:s4+s25], $0x30, s5, s25, $0xb8;
	[tilespmem:$0x18530] =	vst v63  }
0x6d: {  	_ =	swait.ge [sflag:s14], $0x1800  }
0x6e: {  	[sflag:s14] =	ssyncset.done $0x0  }
0x6f: {  	s7 =	sadd.s32 $0x9F30, s22;
	[sflag:s14] =	ssyncadd.s32 $0xFFFFE800  }
0x70: {  	[spmem:s2] =	stream.indirect.scatter.add.f32 [tilespmem:s24], [sflag:$0x9], $0x30, s7, s15, $0xb8;
	[tilespmem:$0x18530] =	vst v63  }
0x71: {  	_ =	swait.ge [sflag:s12], $0x1800  }
0x72: {  	[sflag:s12] =	ssyncset.done $0x0  }
0x73: {  	s5 =	simm.s32 @p0 $0x6;
	[sflag:s12] =	ssyncadd.s32 $0xFFFFE800  }
0x74: {  	_ =	swait.ge @p0 [sflag:s5], $0x1800  }
0x75: {  	[sflag:s5] =	ssyncset.done @p0 $0x0  }
0x76: {  	s7 =	simm.s32 @p0 $0x13D30;
	[sflag:s5] =	ssyncadd.s32 @p0 $0xFFFFE800;
	s5 =	sadd.s32 @p0 $0x9FB0, s26  }
0x77: {  	[spmem:s2] =	stream.indirect.scatter.add.f32 @p0 [tilespmem:s7], [sflag:$0x9], $0x30, s5, s28, $0xb8;
	[tilespmem:$0x18530] =	vst v63  }
0x78: {  	_ =	swait.ge @p0 [sflag:s30], $0x1800  }
0x79: {  	[sflag:s30] =	ssyncset.done @p0 $0x0  }
0x7a: {  	s5 =	sadd.s32 @!p0 $0x7B30, s23;
	s7 =	simm.s32 @!p0 $0x12530;
	[sflag:s30] =	ssyncadd.s32 @p0 $0xFFFFE800  }
0x7b: {  	[tilespmem:s7], [sflag:$0x5] =	stream.indirect.gather @!p0 [hbm4b:s4+s25], $0x30, s5, s25, $0xb8;
	[tilespmem:$0x18530] =	vst v63  }
0x7c: {  	s5 =	simm.s32 @!p0 $0x6  }
0x7d: {  	_ =	swait.ge @!p0 [sflag:s5], $0x1800  }
0x7e: {  	[sflag:s5] =	ssyncset.done @!p0 $0x0  }
0x7f: {  	s7 =	simm.s32 @!p0 $0x13D30;
	[sflag:s5] =	ssyncadd.s32 @!p0 $0xFFFFE800;
	s5 =	sadd.s32 @!p0 $0x9FB0, s23  }
0x80: {  	[spmem:s2] =	stream.indirect.scatter.add.f32 @!p0 [tilespmem:s7], [sflag:$0x9], $0x30, s5, s25, $0xb8;
	[tilespmem:$0x18530] =	vst v63  }
0x81: {  	_ =	swait.ge @!p0 [sflag:s3], $0x1800  }
0x82: {  	[sflag:s3] =	ssyncset.done @!p0 $0x0  }
0x83: {  	[sflag:s3] =	ssyncadd.s32 @!p0 $0xFFFFE800;
	s3 =	sadd.s32 @!p0 $0x7BB0, s23  }
0x84: {  	[tilespmem:s7], [sflag:$0x6] =	stream.indirect.gather @!p0 [hbm4b:s4+s25], $0x30, s3, s25, $0xb8;
	[tilespmem:$0x18530] =	vst v63  }
0x85: {  	_ =	swait.ge [sflag:s17], $0x1800  }
0x86: {  	[sflag:s17] =	ssyncset.done $0x0  }
.Ltmp2:
0x87: {  	s30 =	sadd.s32 $0xA030, s22;
	[sflag:s17] =	ssyncadd.s32 $0xFFFFE800;
	(pc) =	sbr.rel @p0 .LBB2_4-.Ltmp2, $4  }
0x88: {  	[spmem:s2] =	stream.indirect.scatter.add.f32 [tilespmem:s29], [sflag:$0x9], $0x30, s30, s15, $0xb8;
	[tilespmem:$0x18530] =	vst v63  }
0x89: {  	_ =	swait.ge [sflag:s12], $0x1800  }
0x8a: {  	[sflag:s12] =	ssyncset.done $0x0  }
0x8b: {  	s3 =	sadd.s32 $0xA0B0, s22;
	[sflag:s12] =	ssyncadd.s32 $0xFFFFE800  }
0x8c: {  	s5 =	sadd.s32 $0x7C30, s22  }
0x8d: {  	[tilespmem:s29], [sflag:$0x7] =	stream.indirect.gather [hbm4b:s4+s15], $0x30, s5, s15, $0xb8;
	[tilespmem:$0x18530] =	vst v63  }
0x8e: {  	_ =	swait.ge [sflag:s18], $0x1800  }
0x8f: {  	[sflag:s18] =	ssyncset.done $0x0  }
0x90: {  	[sflag:s18] =	ssyncadd.s32 $0xFFFFE800  }
0x91: {  	[spmem:s2] =	stream.indirect.scatter.add.f32 [tilespmem:s31], [sflag:$0x9], $0x30, s3, s15, $0xb8;
	[tilespmem:$0x18530] =	vst v63  }
.Ltmp3:
0x92: {  	_ = 	snop;
	(pc) =	sbr.rel .LBB2_2-.Ltmp3, $4  }
0x93: {  	_ =	swait.ge [sflag:s12], $0x1800  }
0x94: {  	[sflag:s12] =	ssyncset.done $0x0  }
0x95: {  	s30 =	sadd.s32 $0x7CB0, s22;
	s21 =	sadd.s32 $0x1000, s21;
	[sflag:s12] =	ssyncadd.s32 $0xFFFFE800  }
0x96: {  	[tilespmem:s31], [sflag:$0x8] =	stream.indirect.gather [hbm4b:s4+s15], $0x30, s30, s15, $0xb8;
	[tilespmem:$0x18530] =	vst v63  }
.LBB2_5:
0x97: {  	_ =	sfence.sel $0x180000  }
0x98: {  	[bflag:$0x0] =	sbarrier.arrive $0xFFFF  }
0x99: {  	_ =	strace $0x9000004D  }
0x9a: {  	s0 =	stileid.u32;
	[bflag:$0x2] =	sbarrier.arrive $0xFFFF  }
0x9b: {  	p0 =	sne.s32 s0, $0x0;
	s0 =	rddreg [dreg:$0x3]  }
0x9c: {  	s0 =	sadd.s32 @!p0 $0x100000, s0  }
0x9d: {  	[sflag:s0] =	ssyncadd.tile.s32 @!p0 $0x1;
	_ =	shalt  }
.Lfunc_end2:
_tile_overlayer_lowered:
.L_overlay_start_2:
0x9e: {  	(tag) =	ssettag $0x2  }
0x9f: {  	s0 =	rddreg [dreg:$0x0];
	s2 =	stileid.u32  }
0xa0: {  	s1 =	rddreg [dreg:$0x1];
	p0 =	sne.s32 s2, $0x0  }
0xa1: {  	s3 =	rddreg [dreg:$0x2];
	[bflag:$0x3] =	sbarrier.arrive $0xFFFF;
	s2 =	simm.s32 @!p0 $0x1C09  }
0xa2: {  	[timem:s3], [sflag:s2] =	dma.local @!p0 [hbm:s0], s1  }
0xa3: {  	s0 =	simm.s32 @!p0 $0x9  }
0xa4: {  	_ =	swait.ge @!p0 [sflag:s0], s1  }
0xa5: {  	s1 =	ssub.s32 @!p0 $0x0, s1;
	[sflag:s0] =	ssyncset.done @!p0 $0x0  }
0xa6: {  	[sflag:s0] =	ssyncadd.s32 @!p0 s1  }
0xa7: {  	[bflag:$0x3] =	sbarrier.arrive $0xFFFF  }
0xa8: {  	_ =	shalt  }

// kernel: kernel.8.cloned.1.call-start
scs
__scs_entry_jumppad:
0x0: {  	(pc) =	sbr.rel $0x88, $3  }
0x1: {  	(tag) =	ssettag $0x0;
	lr =	simm.s32 $0x1  }
0x2: {  	[smem:$0x3F9A] =	sst lr;
	_ =	strace $0xD0000000  }
0x3: {  	_ = 	snop  }
0x4: {  	_ = 	snop  }
0x5: {  	_ = 	snop  }
0x6: {  	_ = 	snop  }
0x7: {  	_ = 	snop  }
__scs_overlays_trampoline_lowered:
0x8: {  	[smem:$0x3FA9] =	sst s0  }
0x9: {  	[smem:$0x3FAA] =	sst s1  }
0xa: {  	[smem:$0x3FAB] =	sst s2  }
0xb: {  	[smem:$0x3FAC] =	sst s3  }
0xc: {  	[smem:$0x3FAD] =	sst s4  }
0xd: {  	[smem:$0x3FAE] =	sst s5  }
0xe: {  	[smem:$0x3FAF] =	sst s6  }
0xf: {  	[smem:$0x3FB0] =	sst s7  }
0x10: {  	[smem:$0x3FB1] =	sst s8  }
0x11: {  	[smem:$0x3FB2] =	sst s9;
	s0 =	simm.s32 @!p0 $0x0  }
0x12: {  	s1 =	sld [smem:$0x3F98];
	s0 =	simm.s32 @p0 $0x1  }
0x13: {  	[smem:$0x3FB3] =	sst s0;
	s0 =	simm.s32 @!p1 $0x0  }
0x14: {  	s2 =	sld [smem:$0x3F97];
	s0 =	simm.s32 @p1 $0x1  }
0x15: {  	[smem:$0x3FB4] =	sst s0;
	s0 =	simm.s32 @!p2 $0x0  }
0x16: {  	s3 =	sld [smem:$0x3FDB];
	s0 =	simm.s32 @p2 $0x1  }
0x17: {  	s4 =	simm.s32 $0x1BF5;
	[smem:$0x3FB6] =	sst s0  }
0x18: {  	s0 =	sld [smem:$0x3F99];
	_ =	swait.ge [sflag:s4], $0x0  }
0x19: {  	s7 =	sld [smem:$0x3F9A]  }
0x1a: {  	s8 =	sadd.s32 $0xFFFFE003, lr  }
0x1b: {  	s9 =	sadd.s32 $0xFFFFFEF7, lr;
	s5 =	simm.s32 $0xFFFFFFFF;
	p2 =	slt.u32 s8, $0xFFFFF086  }
0x1c: {  	p1 =	slt.u32 s9, $0xF7A;
	s5 =	simm.s32 @!p2 $0x0  }
0x1d: {  	s5 =	simm.s32 @p1 $0x1;
	p0 =	seq.s32 s7, s2  }
0x1e: {  	s7 =	smul.u32 @!p0 $0xF7A, s2;
	p2 =	seq.s32 @!p0 s5, $0x0  }
0x1f: {  	s9 =	smul.u32 $0xF7A, s1;
	s8 =	simm.s32 @!p0 $0x1BF5;
	p2 =	por !p2, p0  }
0x20: {  	[sflag:s8] =	ssyncset.s32 @!p0 $0xFFFFF086;
	s6 =	sadd.s32 @!p0 s3, s7;
	s7 =	simm.s32 @!p0 $0x108  }
0x21: {  	s3 =	sadd.s32 s3, s9;
	s6 =	sadd.s32 @!p0 $0x88, s6;
	s7 =	simm.s32 @p2 $0x1082  }
0x22: {  	[simem:s7], [sflag:s8] =	dma.local @!p0 [hbm:s6], $0xF7A  }
0x23: {  	s9 =	sor.u32 $0xD0000000, s2;
	s6 =	simm.s32 $0x108;
	_ =	swait.ge @!p0 [sflag:s8], $0x0  }
0x24: {  	s3 =	sadd.s32 $0x88, s3;
	s6 =	simm.s32 @!p1 $0x1082;
	[sflag:s4] =	ssyncset.s32 $0xFFFFF086  }
0x25: {  	[simem:s6], [sflag:s4] =	dma.local [hbm:s3], $0xF7A  }
0x26: {  	[smem:$0x3F9A] =	sst s1;
	(tag) =	ssettag s2;
	_ =	strace s9  }
0x27: {  	s1 =	sld [smem:$0x3FAA]  }
0x28: {  	s2 =	sld [smem:$0x3FAB]  }
0x29: {  	s4 =	sld [smem:$0x3FAD]  }
0x2a: {  	p0 =	seq.s32 s5, $0x0;
	s5 =	sld [smem:$0x3FAE]  }
0x2b: {  	s6 =	sld [smem:$0x3FAF]  }
0x2c: {  	s7 =	sld [smem:$0x3FB0]  }
0x2d: {  	s3 =	simm.s32 $0x108;
	s8 =	sld [smem:$0x3FB1]  }
0x2e: {  	s3 =	simm.s32 @!p0 $0x1082;
	s9 =	sld [smem:$0x3FB2]  }
0x2f: {  	lr =	sadd.s32 s0, s3;
	s0 =	sld [smem:$0x3FA9]  }
0x30: {  	s3 =	sld [smem:$0x3FAC]  }
0x31: {  	[smem:$0x3FB5] =	sst s10  }
0x32: {  	s10 =	sld [smem:$0x3FB3];
	_ =	sdelay $0x3  }
0x33: {  	p0 =	seq.s32 s10, $0x1;
	s10 =	sld [smem:$0x3FB5];
	_ =	sdelay $0x3  }
0x34: {  	[smem:$0x3FB5] =	sst s10  }
0x35: {  	s10 =	sld [smem:$0x3FB4];
	_ =	sdelay $0x3  }
0x36: {  	p1 =	seq.s32 s10, $0x1;
	s10 =	sld [smem:$0x3FB5];
	_ =	sdelay $0x3  }
0x37: {  	[smem:$0x3FB5] =	sst s10  }
0x38: {  	s10 =	sld [smem:$0x3FB6]  }
0x39: {  	_ = 	snop;
	(pc) =	sbr.ind lr, $3  }
0x3a: {  	_ = 	snop  }
0x3b: {  	_ = 	snop  }
0x3c: {  	p2 =	seq.s32 s10, $0x1;
	s10 =	sld [smem:$0x3FB5]  }
0x3d: {  	_ =	shalt  }
0x3e: {  	_ =	shalt  }
0x3f: {  	_ =	shalt  }
0x40: {  	_ =	shalt  }
0x41: {  	_ =	shalt  }
0x42: {  	_ =	shalt  }
0x43: {  	_ =	shalt  }
0x44: {  	_ =	shalt  }
0x45: {  	_ =	shalt  }
0x46: {  	_ =	shalt  }
0x47: {  	_ =	shalt  }
0x48: {  	_ =	shalt  }
0x49: {  	_ =	shalt  }
0x4a: {  	_ =	shalt  }
0x4b: {  	_ =	shalt  }
0x4c: {  	_ =	shalt  }
0x4d: {  	_ =	shalt  }
0x4e: {  	_ =	shalt  }
0x4f: {  	_ =	shalt  }
0x50: {  	_ =	shalt  }
0x51: {  	_ =	shalt  }
0x52: {  	_ =	shalt  }
0x53: {  	_ =	shalt  }
0x54: {  	_ =	shalt  }
0x55: {  	_ =	shalt  }
0x56: {  	_ =	shalt  }
0x57: {  	_ =	shalt  }
0x58: {  	_ =	shalt  }
0x59: {  	_ =	shalt  }
0x5a: {  	_ =	shalt  }
0x5b: {  	_ =	shalt  }
0x5c: {  	_ =	shalt  }
0x5d: {  	_ =	shalt  }
0x5e: {  	_ =	shalt  }
0x5f: {  	_ =	shalt  }
0x60: {  	_ =	shalt  }
0x61: {  	_ =	shalt  }
0x62: {  	_ =	shalt  }
0x63: {  	_ =	shalt  }
0x64: {  	_ =	shalt  }
0x65: {  	_ =	shalt  }
0x66: {  	_ =	shalt  }
0x67: {  	_ =	shalt  }
0x68: {  	_ =	shalt  }
0x69: {  	_ =	shalt  }
0x6a: {  	_ =	shalt  }
0x6b: {  	_ =	shalt  }
0x6c: {  	_ =	shalt  }
0x6d: {  	_ =	shalt  }
0x6e: {  	_ =	shalt  }
0x6f: {  	_ =	shalt  }
0x70: {  	_ =	shalt  }
0x71: {  	_ =	shalt  }
0x72: {  	_ =	shalt  }
0x73: {  	_ =	shalt  }
0x74: {  	_ =	shalt  }
0x75: {  	_ =	shalt  }
0x76: {  	_ =	shalt  }
0x77: {  	_ =	shalt  }
0x78: {  	_ =	shalt  }
0x79: {  	_ =	shalt  }
0x7a: {  	_ =	shalt  }
0x7b: {  	_ =	shalt  }
0x7c: {  	_ =	shalt  }
0x7d: {  	_ =	shalt  }
0x7e: {  	_ =	shalt  }
0x7f: {  	_ =	shalt  }
0x80: {  	_ =	shalt  }
0x81: {  	_ =	shalt  }
0x82: {  	_ =	shalt  }
0x83: {  	_ =	shalt  }
0x84: {  	_ =	shalt  }
0x85: {  	_ =	shalt  }
0x86: {  	_ =	shalt  }
0x87: {  	_ =	shalt  }
.Lfunc_end0:
.L_simem_size_0:
called_computation_lowered:
.L_overlay_start_0:
0x88: {  	s2 =	sld [smem:$0x3FD9]  }
0x89: {  	s3 =	sld [smem:$0x3FFE];
	_ =	sdelay $0x1  }
0x8a: {  	s1 =	srdreg.scid  }
0x8b: {  	s0 =	sand.u32 $0x1, s1  }
0x8c: {  	s17 =	sshll.u32 s0, $0xA;
	s2 =	sadd.s32 s3, s2  }
0x8d: {  	s2 =	sadd.s32 s2, s17  }
0x8e: {  	[smem:$0x3FC1] =	sst s2  }
0x8f: {  	_ = 	snop  }
0x90: {  	s18 =	sld [smem:$0x3FD0];
	(tm) =	ssettm $0x1  }
0x91: {  	s19 =	sld [smem:$0x3FFB];
	_ =	sdelay $0x3  }
0x92: {  	_ =	strace s19  }
0x93: {  	s2 =	sld [smem:$0x3FFC];
	_ =	sdelay $0x3  }
0x94: {  	_ =	strace s2  }
0x95: {  	s2 =	sld [smem:$0x3FFD];
	_ =	sdelay $0x3  }
0x96: {  	_ =	strace s2  }
0x97: {  	_ =	strace $0x8FFFFFFF  }
0x98: {  	s20 =	sld [smem:$0x3FDB];
	_ =	sdelay $0x1  }
0x99: {  	s4 =	simm.s32 $_scs_section_size  }
0x9a: {  	s5 =	simm.s32 $_size__tile_overlayer_lowered;
	s6 =	simm.s32 $_tile_overlayer_lowered  }
0x9b: {  	s7 =	simm.s32 $0x1BFF;
	s21 =	sshll.u32 s6, $0x1;
	s4 =	sadd.s32 s4, s20  }
0x9c: {  	s22 =	simm.s32 $0x0;
	s5 =	sshll.u32 s5, $0x1;
	s6 =	sadd.s32 s21, s4  }
0x9d: {  	[timem:s22], [sflag:s7] =	dma.local [hbm:s6], s5  }
0x9e: {  	_ =	swait.ge [sflag:s7], s5  }
0x9f: {  	s5 =	ssub.s32 $0x0, s5;
	[sflag:s7] =	ssyncset.done $0x0  }
0xa0: {  	[sflag:s7] =	ssyncadd.s32 s5;
	_ =	sdelay $0x1  }
0xa1: {  	s23 =	simm.s32 $0x1B8B  }
0xa2: {  	_ =	swait.ge [sflag:s23], $0x1  }
0xa3: {  	[sflag:s23] =	ssyncset.done $0x0  }
0xa4: {  	[sflag:s23] =	ssyncadd.s32 $0xFFFFFFFF  }
0xa5: {  	s5 =	sld [smem:$0x0]  }
0xa6: {  	s6 =	sand.u32 $0xFFFFFFFE, s1  }
0xa7: {  	p0 =	sne.s32 s1, s6  }
0xa8: {  	s6 =	sshll.u32 @p0 s6, $0xE  }
0xa9: {  	s6 =	sadd.s32 @p0 $0x11B8D, s6;
	s7 =	sshll.u32 @p0 s5, $0x11  }
0xaa: {  	s6 =	sor.u32 @p0 s7, s6  }
0xab: {  	[sflag:s6] =	ssyncadd.remote.s32 @p0 $0x1;
	_ =	sdelay $0x1  }
0xac: {  	s6 =	simm.s32 @p0 $0x1B8D  }
0xad: {  	_ =	swait.eq @p0 [sflag:s6], $0x1  }
0xae: {  	[sflag:s6] =	ssyncadd.s32 @p0 $0xFFFFFFFF  }
0xaf: {  	s7 =	sshll.u32 @!p0 s1, $0xE  }
0xb0: {  	s7 =	sor.u32 @!p0 $0x4000, s7;
	s6 =	simm.s32 @!p0 $0x1B8D  }
0xb1: {  	s5 =	sshll.u32 @!p0 s5, $0x11;
	s7 =	sadd.s32 @!p0 $0x11B8D, s7;
	_ =	swait.eq @!p0 [sflag:s6], $0x1  }
0xb2: {  	s5 =	sor.u32 @!p0 s5, s7;
	[sflag:s6] =	ssyncadd.s32 @!p0 $0xFFFFFFFF  }
0xb3: {  	s25 =	simm.s32 $0x1B8E;
	s24 =	sld [smem:$0x3FFE];
	[sflag:s5] =	ssyncadd.remote.s32 @!p0 $0x1  }
0xb4: {  	s26 =	simm.s32 $execute0_lowered;
	[smem:$0x3FD2] =	sst s25  }
0xb5: {  	s6 =	sshll.u32 s26, $0x1;
	_ =	strace $0x80000049;
	[dreg:$0x1] =	wrdreg $0xFFFFFFFF  }
0xb6: {  	s28 =	simm.s32 $_size_execute0_lowered;
	s4 =	sadd.s32 s4, s6;
	[dreg:$0x0] =	wrdreg $0x0  }
0xb7: {  	s6 =	sshll.u32 s28, $0x1;
	[dreg:$0x2] =	wrdreg s4  }
0xb8: {  	[dreg:$0x3] =	wrdreg s6  }
0xb9: {  	[dreg:$0x4] =	wrdreg $0xC0  }
0xba: {  	_ =	task [dreg:s22], $0x5FFFF  }
0xbb: {  	[dreg:$0x1] =	wrdreg $0xFFFFFFFF  }
0xbc: {  	[dreg:$0x0] =	wrdreg $0x60  }
0xbd: {  	[dreg:$0x2] =	wrdreg s24  }
0xbe: {  	[dreg:$0x3] =	wrdreg s18  }
0xbf: {  	[dreg:$0x4] =	wrdreg $0x0  }
0xc0: {  	[dreg:$0x5] =	wrdreg $0x9  }
0xc1: {  	_ =	task.clear_ibuf [dreg:s22], $0x6FFFF;
	_ =	strace $0x90000049  }
0xc2: {  	s29 =	simm.s32 $0x9;
	_ =	strace $0x8000004B  }
0xc3: {  	_ =	swait.ge [sflag:s29], $0x1  }
0xc4: {  	[sflag:s29] =	ssyncadd.s32 $0xFFFFFFFF  }
0xc5: {  	_ =	strace $0x9000004B  }
0xc6: {  	_ =	sfence  }
0xc7: {  	s30 =	sld [smem:$0x0];
	_ =	sdelay $0x2  }
0xc8: {  	s31 =	sshll.u32 s1, $0xD;
	s1 =	sshrl.u32 s1, $0x2  }
0xc9: {  	s4 =	sand.u32 $0x4000, s31;
	s1 =	sadd.s32 s1, s30  }
0xca: {  	s0 =	sor.u32 s4, s0;
	s1 =	sshll.u32 s1, $0x11  }
0xcb: {  	s0 =	sor.u32 s1, s0  }
0xcc: {  	s0 =	sadd.s32 $0x8F2B, s0  }
0xcd: {  	[sflag:s0] =	ssyncadd.remote.s32 $0x1  }
0xce: {  	_ =	sfence.sel $0xFFFF  }
0xcf: {  	[dreg:$0x0] =	wrdreg $0xFFFFFFFF;
	(pc) =	sbr.abs _section_cstart, $3  }
0xd0: {  	[dreg:$0x1] =	wrdreg $0xFFFFFFFF  }
0xd1: {  	_ =	task.clear_ibuf [dreg:s22], $0x2FFFF;
	_ =	strace $0x9FFFFFFF  }
0xd2: {  	(tm) =	ssettm $0x7FFFFFFF  }
0xd3: {  	_ =	shalt  }
tec
execute0_lowered:
.L_overlay_start_1:
0x0: {  	(tag) =	ssettag $0x1  }
0x1: {  	s0 =	srdreg.scid  }
0x2: {  	s1 =	rddreg [dreg:$0x0];
	s13 =	stileid.u32  }
0x3: {  	s7 =	rddreg [dreg:$0x1];
	s15 =	simm.s32 $0x80;
	s16 =	simm.s32 $0x11350  }
0x4: {  	s18 =	simm.s32 $0x13B50;
	s20 =	simm.s32 $0x16350;
	s22 =	simm.s32 $0x18B50  }
0x5: {  	s24 =	simm.s32 $0x1B350;
	s25 =	simm.s32 $0x1;
	s28 =	simm.s32 $0x3  }
0x6: {  	s29 =	simm.s32 $0x4;
	s30 =	simm.s32 $0x5;
	s14 =	simm.s32 $0x11250  }
0x7: {  	s17 =	simm.s32 $0x112D0;
	s19 =	simm.s32 $0x0;
	s5 =	smul.u32 $0xC350, s13  }
0x8: {  	s0 =	sand.u32 $0x1, s0;
	s6 =	smul.u32 $0x186A, s13;
	s4 =	sadd.s32 $0x5A200, s1  }
0x9: {  	s31 =	sshll.u32 s13, $0x6;
	s2 =	sshll.u32 s0, $0x4;
	s9 =	smul.u32 $0x186A0, s0  }
0xa: {  	s0 =	ssub.s32 $0x2, s0;
	s3 =	sor.u32 s13, s2;
	s2 =	rddreg [dreg:$0x2]  }
0xb: {  	s11 =	sshrl.u32 s5, $0x3;
	s26 =	sshrl.u32 s0, $0x1;
	s13 =	simm.s32 $0xC350  }
0xc: {  	s8 =	smul.u32 $0x500, s3;
	s3 =	simm.s32 $0x0;
	s6 =	sadd.s32 s6, s9  }
0xd: {  	s11 =	sadd.s32 s11, s1;
	s0 =	ssub.s32 s0, s26;
	s12 =	sadd.s32 s5, s2  }
0xe: {  	s26 =	simm.s32 $0x2;
	[smem:$0x7FF] =	sst s3;
	s5 =	sadd.s32 $0x72E00, s11  }
0xf: {  	s11 =	sshrl.u32 s12, $0x3;
	s12 =	simm.s32 $0x6;
	_ =	strace $0x8000004A  }
0x10: {  	s10 =	sadd.s32 s8, s1;
	s1 =	sadd.s32 s6, s1;
	s6 =	sor.u32 $0x1C06, s31  }
0x11: {  	s7 =	sadd.s32 s7, s8;
	s8 =	sadd.s32 $0x15600, s10;
	s9 =	sadd.s32 $0x8B600, s1  }
0x12: {  	s10 =	smax.u32 s0, $0x1;
	s1 =	simm.s32 $0x11150;
	s0 =	simm.s32 $0x111D0  }
.LBB2_1:
0x13: {  	[spmem:s11], [sflag:s6] =	dma.local [hbm:s5], $0x186A  }
0x14: {  	_ =	swait.ge [sflag:s12], $0x186A  }
0x15: {  	[sflag:s12] =	ssyncset.done $0x0  }
0x16: {  	[sflag:s12] =	ssyncadd.s32 $0xFFFFE796  }
0x17: {  	[bflag:$0x0] =	sbarrier.arrive $0xFFFF  }
0x18: {  	[tilespmem:s13], [sflag:$0x6] =	stream.linear.gather [hbm4b:s7+s3], $0x2800, $0x38;
	[tilespmem:$0x1DB50] =	vst v63  }
0x19: {  	_ =	swait.ge [sflag:s12], $0x2800  }
0x1a: {  	[sflag:s12] =	ssyncset.done $0x0  }
0x1b: {  	s21 =	simm.s32 $0xEB50;
	[sflag:s12] =	ssyncadd.s32 $0xFFFFD800  }
0x1c: {  	[tilespmem:s21], [sflag:$0x6] =	stream.linear.gather [hbm4b:s8+s3], $0x2800, $0x38;
	[tilespmem:$0x1DB50] =	vst v63  }
0x1d: {  	_ =	swait.ge [sflag:s12], $0x2800  }
0x1e: {  	[sflag:s12] =	ssyncset.done $0x0  }
0x1f: {  	[sflag:s12] =	ssyncadd.s32 $0xFFFFD800  }
0x20: {  	[tilespmem:s16], [sflag:$0x1] =	stream.indirect.gather [hbm4b:s4+s15], $0x50, s13, s15, $0xb8;
	[tilespmem:$0x1DB50] =	vst v63  }
0x21: {  	s31 =	simm.s32 $0xC3D0  }
0x22: {  	[tilespmem:s18], [sflag:$0x2] =	stream.indirect.gather [hbm4b:s4+s15], $0x50, s31, s15, $0xb8;
	[tilespmem:$0x1DB50] =	vst v63  }
0x23: {  	s23 =	simm.s32 $0xC450  }
0x24: {  	[tilespmem:s20], [sflag:$0x3] =	stream.indirect.gather [hbm4b:s4+s15], $0x50, s23, s15, $0xb8;
	[tilespmem:$0x1DB50] =	vst v63  }
0x25: {  	s31 =	simm.s32 $0xC4D0  }
0x26: {  	[tilespmem:s22], [sflag:$0x4] =	stream.indirect.gather [hbm4b:s4+s15], $0x50, s31, s15, $0xb8;
	[tilespmem:$0x1DB50] =	vst v63  }
0x27: {  	s23 =	simm.s32 $0xC550  }
0x28: {  	[tilespmem:s24], [sflag:$0x5] =	stream.indirect.gather [hbm4b:s4+s15], $0x50, s23, s15, $0xb8;
	[tilespmem:$0x1DB50] =	vst v63  }
0x29: {  	_ =	swait.ge [sflag:s25], $0x2800  }
0x2a: {  	[sflag:s25] =	ssyncset.done $0x0  }
0x2b: {  	s31 =	simm.s32 $0xEB50;
	[sflag:s25] =	ssyncadd.s32 $0xFFFFD800  }
0x2c: {  	[spmem:s2] =	stream.indirect.scatter.add.f32 [tilespmem:s16], [sflag:$0x6], $0x50, s31, s15, $0xb8;
	[tilespmem:$0x1DB50] =	vst v63  }
0x2d: {  	_ =	swait.ge [sflag:s12], $0x2800  }
0x2e: {  	[sflag:s12] =	ssyncset.done $0x0  }
0x2f: {  	s23 =	simm.s32 $0xC5D0;
	[sflag:s12] =	ssyncadd.s32 $0xFFFFD800  }
0x30: {  	[tilespmem:s16], [sflag:$0x1] =	stream.indirect.gather [hbm4b:s4+s15], $0x50, s23, s15, $0xb8;
	[tilespmem:$0x1DB50] =	vst v63  }
0x31: {  	_ =	swait.ge [sflag:s26], $0x2800  }
0x32: {  	[sflag:s26] =	ssyncset.done $0x0  }
0x33: {  	s31 =	simm.s32 $0xEBD0;
	[sflag:s26] =	ssyncadd.s32 $0xFFFFD800  }
0x34: {  	[spmem:s2] =	stream.indirect.scatter.add.f32 [tilespmem:s18], [sflag:$0x6], $0x50, s31, s15, $0xb8;
	[tilespmem:$0x1DB50] =	vst v63  }
0x35: {  	_ =	swait.ge [sflag:s12], $0x2800  }
0x36: {  	[sflag:s12] =	ssyncset.done $0x0  }
0x37: {  	s23 =	simm.s32 $0xC650;
	[sflag:s12] =	ssyncadd.s32 $0xFFFFD800  }
0x38: {  	[tilespmem:s18], [sflag:$0x2] =	stream.indirect.gather [hbm4b:s4+s15], $0x50, s23, s15, $0xb8;
	[tilespmem:$0x1DB50] =	vst v63  }
0x39: {  	_ =	swait.ge [sflag:s28], $0x2800  }
0x3a: {  	[sflag:s28] =	ssyncset.done $0x0  }
0x3b: {  	s31 =	simm.s32 $0xEC50;
	[sflag:s28] =	ssyncadd.s32 $0xFFFFD800  }
0x3c: {  	[spmem:s2] =	stream.indirect.scatter.add.f32 [tilespmem:s20], [sflag:$0x6], $0x50, s31, s15, $0xb8;
	[tilespmem:$0x1DB50] =	vst v63  }
0x3d: {  	_ =	swait.ge [sflag:s12], $0x2800  }
0x3e: {  	[sflag:s12] =	ssyncset.done $0x0  }
0x3f: {  	s23 =	simm.s32 $0xC6D0;
	[sflag:s12] =	ssyncadd.s32 $0xFFFFD800  }
0x40: {  	[tilespmem:s20], [sflag:$0x3] =	stream.indirect.gather [hbm4b:s4+s15], $0x50, s23, s15, $0xb8;
	[tilespmem:$0x1DB50] =	vst v63  }
0x41: {  	_ =	swait.ge [sflag:s29], $0x2800  }
0x42: {  	[sflag:s29] =	ssyncset.done $0x0  }
0x43: {  	s31 =	simm.s32 $0xECD0;
	[sflag:s29] =	ssyncadd.s32 $0xFFFFD800  }
0x44: {  	[spmem:s2] =	stream.indirect.scatter.add.f32 [tilespmem:s22], [sflag:$0x6], $0x50, s31, s15, $0xb8;
	[tilespmem:$0x1DB50] =	vst v63  }
0x45: {  	_ =	swait.ge [sflag:s12], $0x2800  }
0x46: {  	[sflag:s12] =	ssyncset.done $0x0  }
0x47: {  	s23 =	simm.s32 $0xC750;
	[sflag:s12] =	ssyncadd.s32 $0xFFFFD800  }
0x48: {  	[tilespmem:s22], [sflag:$0x4] =	stream.indirect.gather [hbm4b:s4+s15], $0x50, s23, s15, $0xb8;
	[tilespmem:$0x1DB50] =	vst v63  }
0x49: {  	_ =	swait.ge [sflag:s30], $0x2800  }
0x4a: {  	[sflag:s30] =	ssyncset.done $0x0  }
0x4b: {  	s31 =	simm.s32 $0xED50;
	[sflag:s30] =	ssyncadd.s32 $0xFFFFD800  }
0x4c: {  	[spmem:s2] =	stream.indirect.scatter.add.f32 [tilespmem:s24], [sflag:$0x6], $0x50, s31, s15, $0xb8;
	[tilespmem:$0x1DB50] =	vst v63  }
0x4d: {  	_ =	swait.ge [sflag:s12], $0x2800  }
0x4e: {  	[sflag:s12] =	ssyncset.done $0x0  }
0x4f: {  	s21 =	simm.s32 $0xA00;
	s23 =	simm.s32 $0xC7D0;
	[sflag:s12] =	ssyncadd.s32 $0xFFFFD800  }
.LBB2_2:
0x50: {  	[tilespmem:s24], [sflag:$0x5] =	stream.indirect.gather [hbm4b:s4+s15], $0x50, s23, s15, $0xb8;
	[tilespmem:$0x1DB50] =	vst v63  }
0x51: {  	s23 =	smov.u32 s21  }
0x52: {  	p0 =	sne.s32 s21, $0x8C00;
	s21 =	sadd.s32 $0xA00, s21;
	_ =	swait.ge [sflag:s25], $0x2800  }
0x53: {  	s23 =	sshra.s32 s23, $0x2;
	[sflag:s25] =	ssyncset.done $0x0  }
0x54: {  	s31 =	sadd.s32 $0xEB50, s23;
	[sflag:s25] =	ssyncadd.s32 $0xFFFFD800  }
0x55: {  	[spmem:s2] =	stream.indirect.scatter.add.f32 [tilespmem:s16], [sflag:$0x6], $0x50, s31, s15, $0xb8;
	[tilespmem:$0x1DB50] =	vst v63  }
0x56: {  	_ =	swait.ge [sflag:s12], $0x2800  }
0x57: {  	[sflag:s12] =	ssyncset.done $0x0  }
0x58: {  	s31 =	sadd.s32 $0xC5D0, s23;
	[sflag:s12] =	ssyncadd.s32 $0xFFFFD800  }
0x59: {  	[tilespmem:s16], [sflag:$0x1] =	stream.indirect.gather [hbm4b:s4+s15], $0x50, s31, s15, $0xb8;
	[tilespmem:$0x1DB50] =	vst v63  }
0x5a: {  	_ =	swait.ge [sflag:s26], $0x2800  }
0x5b: {  	[sflag:s26] =	ssyncset.done $0x0  }
0x5c: {  	s31 =	sadd.s32 $0xEBD0, s23;
	[sflag:s26] =	ssyncadd.s32 $0xFFFFD800  }
0x5d: {  	[spmem:s2] =	stream.indirect.scatter.add.f32 [tilespmem:s18], [sflag:$0x6], $0x50, s31, s15, $0xb8;
	[tilespmem:$0x1DB50] =	vst v63  }
0x5e: {  	_ =	swait.ge [sflag:s12], $0x2800  }
0x5f: {  	[sflag:s12] =	ssyncset.done $0x0  }
0x60: {  	s31 =	sadd.s32 $0xC650, s23;
	[sflag:s12] =	ssyncadd.s32 $0xFFFFD800  }
0x61: {  	[tilespmem:s18], [sflag:$0x2] =	stream.indirect.gather [hbm4b:s4+s15], $0x50, s31, s15, $0xb8;
	[tilespmem:$0x1DB50] =	vst v63  }
0x62: {  	_ =	swait.ge [sflag:s28], $0x2800  }
0x63: {  	[sflag:s28] =	ssyncset.done $0x0  }
0x64: {  	s31 =	sadd.s32 $0xEC50, s23;
	[sflag:s28] =	ssyncadd.s32 $0xFFFFD800  }
0x65: {  	[spmem:s2] =	stream.indirect.scatter.add.f32 [tilespmem:s20], [sflag:$0x6], $0x50, s31, s15, $0xb8;
	[tilespmem:$0x1DB50] =	vst v63  }
0x66: {  	_ =	swait.ge [sflag:s12], $0x2800  }
0x67: {  	[sflag:s12] =	ssyncset.done $0x0  }
0x68: {  	s31 =	sadd.s32 $0xC6D0, s23;
	[sflag:s12] =	ssyncadd.s32 $0xFFFFD800  }
0x69: {  	[tilespmem:s20], [sflag:$0x3] =	stream.indirect.gather [hbm4b:s4+s15], $0x50, s31, s15, $0xb8;
	[tilespmem:$0x1DB50] =	vst v63  }
0x6a: {  	_ =	swait.ge [sflag:s29], $0x2800  }
0x6b: {  	[sflag:s29] =	ssyncset.done $0x0  }
0x6c: {  	s31 =	sadd.s32 $0xECD0, s23;
	[sflag:s29] =	ssyncadd.s32 $0xFFFFD800  }
0x6d: {  	[spmem:s2] =	stream.indirect.scatter.add.f32 [tilespmem:s22], [sflag:$0x6], $0x50, s31, s15, $0xb8;
	[tilespmem:$0x1DB50] =	vst v63  }
0x6e: {  	_ =	swait.ge [sflag:s12], $0x2800  }
0x6f: {  	[sflag:s12] =	ssyncset.done $0x0  }
0x70: {  	s31 =	sadd.s32 $0xC750, s23;
	[sflag:s12] =	ssyncadd.s32 $0xFFFFD800  }
0x71: {  	[tilespmem:s22], [sflag:$0x4] =	stream.indirect.gather [hbm4b:s4+s15], $0x50, s31, s15, $0xb8;
	[tilespmem:$0x1DB50] =	vst v63  }
0x72: {  	_ =	swait.ge [sflag:s30], $0x2800  }
0x73: {  	[sflag:s30] =	ssyncset.done $0x0  }
.Ltmp0:
0x74: {  	s31 =	sadd.s32 $0xED50, s23;
	[sflag:s30] =	ssyncadd.s32 $0xFFFFD800;
	(pc) =	sbr.rel @p0 .LBB2_2-.Ltmp0, $4  }
0x75: {  	[spmem:s2] =	stream.indirect.scatter.add.f32 [tilespmem:s24], [sflag:$0x6], $0x50, s31, s15, $0xb8;
	[tilespmem:$0x1DB50] =	vst v63  }
0x76: {  	_ =	swait.ge [sflag:s12], $0x2800  }
0x77: {  	[sflag:s12] =	ssyncset.done $0x0  }
0x78: {  	s23 =	sadd.s32 $0xC7D0, s23;
	[sflag:s12] =	ssyncadd.s32 $0xFFFFD800  }
0x79: {  	[tilespmem:s24], [sflag:$0x5] =	stream.indirect.gather [hbm4b:s4+s15], $0x50, s23, s15, $0xb8;
	[tilespmem:$0x1DB50] =	vst v63  }
0x7a: {  	_ =	swait.ge [sflag:s25], $0x2800  }
0x7b: {  	[sflag:s25] =	ssyncset.done $0x0  }
0x7c: {  	s21 =	simm.s32 $0x110D0;
	[sflag:s25] =	ssyncadd.s32 $0xFFFFD800  }
0x7d: {  	[spmem:s2] =	stream.indirect.scatter.add.f32 [tilespmem:s16], [sflag:$0x6], $0x50, s21, s15, $0xb8;
	[tilespmem:$0x1DB50] =	vst v63  }
0x7e: {  	_ =	swait.ge [sflag:s12], $0x2800  }
0x7f: {  	[sflag:s12] =	ssyncset.done $0x0  }
0x80: {  	[sflag:s12] =	ssyncadd.s32 $0xFFFFD800  }
0x81: {  	_ =	swait.ge [sflag:s26], $0x2800  }
0x82: {  	[sflag:s26] =	ssyncset.done $0x0  }
0x83: {  	[sflag:s26] =	ssyncadd.s32 $0xFFFFD800  }
0x84: {  	[spmem:s2] =	stream.indirect.scatter.add.f32 [tilespmem:s18], [sflag:$0x6], $0x50, s1, s15, $0xb8;
	[tilespmem:$0x1DB50] =	vst v63  }
0x85: {  	_ =	swait.ge [sflag:s12], $0x2800  }
0x86: {  	[sflag:s12] =	ssyncset.done $0x0  }
0x87: {  	[sflag:s12] =	ssyncadd.s32 $0xFFFFD800  }
0x88: {  	_ =	swait.ge [sflag:s28], $0x2800  }
0x89: {  	[sflag:s28] =	ssyncset.done $0x0  }
0x8a: {  	[sflag:s28] =	ssyncadd.s32 $0xFFFFD800  }
0x8b: {  	[spmem:s2] =	stream.indirect.scatter.add.f32 [tilespmem:s20], [sflag:$0x6], $0x50, s0, s15, $0xb8;
	[tilespmem:$0x1DB50] =	vst v63  }
0x8c: {  	_ =	swait.ge [sflag:s12], $0x2800  }
0x8d: {  	[sflag:s12] =	ssyncset.done $0x0  }
0x8e: {  	[sflag:s12] =	ssyncadd.s32 $0xFFFFD800  }
0x8f: {  	_ =	swait.ge [sflag:s29], $0x2800  }
0x90: {  	[sflag:s29] =	ssyncset.done $0x0  }
0x91: {  	[sflag:s29] =	ssyncadd.s32 $0xFFFFD800  }
0x92: {  	[spmem:s2] =	stream.indirect.scatter.add.f32 [tilespmem:s22], [sflag:$0x6], $0x50, s14, s15, $0xb8;
	[tilespmem:$0x1DB50] =	vst v63  }
0x93: {  	_ =	swait.ge [sflag:s12], $0x2800  }
0x94: {  	[sflag:s12] =	ssyncset.done $0x0  }
0x95: {  	[sflag:s12] =	ssyncadd.s32 $0xFFFFD800  }
0x96: {  	_ =	swait.ge [sflag:s30], $0x2800  }
0x97: {  	[sflag:s30] =	ssyncset.done $0x0  }
0x98: {  	[sflag:s30] =	ssyncadd.s32 $0xFFFFD800  }
0x99: {  	[spmem:s2] =	stream.indirect.scatter.add.f32 [tilespmem:s24], [sflag:$0x6], $0x50, s17, s15, $0xb8;
	[tilespmem:$0x1DB50] =	vst v63  }
0x9a: {  	_ =	swait.ge [sflag:s12], $0x2800  }
0x9b: {  	s19 =	sadd.s32 $0x1, s19;
	[sflag:s12] =	ssyncset.done $0x0  }
0x9c: {  	p0 =	sne.s32 s19, s10;
	[sflag:s12] =	ssyncadd.s32 $0xFFFFD800  }
.Ltmp1:
0x9d: {  	[bflag:$0x0] =	sbarrier.arrive $0xFFFF;
	(pc) =	sbr.rel @p0 .LBB2_1-.Ltmp1, $4  }
0x9e: {  	[hbm:s9], [sflag:s6] =	dma.local [spmem:s11], $0x186A  }
0x9f: {  	_ =	swait.ge [sflag:s12], $0x186A  }
0xa0: {  	[sflag:s12] =	ssyncset.done $0x0  }
0xa1: {  	[sflag:s12] =	ssyncadd.s32 $0xFFFFE796  }
0xa2: {  	_ =	sfence.sel $0x180000  }
0xa3: {  	[bflag:$0x0] =	sbarrier.arrive $0xFFFF  }
0xa4: {  	_ =	strace $0x9000004A  }
0xa5: {  	s0 =	stileid.u32;
	[bflag:$0x2] =	sbarrier.arrive $0xFFFF  }
0xa6: {  	p0 =	sne.s32 s0, $0x0;
	s0 =	rddreg [dreg:$0x3]  }
0xa7: {  	s0 =	sadd.s32 @!p0 $0x100000, s0  }
0xa8: {  	[sflag:s0] =	ssyncadd.tile.s32 @!p0 $0x1;
	_ =	shalt  }
.Lfunc_end2:
_tile_overlayer_lowered:
.L_overlay_start_2:
0xa9: {  	(tag) =	ssettag $0x2  }
0xaa: {  	s0 =	rddreg [dreg:$0x0];
	s2 =	stileid.u32  }
0xab: {  	s1 =	rddreg [dreg:$0x1];
	p0 =	sne.s32 s2, $0x0  }
0xac: {  	s3 =	rddreg [dreg:$0x2];
	[bflag:$0x3] =	sbarrier.arrive $0xFFFF;
	s2 =	simm.s32 @!p0 $0x1C06  }
0xad: {  	[timem:s3], [sflag:s2] =	dma.local @!p0 [hbm:s0], s1  }
0xae: {  	s0 =	simm.s32 @!p0 $0x6  }
0xaf: {  	_ =	swait.ge @!p0 [sflag:s0], s1  }
0xb0: {  	s1 =	ssub.s32 @!p0 $0x0, s1;
	[sflag:s0] =	ssyncset.done @!p0 $0x0  }
0xb1: {  	[sflag:s0] =	ssyncadd.s32 @!p0 s1  }
0xb2: {  	[bflag:$0x3] =	sbarrier.arrive $0xFFFF  }
0xb3: {  	_ =	shalt  }

</sc_bundles>
